<compile_context>
chip_gen: v7x
topology: tpu7x:2x2x1
jax: 0.10.2.dev20260603
libtpu: 0.0.44.dev20260713+nightly
codegen_flags: <defaults>
</compile_context>

<pallas_src>
import functools

import jax
import jax.numpy as jnp
from jax import lax
from jax.experimental import pallas as pl
from jax.experimental.pallas import tpu as pltpu
from jax.experimental.pallas import tpu_sc as plsc

NC = 2
NS = 16
NW = NC * NS


def _sort_body(x_ref, out_ref):
    b, n = x_ref.shape
    L = n // 2
    S = 2 * b
    x = jnp.concatenate([x_ref[:, :L], x_ref[:, L:]], axis=0)
    bits = jax.lax.bitcast_convert_type(x, jnp.int32)
    key = bits ^ ((bits >> 31) & jnp.int32(0x7FFFFFFF))
    half = jax.lax.broadcasted_iota(jnp.int32, (S, L), 0) // b
    pos = jax.lax.broadcasted_iota(jnp.int32, (S, L), 1) + half * L
    row = jax.lax.broadcasted_iota(jnp.int32, (S, L), 0) % b
    idx = row * n + pos

    def partner(a, j, mlow):
        if j < L:
            return jnp.where(mlow, jnp.roll(a, -j, axis=1), jnp.roll(a, j, axis=1))
        return jnp.roll(a, b, axis=0)

    klev = 2
    while klev <= n:
        j = klev // 2
        while j >= 1:
            mlow = (pos & j) == 0
            pk = partner(key, j, mlow)
            pi = partner(idx, j, mlow)
            before = (key > pk) | ((key == pk) & (idx < pi))
            dirn = (pos & klev) == 0 if klev < n else (pos == pos)
            take_partner = before != (mlow == dirn)
            key = jnp.where(take_partner, pk, key)
            idx = jnp.where(take_partner, pi, idx)
            j //= 2
        klev *= 2
    out_ref[...] = idx[0:b, :]


def _topk_indices(noise):
    b, n = noise.shape
    k = n // 2
    sorted_idx = pl.pallas_call(
        _sort_body,
        out_shape=jax.ShapeDtypeStruct((b, k), jnp.int32),
    )(noise)
    return sorted_idx.reshape(-1)


def _gather_rows(table, idx_flat):
    R, D = table.shape
    (B,) = idx_flat.shape
    b_per_w = B // NW
    C = 64
    n_chunks = b_per_w // C
    mesh = plsc.VectorSubcoreMesh(core_axis_name="c", subcore_axis_name="s")

    @functools.partial(
        pl.kernel,
        mesh=mesh,
        out_type=jax.ShapeDtypeStruct((B, D), jnp.float32),
        scratch_types=[
            pltpu.VMEM((b_per_w,), jnp.int32),
            pltpu.VMEM((2, C, D), jnp.float32),
            pltpu.SemaphoreType.DMA,
            pltpu.SemaphoreType.DMA,
        ],
    )
    def gk(x_hbm, idx_hbm, out_hbm, idx_v, buf_v, sem0, sem1):
        wid = lax.axis_index("s") * NC + lax.axis_index("c")
        base = wid * b_per_w
        pltpu.sync_copy(idx_hbm.at[pl.ds(base, b_per_w)], idx_v)
        sems = [sem0, sem1]
        cp = pltpu.async_copy(x_hbm.at[idx_v.at[pl.ds(0, C)]], buf_v.at[0], sem0)
        copies = [cp, None]
        for c in range(n_chunks):
            copies[c % 2].wait()
            if c + 1 < n_chunks:
                copies[(c + 1) % 2] = pltpu.async_copy(
                    x_hbm.at[idx_v.at[pl.ds((c + 1) * C, C)]],
                    buf_v.at[(c + 1) % 2],
                    sems[(c + 1) % 2],
                )
            pltpu.sync_copy(buf_v.at[c % 2], out_hbm.at[pl.ds(base + c * C, C)])

    return gk(table, idx_flat)


def kernel(x, noise):
    b, n, d = x.shape
    k = max(1, n // 2)
    flat_idx = _topk_indices(noise)
    out = _gather_rows(x.reshape(b * n, d), flat_idx)
    return out.reshape(b, k, d)

# --- scband reference (transcript-rebuilt; emitter-appended) ---
"""Pipeline reference for scband-patch-dropout-24429773980109 (READ-ONLY COPY).

The authoritative reference and input builder live on the scoring server;
editing this copy changes nothing except your own understanding.
"""

import jax, jax.numpy as jnp
import numpy as np

PROB = 0.5

def setup_inputs(seed: int = 0) -> dict:
    key = jax.random.key(seed)
    kx, kn = jax.random.split(key)
    x = jax.random.normal(kx, (4, 8192, 768), dtype=jnp.float32)
    # noise stands in for torch.randn(b, n) used to pick random patches to keep;
    # materialized here so the reference is deterministic.
    noise = jax.random.normal(kn, (4, 8192), dtype=jnp.float32)
    return {"x": x, "noise": noise}

def reference(x, noise):
    # Faithful translation of PatchDropout.forward in training mode:
    #   num_patches_keep = max(1, int(n * (1 - prob)))
    #   patch_indices_keep = randn(b, n).topk(num_patches_keep).indices
    #   return x[batch_indices, patch_indices_keep]
    b, n, d = x.shape
    num_patches_keep = max(1, int(n * (1.0 - PROB)))
    _, patch_indices_keep = jax.lax.top_k(noise, num_patches_keep)
    batch_indices = jnp.arange(b)[:, None]
    return x[batch_indices, patch_indices_keep]

if __name__ == "__main__":
    import jax
    _d = setup_inputs()
    print(jax.jit(kernel)(*tuple(_d.values())))

</pallas_src>

<mosaic_0001>
#map = affine_map<(d0, d1) -> (0, 0)>
#map1 = affine_map<(d0, d1) -> (0)>
module attributes {stable_mosaic.version = 14 : i64} {
  func.func @gk(%arg0: i32, %arg1: i32, %arg2: memref<32768x768xf32, #tpu.memory_space<hbm>>, %arg3: memref<16384xi32, #tpu.memory_space<hbm>>, %arg4: memref<16384x768xf32, #tpu.memory_space<hbm>>, %arg5: memref<512xi32, #tpu.memory_space<vmem>>, %arg6: memref<2x64x768xf32, #tpu.memory_space<vmem>>, %arg7: memref<!tpu.dma_semaphore, #tpu.memory_space<semaphore_mem>>, %arg8: memref<!tpu.dma_semaphore, #tpu.memory_space<semaphore_mem>>) attributes {dimension_semantics = [#tpu.dimension_semantics<core_parallel>, #tpu.dimension_semantics<subcore_parallel>], iteration_bounds = array<i64: 2, 16>, scalar_prefetch = 0 : i64, scratch_operands = 4 : i64, tpu.core_type = #tpu.core_type<sc_vector_subcore>, window_params = [{transform_indices = #map}, {transform_indices = #map1}, {transform_indices = #map}]} {
    %mul3A = arith.constant 2 : i32
    %mul3A_0 = arith.muli %arg1, %mul3A : i32
    %add3A = arith.addi %mul3A_0, %arg0 : i32
    %mul3A_1 = arith.constant 512 : i32
    %mul3A_2 = arith.muli %add3A, %mul3A_1 : i32
    "tpu.region"() ({
      %run_scoped3A_184 = tpu.sem_alloc : memref<!tpu.dma_semaphore, #tpu.memory_space<semaphore_mem>>
      %dma_start3A_185 = tpu.memref_slice %arg3[%mul3A_2] : memref<16384xi32, #tpu.memory_space<hbm>> -> memref<512xi32, #tpu.memory_space<hbm>>
      %dma_start3A_186 = tpu.memref_slice %arg3[%mul3A_2] : memref<16384xi32, #tpu.memory_space<hbm>> -> memref<512xi32, #tpu.memory_space<hbm>>
      tpu.enqueue_dma source(%dma_start3A_186 : memref<512xi32, #tpu.memory_space<hbm>>) target(%arg5 : memref<512xi32, #tpu.memory_space<vmem>>) target_semaphore(%run_scoped3A_184 : memref<!tpu.dma_semaphore, #tpu.memory_space<semaphore_mem>>)
      %dma_wait3A_187 = tpu.memref_slice %arg3[%mul3A_2] : memref<16384xi32, #tpu.memory_space<hbm>> -> memref<512xi32, #tpu.memory_space<hbm>>
      %dma_wait3A_188 = tpu.memref_slice %arg3[%mul3A_2] : memref<16384xi32, #tpu.memory_space<hbm>> -> memref<512xi32, #tpu.memory_space<hbm>>
      tpu.wait_dma2 semaphore(%run_scoped3A_184 : memref<!tpu.dma_semaphore, #tpu.memory_space<semaphore_mem>>) src(%dma_wait3A_188 : memref<512xi32, #tpu.memory_space<hbm>>) dst(%arg5 : memref<512xi32, #tpu.memory_space<vmem>>)
      tpu.yield
    }) : () -> ()
    %dma_start3A = arith.constant 0 : i32
    %dma_start3A_3 = arith.constant 0 : i32
    %dma_start3A_4 = arith.constant 0 : i32
    %dma_start3A_5 = tpu.memref_slice %arg6[%dma_start3A, %dma_start3A_3, %dma_start3A_4] : memref<2x64x768xf32, #tpu.memory_space<vmem>> -> memref<1x64x768xf32, #tpu.memory_space<vmem>>
    %dma_start3A_6 = tpu.memref_squeeze %dma_start3A_5 : memref<1x64x768xf32, #tpu.memory_space<vmem>> -> memref<64x768xf32, #tpu.memory_space<vmem>>
    %dma_start3A_7 = arith.constant 0 : i32
    %dma_start3A_8 = tpu.memref_slice %arg5[%dma_start3A_7] : memref<512xi32, #tpu.memory_space<vmem>> -> memref<64xi32, #tpu.memory_space<vmem>>
    %dma_start3A_9 = arith.constant 0 : i32
    %dma_start3A_10 = arith.constant 0 : i32
    %dma_start3A_11 = tpu.memref_slice %arg2[%dma_start3A_9, %dma_start3A_10] : memref<32768x768xf32, #tpu.memory_space<hbm>> -> memref<32768x768xf32, #tpu.memory_space<hbm>>
    tpu.enqueue_indirect_dma source(%dma_start3A_11 : memref<32768x768xf32, #tpu.memory_space<hbm>>) target(%dma_start3A_6 : memref<64x768xf32, #tpu.memory_space<vmem>>) offsets(%dma_start3A_8 : memref<64xi32, #tpu.memory_space<vmem>>) semaphore(%arg7 : memref<!tpu.dma_semaphore, #tpu.memory_space<semaphore_mem>>)
    %dma_wait3A = arith.constant 0 : i32
    %dma_wait3A_12 = arith.constant 0 : i32
    %dma_wait3A_13 = arith.constant 0 : i32
    %dma_wait3A_14 = tpu.memref_slice %arg6[%dma_wait3A, %dma_wait3A_12, %dma_wait3A_13] : memref<2x64x768xf32, #tpu.memory_space<vmem>> -> memref<1x64x768xf32, #tpu.memory_space<vmem>>
    %dma_wait3A_15 = tpu.memref_squeeze %dma_wait3A_14 : memref<1x64x768xf32, #tpu.memory_space<vmem>> -> memref<64x768xf32, #tpu.memory_space<vmem>>
    %dma_wait3A_16 = arith.constant 0 : i32
    %dma_wait3A_17 = tpu.memref_slice %arg5[%dma_wait3A_16] : memref<512xi32, #tpu.memory_space<vmem>> -> memref<64xi32, #tpu.memory_space<vmem>>
    %dma_wait3A_18 = arith.constant 0 : i32
    %dma_wait3A_19 = arith.constant 0 : i32
    %dma_wait3A_20 = tpu.memref_slice %arg2[%dma_wait3A_18, %dma_wait3A_19] : memref<32768x768xf32, #tpu.memory_space<hbm>> -> memref<32768x768xf32, #tpu.memory_space<hbm>>
    tpu.wait_indirect_dma semaphore(%arg7 : memref<!tpu.dma_semaphore, #tpu.memory_space<semaphore_mem>>) src(%dma_wait3A_20 : memref<32768x768xf32, #tpu.memory_space<hbm>>) dst(%dma_wait3A_15 : memref<64x768xf32, #tpu.memory_space<vmem>>)
    %dma_start3A_21 = arith.constant 1 : i32
    %dma_start3A_22 = arith.constant 0 : i32
    %dma_start3A_23 = arith.constant 0 : i32
    %dma_start3A_24 = tpu.memref_slice %arg6[%dma_start3A_21, %dma_start3A_22, %dma_start3A_23] : memref<2x64x768xf32, #tpu.memory_space<vmem>> -> memref<1x64x768xf32, #tpu.memory_space<vmem>>
    %dma_start3A_25 = tpu.memref_squeeze %dma_start3A_24 : memref<1x64x768xf32, #tpu.memory_space<vmem>> -> memref<64x768xf32, #tpu.memory_space<vmem>>
    %dma_start3A_26 = arith.constant 64 : i32
    %dma_start3A_27 = tpu.memref_slice %arg5[%dma_start3A_26] : memref<512xi32, #tpu.memory_space<vmem>> -> memref<64xi32, #tpu.memory_space<vmem>>
    %dma_start3A_28 = arith.constant 0 : i32
    %dma_start3A_29 = arith.constant 0 : i32
    %dma_start3A_30 = tpu.memref_slice %arg2[%dma_start3A_28, %dma_start3A_29] : memref<32768x768xf32, #tpu.memory_space<hbm>> -> memref<32768x768xf32, #tpu.memory_space<hbm>>
    tpu.enqueue_indirect_dma source(%dma_start3A_30 : memref<32768x768xf32, #tpu.memory_space<hbm>>) target(%dma_start3A_25 : memref<64x768xf32, #tpu.memory_space<vmem>>) offsets(%dma_start3A_27 : memref<64xi32, #tpu.memory_space<vmem>>) semaphore(%arg8 : memref<!tpu.dma_semaphore, #tpu.memory_space<semaphore_mem>>)
    %add3A_31 = arith.constant 0 : i32
    %add3A_32 = arith.addi %mul3A_2, %add3A_31 : i32
    %run_scoped3A = arith.constant 0 : i32
    "tpu.region"() ({
      %run_scoped3A_184 = tpu.sem_alloc : memref<!tpu.dma_semaphore, #tpu.memory_space<semaphore_mem>>
      %dma_start3A_185 = arith.constant 0 : i32
      %dma_start3A_186 = arith.constant 0 : i32
      %dma_start3A_187 = tpu.memref_slice %arg6[%run_scoped3A, %dma_start3A_185, %dma_start3A_186] : memref<2x64x768xf32, #tpu.memory_space<vmem>> -> memref<1x64x768xf32, #tpu.memory_space<vmem>>
      %dma_start3A_188 = tpu.memref_squeeze %dma_start3A_187 : memref<1x64x768xf32, #tpu.memory_space<vmem>> -> memref<64x768xf32, #tpu.memory_space<vmem>>
      %dma_start3A_189 = arith.constant 0 : i32
      %dma_start3A_190 = tpu.memref_slice %arg4[%add3A_32, %dma_start3A_189] : memref<16384x768xf32, #tpu.memory_space<hbm>> -> memref<64x768xf32, #tpu.memory_space<hbm>>
      %dma_start3A_191 = arith.constant 0 : i32
      %dma_start3A_192 = tpu.memref_slice %arg4[%add3A_32, %dma_start3A_191] : memref<16384x768xf32, #tpu.memory_space<hbm>> -> memref<64x768xf32, #tpu.memory_space<hbm>>
      %dma_start3A_193 = arith.constant 0 : i32
      %dma_start3A_194 = arith.constant 0 : i32
      %dma_start3A_195 = tpu.memref_slice %arg6[%run_scoped3A, %dma_start3A_193, %dma_start3A_194] : memref<2x64x768xf32, #tpu.memory_space<vmem>> -> memref<1x64x768xf32, #tpu.memory_space<vmem>>
      %dma_start3A_196 = tpu.memref_squeeze %dma_start3A_195 : memref<1x64x768xf32, #tpu.memory_space<vmem>> -> memref<64x768xf32, #tpu.memory_space<vmem>>
      tpu.enqueue_dma source(%dma_start3A_196 : memref<64x768xf32, #tpu.memory_space<vmem>>) target(%dma_start3A_192 : memref<64x768xf32, #tpu.memory_space<hbm>>) target_semaphore(%run_scoped3A_184 : memref<!tpu.dma_semaphore, #tpu.memory_space<semaphore_mem>>)
      %dma_wait3A_197 = arith.constant 0 : i32
      %dma_wait3A_198 = arith.constant 0 : i32
      %dma_wait3A_199 = tpu.memref_slice %arg6[%run_scoped3A, %dma_wait3A_197, %dma_wait3A_198] : memref<2x64x768xf32, #tpu.memory_space<vmem>> -> memref<1x64x768xf32, #tpu.memory_space<vmem>>
      %dma_wait3A_200 = tpu.memref_squeeze %dma_wait3A_199 : memref<1x64x768xf32, #tpu.memory_space<vmem>> -> memref<64x768xf32, #tpu.memory_space<vmem>>
      %dma_wait3A_201 = arith.constant 0 : i32
      %dma_wait3A_202 = tpu.memref_slice %arg4[%add3A_32, %dma_wait3A_201] : memref<16384x768xf32, #tpu.memory_space<hbm>> -> memref<64x768xf32, #tpu.memory_space<hbm>>
      %dma_wait3A_203 = arith.constant 0 : i32
      %dma_wait3A_204 = tpu.memref_slice %arg4[%add3A_32, %dma_wait3A_203] : memref<16384x768xf32, #tpu.memory_space<hbm>> -> memref<64x768xf32, #tpu.memory_space<hbm>>
      %dma_wait3A_205 = arith.constant 0 : i32
      %dma_wait3A_206 = arith.constant 0 : i32
      %dma_wait3A_207 = tpu.memref_slice %arg6[%run_scoped3A, %dma_wait3A_205, %dma_wait3A_206] : memref<2x64x768xf32, #tpu.memory_space<vmem>> -> memref<1x64x768xf32, #tpu.memory_space<vmem>>
      %dma_wait3A_208 = tpu.memref_squeeze %dma_wait3A_207 : memref<1x64x768xf32, #tpu.memory_space<vmem>> -> memref<64x768xf32, #tpu.memory_space<vmem>>
      tpu.wait_dma2 semaphore(%run_scoped3A_184 : memref<!tpu.dma_semaphore, #tpu.memory_space<semaphore_mem>>) src(%dma_wait3A_208 : memref<64x768xf32, #tpu.memory_space<vmem>>) dst(%dma_wait3A_204 : memref<64x768xf32, #tpu.memory_space<hbm>>)
      tpu.yield
    }) : () -> ()
    %dma_wait3A_33 = arith.constant 1 : i32
    %dma_wait3A_34 = arith.constant 0 : i32
    %dma_wait3A_35 = arith.constant 0 : i32
    %dma_wait3A_36 = tpu.memref_slice %arg6[%dma_wait3A_33, %dma_wait3A_34, %dma_wait3A_35] : memref<2x64x768xf32, #tpu.memory_space<vmem>> -> memref<1x64x768xf32, #tpu.memory_space<vmem>>
    %dma_wait3A_37 = tpu.memref_squeeze %dma_wait3A_36 : memref<1x64x768xf32, #tpu.memory_space<vmem>> -> memref<64x768xf32, #tpu.memory_space<vmem>>
    %dma_wait3A_38 = arith.constant 64 : i32
    %dma_wait3A_39 = tpu.memref_slice %arg5[%dma_wait3A_38] : memref<512xi32, #tpu.memory_space<vmem>> -> memref<64xi32, #tpu.memory_space<vmem>>
    %dma_wait3A_40 = arith.constant 0 : i32
    %dma_wait3A_41 = arith.constant 0 : i32
    %dma_wait3A_42 = tpu.memref_slice %arg2[%dma_wait3A_40, %dma_wait3A_41] : memref<32768x768xf32, #tpu.memory_space<hbm>> -> memref<32768x768xf32, #tpu.memory_space<hbm>>
    tpu.wait_indirect_dma semaphore(%arg8 : memref<!tpu.dma_semaphore, #tpu.memory_space<semaphore_mem>>) src(%dma_wait3A_42 : memref<32768x768xf32, #tpu.memory_space<hbm>>) dst(%dma_wait3A_37 : memref<64x768xf32, #tpu.memory_space<vmem>>)
    %dma_start3A_43 = arith.constant 0 : i32
    %dma_start3A_44 = arith.constant 0 : i32
    %dma_start3A_45 = arith.constant 0 : i32
    %dma_start3A_46 = tpu.memref_slice %arg6[%dma_start3A_43, %dma_start3A_44, %dma_start3A_45] : memref<2x64x768xf32, #tpu.memory_space<vmem>> -> memref<1x64x768xf32, #tpu.memory_space<vmem>>
    %dma_start3A_47 = tpu.memref_squeeze %dma_start3A_46 : memref<1x64x768xf32, #tpu.memory_space<vmem>> -> memref<64x768xf32, #tpu.memory_space<vmem>>
    %dma_start3A_48 = arith.constant 128 : i32
    %dma_start3A_49 = tpu.memref_slice %arg5[%dma_start3A_48] : memref<512xi32, #tpu.memory_space<vmem>> -> memref<64xi32, #tpu.memory_space<vmem>>
    %dma_start3A_50 = arith.constant 0 : i32
    %dma_start3A_51 = arith.constant 0 : i32
    %dma_start3A_52 = tpu.memref_slice %arg2[%dma_start3A_50, %dma_start3A_51] : memref<32768x768xf32, #tpu.memory_space<hbm>> -> memref<32768x768xf32, #tpu.memory_space<hbm>>
    tpu.enqueue_indirect_dma source(%dma_start3A_52 : memref<32768x768xf32, #tpu.memory_space<hbm>>) target(%dma_start3A_47 : memref<64x768xf32, #tpu.memory_space<vmem>>) offsets(%dma_start3A_49 : memref<64xi32, #tpu.memory_space<vmem>>) semaphore(%arg7 : memref<!tpu.dma_semaphore, #tpu.memory_space<semaphore_mem>>)
    %add3A_53 = arith.constant 64 : i32
    %add3A_54 = arith.addi %mul3A_2, %add3A_53 : i32
    %run_scoped3A_55 = arith.constant 1 : i32
    "tpu.region"() ({
      %run_scoped3A_184 = tpu.sem_alloc : memref<!tpu.dma_semaphore, #tpu.memory_space<semaphore_mem>>
      %dma_start3A_185 = arith.constant 0 : i32
      %dma_start3A_186 = arith.constant 0 : i32
      %dma_start3A_187 = tpu.memref_slice %arg6[%run_scoped3A_55, %dma_start3A_185, %dma_start3A_186] : memref<2x64x768xf32, #tpu.memory_space<vmem>> -> memref<1x64x768xf32, #tpu.memory_space<vmem>>
      %dma_start3A_188 = tpu.memref_squeeze %dma_start3A_187 : memref<1x64x768xf32, #tpu.memory_space<vmem>> -> memref<64x768xf32, #tpu.memory_space<vmem>>
      %dma_start3A_189 = arith.constant 0 : i32
      %dma_start3A_190 = tpu.memref_slice %arg4[%add3A_54, %dma_start3A_189] : memref<16384x768xf32, #tpu.memory_space<hbm>> -> memref<64x768xf32, #tpu.memory_space<hbm>>
      %dma_start3A_191 = arith.constant 0 : i32
      %dma_start3A_192 = tpu.memref_slice %arg4[%add3A_54, %dma_start3A_191] : memref<16384x768xf32, #tpu.memory_space<hbm>> -> memref<64x768xf32, #tpu.memory_space<hbm>>
      %dma_start3A_193 = arith.constant 0 : i32
      %dma_start3A_194 = arith.constant 0 : i32
      %dma_start3A_195 = tpu.memref_slice %arg6[%run_scoped3A_55, %dma_start3A_193, %dma_start3A_194] : memref<2x64x768xf32, #tpu.memory_space<vmem>> -> memref<1x64x768xf32, #tpu.memory_space<vmem>>
      %dma_start3A_196 = tpu.memref_squeeze %dma_start3A_195 : memref<1x64x768xf32, #tpu.memory_space<vmem>> -> memref<64x768xf32, #tpu.memory_space<vmem>>
      tpu.enqueue_dma source(%dma_start3A_196 : memref<64x768xf32, #tpu.memory_space<vmem>>) target(%dma_start3A_192 : memref<64x768xf32, #tpu.memory_space<hbm>>) target_semaphore(%run_scoped3A_184 : memref<!tpu.dma_semaphore, #tpu.memory_space<semaphore_mem>>)
      %dma_wait3A_197 = arith.constant 0 : i32
      %dma_wait3A_198 = arith.constant 0 : i32
      %dma_wait3A_199 = tpu.memref_slice %arg6[%run_scoped3A_55, %dma_wait3A_197, %dma_wait3A_198] : memref<2x64x768xf32, #tpu.memory_space<vmem>> -> memref<1x64x768xf32, #tpu.memory_space<vmem>>
      %dma_wait3A_200 = tpu.memref_squeeze %dma_wait3A_199 : memref<1x64x768xf32, #tpu.memory_space<vmem>> -> memref<64x768xf32, #tpu.memory_space<vmem>>
      %dma_wait3A_201 = arith.constant 0 : i32
      %dma_wait3A_202 = tpu.memref_slice %arg4[%add3A_54, %dma_wait3A_201] : memref<16384x768xf32, #tpu.memory_space<hbm>> -> memref<64x768xf32, #tpu.memory_space<hbm>>
      %dma_wait3A_203 = arith.constant 0 : i32
      %dma_wait3A_204 = tpu.memref_slice %arg4[%add3A_54, %dma_wait3A_203] : memref<16384x768xf32, #tpu.memory_space<hbm>> -> memref<64x768xf32, #tpu.memory_space<hbm>>
      %dma_wait3A_205 = arith.constant 0 : i32
      %dma_wait3A_206 = arith.constant 0 : i32
      %dma_wait3A_207 = tpu.memref_slice %arg6[%run_scoped3A_55, %dma_wait3A_205, %dma_wait3A_206] : memref<2x64x768xf32, #tpu.memory_space<vmem>> -> memref<1x64x768xf32, #tpu.memory_space<vmem>>
      %dma_wait3A_208 = tpu.memref_squeeze %dma_wait3A_207 : memref<1x64x768xf32, #tpu.memory_space<vmem>> -> memref<64x768xf32, #tpu.memory_space<vmem>>
      tpu.wait_dma2 semaphore(%run_scoped3A_184 : memref<!tpu.dma_semaphore, #tpu.memory_space<semaphore_mem>>) src(%dma_wait3A_208 : memref<64x768xf32, #tpu.memory_space<vmem>>) dst(%dma_wait3A_204 : memref<64x768xf32, #tpu.memory_space<hbm>>)
      tpu.yield
    }) : () -> ()
    %dma_wait3A_56 = arith.constant 0 : i32
    %dma_wait3A_57 = arith.constant 0 : i32
    %dma_wait3A_58 = arith.constant 0 : i32
    %dma_wait3A_59 = tpu.memref_slice %arg6[%dma_wait3A_56, %dma_wait3A_57, %dma_wait3A_58] : memref<2x64x768xf32, #tpu.memory_space<vmem>> -> memref<1x64x768xf32, #tpu.memory_space<vmem>>
    %dma_wait3A_60 = tpu.memref_squeeze %dma_wait3A_59 : memref<1x64x768xf32, #tpu.memory_space<vmem>> -> memref<64x768xf32, #tpu.memory_space<vmem>>
    %dma_wait3A_61 = arith.constant 128 : i32
    %dma_wait3A_62 = tpu.memref_slice %arg5[%dma_wait3A_61] : memref<512xi32, #tpu.memory_space<vmem>> -> memref<64xi32, #tpu.memory_space<vmem>>
    %dma_wait3A_63 = arith.constant 0 : i32
    %dma_wait3A_64 = arith.constant 0 : i32
    %dma_wait3A_65 = tpu.memref_slice %arg2[%dma_wait3A_63, %dma_wait3A_64] : memref<32768x768xf32, #tpu.memory_space<hbm>> -> memref<32768x768xf32, #tpu.memory_space<hbm>>
    tpu.wait_indirect_dma semaphore(%arg7 : memref<!tpu.dma_semaphore, #tpu.memory_space<semaphore_mem>>) src(%dma_wait3A_65 : memref<32768x768xf32, #tpu.memory_space<hbm>>) dst(%dma_wait3A_60 : memref<64x768xf32, #tpu.memory_space<vmem>>)
    %dma_start3A_66 = arith.constant 1 : i32
    %dma_start3A_67 = arith.constant 0 : i32
    %dma_start3A_68 = arith.constant 0 : i32
    %dma_start3A_69 = tpu.memref_slice %arg6[%dma_start3A_66, %dma_start3A_67, %dma_start3A_68] : memref<2x64x768xf32, #tpu.memory_space<vmem>> -> memref<1x64x768xf32, #tpu.memory_space<vmem>>
    %dma_start3A_70 = tpu.memref_squeeze %dma_start3A_69 : memref<1x64x768xf32, #tpu.memory_space<vmem>> -> memref<64x768xf32, #tpu.memory_space<vmem>>
    %dma_start3A_71 = arith.constant 192 : i32
    %dma_start3A_72 = tpu.memref_slice %arg5[%dma_start3A_71] : memref<512xi32, #tpu.memory_space<vmem>> -> memref<64xi32, #tpu.memory_space<vmem>>
    %dma_start3A_73 = arith.constant 0 : i32
    %dma_start3A_74 = arith.constant 0 : i32
    %dma_start3A_75 = tpu.memref_slice %arg2[%dma_start3A_73, %dma_start3A_74] : memref<32768x768xf32, #tpu.memory_space<hbm>> -> memref<32768x768xf32, #tpu.memory_space<hbm>>
    tpu.enqueue_indirect_dma source(%dma_start3A_75 : memref<32768x768xf32, #tpu.memory_space<hbm>>) target(%dma_start3A_70 : memref<64x768xf32, #tpu.memory_space<vmem>>) offsets(%dma_start3A_72 : memref<64xi32, #tpu.memory_space<vmem>>) semaphore(%arg8 : memref<!tpu.dma_semaphore, #tpu.memory_space<semaphore_mem>>)
    %add3A_76 = arith.constant 128 : i32
    %add3A_77 = arith.addi %mul3A_2, %add3A_76 : i32
    %run_scoped3A_78 = arith.constant 0 : i32
    "tpu.region"() ({
      %run_scoped3A_184 = tpu.sem_alloc : memref<!tpu.dma_semaphore, #tpu.memory_space<semaphore_mem>>
      %dma_start3A_185 = arith.constant 0 : i32
      %dma_start3A_186 = arith.constant 0 : i32
      %dma_start3A_187 = tpu.memref_slice %arg6[%run_scoped3A_78, %dma_start3A_185, %dma_start3A_186] : memref<2x64x768xf32, #tpu.memory_space<vmem>> -> memref<1x64x768xf32, #tpu.memory_space<vmem>>
      %dma_start3A_188 = tpu.memref_squeeze %dma_start3A_187 : memref<1x64x768xf32, #tpu.memory_space<vmem>> -> memref<64x768xf32, #tpu.memory_space<vmem>>
      %dma_start3A_189 = arith.constant 0 : i32
      %dma_start3A_190 = tpu.memref_slice %arg4[%add3A_77, %dma_start3A_189] : memref<16384x768xf32, #tpu.memory_space<hbm>> -> memref<64x768xf32, #tpu.memory_space<hbm>>
      %dma_start3A_191 = arith.constant 0 : i32
      %dma_start3A_192 = tpu.memref_slice %arg4[%add3A_77, %dma_start3A_191] : memref<16384x768xf32, #tpu.memory_space<hbm>> -> memref<64x768xf32, #tpu.memory_space<hbm>>
      %dma_start3A_193 = arith.constant 0 : i32
      %dma_start3A_194 = arith.constant 0 : i32
      %dma_start3A_195 = tpu.memref_slice %arg6[%run_scoped3A_78, %dma_start3A_193, %dma_start3A_194] : memref<2x64x768xf32, #tpu.memory_space<vmem>> -> memref<1x64x768xf32, #tpu.memory_space<vmem>>
      %dma_start3A_196 = tpu.memref_squeeze %dma_start3A_195 : memref<1x64x768xf32, #tpu.memory_space<vmem>> -> memref<64x768xf32, #tpu.memory_space<vmem>>
      tpu.enqueue_dma source(%dma_start3A_196 : memref<64x768xf32, #tpu.memory_space<vmem>>) target(%dma_start3A_192 : memref<64x768xf32, #tpu.memory_space<hbm>>) target_semaphore(%run_scoped3A_184 : memref<!tpu.dma_semaphore, #tpu.memory_space<semaphore_mem>>)
      %dma_wait3A_197 = arith.constant 0 : i32
      %dma_wait3A_198 = arith.constant 0 : i32
      %dma_wait3A_199 = tpu.memref_slice %arg6[%run_scoped3A_78, %dma_wait3A_197, %dma_wait3A_198] : memref<2x64x768xf32, #tpu.memory_space<vmem>> -> memref<1x64x768xf32, #tpu.memory_space<vmem>>
      %dma_wait3A_200 = tpu.memref_squeeze %dma_wait3A_199 : memref<1x64x768xf32, #tpu.memory_space<vmem>> -> memref<64x768xf32, #tpu.memory_space<vmem>>
      %dma_wait3A_201 = arith.constant 0 : i32
      %dma_wait3A_202 = tpu.memref_slice %arg4[%add3A_77, %dma_wait3A_201] : memref<16384x768xf32, #tpu.memory_space<hbm>> -> memref<64x768xf32, #tpu.memory_space<hbm>>
      %dma_wait3A_203 = arith.constant 0 : i32
      %dma_wait3A_204 = tpu.memref_slice %arg4[%add3A_77, %dma_wait3A_203] : memref<16384x768xf32, #tpu.memory_space<hbm>> -> memref<64x768xf32, #tpu.memory_space<hbm>>
      %dma_wait3A_205 = arith.constant 0 : i32
      %dma_wait3A_206 = arith.constant 0 : i32
      %dma_wait3A_207 = tpu.memref_slice %arg6[%run_scoped3A_78, %dma_wait3A_205, %dma_wait3A_206] : memref<2x64x768xf32, #tpu.memory_space<vmem>> -> memref<1x64x768xf32, #tpu.memory_space<vmem>>
      %dma_wait3A_208 = tpu.memref_squeeze %dma_wait3A_207 : memref<1x64x768xf32, #tpu.memory_space<vmem>> -> memref<64x768xf32, #tpu.memory_space<vmem>>
      tpu.wait_dma2 semaphore(%run_scoped3A_184 : memref<!tpu.dma_semaphore, #tpu.memory_space<semaphore_mem>>) src(%dma_wait3A_208 : memref<64x768xf32, #tpu.memory_space<vmem>>) dst(%dma_wait3A_204 : memref<64x768xf32, #tpu.memory_space<hbm>>)
      tpu.yield
    }) : () -> ()
    %dma_wait3A_79 = arith.constant 1 : i32
    %dma_wait3A_80 = arith.constant 0 : i32
    %dma_wait3A_81 = arith.constant 0 : i32
    %dma_wait3A_82 = tpu.memref_slice %arg6[%dma_wait3A_79, %dma_wait3A_80, %dma_wait3A_81] : memref<2x64x768xf32, #tpu.memory_space<vmem>> -> memref<1x64x768xf32, #tpu.memory_space<vmem>>
    %dma_wait3A_83 = tpu.memref_squeeze %dma_wait3A_82 : memref<1x64x768xf32, #tpu.memory_space<vmem>> -> memref<64x768xf32, #tpu.memory_space<vmem>>
    %dma_wait3A_84 = arith.constant 192 : i32
    %dma_wait3A_85 = tpu.memref_slice %arg5[%dma_wait3A_84] : memref<512xi32, #tpu.memory_space<vmem>> -> memref<64xi32, #tpu.memory_space<vmem>>
    %dma_wait3A_86 = arith.constant 0 : i32
    %dma_wait3A_87 = arith.constant 0 : i32
    %dma_wait3A_88 = tpu.memref_slice %arg2[%dma_wait3A_86, %dma_wait3A_87] : memref<32768x768xf32, #tpu.memory_space<hbm>> -> memref<32768x768xf32, #tpu.memory_space<hbm>>
    tpu.wait_indirect_dma semaphore(%arg8 : memref<!tpu.dma_semaphore, #tpu.memory_space<semaphore_mem>>) src(%dma_wait3A_88 : memref<32768x768xf32, #tpu.memory_space<hbm>>) dst(%dma_wait3A_83 : memref<64x768xf32, #tpu.memory_space<vmem>>)
    %dma_start3A_89 = arith.constant 0 : i32
    %dma_start3A_90 = arith.constant 0 : i32
    %dma_start3A_91 = arith.constant 0 : i32
    %dma_start3A_92 = tpu.memref_slice %arg6[%dma_start3A_89, %dma_start3A_90, %dma_start3A_91] : memref<2x64x768xf32, #tpu.memory_space<vmem>> -> memref<1x64x768xf32, #tpu.memory_space<vmem>>
    %dma_start3A_93 = tpu.memref_squeeze %dma_start3A_92 : memref<1x64x768xf32, #tpu.memory_space<vmem>> -> memref<64x768xf32, #tpu.memory_space<vmem>>
    %dma_start3A_94 = arith.constant 256 : i32
    %dma_start3A_95 = tpu.memref_slice %arg5[%dma_start3A_94] : memref<512xi32, #tpu.memory_space<vmem>> -> memref<64xi32, #tpu.memory_space<vmem>>
    %dma_start3A_96 = arith.constant 0 : i32
    %dma_start3A_97 = arith.constant 0 : i32
    %dma_start3A_98 = tpu.memref_slice %arg2[%dma_start3A_96, %dma_start3A_97] : memref<32768x768xf32, #tpu.memory_space<hbm>> -> memref<32768x768xf32, #tpu.memory_space<hbm>>
    tpu.enqueue_indirect_dma source(%dma_start3A_98 : memref<32768x768xf32, #tpu.memory_space<hbm>>) target(%dma_start3A_93 : memref<64x768xf32, #tpu.memory_space<vmem>>) offsets(%dma_start3A_95 : memref<64xi32, #tpu.memory_space<vmem>>) semaphore(%arg7 : memref<!tpu.dma_semaphore, #tpu.memory_space<semaphore_mem>>)
    %add3A_99 = arith.constant 192 : i32
    %add3A_100 = arith.addi %mul3A_2, %add3A_99 : i32
    %run_scoped3A_101 = arith.constant 1 : i32
    "tpu.region"() ({
      %run_scoped3A_184 = tpu.sem_alloc : memref<!tpu.dma_semaphore, #tpu.memory_space<semaphore_mem>>
      %dma_start3A_185 = arith.constant 0 : i32
      %dma_start3A_186 = arith.constant 0 : i32
      %dma_start3A_187 = tpu.memref_slice %arg6[%run_scoped3A_101, %dma_start3A_185, %dma_start3A_186] : memref<2x64x768xf32, #tpu.memory_space<vmem>> -> memref<1x64x768xf32, #tpu.memory_space<vmem>>
      %dma_start3A_188 = tpu.memref_squeeze %dma_start3A_187 : memref<1x64x768xf32, #tpu.memory_space<vmem>> -> memref<64x768xf32, #tpu.memory_space<vmem>>
      %dma_start3A_189 = arith.constant 0 : i32
      %dma_start3A_190 = tpu.memref_slice %arg4[%add3A_100, %dma_start3A_189] : memref<16384x768xf32, #tpu.memory_space<hbm>> -> memref<64x768xf32, #tpu.memory_space<hbm>>
      %dma_start3A_191 = arith.constant 0 : i32
      %dma_start3A_192 = tpu.memref_slice %arg4[%add3A_100, %dma_start3A_191] : memref<16384x768xf32, #tpu.memory_space<hbm>> -> memref<64x768xf32, #tpu.memory_space<hbm>>
      %dma_start3A_193 = arith.constant 0 : i32
      %dma_start3A_194 = arith.constant 0 : i32
      %dma_start3A_195 = tpu.memref_slice %arg6[%run_scoped3A_101, %dma_start3A_193, %dma_start3A_194] : memref<2x64x768xf32, #tpu.memory_space<vmem>> -> memref<1x64x768xf32, #tpu.memory_space<vmem>>
      %dma_start3A_196 = tpu.memref_squeeze %dma_start3A_195 : memref<1x64x768xf32, #tpu.memory_space<vmem>> -> memref<64x768xf32, #tpu.memory_space<vmem>>
      tpu.enqueue_dma source(%dma_start3A_196 : memref<64x768xf32, #tpu.memory_space<vmem>>) target(%dma_start3A_192 : memref<64x768xf32, #tpu.memory_space<hbm>>) target_semaphore(%run_scoped3A_184 : memref<!tpu.dma_semaphore, #tpu.memory_space<semaphore_mem>>)
      %dma_wait3A_197 = arith.constant 0 : i32
      %dma_wait3A_198 = arith.constant 0 : i32
      %dma_wait3A_199 = tpu.memref_slice %arg6[%run_scoped3A_101, %dma_wait3A_197, %dma_wait3A_198] : memref<2x64x768xf32, #tpu.memory_space<vmem>> -> memref<1x64x768xf32, #tpu.memory_space<vmem>>
      %dma_wait3A_200 = tpu.memref_squeeze %dma_wait3A_199 : memref<1x64x768xf32, #tpu.memory_space<vmem>> -> memref<64x768xf32, #tpu.memory_space<vmem>>
      %dma_wait3A_201 = arith.constant 0 : i32
      %dma_wait3A_202 = tpu.memref_slice %arg4[%add3A_100, %dma_wait3A_201] : memref<16384x768xf32, #tpu.memory_space<hbm>> -> memref<64x768xf32, #tpu.memory_space<hbm>>
      %dma_wait3A_203 = arith.constant 0 : i32
      %dma_wait3A_204 = tpu.memref_slice %arg4[%add3A_100, %dma_wait3A_203] : memref<16384x768xf32, #tpu.memory_space<hbm>> -> memref<64x768xf32, #tpu.memory_space<hbm>>
      %dma_wait3A_205 = arith.constant 0 : i32
      %dma_wait3A_206 = arith.constant 0 : i32
      %dma_wait3A_207 = tpu.memref_slice %arg6[%run_scoped3A_101, %dma_wait3A_205, %dma_wait3A_206] : memref<2x64x768xf32, #tpu.memory_space<vmem>> -> memref<1x64x768xf32, #tpu.memory_space<vmem>>
      %dma_wait3A_208 = tpu.memref_squeeze %dma_wait3A_207 : memref<1x64x768xf32, #tpu.memory_space<vmem>> -> memref<64x768xf32, #tpu.memory_space<vmem>>
      tpu.wait_dma2 semaphore(%run_scoped3A_184 : memref<!tpu.dma_semaphore, #tpu.memory_space<semaphore_mem>>) src(%dma_wait3A_208 : memref<64x768xf32, #tpu.memory_space<vmem>>) dst(%dma_wait3A_204 : memref<64x768xf32, #tpu.memory_space<hbm>>)
      tpu.yield
    }) : () -> ()
    %dma_wait3A_102 = arith.constant 0 : i32
    %dma_wait3A_103 = arith.constant 0 : i32
    %dma_wait3A_104 = arith.constant 0 : i32
    %dma_wait3A_105 = tpu.memref_slice %arg6[%dma_wait3A_102, %dma_wait3A_103, %dma_wait3A_104] : memref<2x64x768xf32, #tpu.memory_space<vmem>> -> memref<1x64x768xf32, #tpu.memory_space<vmem>>
    %dma_wait3A_106 = tpu.memref_squeeze %dma_wait3A_105 : memref<1x64x768xf32, #tpu.memory_space<vmem>> -> memref<64x768xf32, #tpu.memory_space<vmem>>
    %dma_wait3A_107 = arith.constant 256 : i32
    %dma_wait3A_108 = tpu.memref_slice %arg5[%dma_wait3A_107] : memref<512xi32, #tpu.memory_space<vmem>> -> memref<64xi32, #tpu.memory_space<vmem>>
    %dma_wait3A_109 = arith.constant 0 : i32
    %dma_wait3A_110 = arith.constant 0 : i32
    %dma_wait3A_111 = tpu.memref_slice %arg2[%dma_wait3A_109, %dma_wait3A_110] : memref<32768x768xf32, #tpu.memory_space<hbm>> -> memref<32768x768xf32, #tpu.memory_space<hbm>>
    tpu.wait_indirect_dma semaphore(%arg7 : memref<!tpu.dma_semaphore, #tpu.memory_space<semaphore_mem>>) src(%dma_wait3A_111 : memref<32768x768xf32, #tpu.memory_space<hbm>>) dst(%dma_wait3A_106 : memref<64x768xf32, #tpu.memory_space<vmem>>)
    %dma_start3A_112 = arith.constant 1 : i32
    %dma_start3A_113 = arith.constant 0 : i32
    %dma_start3A_114 = arith.constant 0 : i32
    %dma_start3A_115 = tpu.memref_slice %arg6[%dma_start3A_112, %dma_start3A_113, %dma_start3A_114] : memref<2x64x768xf32, #tpu.memory_space<vmem>> -> memref<1x64x768xf32, #tpu.memory_space<vmem>>
    %dma_start3A_116 = tpu.memref_squeeze %dma_start3A_115 : memref<1x64x768xf32, #tpu.memory_space<vmem>> -> memref<64x768xf32, #tpu.memory_space<vmem>>
    %dma_start3A_117 = arith.constant 320 : i32
    %dma_start3A_118 = tpu.memref_slice %arg5[%dma_start3A_117] : memref<512xi32, #tpu.memory_space<vmem>> -> memref<64xi32, #tpu.memory_space<vmem>>
    %dma_start3A_119 = arith.constant 0 : i32
    %dma_start3A_120 = arith.constant 0 : i32
    %dma_start3A_121 = tpu.memref_slice %arg2[%dma_start3A_119, %dma_start3A_120] : memref<32768x768xf32, #tpu.memory_space<hbm>> -> memref<32768x768xf32, #tpu.memory_space<hbm>>
    tpu.enqueue_indirect_dma source(%dma_start3A_121 : memref<32768x768xf32, #tpu.memory_space<hbm>>) target(%dma_start3A_116 : memref<64x768xf32, #tpu.memory_space<vmem>>) offsets(%dma_start3A_118 : memref<64xi32, #tpu.memory_space<vmem>>) semaphore(%arg8 : memref<!tpu.dma_semaphore, #tpu.memory_space<semaphore_mem>>)
    %add3A_122 = arith.constant 256 : i32
    %add3A_123 = arith.addi %mul3A_2, %add3A_122 : i32
    %run_scoped3A_124 = arith.constant 0 : i32
    "tpu.region"() ({
      %run_scoped3A_184 = tpu.sem_alloc : memref<!tpu.dma_semaphore, #tpu.memory_space<semaphore_mem>>
      %dma_start3A_185 = arith.constant 0 : i32
      %dma_start3A_186 = arith.constant 0 : i32
      %dma_start3A_187 = tpu.memref_slice %arg6[%run_scoped3A_124, %dma_start3A_185, %dma_start3A_186] : memref<2x64x768xf32, #tpu.memory_space<vmem>> -> memref<1x64x768xf32, #tpu.memory_space<vmem>>
      %dma_start3A_188 = tpu.memref_squeeze %dma_start3A_187 : memref<1x64x768xf32, #tpu.memory_space<vmem>> -> memref<64x768xf32, #tpu.memory_space<vmem>>
      %dma_start3A_189 = arith.constant 0 : i32
      %dma_start3A_190 = tpu.memref_slice %arg4[%add3A_123, %dma_start3A_189] : memref<16384x768xf32, #tpu.memory_space<hbm>> -> memref<64x768xf32, #tpu.memory_space<hbm>>
      %dma_start3A_191 = arith.constant 0 : i32
      %dma_start3A_192 = tpu.memref_slice %arg4[%add3A_123, %dma_start3A_191] : memref<16384x768xf32, #tpu.memory_space<hbm>> -> memref<64x768xf32, #tpu.memory_space<hbm>>
      %dma_start3A_193 = arith.constant 0 : i32
      %dma_start3A_194 = arith.constant 0 : i32
      %dma_start3A_195 = tpu.memref_slice %arg6[%run_scoped3A_124, %dma_start3A_193, %dma_start3A_194] : memref<2x64x768xf32, #tpu.memory_space<vmem>> -> memref<1x64x768xf32, #tpu.memory_space<vmem>>
      %dma_start3A_196 = tpu.memref_squeeze %dma_start3A_195 : memref<1x64x768xf32, #tpu.memory_space<vmem>> -> memref<64x768xf32, #tpu.memory_space<vmem>>
      tpu.enqueue_dma source(%dma_start3A_196 : memref<64x768xf32, #tpu.memory_space<vmem>>) target(%dma_start3A_192 : memref<64x768xf32, #tpu.memory_space<hbm>>) target_semaphore(%run_scoped3A_184 : memref<!tpu.dma_semaphore, #tpu.memory_space<semaphore_mem>>)
      %dma_wait3A_197 = arith.constant 0 : i32
      %dma_wait3A_198 = arith.constant 0 : i32
      %dma_wait3A_199 = tpu.memref_slice %arg6[%run_scoped3A_124, %dma_wait3A_197, %dma_wait3A_198] : memref<2x64x768xf32, #tpu.memory_space<vmem>> -> memref<1x64x768xf32, #tpu.memory_space<vmem>>
      %dma_wait3A_200 = tpu.memref_squeeze %dma_wait3A_199 : memref<1x64x768xf32, #tpu.memory_space<vmem>> -> memref<64x768xf32, #tpu.memory_space<vmem>>
      %dma_wait3A_201 = arith.constant 0 : i32
      %dma_wait3A_202 = tpu.memref_slice %arg4[%add3A_123, %dma_wait3A_201] : memref<16384x768xf32, #tpu.memory_space<hbm>> -> memref<64x768xf32, #tpu.memory_space<hbm>>
      %dma_wait3A_203 = arith.constant 0 : i32
      %dma_wait3A_204 = tpu.memref_slice %arg4[%add3A_123, %dma_wait3A_203] : memref<16384x768xf32, #tpu.memory_space<hbm>> -> memref<64x768xf32, #tpu.memory_space<hbm>>
      %dma_wait3A_205 = arith.constant 0 : i32
      %dma_wait3A_206 = arith.constant 0 : i32
      %dma_wait3A_207 = tpu.memref_slice %arg6[%run_scoped3A_124, %dma_wait3A_205, %dma_wait3A_206] : memref<2x64x768xf32, #tpu.memory_space<vmem>> -> memref<1x64x768xf32, #tpu.memory_space<vmem>>
      %dma_wait3A_208 = tpu.memref_squeeze %dma_wait3A_207 : memref<1x64x768xf32, #tpu.memory_space<vmem>> -> memref<64x768xf32, #tpu.memory_space<vmem>>
      tpu.wait_dma2 semaphore(%run_scoped3A_184 : memref<!tpu.dma_semaphore, #tpu.memory_space<semaphore_mem>>) src(%dma_wait3A_208 : memref<64x768xf32, #tpu.memory_space<vmem>>) dst(%dma_wait3A_204 : memref<64x768xf32, #tpu.memory_space<hbm>>)
      tpu.yield
    }) : () -> ()
    %dma_wait3A_125 = arith.constant 1 : i32
    %dma_wait3A_126 = arith.constant 0 : i32
    %dma_wait3A_127 = arith.constant 0 : i32
    %dma_wait3A_128 = tpu.memref_slice %arg6[%dma_wait3A_125, %dma_wait3A_126, %dma_wait3A_127] : memref<2x64x768xf32, #tpu.memory_space<vmem>> -> memref<1x64x768xf32, #tpu.memory_space<vmem>>
    %dma_wait3A_129 = tpu.memref_squeeze %dma_wait3A_128 : memref<1x64x768xf32, #tpu.memory_space<vmem>> -> memref<64x768xf32, #tpu.memory_space<vmem>>
    %dma_wait3A_130 = arith.constant 320 : i32
    %dma_wait3A_131 = tpu.memref_slice %arg5[%dma_wait3A_130] : memref<512xi32, #tpu.memory_space<vmem>> -> memref<64xi32, #tpu.memory_space<vmem>>
    %dma_wait3A_132 = arith.constant 0 : i32
    %dma_wait3A_133 = arith.constant 0 : i32
    %dma_wait3A_134 = tpu.memref_slice %arg2[%dma_wait3A_132, %dma_wait3A_133] : memref<32768x768xf32, #tpu.memory_space<hbm>> -> memref<32768x768xf32, #tpu.memory_space<hbm>>
    tpu.wait_indirect_dma semaphore(%arg8 : memref<!tpu.dma_semaphore, #tpu.memory_space<semaphore_mem>>) src(%dma_wait3A_134 : memref<32768x768xf32, #tpu.memory_space<hbm>>) dst(%dma_wait3A_129 : memref<64x768xf32, #tpu.memory_space<vmem>>)
    %dma_start3A_135 = arith.constant 0 : i32
    %dma_start3A_136 = arith.constant 0 : i32
    %dma_start3A_137 = arith.constant 0 : i32
    %dma_start3A_138 = tpu.memref_slice %arg6[%dma_start3A_135, %dma_start3A_136, %dma_start3A_137] : memref<2x64x768xf32, #tpu.memory_space<vmem>> -> memref<1x64x768xf32, #tpu.memory_space<vmem>>
    %dma_start3A_139 = tpu.memref_squeeze %dma_start3A_138 : memref<1x64x768xf32, #tpu.memory_space<vmem>> -> memref<64x768xf32, #tpu.memory_space<vmem>>
    %dma_start3A_140 = arith.constant 384 : i32
    %dma_start3A_141 = tpu.memref_slice %arg5[%dma_start3A_140] : memref<512xi32, #tpu.memory_space<vmem>> -> memref<64xi32, #tpu.memory_space<vmem>>
    %dma_start3A_142 = arith.constant 0 : i32
    %dma_start3A_143 = arith.constant 0 : i32
    %dma_start3A_144 = tpu.memref_slice %arg2[%dma_start3A_142, %dma_start3A_143] : memref<32768x768xf32, #tpu.memory_space<hbm>> -> memref<32768x768xf32, #tpu.memory_space<hbm>>
    tpu.enqueue_indirect_dma source(%dma_start3A_144 : memref<32768x768xf32, #tpu.memory_space<hbm>>) target(%dma_start3A_139 : memref<64x768xf32, #tpu.memory_space<vmem>>) offsets(%dma_start3A_141 : memref<64xi32, #tpu.memory_space<vmem>>) semaphore(%arg7 : memref<!tpu.dma_semaphore, #tpu.memory_space<semaphore_mem>>)
    %add3A_145 = arith.constant 320 : i32
    %add3A_146 = arith.addi %mul3A_2, %add3A_145 : i32
    %run_scoped3A_147 = arith.constant 1 : i32
    "tpu.region"() ({
      %run_scoped3A_184 = tpu.sem_alloc : memref<!tpu.dma_semaphore, #tpu.memory_space<semaphore_mem>>
      %dma_start3A_185 = arith.constant 0 : i32
      %dma_start3A_186 = arith.constant 0 : i32
      %dma_start3A_187 = tpu.memref_slice %arg6[%run_scoped3A_147, %dma_start3A_185, %dma_start3A_186] : memref<2x64x768xf32, #tpu.memory_space<vmem>> -> memref<1x64x768xf32, #tpu.memory_space<vmem>>
      %dma_start3A_188 = tpu.memref_squeeze %dma_start3A_187 : memref<1x64x768xf32, #tpu.memory_space<vmem>> -> memref<64x768xf32, #tpu.memory_space<vmem>>
      %dma_start3A_189 = arith.constant 0 : i32
      %dma_start3A_190 = tpu.memref_slice %arg4[%add3A_146, %dma_start3A_189] : memref<16384x768xf32, #tpu.memory_space<hbm>> -> memref<64x768xf32, #tpu.memory_space<hbm>>
      %dma_start3A_191 = arith.constant 0 : i32
      %dma_start3A_192 = tpu.memref_slice %arg4[%add3A_146, %dma_start3A_191] : memref<16384x768xf32, #tpu.memory_space<hbm>> -> memref<64x768xf32, #tpu.memory_space<hbm>>
      %dma_start3A_193 = arith.constant 0 : i32
      %dma_start3A_194 = arith.constant 0 : i32
      %dma_start3A_195 = tpu.memref_slice %arg6[%run_scoped3A_147, %dma_start3A_193, %dma_start3A_194] : memref<2x64x768xf32, #tpu.memory_space<vmem>> -> memref<1x64x768xf32, #tpu.memory_space<vmem>>
      %dma_start3A_196 = tpu.memref_squeeze %dma_start3A_195 : memref<1x64x768xf32, #tpu.memory_space<vmem>> -> memref<64x768xf32, #tpu.memory_space<vmem>>
      tpu.enqueue_dma source(%dma_start3A_196 : memref<64x768xf32, #tpu.memory_space<vmem>>) target(%dma_start3A_192 : memref<64x768xf32, #tpu.memory_space<hbm>>) target_semaphore(%run_scoped3A_184 : memref<!tpu.dma_semaphore, #tpu.memory_space<semaphore_mem>>)
      %dma_wait3A_197 = arith.constant 0 : i32
      %dma_wait3A_198 = arith.constant 0 : i32
      %dma_wait3A_199 = tpu.memref_slice %arg6[%run_scoped3A_147, %dma_wait3A_197, %dma_wait3A_198] : memref<2x64x768xf32, #tpu.memory_space<vmem>> -> memref<1x64x768xf32, #tpu.memory_space<vmem>>
      %dma_wait3A_200 = tpu.memref_squeeze %dma_wait3A_199 : memref<1x64x768xf32, #tpu.memory_space<vmem>> -> memref<64x768xf32, #tpu.memory_space<vmem>>
      %dma_wait3A_201 = arith.constant 0 : i32
      %dma_wait3A_202 = tpu.memref_slice %arg4[%add3A_146, %dma_wait3A_201] : memref<16384x768xf32, #tpu.memory_space<hbm>> -> memref<64x768xf32, #tpu.memory_space<hbm>>
      %dma_wait3A_203 = arith.constant 0 : i32
      %dma_wait3A_204 = tpu.memref_slice %arg4[%add3A_146, %dma_wait3A_203] : memref<16384x768xf32, #tpu.memory_space<hbm>> -> memref<64x768xf32, #tpu.memory_space<hbm>>
      %dma_wait3A_205 = arith.constant 0 : i32
      %dma_wait3A_206 = arith.constant 0 : i32
      %dma_wait3A_207 = tpu.memref_slice %arg6[%run_scoped3A_147, %dma_wait3A_205, %dma_wait3A_206] : memref<2x64x768xf32, #tpu.memory_space<vmem>> -> memref<1x64x768xf32, #tpu.memory_space<vmem>>
      %dma_wait3A_208 = tpu.memref_squeeze %dma_wait3A_207 : memref<1x64x768xf32, #tpu.memory_space<vmem>> -> memref<64x768xf32, #tpu.memory_space<vmem>>
      tpu.wait_dma2 semaphore(%run_scoped3A_184 : memref<!tpu.dma_semaphore, #tpu.memory_space<semaphore_mem>>) src(%dma_wait3A_208 : memref<64x768xf32, #tpu.memory_space<vmem>>) dst(%dma_wait3A_204 : memref<64x768xf32, #tpu.memory_space<hbm>>)
      tpu.yield
    }) : () -> ()
    %dma_wait3A_148 = arith.constant 0 : i32
    %dma_wait3A_149 = arith.constant 0 : i32
    %dma_wait3A_150 = arith.constant 0 : i32
    %dma_wait3A_151 = tpu.memref_slice %arg6[%dma_wait3A_148, %dma_wait3A_149, %dma_wait3A_150] : memref<2x64x768xf32, #tpu.memory_space<vmem>> -> memref<1x64x768xf32, #tpu.memory_space<vmem>>
    %dma_wait3A_152 = tpu.memref_squeeze %dma_wait3A_151 : memref<1x64x768xf32, #tpu.memory_space<vmem>> -> memref<64x768xf32, #tpu.memory_space<vmem>>
    %dma_wait3A_153 = arith.constant 384 : i32
    %dma_wait3A_154 = tpu.memref_slice %arg5[%dma_wait3A_153] : memref<512xi32, #tpu.memory_space<vmem>> -> memref<64xi32, #tpu.memory_space<vmem>>
    %dma_wait3A_155 = arith.constant 0 : i32
    %dma_wait3A_156 = arith.constant 0 : i32
    %dma_wait3A_157 = tpu.memref_slice %arg2[%dma_wait3A_155, %dma_wait3A_156] : memref<32768x768xf32, #tpu.memory_space<hbm>> -> memref<32768x768xf32, #tpu.memory_space<hbm>>
    tpu.wait_indirect_dma semaphore(%arg7 : memref<!tpu.dma_semaphore, #tpu.memory_space<semaphore_mem>>) src(%dma_wait3A_157 : memref<32768x768xf32, #tpu.memory_space<hbm>>) dst(%dma_wait3A_152 : memref<64x768xf32, #tpu.memory_space<vmem>>)
    %dma_start3A_158 = arith.constant 1 : i32
    %dma_start3A_159 = arith.constant 0 : i32
    %dma_start3A_160 = arith.constant 0 : i32
    %dma_start3A_161 = tpu.memref_slice %arg6[%dma_start3A_158, %dma_start3A_159, %dma_start3A_160] : memref<2x64x768xf32, #tpu.memory_space<vmem>> -> memref<1x64x768xf32, #tpu.memory_space<vmem>>
    %dma_start3A_162 = tpu.memref_squeeze %dma_start3A_161 : memref<1x64x768xf32, #tpu.memory_space<vmem>> -> memref<64x768xf32, #tpu.memory_space<vmem>>
    %dma_start3A_163 = arith.constant 448 : i32
    %dma_start3A_164 = tpu.memref_slice %arg5[%dma_start3A_163] : memref<512xi32, #tpu.memory_space<vmem>> -> memref<64xi32, #tpu.memory_space<vmem>>
    %dma_start3A_165 = arith.constant 0 : i32
    %dma_start3A_166 = arith.constant 0 : i32
    %dma_start3A_167 = tpu.memref_slice %arg2[%dma_start3A_165, %dma_start3A_166] : memref<32768x768xf32, #tpu.memory_space<hbm>> -> memref<32768x768xf32, #tpu.memory_space<hbm>>
    tpu.enqueue_indirect_dma source(%dma_start3A_167 : memref<32768x768xf32, #tpu.memory_space<hbm>>) target(%dma_start3A_162 : memref<64x768xf32, #tpu.memory_space<vmem>>) offsets(%dma_start3A_164 : memref<64xi32, #tpu.memory_space<vmem>>) semaphore(%arg8 : memref<!tpu.dma_semaphore, #tpu.memory_space<semaphore_mem>>)
    %add3A_168 = arith.constant 384 : i32
    %add3A_169 = arith.addi %mul3A_2, %add3A_168 : i32
    %run_scoped3A_170 = arith.constant 0 : i32
    "tpu.region"() ({
      %run_scoped3A_184 = tpu.sem_alloc : memref<!tpu.dma_semaphore, #tpu.memory_space<semaphore_mem>>
      %dma_start3A_185 = arith.constant 0 : i32
      %dma_start3A_186 = arith.constant 0 : i32
      %dma_start3A_187 = tpu.memref_slice %arg6[%run_scoped3A_170, %dma_start3A_185, %dma_start3A_186] : memref<2x64x768xf32, #tpu.memory_space<vmem>> -> memref<1x64x768xf32, #tpu.memory_space<vmem>>
      %dma_start3A_188 = tpu.memref_squeeze %dma_start3A_187 : memref<1x64x768xf32, #tpu.memory_space<vmem>> -> memref<64x768xf32, #tpu.memory_space<vmem>>
      %dma_start3A_189 = arith.constant 0 : i32
      %dma_start3A_190 = tpu.memref_slice %arg4[%add3A_169, %dma_start3A_189] : memref<16384x768xf32, #tpu.memory_space<hbm>> -> memref<64x768xf32, #tpu.memory_space<hbm>>
      %dma_start3A_191 = arith.constant 0 : i32
      %dma_start3A_192 = tpu.memref_slice %arg4[%add3A_169, %dma_start3A_191] : memref<16384x768xf32, #tpu.memory_space<hbm>> -> memref<64x768xf32, #tpu.memory_space<hbm>>
      %dma_start3A_193 = arith.constant 0 : i32
      %dma_start3A_194 = arith.constant 0 : i32
      %dma_start3A_195 = tpu.memref_slice %arg6[%run_scoped3A_170, %dma_start3A_193, %dma_start3A_194] : memref<2x64x768xf32, #tpu.memory_space<vmem>> -> memref<1x64x768xf32, #tpu.memory_space<vmem>>
      %dma_start3A_196 = tpu.memref_squeeze %dma_start3A_195 : memref<1x64x768xf32, #tpu.memory_space<vmem>> -> memref<64x768xf32, #tpu.memory_space<vmem>>
      tpu.enqueue_dma source(%dma_start3A_196 : memref<64x768xf32, #tpu.memory_space<vmem>>) target(%dma_start3A_192 : memref<64x768xf32, #tpu.memory_space<hbm>>) target_semaphore(%run_scoped3A_184 : memref<!tpu.dma_semaphore, #tpu.memory_space<semaphore_mem>>)
      %dma_wait3A_197 = arith.constant 0 : i32
      %dma_wait3A_198 = arith.constant 0 : i32
      %dma_wait3A_199 = tpu.memref_slice %arg6[%run_scoped3A_170, %dma_wait3A_197, %dma_wait3A_198] : memref<2x64x768xf32, #tpu.memory_space<vmem>> -> memref<1x64x768xf32, #tpu.memory_space<vmem>>
      %dma_wait3A_200 = tpu.memref_squeeze %dma_wait3A_199 : memref<1x64x768xf32, #tpu.memory_space<vmem>> -> memref<64x768xf32, #tpu.memory_space<vmem>>
      %dma_wait3A_201 = arith.constant 0 : i32
      %dma_wait3A_202 = tpu.memref_slice %arg4[%add3A_169, %dma_wait3A_201] : memref<16384x768xf32, #tpu.memory_space<hbm>> -> memref<64x768xf32, #tpu.memory_space<hbm>>
      %dma_wait3A_203 = arith.constant 0 : i32
      %dma_wait3A_204 = tpu.memref_slice %arg4[%add3A_169, %dma_wait3A_203] : memref<16384x768xf32, #tpu.memory_space<hbm>> -> memref<64x768xf32, #tpu.memory_space<hbm>>
      %dma_wait3A_205 = arith.constant 0 : i32
      %dma_wait3A_206 = arith.constant 0 : i32
      %dma_wait3A_207 = tpu.memref_slice %arg6[%run_scoped3A_170, %dma_wait3A_205, %dma_wait3A_206] : memref<2x64x768xf32, #tpu.memory_space<vmem>> -> memref<1x64x768xf32, #tpu.memory_space<vmem>>
      %dma_wait3A_208 = tpu.memref_squeeze %dma_wait3A_207 : memref<1x64x768xf32, #tpu.memory_space<vmem>> -> memref<64x768xf32, #tpu.memory_space<vmem>>
      tpu.wait_dma2 semaphore(%run_scoped3A_184 : memref<!tpu.dma_semaphore, #tpu.memory_space<semaphore_mem>>) src(%dma_wait3A_208 : memref<64x768xf32, #tpu.memory_space<vmem>>) dst(%dma_wait3A_204 : memref<64x768xf32, #tpu.memory_space<hbm>>)
      tpu.yield
    }) : () -> ()
    %dma_wait3A_171 = arith.constant 1 : i32
    %dma_wait3A_172 = arith.constant 0 : i32
    %dma_wait3A_173 = arith.constant 0 : i32
    %dma_wait3A_174 = tpu.memref_slice %arg6[%dma_wait3A_171, %dma_wait3A_172, %dma_wait3A_173] : memref<2x64x768xf32, #tpu.memory_space<vmem>> -> memref<1x64x768xf32, #tpu.memory_space<vmem>>
    %dma_wait3A_175 = tpu.memref_squeeze %dma_wait3A_174 : memref<1x64x768xf32, #tpu.memory_space<vmem>> -> memref<64x768xf32, #tpu.memory_space<vmem>>
    %dma_wait3A_176 = arith.constant 448 : i32
    %dma_wait3A_177 = tpu.memref_slice %arg5[%dma_wait3A_176] : memref<512xi32, #tpu.memory_space<vmem>> -> memref<64xi32, #tpu.memory_space<vmem>>
    %dma_wait3A_178 = arith.constant 0 : i32
    %dma_wait3A_179 = arith.constant 0 : i32
    %dma_wait3A_180 = tpu.memref_slice %arg2[%dma_wait3A_178, %dma_wait3A_179] : memref<32768x768xf32, #tpu.memory_space<hbm>> -> memref<32768x768xf32, #tpu.memory_space<hbm>>
    tpu.wait_indirect_dma semaphore(%arg8 : memref<!tpu.dma_semaphore, #tpu.memory_space<semaphore_mem>>) src(%dma_wait3A_180 : memref<32768x768xf32, #tpu.memory_space<hbm>>) dst(%dma_wait3A_175 : memref<64x768xf32, #tpu.memory_space<vmem>>)
    %add3A_181 = arith.constant 448 : i32
    %add3A_182 = arith.addi %mul3A_2, %add3A_181 : i32
    %run_scoped3A_183 = arith.constant 1 : i32
    "tpu.region"() ({
      %run_scoped3A_184 = tpu.sem_alloc : memref<!tpu.dma_semaphore, #tpu.memory_space<semaphore_mem>>
      %dma_start3A_185 = arith.constant 0 : i32
      %dma_start3A_186 = arith.constant 0 : i32
      %dma_start3A_187 = tpu.memref_slice %arg6[%run_scoped3A_183, %dma_start3A_185, %dma_start3A_186] : memref<2x64x768xf32, #tpu.memory_space<vmem>> -> memref<1x64x768xf32, #tpu.memory_space<vmem>>
      %dma_start3A_188 = tpu.memref_squeeze %dma_start3A_187 : memref<1x64x768xf32, #tpu.memory_space<vmem>> -> memref<64x768xf32, #tpu.memory_space<vmem>>
      %dma_start3A_189 = arith.constant 0 : i32
      %dma_start3A_190 = tpu.memref_slice %arg4[%add3A_182, %dma_start3A_189] : memref<16384x768xf32, #tpu.memory_space<hbm>> -> memref<64x768xf32, #tpu.memory_space<hbm>>
      %dma_start3A_191 = arith.constant 0 : i32
      %dma_start3A_192 = tpu.memref_slice %arg4[%add3A_182, %dma_start3A_191] : memref<16384x768xf32, #tpu.memory_space<hbm>> -> memref<64x768xf32, #tpu.memory_space<hbm>>
      %dma_start3A_193 = arith.constant 0 : i32
      %dma_start3A_194 = arith.constant 0 : i32
      %dma_start3A_195 = tpu.memref_slice %arg6[%run_scoped3A_183, %dma_start3A_193, %dma_start3A_194] : memref<2x64x768xf32, #tpu.memory_space<vmem>> -> memref<1x64x768xf32, #tpu.memory_space<vmem>>
      %dma_start3A_196 = tpu.memref_squeeze %dma_start3A_195 : memref<1x64x768xf32, #tpu.memory_space<vmem>> -> memref<64x768xf32, #tpu.memory_space<vmem>>
      tpu.enqueue_dma source(%dma_start3A_196 : memref<64x768xf32, #tpu.memory_space<vmem>>) target(%dma_start3A_192 : memref<64x768xf32, #tpu.memory_space<hbm>>) target_semaphore(%run_scoped3A_184 : memref<!tpu.dma_semaphore, #tpu.memory_space<semaphore_mem>>)
      %dma_wait3A_197 = arith.constant 0 : i32
      %dma_wait3A_198 = arith.constant 0 : i32
      %dma_wait3A_199 = tpu.memref_slice %arg6[%run_scoped3A_183, %dma_wait3A_197, %dma_wait3A_198] : memref<2x64x768xf32, #tpu.memory_space<vmem>> -> memref<1x64x768xf32, #tpu.memory_space<vmem>>
      %dma_wait3A_200 = tpu.memref_squeeze %dma_wait3A_199 : memref<1x64x768xf32, #tpu.memory_space<vmem>> -> memref<64x768xf32, #tpu.memory_space<vmem>>
      %dma_wait3A_201 = arith.constant 0 : i32
      %dma_wait3A_202 = tpu.memref_slice %arg4[%add3A_182, %dma_wait3A_201] : memref<16384x768xf32, #tpu.memory_space<hbm>> -> memref<64x768xf32, #tpu.memory_space<hbm>>
      %dma_wait3A_203 = arith.constant 0 : i32
      %dma_wait3A_204 = tpu.memref_slice %arg4[%add3A_182, %dma_wait3A_203] : memref<16384x768xf32, #tpu.memory_space<hbm>> -> memref<64x768xf32, #tpu.memory_space<hbm>>
      %dma_wait3A_205 = arith.constant 0 : i32
      %dma_wait3A_206 = arith.constant 0 : i32
      %dma_wait3A_207 = tpu.memref_slice %arg6[%run_scoped3A_183, %dma_wait3A_205, %dma_wait3A_206] : memref<2x64x768xf32, #tpu.memory_space<vmem>> -> memref<1x64x768xf32, #tpu.memory_space<vmem>>
      %dma_wait3A_208 = tpu.memref_squeeze %dma_wait3A_207 : memref<1x64x768xf32, #tpu.memory_space<vmem>> -> memref<64x768xf32, #tpu.memory_space<vmem>>
      tpu.wait_dma2 semaphore(%run_scoped3A_184 : memref<!tpu.dma_semaphore, #tpu.memory_space<semaphore_mem>>) src(%dma_wait3A_208 : memref<64x768xf32, #tpu.memory_space<vmem>>) dst(%dma_wait3A_204 : memref<64x768xf32, #tpu.memory_space<hbm>>)
      tpu.yield
    }) : () -> ()
    return
  }
}

module attributes {stable_mosaic.version = 14 : i64} {
  func.func @_sort_body(%arg0: memref<4x8192xf32, #tpu.memory_space<vmem>>, %arg1: memref<4x4096xi32, #tpu.memory_space<vmem>>) attributes {dimension_semantics = [], scalar_prefetch = 0 : i64, scratch_operands = 0 : i64, tpu.core_type = #tpu.core_type<tc>} {
    %get3A = arith.constant 0 : index
    %get3A_0 = arith.constant 0 : index
    %get3A_1 = vector.load %arg0[%get3A, %get3A_0] : memref<4x8192xf32, #tpu.memory_space<vmem>>, vector<4x4096xf32>
    %get3A_2 = arith.constant 0 : index
    %get3A_3 = arith.constant 4096 : index
    %get3A_4 = vector.load %arg0[%get3A_2, %get3A_3] : memref<4x8192xf32, #tpu.memory_space<vmem>>, vector<4x4096xf32>
    %concatenate3A = tpu.concatenate %get3A_1, %get3A_4 in 0 : vector<4x4096xf32>, vector<4x4096xf32> -> vector<8x4096xf32>
    %bitcast_convert_type3A = tpu.bitcast %concatenate3A : vector<8x4096xf32> -> vector<8x4096xi32>
    %shift_right_arithmetic3A = arith.constant 31 : i32
    %shift_right_arithmetic3A_5 = vector.broadcast %shift_right_arithmetic3A : i32 to vector<8x4096xi32>
    %shift_right_arithmetic3A_6 = arith.shrsi %bitcast_convert_type3A, %shift_right_arithmetic3A_5 : vector<8x4096xi32>
    %and3A = arith.constant 2147483647 : i32
    %and3A_7 = vector.broadcast %and3A : i32 to vector<8x4096xi32>
    %and3A_8 = arith.andi %shift_right_arithmetic3A_6, %and3A_7 : vector<8x4096xi32>
    %xor3A = arith.xori %bitcast_convert_type3A, %and3A_8 : vector<8x4096xi32>
    %iota3A = tpu.iota {dimensions = array<i32: 0>} : vector<8x4096xi32>
    %jit3A = arith.constant 4 : i32
    %div3A = vector.broadcast %jit3A : i32 to vector<8x4096xi32>
    %div3A_9 = arith.divsi %iota3A, %div3A : vector<8x4096xi32>
    %sign3A = arith.constant 0 : i32
    %sign3A_10 = vector.broadcast %sign3A : i32 to vector<8x4096xi32>
    %sign3A_11 = arith.cmpi sgt, %iota3A, %sign3A_10 : vector<8x4096xi32>
    %sign3A_12 = arith.extui %sign3A_11 : vector<8x4096xi1> to vector<8x4096xi32>
    %sign3A_13 = arith.constant 0 : i32
    %sign3A_14 = vector.broadcast %sign3A_13 : i32 to vector<8x4096xi32>
    %sign3A_15 = arith.cmpi slt, %iota3A, %sign3A_14 : vector<8x4096xi32>
    %sign3A_16 = arith.extui %sign3A_15 : vector<8x4096xi1> to vector<8x4096xi32>
    %sign3A_17 = arith.subi %sign3A_12, %sign3A_16 : vector<8x4096xi32>
    %sign3A_18 = arith.constant 0 : i32
    %sign3A_19 = arith.cmpi sgt, %jit3A, %sign3A_18 : i32
    %sign3A_20 = arith.extui %sign3A_19 : i1 to i32
    %sign3A_21 = arith.constant 0 : i32
    %sign3A_22 = arith.cmpi slt, %jit3A, %sign3A_21 : i32
    %sign3A_23 = arith.extui %sign3A_22 : i1 to i32
    %sign3A_24 = arith.subi %sign3A_20, %sign3A_23 : i32
    %ne3A = vector.broadcast %sign3A_24 : i32 to vector<8x4096xi32>
    %ne3A_25 = arith.cmpi ne, %sign3A_17, %ne3A : vector<8x4096xi32>
    %rem3A = vector.broadcast %jit3A : i32 to vector<8x4096xi32>
    %rem3A_26 = arith.remsi %iota3A, %rem3A : vector<8x4096xi32>
    %ne3A_27 = arith.constant 0 : i32
    %ne3A_28 = vector.broadcast %ne3A_27 : i32 to vector<8x4096xi32>
    %ne3A_29 = arith.cmpi ne, %rem3A_26, %ne3A_28 : vector<8x4096xi32>
    %and3A_30 = arith.andi %ne3A_25, %ne3A_29 : vector<8x4096xi1>
    %sub3A = arith.constant 1 : i32
    %sub3A_31 = vector.broadcast %sub3A : i32 to vector<8x4096xi32>
    %sub3A_32 = arith.subi %div3A_9, %sub3A_31 : vector<8x4096xi32>
    %select_n3A = arith.select %and3A_30, %sub3A_32, %div3A_9 : vector<8x4096xi1>, vector<8x4096xi32>
    %iota3A_33 = tpu.iota {dimensions = array<i32: 1>} : vector<8x4096xi32>
    %mul3A = arith.constant 4096 : i32
    %mul3A_34 = vector.broadcast %mul3A : i32 to vector<8x4096xi32>
    %mul3A_35 = arith.muli %select_n3A, %mul3A_34 : vector<8x4096xi32>
    %add3A = arith.addi %iota3A_33, %mul3A_35 : vector<8x4096xi32>
    %iota3A_36 = tpu.iota {dimensions = array<i32: 0>} : vector<8x4096xi32>
    %jit3A_37 = arith.constant 4 : i32
    %eq3A = arith.constant 0 : i32
    %eq3A_38 = arith.cmpi eq, %jit3A_37, %eq3A : i32
    %jit3A_39 = arith.constant 1 : i32
    %select_n3A_40 = arith.select %eq3A_38, %jit3A_39, %jit3A_37 : i32
    %rem3A_41 = vector.broadcast %select_n3A_40 : i32 to vector<8x4096xi32>
    %rem3A_42 = arith.remsi %iota3A_36, %rem3A_41 : vector<8x4096xi32>
    %ne3A_43 = arith.constant 0 : i32
    %ne3A_44 = vector.broadcast %ne3A_43 : i32 to vector<8x4096xi32>
    %ne3A_45 = arith.cmpi ne, %rem3A_42, %ne3A_44 : vector<8x4096xi32>
    %lt3A = arith.constant 0 : i32
    %lt3A_46 = vector.broadcast %lt3A : i32 to vector<8x4096xi32>
    %lt3A_47 = arith.cmpi slt, %rem3A_42, %lt3A_46 : vector<8x4096xi32>
    %lt3A_48 = arith.constant 0 : i32
    %lt3A_49 = arith.cmpi slt, %select_n3A_40, %lt3A_48 : i32
    %ne3A_50 = vector.broadcast %lt3A_49 : i1 to vector<8x4096xi1>
    %ne3A_51 = vector.broadcast %ne3A_50 : vector<8x4096xi1> to vector<8x4096xi1>
    %ne3A_52 = arith.xori %lt3A_47, %ne3A_51 : vector<8x4096xi1>
    %and3A_53 = arith.andi %ne3A_52, %ne3A_45 : vector<8x4096xi1>
    %add3A_54 = vector.broadcast %select_n3A_40 : i32 to vector<8x4096xi32>
    %add3A_55 = arith.addi %rem3A_42, %add3A_54 : vector<8x4096xi32>
    %select_n3A_56 = arith.select %and3A_53, %add3A_55, %rem3A_42 : vector<8x4096xi1>, vector<8x4096xi32>
    %mul3A_57 = arith.constant 8192 : i32
    %mul3A_58 = vector.broadcast %mul3A_57 : i32 to vector<8x4096xi32>
    %mul3A_59 = arith.muli %select_n3A_56, %mul3A_58 : vector<8x4096xi32>
    %add3A_60 = arith.addi %mul3A_59, %add3A : vector<8x4096xi32>
    %and3A_61 = arith.constant 1 : i32
    %and3A_62 = vector.broadcast %and3A_61 : i32 to vector<8x4096xi32>
    %and3A_63 = arith.andi %add3A, %and3A_62 : vector<8x4096xi32>
    %eq3A_64 = arith.constant 0 : i32
    %eq3A_65 = vector.broadcast %eq3A_64 : i32 to vector<8x4096xi32>
    %eq3A_66 = arith.cmpi eq, %and3A_63, %eq3A_65 : vector<8x4096xi32>
    %slice3A = vector.extract_strided_slice %xor3A {offsets = [0, 1], sizes = [8, 4095], strides = [1, 1]} : vector<8x4096xi32> to vector<8x4095xi32>
    %slice3A_67 = vector.extract_strided_slice %xor3A {offsets = [0, 0], sizes = [8, 1], strides = [1, 1]} : vector<8x4096xi32> to vector<8x1xi32>
    %concatenate3A_68 = tpu.concatenate %slice3A, %slice3A_67 in 1 : vector<8x4095xi32>, vector<8x1xi32> -> vector<8x4096xi32>
    %slice3A_69 = vector.extract_strided_slice %xor3A {offsets = [0, 4095], sizes = [8, 1], strides = [1, 1]} : vector<8x4096xi32> to vector<8x1xi32>
    %slice3A_70 = vector.extract_strided_slice %xor3A {offsets = [0, 0], sizes = [8, 4095], strides = [1, 1]} : vector<8x4096xi32> to vector<8x4095xi32>
    %concatenate3A_71 = tpu.concatenate %slice3A_69, %slice3A_70 in 1 : vector<8x1xi32>, vector<8x4095xi32> -> vector<8x4096xi32>
    %select_n3A_72 = arith.select %eq3A_66, %concatenate3A_68, %concatenate3A_71 : vector<8x4096xi1>, vector<8x4096xi32>
    %slice3A_73 = vector.extract_strided_slice %add3A_60 {offsets = [0, 1], sizes = [8, 4095], strides = [1, 1]} : vector<8x4096xi32> to vector<8x4095xi32>
    %slice3A_74 = vector.extract_strided_slice %add3A_60 {offsets = [0, 0], sizes = [8, 1], strides = [1, 1]} : vector<8x4096xi32> to vector<8x1xi32>
    %concatenate3A_75 = tpu.concatenate %slice3A_73, %slice3A_74 in 1 : vector<8x4095xi32>, vector<8x1xi32> -> vector<8x4096xi32>
    %slice3A_76 = vector.extract_strided_slice %add3A_60 {offsets = [0, 4095], sizes = [8, 1], strides = [1, 1]} : vector<8x4096xi32> to vector<8x1xi32>
    %slice3A_77 = vector.extract_strided_slice %add3A_60 {offsets = [0, 0], sizes = [8, 4095], strides = [1, 1]} : vector<8x4096xi32> to vector<8x4095xi32>
    %concatenate3A_78 = tpu.concatenate %slice3A_76, %slice3A_77 in 1 : vector<8x1xi32>, vector<8x4095xi32> -> vector<8x4096xi32>
    %select_n3A_79 = arith.select %eq3A_66, %concatenate3A_75, %concatenate3A_78 : vector<8x4096xi1>, vector<8x4096xi32>
    %gt3A = arith.cmpi sgt, %xor3A, %select_n3A_72 : vector<8x4096xi32>
    %eq3A_80 = arith.cmpi eq, %xor3A, %select_n3A_72 : vector<8x4096xi32>
    %lt3A_81 = arith.cmpi slt, %add3A_60, %select_n3A_79 : vector<8x4096xi32>
    %and3A_82 = arith.andi %eq3A_80, %lt3A_81 : vector<8x4096xi1>
    %or3A = arith.ori %gt3A, %and3A_82 : vector<8x4096xi1>
    %and3A_83 = arith.constant 2 : i32
    %and3A_84 = vector.broadcast %and3A_83 : i32 to vector<8x4096xi32>
    %and3A_85 = arith.andi %add3A, %and3A_84 : vector<8x4096xi32>
    %eq3A_86 = arith.constant 0 : i32
    %eq3A_87 = vector.broadcast %eq3A_86 : i32 to vector<8x4096xi32>
    %eq3A_88 = arith.cmpi eq, %and3A_85, %eq3A_87 : vector<8x4096xi32>
    %eq3A_89 = arith.xori %eq3A_66, %eq3A_88 : vector<8x4096xi1>
    %eq3A_90 = arith.constant dense<true> : vector<8x4096xi1>
    %eq3A_91 = arith.xori %eq3A_89, %eq3A_90 : vector<8x4096xi1>
    %ne3A_92 = arith.xori %or3A, %eq3A_91 : vector<8x4096xi1>
    %select_n3A_93 = arith.select %ne3A_92, %select_n3A_72, %xor3A : vector<8x4096xi1>, vector<8x4096xi32>
    %select_n3A_94 = arith.select %ne3A_92, %select_n3A_79, %add3A_60 : vector<8x4096xi1>, vector<8x4096xi32>
    %and3A_95 = arith.constant 2 : i32
    %and3A_96 = vector.broadcast %and3A_95 : i32 to vector<8x4096xi32>
    %and3A_97 = arith.andi %add3A, %and3A_96 : vector<8x4096xi32>
    %eq3A_98 = arith.constant 0 : i32
    %eq3A_99 = vector.broadcast %eq3A_98 : i32 to vector<8x4096xi32>
    %eq3A_100 = arith.cmpi eq, %and3A_97, %eq3A_99 : vector<8x4096xi32>
    %slice3A_101 = vector.extract_strided_slice %select_n3A_93 {offsets = [0, 2], sizes = [8, 4094], strides = [1, 1]} : vector<8x4096xi32> to vector<8x4094xi32>
    %slice3A_102 = vector.extract_strided_slice %select_n3A_93 {offsets = [0, 0], sizes = [8, 2], strides = [1, 1]} : vector<8x4096xi32> to vector<8x2xi32>
    %concatenate3A_103 = tpu.concatenate %slice3A_101, %slice3A_102 in 1 : vector<8x4094xi32>, vector<8x2xi32> -> vector<8x4096xi32>
    %slice3A_104 = vector.extract_strided_slice %select_n3A_93 {offsets = [0, 4094], sizes = [8, 2], strides = [1, 1]} : vector<8x4096xi32> to vector<8x2xi32>
    %slice3A_105 = vector.extract_strided_slice %select_n3A_93 {offsets = [0, 0], sizes = [8, 4094], strides = [1, 1]} : vector<8x4096xi32> to vector<8x4094xi32>
    %concatenate3A_106 = tpu.concatenate %slice3A_104, %slice3A_105 in 1 : vector<8x2xi32>, vector<8x4094xi32> -> vector<8x4096xi32>
    %select_n3A_107 = arith.select %eq3A_100, %concatenate3A_103, %concatenate3A_106 : vector<8x4096xi1>, vector<8x4096xi32>
    %slice3A_108 = vector.extract_strided_slice %select_n3A_94 {offsets = [0, 2], sizes = [8, 4094], strides = [1, 1]} : vector<8x4096xi32> to vector<8x4094xi32>
    %slice3A_109 = vector.extract_strided_slice %select_n3A_94 {offsets = [0, 0], sizes = [8, 2], strides = [1, 1]} : vector<8x4096xi32> to vector<8x2xi32>
    %concatenate3A_110 = tpu.concatenate %slice3A_108, %slice3A_109 in 1 : vector<8x4094xi32>, vector<8x2xi32> -> vector<8x4096xi32>
    %slice3A_111 = vector.extract_strided_slice %select_n3A_94 {offsets = [0, 4094], sizes = [8, 2], strides = [1, 1]} : vector<8x4096xi32> to vector<8x2xi32>
    %slice3A_112 = vector.extract_strided_slice %select_n3A_94 {offsets = [0, 0], sizes = [8, 4094], strides = [1, 1]} : vector<8x4096xi32> to vector<8x4094xi32>
    %concatenate3A_113 = tpu.concatenate %slice3A_111, %slice3A_112 in 1 : vector<8x2xi32>, vector<8x4094xi32> -> vector<8x4096xi32>
    %select_n3A_114 = arith.select %eq3A_100, %concatenate3A_110, %concatenate3A_113 : vector<8x4096xi1>, vector<8x4096xi32>
    %gt3A_115 = arith.cmpi sgt, %select_n3A_93, %select_n3A_107 : vector<8x4096xi32>
    %eq3A_116 = arith.cmpi eq, %select_n3A_93, %select_n3A_107 : vector<8x4096xi32>
    %lt3A_117 = arith.cmpi slt, %select_n3A_94, %select_n3A_114 : vector<8x4096xi32>
    %and3A_118 = arith.andi %eq3A_116, %lt3A_117 : vector<8x4096xi1>
    %or3A_119 = arith.ori %gt3A_115, %and3A_118 : vector<8x4096xi1>
    %and3A_120 = arith.constant 4 : i32
    %and3A_121 = vector.broadcast %and3A_120 : i32 to vector<8x4096xi32>
    %and3A_122 = arith.andi %add3A, %and3A_121 : vector<8x4096xi32>
    %eq3A_123 = arith.constant 0 : i32
    %eq3A_124 = vector.broadcast %eq3A_123 : i32 to vector<8x4096xi32>
    %eq3A_125 = arith.cmpi eq, %and3A_122, %eq3A_124 : vector<8x4096xi32>
    %eq3A_126 = arith.xori %eq3A_100, %eq3A_125 : vector<8x4096xi1>
    %eq3A_127 = arith.constant dense<true> : vector<8x4096xi1>
    %eq3A_128 = arith.xori %eq3A_126, %eq3A_127 : vector<8x4096xi1>
    %ne3A_129 = arith.xori %or3A_119, %eq3A_128 : vector<8x4096xi1>
    %select_n3A_130 = arith.select %ne3A_129, %select_n3A_107, %select_n3A_93 : vector<8x4096xi1>, vector<8x4096xi32>
    %select_n3A_131 = arith.select %ne3A_129, %select_n3A_114, %select_n3A_94 : vector<8x4096xi1>, vector<8x4096xi32>
    %and3A_132 = arith.constant 1 : i32
    %and3A_133 = vector.broadcast %and3A_132 : i32 to vector<8x4096xi32>
    %and3A_134 = arith.andi %add3A, %and3A_133 : vector<8x4096xi32>
    %eq3A_135 = arith.constant 0 : i32
    %eq3A_136 = vector.broadcast %eq3A_135 : i32 to vector<8x4096xi32>
    %eq3A_137 = arith.cmpi eq, %and3A_134, %eq3A_136 : vector<8x4096xi32>
    %slice3A_138 = vector.extract_strided_slice %select_n3A_130 {offsets = [0, 1], sizes = [8, 4095], strides = [1, 1]} : vector<8x4096xi32> to vector<8x4095xi32>
    %slice3A_139 = vector.extract_strided_slice %select_n3A_130 {offsets = [0, 0], sizes = [8, 1], strides = [1, 1]} : vector<8x4096xi32> to vector<8x1xi32>
    %concatenate3A_140 = tpu.concatenate %slice3A_138, %slice3A_139 in 1 : vector<8x4095xi32>, vector<8x1xi32> -> vector<8x4096xi32>
    %slice3A_141 = vector.extract_strided_slice %select_n3A_130 {offsets = [0, 4095], sizes = [8, 1], strides = [1, 1]} : vector<8x4096xi32> to vector<8x1xi32>
    %slice3A_142 = vector.extract_strided_slice %select_n3A_130 {offsets = [0, 0], sizes = [8, 4095], strides = [1, 1]} : vector<8x4096xi32> to vector<8x4095xi32>
    %concatenate3A_143 = tpu.concatenate %slice3A_141, %slice3A_142 in 1 : vector<8x1xi32>, vector<8x4095xi32> -> vector<8x4096xi32>
    %select_n3A_144 = arith.select %eq3A_137, %concatenate3A_140, %concatenate3A_143 : vector<8x4096xi1>, vector<8x4096xi32>
    %slice3A_145 = vector.extract_strided_slice %select_n3A_131 {offsets = [0, 1], sizes = [8, 4095], strides = [1, 1]} : vector<8x4096xi32> to vector<8x4095xi32>
    %slice3A_146 = vector.extract_strided_slice %select_n3A_131 {offsets = [0, 0], sizes = [8, 1], strides = [1, 1]} : vector<8x4096xi32> to vector<8x1xi32>
    %concatenate3A_147 = tpu.concatenate %slice3A_145, %slice3A_146 in 1 : vector<8x4095xi32>, vector<8x1xi32> -> vector<8x4096xi32>
    %slice3A_148 = vector.extract_strided_slice %select_n3A_131 {offsets = [0, 4095], sizes = [8, 1], strides = [1, 1]} : vector<8x4096xi32> to vector<8x1xi32>
    %slice3A_149 = vector.extract_strided_slice %select_n3A_131 {offsets = [0, 0], sizes = [8, 4095], strides = [1, 1]} : vector<8x4096xi32> to vector<8x4095xi32>
    %concatenate3A_150 = tpu.concatenate %slice3A_148, %slice3A_149 in 1 : vector<8x1xi32>, vector<8x4095xi32> -> vector<8x4096xi32>
    %select_n3A_151 = arith.select %eq3A_137, %concatenate3A_147, %concatenate3A_150 : vector<8x4096xi1>, vector<8x4096xi32>
    %gt3A_152 = arith.cmpi sgt, %select_n3A_130, %select_n3A_144 : vector<8x4096xi32>
    %eq3A_153 = arith.cmpi eq, %select_n3A_130, %select_n3A_144 : vector<8x4096xi32>
    %lt3A_154 = arith.cmpi slt, %select_n3A_131, %select_n3A_151 : vector<8x4096xi32>
    %and3A_155 = arith.andi %eq3A_153, %lt3A_154 : vector<8x4096xi1>
    %or3A_156 = arith.ori %gt3A_152, %and3A_155 : vector<8x4096xi1>
    %and3A_157 = arith.constant 4 : i32
    %and3A_158 = vector.broadcast %and3A_157 : i32 to vector<8x4096xi32>
    %and3A_159 = arith.andi %add3A, %and3A_158 : vector<8x4096xi32>
    %eq3A_160 = arith.constant 0 : i32
    %eq3A_161 = vector.broadcast %eq3A_160 : i32 to vector<8x4096xi32>
    %eq3A_162 = arith.cmpi eq, %and3A_159, %eq3A_161 : vector<8x4096xi32>
    %eq3A_163 = arith.xori %eq3A_137, %eq3A_162 : vector<8x4096xi1>
    %eq3A_164 = arith.constant dense<true> : vector<8x4096xi1>
    %eq3A_165 = arith.xori %eq3A_163, %eq3A_164 : vector<8x4096xi1>
    %ne3A_166 = arith.xori %or3A_156, %eq3A_165 : vector<8x4096xi1>
    %select_n3A_167 = arith.select %ne3A_166, %select_n3A_144, %select_n3A_130 : vector<8x4096xi1>, vector<8x4096xi32>
    %select_n3A_168 = arith.select %ne3A_166, %select_n3A_151, %select_n3A_131 : vector<8x4096xi1>, vector<8x4096xi32>
    %and3A_169 = arith.constant 4 : i32
    %and3A_170 = vector.broadcast %and3A_169 : i32 to vector<8x4096xi32>
    %and3A_171 = arith.andi %add3A, %and3A_170 : vector<8x4096xi32>
    %eq3A_172 = arith.constant 0 : i32
    %eq3A_173 = vector.broadcast %eq3A_172 : i32 to vector<8x4096xi32>
    %eq3A_174 = arith.cmpi eq, %and3A_171, %eq3A_173 : vector<8x4096xi32>
    %slice3A_175 = vector.extract_strided_slice %select_n3A_167 {offsets = [0, 4], sizes = [8, 4092], strides = [1, 1]} : vector<8x4096xi32> to vector<8x4092xi32>
    %slice3A_176 = vector.extract_strided_slice %select_n3A_167 {offsets = [0, 0], sizes = [8, 4], strides = [1, 1]} : vector<8x4096xi32> to vector<8x4xi32>
    %concatenate3A_177 = tpu.concatenate %slice3A_175, %slice3A_176 in 1 : vector<8x4092xi32>, vector<8x4xi32> -> vector<8x4096xi32>
    %slice3A_178 = vector.extract_strided_slice %select_n3A_167 {offsets = [0, 4092], sizes = [8, 4], strides = [1, 1]} : vector<8x4096xi32> to vector<8x4xi32>
    %slice3A_179 = vector.extract_strided_slice %select_n3A_167 {offsets = [0, 0], sizes = [8, 4092], strides = [1, 1]} : vector<8x4096xi32> to vector<8x4092xi32>
    %concatenate3A_180 = tpu.concatenate %slice3A_178, %slice3A_179 in 1 : vector<8x4xi32>, vector<8x4092xi32> -> vector<8x4096xi32>
    %select_n3A_181 = arith.select %eq3A_174, %concatenate3A_177, %concatenate3A_180 : vector<8x4096xi1>, vector<8x4096xi32>
    %slice3A_182 = vector.extract_strided_slice %select_n3A_168 {offsets = [0, 4], sizes = [8, 4092], strides = [1, 1]} : vector<8x4096xi32> to vector<8x4092xi32>
    %slice3A_183 = vector.extract_strided_slice %select_n3A_168 {offsets = [0, 0], sizes = [8, 4], strides = [1, 1]} : vector<8x4096xi32> to vector<8x4xi32>
    %concatenate3A_184 = tpu.concatenate %slice3A_182, %slice3A_183 in 1 : vector<8x4092xi32>, vector<8x4xi32> -> vector<8x4096xi32>
    %slice3A_185 = vector.extract_strided_slice %select_n3A_168 {offsets = [0, 4092], sizes = [8, 4], strides = [1, 1]} : vector<8x4096xi32> to vector<8x4xi32>
    %slice3A_186 = vector.extract_strided_slice %select_n3A_168 {offsets = [0, 0], sizes = [8, 4092], strides = [1, 1]} : vector<8x4096xi32> to vector<8x4092xi32>
    %concatenate3A_187 = tpu.concatenate %slice3A_185, %slice3A_186 in 1 : vector<8x4xi32>, vector<8x4092xi32> -> vector<8x4096xi32>
    %select_n3A_188 = arith.select %eq3A_174, %concatenate3A_184, %concatenate3A_187 : vector<8x4096xi1>, vector<8x4096xi32>
    %gt3A_189 = arith.cmpi sgt, %select_n3A_167, %select_n3A_181 : vector<8x4096xi32>
    %eq3A_190 = arith.cmpi eq, %select_n3A_167, %select_n3A_181 : vector<8x4096xi32>
    %lt3A_191 = arith.cmpi slt, %select_n3A_168, %select_n3A_188 : vector<8x4096xi32>
    %and3A_192 = arith.andi %eq3A_190, %lt3A_191 : vector<8x4096xi1>
    %or3A_193 = arith.ori %gt3A_189, %and3A_192 : vector<8x4096xi1>
    %and3A_194 = arith.constant 8 : i32
    %and3A_195 = vector.broadcast %and3A_194 : i32 to vector<8x4096xi32>
    %and3A_196 = arith.andi %add3A, %and3A_195 : vector<8x4096xi32>
    %eq3A_197 = arith.constant 0 : i32
    %eq3A_198 = vector.broadcast %eq3A_197 : i32 to vector<8x4096xi32>
    %eq3A_199 = arith.cmpi eq, %and3A_196, %eq3A_198 : vector<8x4096xi32>
    %eq3A_200 = arith.xori %eq3A_174, %eq3A_199 : vector<8x4096xi1>
    %eq3A_201 = arith.constant dense<true> : vector<8x4096xi1>
    %eq3A_202 = arith.xori %eq3A_200, %eq3A_201 : vector<8x4096xi1>
    %ne3A_203 = arith.xori %or3A_193, %eq3A_202 : vector<8x4096xi1>
    %select_n3A_204 = arith.select %ne3A_203, %select_n3A_181, %select_n3A_167 : vector<8x4096xi1>, vector<8x4096xi32>
    %select_n3A_205 = arith.select %ne3A_203, %select_n3A_188, %select_n3A_168 : vector<8x4096xi1>, vector<8x4096xi32>
    %and3A_206 = arith.constant 2 : i32
    %and3A_207 = vector.broadcast %and3A_206 : i32 to vector<8x4096xi32>
    %and3A_208 = arith.andi %add3A, %and3A_207 : vector<8x4096xi32>
    %eq3A_209 = arith.constant 0 : i32
    %eq3A_210 = vector.broadcast %eq3A_209 : i32 to vector<8x4096xi32>
    %eq3A_211 = arith.cmpi eq, %and3A_208, %eq3A_210 : vector<8x4096xi32>
    %slice3A_212 = vector.extract_strided_slice %select_n3A_204 {offsets = [0, 2], sizes = [8, 4094], strides = [1, 1]} : vector<8x4096xi32> to vector<8x4094xi32>
    %slice3A_213 = vector.extract_strided_slice %select_n3A_204 {offsets = [0, 0], sizes = [8, 2], strides = [1, 1]} : vector<8x4096xi32> to vector<8x2xi32>
    %concatenate3A_214 = tpu.concatenate %slice3A_212, %slice3A_213 in 1 : vector<8x4094xi32>, vector<8x2xi32> -> vector<8x4096xi32>
    %slice3A_215 = vector.extract_strided_slice %select_n3A_204 {offsets = [0, 4094], sizes = [8, 2], strides = [1, 1]} : vector<8x4096xi32> to vector<8x2xi32>
    %slice3A_216 = vector.extract_strided_slice %select_n3A_204 {offsets = [0, 0], sizes = [8, 4094], strides = [1, 1]} : vector<8x4096xi32> to vector<8x4094xi32>
    %concatenate3A_217 = tpu.concatenate %slice3A_215, %slice3A_216 in 1 : vector<8x2xi32>, vector<8x4094xi32> -> vector<8x4096xi32>
    %select_n3A_218 = arith.select %eq3A_211, %concatenate3A_214, %concatenate3A_217 : vector<8x4096xi1>, vector<8x4096xi32>
    %slice3A_219 = vector.extract_strided_slice %select_n3A_205 {offsets = [0, 2], sizes = [8, 4094], strides = [1, 1]} : vector<8x4096xi32> to vector<8x4094xi32>
    %slice3A_220 = vector.extract_strided_slice %select_n3A_205 {offsets = [0, 0], sizes = [8, 2], strides = [1, 1]} : vector<8x4096xi32> to vector<8x2xi32>
    %concatenate3A_221 = tpu.concatenate %slice3A_219, %slice3A_220 in 1 : vector<8x4094xi32>, vector<8x2xi32> -> vector<8x4096xi32>
    %slice3A_222 = vector.extract_strided_slice %select_n3A_205 {offsets = [0, 4094], sizes = [8, 2], strides = [1, 1]} : vector<8x4096xi32> to vector<8x2xi32>
    %slice3A_223 = vector.extract_strided_slice %select_n3A_205 {offsets = [0, 0], sizes = [8, 4094], strides = [1, 1]} : vector<8x4096xi32> to vector<8x4094xi32>
    %concatenate3A_224 = tpu.concatenate %slice3A_222, %slice3A_223 in 1 : vector<8x2xi32>, vector<8x4094xi32> -> vector<8x4096xi32>
    %select_n3A_225 = arith.select %eq3A_211, %concatenate3A_221, %concatenate3A_224 : vector<8x4096xi1>, vector<8x4096xi32>
    %gt3A_226 = arith.cmpi sgt, %select_n3A_204, %select_n3A_218 : vector<8x4096xi32>
    %eq3A_227 = arith.cmpi eq, %select_n3A_204, %select_n3A_218 : vector<8x4096xi32>
    %lt3A_228 = arith.cmpi slt, %select_n3A_205, %select_n3A_225 : vector<8x4096xi32>
    %and3A_229 = arith.andi %eq3A_227, %lt3A_228 : vector<8x4096xi1>
    %or3A_230 = arith.ori %gt3A_226, %and3A_229 : vector<8x4096xi1>
    %and3A_231 = arith.constant 8 : i32
    %and3A_232 = vector.broadcast %and3A_231 : i32 to vector<8x4096xi32>
    %and3A_233 = arith.andi %add3A, %and3A_232 : vector<8x4096xi32>
    %eq3A_234 = arith.constant 0 : i32
    %eq3A_235 = vector.broadcast %eq3A_234 : i32 to vector<8x4096xi32>
    %eq3A_236 = arith.cmpi eq, %and3A_233, %eq3A_235 : vector<8x4096xi32>
    %eq3A_237 = arith.xori %eq3A_211, %eq3A_236 : vector<8x4096xi1>
    %eq3A_238 = arith.constant dense<true> : vector<8x4096xi1>
    %eq3A_239 = arith.xori %eq3A_237, %eq3A_238 : vector<8x4096xi1>
    %ne3A_240 = arith.xori %or3A_230, %eq3A_239 : vector<8x4096xi1>
    %select_n3A_241 = arith.select %ne3A_240, %select_n3A_218, %select_n3A_204 : vector<8x4096xi1>, vector<8x4096xi32>
    %select_n3A_242 = arith.select %ne3A_240, %select_n3A_225, %select_n3A_205 : vector<8x4096xi1>, vector<8x4096xi32>
    %and3A_243 = arith.constant 1 : i32
    %and3A_244 = vector.broadcast %and3A_243 : i32 to vector<8x4096xi32>
    %and3A_245 = arith.andi %add3A, %and3A_244 : vector<8x4096xi32>
    %eq3A_246 = arith.constant 0 : i32
    %eq3A_247 = vector.broadcast %eq3A_246 : i32 to vector<8x4096xi32>
    %eq3A_248 = arith.cmpi eq, %and3A_245, %eq3A_247 : vector<8x4096xi32>
    %slice3A_249 = vector.extract_strided_slice %select_n3A_241 {offsets = [0, 1], sizes = [8, 4095], strides = [1, 1]} : vector<8x4096xi32> to vector<8x4095xi32>
    %slice3A_250 = vector.extract_strided_slice %select_n3A_241 {offsets = [0, 0], sizes = [8, 1], strides = [1, 1]} : vector<8x4096xi32> to vector<8x1xi32>
    %concatenate3A_251 = tpu.concatenate %slice3A_249, %slice3A_250 in 1 : vector<8x4095xi32>, vector<8x1xi32> -> vector<8x4096xi32>
    %slice3A_252 = vector.extract_strided_slice %select_n3A_241 {offsets = [0, 4095], sizes = [8, 1], strides = [1, 1]} : vector<8x4096xi32> to vector<8x1xi32>
    %slice3A_253 = vector.extract_strided_slice %select_n3A_241 {offsets = [0, 0], sizes = [8, 4095], strides = [1, 1]} : vector<8x4096xi32> to vector<8x4095xi32>
    %concatenate3A_254 = tpu.concatenate %slice3A_252, %slice3A_253 in 1 : vector<8x1xi32>, vector<8x4095xi32> -> vector<8x4096xi32>
    %select_n3A_255 = arith.select %eq3A_248, %concatenate3A_251, %concatenate3A_254 : vector<8x4096xi1>, vector<8x4096xi32>
    %slice3A_256 = vector.extract_strided_slice %select_n3A_242 {offsets = [0, 1], sizes = [8, 4095], strides = [1, 1]} : vector<8x4096xi32> to vector<8x4095xi32>
    %slice3A_257 = vector.extract_strided_slice %select_n3A_242 {offsets = [0, 0], sizes = [8, 1], strides = [1, 1]} : vector<8x4096xi32> to vector<8x1xi32>
    %concatenate3A_258 = tpu.concatenate %slice3A_256, %slice3A_257 in 1 : vector<8x4095xi32>, vector<8x1xi32> -> vector<8x4096xi32>
    %slice3A_259 = vector.extract_strided_slice %select_n3A_242 {offsets = [0, 4095], sizes = [8, 1], strides = [1, 1]} : vector<8x4096xi32> to vector<8x1xi32>
    %slice3A_260 = vector.extract_strided_slice %select_n3A_242 {offsets = [0, 0], sizes = [8, 4095], strides = [1, 1]} : vector<8x4096xi32> to vector<8x4095xi32>
    %concatenate3A_261 = tpu.concatenate %slice3A_259, %slice3A_260 in 1 : vector<8x1xi32>, vector<8x4095xi32> -> vector<8x4096xi32>
    %select_n3A_262 = arith.select %eq3A_248, %concatenate3A_258, %concatenate3A_261 : vector<8x4096xi1>, vector<8x4096xi32>
    %gt3A_263 = arith.cmpi sgt, %select_n3A_241, %select_n3A_255 : vector<8x4096xi32>
    %eq3A_264 = arith.cmpi eq, %select_n3A_241, %select_n3A_255 : vector<8x4096xi32>
    %lt3A_265 = arith.cmpi slt, %select_n3A_242, %select_n3A_262 : vector<8x4096xi32>
    %and3A_266 = arith.andi %eq3A_264, %lt3A_265 : vector<8x4096xi1>
    %or3A_267 = arith.ori %gt3A_263, %and3A_266 : vector<8x4096xi1>
    %and3A_268 = arith.constant 8 : i32
    %and3A_269 = vector.broadcast %and3A_268 : i32 to vector<8x4096xi32>
    %and3A_270 = arith.andi %add3A, %and3A_269 : vector<8x4096xi32>
    %eq3A_271 = arith.constant 0 : i32
    %eq3A_272 = vector.broadcast %eq3A_271 : i32 to vector<8x4096xi32>
    %eq3A_273 = arith.cmpi eq, %and3A_270, %eq3A_272 : vector<8x4096xi32>
    %eq3A_274 = arith.xori %eq3A_248, %eq3A_273 : vector<8x4096xi1>
    %eq3A_275 = arith.constant dense<true> : vector<8x4096xi1>
    %eq3A_276 = arith.xori %eq3A_274, %eq3A_275 : vector<8x4096xi1>
    %ne3A_277 = arith.xori %or3A_267, %eq3A_276 : vector<8x4096xi1>
    %select_n3A_278 = arith.select %ne3A_277, %select_n3A_255, %select_n3A_241 : vector<8x4096xi1>, vector<8x4096xi32>
    %select_n3A_279 = arith.select %ne3A_277, %select_n3A_262, %select_n3A_242 : vector<8x4096xi1>, vector<8x4096xi32>
    %and3A_280 = arith.constant 8 : i32
    %and3A_281 = vector.broadcast %and3A_280 : i32 to vector<8x4096xi32>
    %and3A_282 = arith.andi %add3A, %and3A_281 : vector<8x4096xi32>
    %eq3A_283 = arith.constant 0 : i32
    %eq3A_284 = vector.broadcast %eq3A_283 : i32 to vector<8x4096xi32>
    %eq3A_285 = arith.cmpi eq, %and3A_282, %eq3A_284 : vector<8x4096xi32>
    %slice3A_286 = vector.extract_strided_slice %select_n3A_278 {offsets = [0, 8], sizes = [8, 4088], strides = [1, 1]} : vector<8x4096xi32> to vector<8x4088xi32>
    %slice3A_287 = vector.extract_strided_slice %select_n3A_278 {offsets = [0, 0], sizes = [8, 8], strides = [1, 1]} : vector<8x4096xi32> to vector<8x8xi32>
    %concatenate3A_288 = tpu.concatenate %slice3A_286, %slice3A_287 in 1 : vector<8x4088xi32>, vector<8x8xi32> -> vector<8x4096xi32>
    %slice3A_289 = vector.extract_strided_slice %select_n3A_278 {offsets = [0, 4088], sizes = [8, 8], strides = [1, 1]} : vector<8x4096xi32> to vector<8x8xi32>
    %slice3A_290 = vector.extract_strided_slice %select_n3A_278 {offsets = [0, 0], sizes = [8, 4088], strides = [1, 1]} : vector<8x4096xi32> to vector<8x4088xi32>
    %concatenate3A_291 = tpu.concatenate %slice3A_289, %slice3A_290 in 1 : vector<8x8xi32>, vector<8x4088xi32> -> vector<8x4096xi32>
    %select_n3A_292 = arith.select %eq3A_285, %concatenate3A_288, %concatenate3A_291 : vector<8x4096xi1>, vector<8x4096xi32>
    %slice3A_293 = vector.extract_strided_slice %select_n3A_279 {offsets = [0, 8], sizes = [8, 4088], strides = [1, 1]} : vector<8x4096xi32> to vector<8x4088xi32>
    %slice3A_294 = vector.extract_strided_slice %select_n3A_279 {offsets = [0, 0], sizes = [8, 8], strides = [1, 1]} : vector<8x4096xi32> to vector<8x8xi32>
    %concatenate3A_295 = tpu.concatenate %slice3A_293, %slice3A_294 in 1 : vector<8x4088xi32>, vector<8x8xi32> -> vector<8x4096xi32>
    %slice3A_296 = vector.extract_strided_slice %select_n3A_279 {offsets = [0, 4088], sizes = [8, 8], strides = [1, 1]} : vector<8x4096xi32> to vector<8x8xi32>
    %slice3A_297 = vector.extract_strided_slice %select_n3A_279 {offsets = [0, 0], sizes = [8, 4088], strides = [1, 1]} : vector<8x4096xi32> to vector<8x4088xi32>
    %concatenate3A_298 = tpu.concatenate %slice3A_296, %slice3A_297 in 1 : vector<8x8xi32>, vector<8x4088xi32> -> vector<8x4096xi32>
    %select_n3A_299 = arith.select %eq3A_285, %concatenate3A_295, %concatenate3A_298 : vector<8x4096xi1>, vector<8x4096xi32>
    %gt3A_300 = arith.cmpi sgt, %select_n3A_278, %select_n3A_292 : vector<8x4096xi32>
    %eq3A_301 = arith.cmpi eq, %select_n3A_278, %select_n3A_292 : vector<8x4096xi32>
    %lt3A_302 = arith.cmpi slt, %select_n3A_279, %select_n3A_299 : vector<8x4096xi32>
    %and3A_303 = arith.andi %eq3A_301, %lt3A_302 : vector<8x4096xi1>
    %or3A_304 = arith.ori %gt3A_300, %and3A_303 : vector<8x4096xi1>
    %and3A_305 = arith.constant 16 : i32
    %and3A_306 = vector.broadcast %and3A_305 : i32 to vector<8x4096xi32>
    %and3A_307 = arith.andi %add3A, %and3A_306 : vector<8x4096xi32>
    %eq3A_308 = arith.constant 0 : i32
    %eq3A_309 = vector.broadcast %eq3A_308 : i32 to vector<8x4096xi32>
    %eq3A_310 = arith.cmpi eq, %and3A_307, %eq3A_309 : vector<8x4096xi32>
    %eq3A_311 = arith.xori %eq3A_285, %eq3A_310 : vector<8x4096xi1>
    %eq3A_312 = arith.constant dense<true> : vector<8x4096xi1>
    %eq3A_313 = arith.xori %eq3A_311, %eq3A_312 : vector<8x4096xi1>
    %ne3A_314 = arith.xori %or3A_304, %eq3A_313 : vector<8x4096xi1>
    %select_n3A_315 = arith.select %ne3A_314, %select_n3A_292, %select_n3A_278 : vector<8x4096xi1>, vector<8x4096xi32>
    %select_n3A_316 = arith.select %ne3A_314, %select_n3A_299, %select_n3A_279 : vector<8x4096xi1>, vector<8x4096xi32>
    %and3A_317 = arith.constant 4 : i32
    %and3A_318 = vector.broadcast %and3A_317 : i32 to vector<8x4096xi32>
    %and3A_319 = arith.andi %add3A, %and3A_318 : vector<8x4096xi32>
    %eq3A_320 = arith.constant 0 : i32
    %eq3A_321 = vector.broadcast %eq3A_320 : i32 to vector<8x4096xi32>
    %eq3A_322 = arith.cmpi eq, %and3A_319, %eq3A_321 : vector<8x4096xi32>
    %slice3A_323 = vector.extract_strided_slice %select_n3A_315 {offsets = [0, 4], sizes = [8, 4092], strides = [1, 1]} : vector<8x4096xi32> to vector<8x4092xi32>
    %slice3A_324 = vector.extract_strided_slice %select_n3A_315 {offsets = [0, 0], sizes = [8, 4], strides = [1, 1]} : vector<8x4096xi32> to vector<8x4xi32>
    %concatenate3A_325 = tpu.concatenate %slice3A_323, %slice3A_324 in 1 : vector<8x4092xi32>, vector<8x4xi32> -> vector<8x4096xi32>
    %slice3A_326 = vector.extract_strided_slice %select_n3A_315 {offsets = [0, 4092], sizes = [8, 4], strides = [1, 1]} : vector<8x4096xi32> to vector<8x4xi32>
    %slice3A_327 = vector.extract_strided_slice %select_n3A_315 {offsets = [0, 0], sizes = [8, 4092], strides = [1, 1]} : vector<8x4096xi32> to vector<8x4092xi32>
    %concatenate3A_328 = tpu.concatenate %slice3A_326, %slice3A_327 in 1 : vector<8x4xi32>, vector<8x4092xi32> -> vector<8x4096xi32>
    %select_n3A_329 = arith.select %eq3A_322, %concatenate3A_325, %concatenate3A_328 : vector<8x4096xi1>, vector<8x4096xi32>
    %slice3A_330 = vector.extract_strided_slice %select_n3A_316 {offsets = [0, 4], sizes = [8, 4092], strides = [1, 1]} : vector<8x4096xi32> to vector<8x4092xi32>
    %slice3A_331 = vector.extract_strided_slice %select_n3A_316 {offsets = [0, 0], sizes = [8, 4], strides = [1, 1]} : vector<8x4096xi32> to vector<8x4xi32>
    %concatenate3A_332 = tpu.concatenate %slice3A_330, %slice3A_331 in 1 : vector<8x4092xi32>, vector<8x4xi32> -> vector<8x4096xi32>
    %slice3A_333 = vector.extract_strided_slice %select_n3A_316 {offsets = [0, 4092], sizes = [8, 4], strides = [1, 1]} : vector<8x4096xi32> to vector<8x4xi32>
    %slice3A_334 = vector.extract_strided_slice %select_n3A_316 {offsets = [0, 0], sizes = [8, 4092], strides = [1, 1]} : vector<8x4096xi32> to vector<8x4092xi32>
    %concatenate3A_335 = tpu.concatenate %slice3A_333, %slice3A_334 in 1 : vector<8x4xi32>, vector<8x4092xi32> -> vector<8x4096xi32>
    %select_n3A_336 = arith.select %eq3A_322, %concatenate3A_332, %concatenate3A_335 : vector<8x4096xi1>, vector<8x4096xi32>
    %gt3A_337 = arith.cmpi sgt, %select_n3A_315, %select_n3A_329 : vector<8x4096xi32>
    %eq3A_338 = arith.cmpi eq, %select_n3A_315, %select_n3A_329 : vector<8x4096xi32>
    %lt3A_339 = arith.cmpi slt, %select_n3A_316, %select_n3A_336 : vector<8x4096xi32>
    %and3A_340 = arith.andi %eq3A_338, %lt3A_339 : vector<8x4096xi1>
    %or3A_341 = arith.ori %gt3A_337, %and3A_340 : vector<8x4096xi1>
    %and3A_342 = arith.constant 16 : i32
    %and3A_343 = vector.broadcast %and3A_342 : i32 to vector<8x4096xi32>
    %and3A_344 = arith.andi %add3A, %and3A_343 : vector<8x4096xi32>
    %eq3A_345 = arith.constant 0 : i32
    %eq3A_346 = vector.broadcast %eq3A_345 : i32 to vector<8x4096xi32>
    %eq3A_347 = arith.cmpi eq, %and3A_344, %eq3A_346 : vector<8x4096xi32>
    %eq3A_348 = arith.xori %eq3A_322, %eq3A_347 : vector<8x4096xi1>
    %eq3A_349 = arith.constant dense<true> : vector<8x4096xi1>
    %eq3A_350 = arith.xori %eq3A_348, %eq3A_349 : vector<8x4096xi1>
    %ne3A_351 = arith.xori %or3A_341, %eq3A_350 : vector<8x4096xi1>
    %select_n3A_352 = arith.select %ne3A_351, %select_n3A_329, %select_n3A_315 : vector<8x4096xi1>, vector<8x4096xi32>
    %select_n3A_353 = arith.select %ne3A_351, %select_n3A_336, %select_n3A_316 : vector<8x4096xi1>, vector<8x4096xi32>
    %and3A_354 = arith.constant 2 : i32
    %and3A_355 = vector.broadcast %and3A_354 : i32 to vector<8x4096xi32>
    %and3A_356 = arith.andi %add3A, %and3A_355 : vector<8x4096xi32>
    %eq3A_357 = arith.constant 0 : i32
    %eq3A_358 = vector.broadcast %eq3A_357 : i32 to vector<8x4096xi32>
    %eq3A_359 = arith.cmpi eq, %and3A_356, %eq3A_358 : vector<8x4096xi32>
    %slice3A_360 = vector.extract_strided_slice %select_n3A_352 {offsets = [0, 2], sizes = [8, 4094], strides = [1, 1]} : vector<8x4096xi32> to vector<8x4094xi32>
    %slice3A_361 = vector.extract_strided_slice %select_n3A_352 {offsets = [0, 0], sizes = [8, 2], strides = [1, 1]} : vector<8x4096xi32> to vector<8x2xi32>
    %concatenate3A_362 = tpu.concatenate %slice3A_360, %slice3A_361 in 1 : vector<8x4094xi32>, vector<8x2xi32> -> vector<8x4096xi32>
    %slice3A_363 = vector.extract_strided_slice %select_n3A_352 {offsets = [0, 4094], sizes = [8, 2], strides = [1, 1]} : vector<8x4096xi32> to vector<8x2xi32>
    %slice3A_364 = vector.extract_strided_slice %select_n3A_352 {offsets = [0, 0], sizes = [8, 4094], strides = [1, 1]} : vector<8x4096xi32> to vector<8x4094xi32>
    %concatenate3A_365 = tpu.concatenate %slice3A_363, %slice3A_364 in 1 : vector<8x2xi32>, vector<8x4094xi32> -> vector<8x4096xi32>
    %select_n3A_366 = arith.select %eq3A_359, %concatenate3A_362, %concatenate3A_365 : vector<8x4096xi1>, vector<8x4096xi32>
    %slice3A_367 = vector.extract_strided_slice %select_n3A_353 {offsets = [0, 2], sizes = [8, 4094], strides = [1, 1]} : vector<8x4096xi32> to vector<8x4094xi32>
    %slice3A_368 = vector.extract_strided_slice %select_n3A_353 {offsets = [0, 0], sizes = [8, 2], strides = [1, 1]} : vector<8x4096xi32> to vector<8x2xi32>
    %concatenate3A_369 = tpu.concatenate %slice3A_367, %slice3A_368 in 1 : vector<8x4094xi32>, vector<8x2xi32> -> vector<8x4096xi32>
    %slice3A_370 = vector.extract_strided_slice %select_n3A_353 {offsets = [0, 4094], sizes = [8, 2], strides = [1, 1]} : vector<8x4096xi32> to vector<8x2xi32>
    %slice3A_371 = vector.extract_strided_slice %select_n3A_353 {offsets = [0, 0], sizes = [8, 4094], strides = [1, 1]} : vector<8x4096xi32> to vector<8x4094xi32>
    %concatenate3A_372 = tpu.concatenate %slice3A_370, %slice3A_371 in 1 : vector<8x2xi32>, vector<8x4094xi32> -> vector<8x4096xi32>
    %select_n3A_373 = arith.select %eq3A_359, %concatenate3A_369, %concatenate3A_372 : vector<8x4096xi1>, vector<8x4096xi32>
    %gt3A_374 = arith.cmpi sgt, %select_n3A_352, %select_n3A_366 : vector<8x4096xi32>
    %eq3A_375 = arith.cmpi eq, %select_n3A_352, %select_n3A_366 : vector<8x4096xi32>
    %lt3A_376 = arith.cmpi slt, %select_n3A_353, %select_n3A_373 : vector<8x4096xi32>
    %and3A_377 = arith.andi %eq3A_375, %lt3A_376 : vector<8x4096xi1>
    %or3A_378 = arith.ori %gt3A_374, %and3A_377 : vector<8x4096xi1>
    %and3A_379 = arith.constant 16 : i32
    %and3A_380 = vector.broadcast %and3A_379 : i32 to vector<8x4096xi32>
    %and3A_381 = arith.andi %add3A, %and3A_380 : vector<8x4096xi32>
    %eq3A_382 = arith.constant 0 : i32
    %eq3A_383 = vector.broadcast %eq3A_382 : i32 to vector<8x4096xi32>
    %eq3A_384 = arith.cmpi eq, %and3A_381, %eq3A_383 : vector<8x4096xi32>
    %eq3A_385 = arith.xori %eq3A_359, %eq3A_384 : vector<8x4096xi1>
    %eq3A_386 = arith.constant dense<true> : vector<8x4096xi1>
    %eq3A_387 = arith.xori %eq3A_385, %eq3A_386 : vector<8x4096xi1>
    %ne3A_388 = arith.xori %or3A_378, %eq3A_387 : vector<8x4096xi1>
    %select_n3A_389 = arith.select %ne3A_388, %select_n3A_366, %select_n3A_352 : vector<8x4096xi1>, vector<8x4096xi32>
    %select_n3A_390 = arith.select %ne3A_388, %select_n3A_373, %select_n3A_353 : vector<8x4096xi1>, vector<8x4096xi32>
    %and3A_391 = arith.constant 1 : i32
    %and3A_392 = vector.broadcast %and3A_391 : i32 to vector<8x4096xi32>
    %and3A_393 = arith.andi %add3A, %and3A_392 : vector<8x4096xi32>
    %eq3A_394 = arith.constant 0 : i32
    %eq3A_395 = vector.broadcast %eq3A_394 : i32 to vector<8x4096xi32>
    %eq3A_396 = arith.cmpi eq, %and3A_393, %eq3A_395 : vector<8x4096xi32>
    %slice3A_397 = vector.extract_strided_slice %select_n3A_389 {offsets = [0, 1], sizes = [8, 4095], strides = [1, 1]} : vector<8x4096xi32> to vector<8x4095xi32>
    %slice3A_398 = vector.extract_strided_slice %select_n3A_389 {offsets = [0, 0], sizes = [8, 1], strides = [1, 1]} : vector<8x4096xi32> to vector<8x1xi32>
    %concatenate3A_399 = tpu.concatenate %slice3A_397, %slice3A_398 in 1 : vector<8x4095xi32>, vector<8x1xi32> -> vector<8x4096xi32>
    %slice3A_400 = vector.extract_strided_slice %select_n3A_389 {offsets = [0, 4095], sizes = [8, 1], strides = [1, 1]} : vector<8x4096xi32> to vector<8x1xi32>
    %slice3A_401 = vector.extract_strided_slice %select_n3A_389 {offsets = [0, 0], sizes = [8, 4095], strides = [1, 1]} : vector<8x4096xi32> to vector<8x4095xi32>
    %concatenate3A_402 = tpu.concatenate %slice3A_400, %slice3A_401 in 1 : vector<8x1xi32>, vector<8x4095xi32> -> vector<8x4096xi32>
    %select_n3A_403 = arith.select %eq3A_396, %concatenate3A_399, %concatenate3A_402 : vector<8x4096xi1>, vector<8x4096xi32>
    %slice3A_404 = vector.extract_strided_slice %select_n3A_390 {offsets = [0, 1], sizes = [8, 4095], strides = [1, 1]} : vector<8x4096xi32> to vector<8x4095xi32>
    %slice3A_405 = vector.extract_strided_slice %select_n3A_390 {offsets = [0, 0], sizes = [8, 1], strides = [1, 1]} : vector<8x4096xi32> to vector<8x1xi32>
    %concatenate3A_406 = tpu.concatenate %slice3A_404, %slice3A_405 in 1 : vector<8x4095xi32>, vector<8x1xi32> -> vector<8x4096xi32>
    %slice3A_407 = vector.extract_strided_slice %select_n3A_390 {offsets = [0, 4095], sizes = [8, 1], strides = [1, 1]} : vector<8x4096xi32> to vector<8x1xi32>
    %slice3A_408 = vector.extract_strided_slice %select_n3A_390 {offsets = [0, 0], sizes = [8, 4095], strides = [1, 1]} : vector<8x4096xi32> to vector<8x4095xi32>
    %concatenate3A_409 = tpu.concatenate %slice3A_407, %slice3A_408 in 1 : vector<8x1xi32>, vector<8x4095xi32> -> vector<8x4096xi32>
    %select_n3A_410 = arith.select %eq3A_396, %concatenate3A_406, %concatenate3A_409 : vector<8x4096xi1>, vector<8x4096xi32>
    %gt3A_411 = arith.cmpi sgt, %select_n3A_389, %select_n3A_403 : vector<8x4096xi32>
    %eq3A_412 = arith.cmpi eq, %select_n3A_389, %select_n3A_403 : vector<8x4096xi32>
    %lt3A_413 = arith.cmpi slt, %select_n3A_390, %select_n3A_410 : vector<8x4096xi32>
    %and3A_414 = arith.andi %eq3A_412, %lt3A_413 : vector<8x4096xi1>
    %or3A_415 = arith.ori %gt3A_411, %and3A_414 : vector<8x4096xi1>
    %and3A_416 = arith.constant 16 : i32
    %and3A_417 = vector.broadcast %and3A_416 : i32 to vector<8x4096xi32>
    %and3A_418 = arith.andi %add3A, %and3A_417 : vector<8x4096xi32>
    %eq3A_419 = arith.constant 0 : i32
    %eq3A_420 = vector.broadcast %eq3A_419 : i32 to vector<8x4096xi32>
    %eq3A_421 = arith.cmpi eq, %and3A_418, %eq3A_420 : vector<8x4096xi32>
    %eq3A_422 = arith.xori %eq3A_396, %eq3A_421 : vector<8x4096xi1>
    %eq3A_423 = arith.constant dense<true> : vector<8x4096xi1>
    %eq3A_424 = arith.xori %eq3A_422, %eq3A_423 : vector<8x4096xi1>
    %ne3A_425 = arith.xori %or3A_415, %eq3A_424 : vector<8x4096xi1>
    %select_n3A_426 = arith.select %ne3A_425, %select_n3A_403, %select_n3A_389 : vector<8x4096xi1>, vector<8x4096xi32>
    %select_n3A_427 = arith.select %ne3A_425, %select_n3A_410, %select_n3A_390 : vector<8x4096xi1>, vector<8x4096xi32>
    %and3A_428 = arith.constant 16 : i32
    %and3A_429 = vector.broadcast %and3A_428 : i32 to vector<8x4096xi32>
    %and3A_430 = arith.andi %add3A, %and3A_429 : vector<8x4096xi32>
    %eq3A_431 = arith.constant 0 : i32
    %eq3A_432 = vector.broadcast %eq3A_431 : i32 to vector<8x4096xi32>
    %eq3A_433 = arith.cmpi eq, %and3A_430, %eq3A_432 : vector<8x4096xi32>
    %slice3A_434 = vector.extract_strided_slice %select_n3A_426 {offsets = [0, 16], sizes = [8, 4080], strides = [1, 1]} : vector<8x4096xi32> to vector<8x4080xi32>
    %slice3A_435 = vector.extract_strided_slice %select_n3A_426 {offsets = [0, 0], sizes = [8, 16], strides = [1, 1]} : vector<8x4096xi32> to vector<8x16xi32>
    %concatenate3A_436 = tpu.concatenate %slice3A_434, %slice3A_435 in 1 : vector<8x4080xi32>, vector<8x16xi32> -> vector<8x4096xi32>
    %slice3A_437 = vector.extract_strided_slice %select_n3A_426 {offsets = [0, 4080], sizes = [8, 16], strides = [1, 1]} : vector<8x4096xi32> to vector<8x16xi32>
    %slice3A_438 = vector.extract_strided_slice %select_n3A_426 {offsets = [0, 0], sizes = [8, 4080], strides = [1, 1]} : vector<8x4096xi32> to vector<8x4080xi32>
    %concatenate3A_439 = tpu.concatenate %slice3A_437, %slice3A_438 in 1 : vector<8x16xi32>, vector<8x4080xi32> -> vector<8x4096xi32>
    %select_n3A_440 = arith.select %eq3A_433, %concatenate3A_436, %concatenate3A_439 : vector<8x4096xi1>, vector<8x4096xi32>
    %slice3A_441 = vector.extract_strided_slice %select_n3A_427 {offsets = [0, 16], sizes = [8, 4080], strides = [1, 1]} : vector<8x4096xi32> to vector<8x4080xi32>
    %slice3A_442 = vector.extract_strided_slice %select_n3A_427 {offsets = [0, 0], sizes = [8, 16], strides = [1, 1]} : vector<8x4096xi32> to vector<8x16xi32>
    %concatenate3A_443 = tpu.concatenate %slice3A_441, %slice3A_442 in 1 : vector<8x4080xi32>, vector<8x16xi32> -> vector<8x4096xi32>
    %slice3A_444 = vector.extract_strided_slice %select_n3A_427 {offsets = [0, 4080], sizes = [8, 16], strides = [1, 1]} : vector<8x4096xi32> to vector<8x16xi32>
    %slice3A_445 = vector.extract_strided_slice %select_n3A_427 {offsets = [0, 0], sizes = [8, 4080], strides = [1, 1]} : vector<8x4096xi32> to vector<8x4080xi32>
    %concatenate3A_446 = tpu.concatenate %slice3A_444, %slice3A_445 in 1 : vector<8x16xi32>, vector<8x4080xi32> -> vector<8x4096xi32>
    %select_n3A_447 = arith.select %eq3A_433, %concatenate3A_443, %concatenate3A_446 : vector<8x4096xi1>, vector<8x4096xi32>
    %gt3A_448 = arith.cmpi sgt, %select_n3A_426, %select_n3A_440 : vector<8x4096xi32>
    %eq3A_449 = arith.cmpi eq, %select_n3A_426, %select_n3A_440 : vector<8x4096xi32>
    %lt3A_450 = arith.cmpi slt, %select_n3A_427, %select_n3A_447 : vector<8x4096xi32>
    %and3A_451 = arith.andi %eq3A_449, %lt3A_450 : vector<8x4096xi1>
    %or3A_452 = arith.ori %gt3A_448, %and3A_451 : vector<8x4096xi1>
    %and3A_453 = arith.constant 32 : i32
    %and3A_454 = vector.broadcast %and3A_453 : i32 to vector<8x4096xi32>
    %and3A_455 = arith.andi %add3A, %and3A_454 : vector<8x4096xi32>
    %eq3A_456 = arith.constant 0 : i32
    %eq3A_457 = vector.broadcast %eq3A_456 : i32 to vector<8x4096xi32>
    %eq3A_458 = arith.cmpi eq, %and3A_455, %eq3A_457 : vector<8x4096xi32>
    %eq3A_459 = arith.xori %eq3A_433, %eq3A_458 : vector<8x4096xi1>
    %eq3A_460 = arith.constant dense<true> : vector<8x4096xi1>
    %eq3A_461 = arith.xori %eq3A_459, %eq3A_460 : vector<8x4096xi1>
    %ne3A_462 = arith.xori %or3A_452, %eq3A_461 : vector<8x4096xi1>
    %select_n3A_463 = arith.select %ne3A_462, %select_n3A_440, %select_n3A_426 : vector<8x4096xi1>, vector<8x4096xi32>
    %select_n3A_464 = arith.select %ne3A_462, %select_n3A_447, %select_n3A_427 : vector<8x4096xi1>, vector<8x4096xi32>
    %and3A_465 = arith.constant 8 : i32
    %and3A_466 = vector.broadcast %and3A_465 : i32 to vector<8x4096xi32>
    %and3A_467 = arith.andi %add3A, %and3A_466 : vector<8x4096xi32>
    %eq3A_468 = arith.constant 0 : i32
    %eq3A_469 = vector.broadcast %eq3A_468 : i32 to vector<8x4096xi32>
    %eq3A_470 = arith.cmpi eq, %and3A_467, %eq3A_469 : vector<8x4096xi32>
    %slice3A_471 = vector.extract_strided_slice %select_n3A_463 {offsets = [0, 8], sizes = [8, 4088], strides = [1, 1]} : vector<8x4096xi32> to vector<8x4088xi32>
    %slice3A_472 = vector.extract_strided_slice %select_n3A_463 {offsets = [0, 0], sizes = [8, 8], strides = [1, 1]} : vector<8x4096xi32> to vector<8x8xi32>
    %concatenate3A_473 = tpu.concatenate %slice3A_471, %slice3A_472 in 1 : vector<8x4088xi32>, vector<8x8xi32> -> vector<8x4096xi32>
    %slice3A_474 = vector.extract_strided_slice %select_n3A_463 {offsets = [0, 4088], sizes = [8, 8], strides = [1, 1]} : vector<8x4096xi32> to vector<8x8xi32>
    %slice3A_475 = vector.extract_strided_slice %select_n3A_463 {offsets = [0, 0], sizes = [8, 4088], strides = [1, 1]} : vector<8x4096xi32> to vector<8x4088xi32>
    %concatenate3A_476 = tpu.concatenate %slice3A_474, %slice3A_475 in 1 : vector<8x8xi32>, vector<8x4088xi32> -> vector<8x4096xi32>
    %select_n3A_477 = arith.select %eq3A_470, %concatenate3A_473, %concatenate3A_476 : vector<8x4096xi1>, vector<8x4096xi32>
    %slice3A_478 = vector.extract_strided_slice %select_n3A_464 {offsets = [0, 8], sizes = [8, 4088], strides = [1, 1]} : vector<8x4096xi32> to vector<8x4088xi32>
    %slice3A_479 = vector.extract_strided_slice %select_n3A_464 {offsets = [0, 0], sizes = [8, 8], strides = [1, 1]} : vector<8x4096xi32> to vector<8x8xi32>
    %concatenate3A_480 = tpu.concatenate %slice3A_478, %slice3A_479 in 1 : vector<8x4088xi32>, vector<8x8xi32> -> vector<8x4096xi32>
    %slice3A_481 = vector.extract_strided_slice %select_n3A_464 {offsets = [0, 4088], sizes = [8, 8], strides = [1, 1]} : vector<8x4096xi32> to vector<8x8xi32>
    %slice3A_482 = vector.extract_strided_slice %select_n3A_464 {offsets = [0, 0], sizes = [8, 4088], strides = [1, 1]} : vector<8x4096xi32> to vector<8x4088xi32>
    %concatenate3A_483 = tpu.concatenate %slice3A_481, %slice3A_482 in 1 : vector<8x8xi32>, vector<8x4088xi32> -> vector<8x4096xi32>
    %select_n3A_484 = arith.select %eq3A_470, %concatenate3A_480, %concatenate3A_483 : vector<8x4096xi1>, vector<8x4096xi32>
    %gt3A_485 = arith.cmpi sgt, %select_n3A_463, %select_n3A_477 : vector<8x4096xi32>
    %eq3A_486 = arith.cmpi eq, %select_n3A_463, %select_n3A_477 : vector<8x4096xi32>
    %lt3A_487 = arith.cmpi slt, %select_n3A_464, %select_n3A_484 : vector<8x4096xi32>
    %and3A_488 = arith.andi %eq3A_486, %lt3A_487 : vector<8x4096xi1>
    %or3A_489 = arith.ori %gt3A_485, %and3A_488 : vector<8x4096xi1>
    %and3A_490 = arith.constant 32 : i32
    %and3A_491 = vector.broadcast %and3A_490 : i32 to vector<8x4096xi32>
    %and3A_492 = arith.andi %add3A, %and3A_491 : vector<8x4096xi32>
    %eq3A_493 = arith.constant 0 : i32
    %eq3A_494 = vector.broadcast %eq3A_493 : i32 to vector<8x4096xi32>
    %eq3A_495 = arith.cmpi eq, %and3A_492, %eq3A_494 : vector<8x4096xi32>
    %eq3A_496 = arith.xori %eq3A_470, %eq3A_495 : vector<8x4096xi1>
    %eq3A_497 = arith.constant dense<true> : vector<8x4096xi1>
    %eq3A_498 = arith.xori %eq3A_496, %eq3A_497 : vector<8x4096xi1>
    %ne3A_499 = arith.xori %or3A_489, %eq3A_498 : vector<8x4096xi1>
    %select_n3A_500 = arith.select %ne3A_499, %select_n3A_477, %select_n3A_463 : vector<8x4096xi1>, vector<8x4096xi32>
    %select_n3A_501 = arith.select %ne3A_499, %select_n3A_484, %select_n3A_464 : vector<8x4096xi1>, vector<8x4096xi32>
    %and3A_502 = arith.constant 4 : i32
    %and3A_503 = vector.broadcast %and3A_502 : i32 to vector<8x4096xi32>
    %and3A_504 = arith.andi %add3A, %and3A_503 : vector<8x4096xi32>
    %eq3A_505 = arith.constant 0 : i32
    %eq3A_506 = vector.broadcast %eq3A_505 : i32 to vector<8x4096xi32>
    %eq3A_507 = arith.cmpi eq, %and3A_504, %eq3A_506 : vector<8x4096xi32>
    %slice3A_508 = vector.extract_strided_slice %select_n3A_500 {offsets = [0, 4], sizes = [8, 4092], strides = [1, 1]} : vector<8x4096xi32> to vector<8x4092xi32>
    %slice3A_509 = vector.extract_strided_slice %select_n3A_500 {offsets = [0, 0], sizes = [8, 4], strides = [1, 1]} : vector<8x4096xi32> to vector<8x4xi32>
    %concatenate3A_510 = tpu.concatenate %slice3A_508, %slice3A_509 in 1 : vector<8x4092xi32>, vector<8x4xi32> -> vector<8x4096xi32>
    %slice3A_511 = vector.extract_strided_slice %select_n3A_500 {offsets = [0, 4092], sizes = [8, 4], strides = [1, 1]} : vector<8x4096xi32> to vector<8x4xi32>
    %slice3A_512 = vector.extract_strided_slice %select_n3A_500 {offsets = [0, 0], sizes = [8, 4092], strides = [1, 1]} : vector<8x4096xi32> to vector<8x4092xi32>
    %concatenate3A_513 = tpu.concatenate %slice3A_511, %slice3A_512 in 1 : vector<8x4xi32>, vector<8x4092xi32> -> vector<8x4096xi32>
    %select_n3A_514 = arith.select %eq3A_507, %concatenate3A_510, %concatenate3A_513 : vector<8x4096xi1>, vector<8x4096xi32>
    %slice3A_515 = vector.extract_strided_slice %select_n3A_501 {offsets = [0, 4], sizes = [8, 4092], strides = [1, 1]} : vector<8x4096xi32> to vector<8x4092xi32>
    %slice3A_516 = vector.extract_strided_slice %select_n3A_501 {offsets = [0, 0], sizes = [8, 4], strides = [1, 1]} : vector<8x4096xi32> to vector<8x4xi32>
    %concatenate3A_517 = tpu.concatenate %slice3A_515, %slice3A_516 in 1 : vector<8x4092xi32>, vector<8x4xi32> -> vector<8x4096xi32>
    %slice3A_518 = vector.extract_strided_slice %select_n3A_501 {offsets = [0, 4092], sizes = [8, 4], strides = [1, 1]} : vector<8x4096xi32> to vector<8x4xi32>
    %slice3A_519 = vector.extract_strided_slice %select_n3A_501 {offsets = [0, 0], sizes = [8, 4092], strides = [1, 1]} : vector<8x4096xi32> to vector<8x4092xi32>
    %concatenate3A_520 = tpu.concatenate %slice3A_518, %slice3A_519 in 1 : vector<8x4xi32>, vector<8x4092xi32> -> vector<8x4096xi32>
    %select_n3A_521 = arith.select %eq3A_507, %concatenate3A_517, %concatenate3A_520 : vector<8x4096xi1>, vector<8x4096xi32>
    %gt3A_522 = arith.cmpi sgt, %select_n3A_500, %select_n3A_514 : vector<8x4096xi32>
    %eq3A_523 = arith.cmpi eq, %select_n3A_500, %select_n3A_514 : vector<8x4096xi32>
    %lt3A_524 = arith.cmpi slt, %select_n3A_501, %select_n3A_521 : vector<8x4096xi32>
    %and3A_525 = arith.andi %eq3A_523, %lt3A_524 : vector<8x4096xi1>
    %or3A_526 = arith.ori %gt3A_522, %and3A_525 : vector<8x4096xi1>
    %and3A_527 = arith.constant 32 : i32
    %and3A_528 = vector.broadcast %and3A_527 : i32 to vector<8x4096xi32>
    %and3A_529 = arith.andi %add3A, %and3A_528 : vector<8x4096xi32>
    %eq3A_530 = arith.constant 0 : i32
    %eq3A_531 = vector.broadcast %eq3A_530 : i32 to vector<8x4096xi32>
    %eq3A_532 = arith.cmpi eq, %and3A_529, %eq3A_531 : vector<8x4096xi32>
    %eq3A_533 = arith.xori %eq3A_507, %eq3A_532 : vector<8x4096xi1>
    %eq3A_534 = arith.constant dense<true> : vector<8x4096xi1>
    %eq3A_535 = arith.xori %eq3A_533, %eq3A_534 : vector<8x4096xi1>
    %ne3A_536 = arith.xori %or3A_526, %eq3A_535 : vector<8x4096xi1>
    %select_n3A_537 = arith.select %ne3A_536, %select_n3A_514, %select_n3A_500 : vector<8x4096xi1>, vector<8x4096xi32>
    %select_n3A_538 = arith.select %ne3A_536, %select_n3A_521, %select_n3A_501 : vector<8x4096xi1>, vector<8x4096xi32>
    %and3A_539 = arith.constant 2 : i32
    %and3A_540 = vector.broadcast %and3A_539 : i32 to vector<8x4096xi32>
    %and3A_541 = arith.andi %add3A, %and3A_540 : vector<8x4096xi32>
    %eq3A_542 = arith.constant 0 : i32
    %eq3A_543 = vector.broadcast %eq3A_542 : i32 to vector<8x4096xi32>
    %eq3A_544 = arith.cmpi eq, %and3A_541, %eq3A_543 : vector<8x4096xi32>
    %slice3A_545 = vector.extract_strided_slice %select_n3A_537 {offsets = [0, 2], sizes = [8, 4094], strides = [1, 1]} : vector<8x4096xi32> to vector<8x4094xi32>
    %slice3A_546 = vector.extract_strided_slice %select_n3A_537 {offsets = [0, 0], sizes = [8, 2], strides = [1, 1]} : vector<8x4096xi32> to vector<8x2xi32>
    %concatenate3A_547 = tpu.concatenate %slice3A_545, %slice3A_546 in 1 : vector<8x4094xi32>, vector<8x2xi32> -> vector<8x4096xi32>
    %slice3A_548 = vector.extract_strided_slice %select_n3A_537 {offsets = [0, 4094], sizes = [8, 2], strides = [1, 1]} : vector<8x4096xi32> to vector<8x2xi32>
    %slice3A_549 = vector.extract_strided_slice %select_n3A_537 {offsets = [0, 0], sizes = [8, 4094], strides = [1, 1]} : vector<8x4096xi32> to vector<8x4094xi32>
    %concatenate3A_550 = tpu.concatenate %slice3A_548, %slice3A_549 in 1 : vector<8x2xi32>, vector<8x4094xi32> -> vector<8x4096xi32>
    %select_n3A_551 = arith.select %eq3A_544, %concatenate3A_547, %concatenate3A_550 : vector<8x4096xi1>, vector<8x4096xi32>
    %slice3A_552 = vector.extract_strided_slice %select_n3A_538 {offsets = [0, 2], sizes = [8, 4094], strides = [1, 1]} : vector<8x4096xi32> to vector<8x4094xi32>
    %slice3A_553 = vector.extract_strided_slice %select_n3A_538 {offsets = [0, 0], sizes = [8, 2], strides = [1, 1]} : vector<8x4096xi32> to vector<8x2xi32>
    %concatenate3A_554 = tpu.concatenate %slice3A_552, %slice3A_553 in 1 : vector<8x4094xi32>, vector<8x2xi32> -> vector<8x4096xi32>
    %slice3A_555 = vector.extract_strided_slice %select_n3A_538 {offsets = [0, 4094], sizes = [8, 2], strides = [1, 1]} : vector<8x4096xi32> to vector<8x2xi32>
    %slice3A_556 = vector.extract_strided_slice %select_n3A_538 {offsets = [0, 0], sizes = [8, 4094], strides = [1, 1]} : vector<8x4096xi32> to vector<8x4094xi32>
    %concatenate3A_557 = tpu.concatenate %slice3A_555, %slice3A_556 in 1 : vector<8x2xi32>, vector<8x4094xi32> -> vector<8x4096xi32>
    %select_n3A_558 = arith.select %eq3A_544, %concatenate3A_554, %concatenate3A_557 : vector<8x4096xi1>, vector<8x4096xi32>
    %gt3A_559 = arith.cmpi sgt, %select_n3A_537, %select_n3A_551 : vector<8x4096xi32>
    %eq3A_560 = arith.cmpi eq, %select_n3A_537, %select_n3A_551 : vector<8x4096xi32>
    %lt3A_561 = arith.cmpi slt, %select_n3A_538, %select_n3A_558 : vector<8x4096xi32>
    %and3A_562 = arith.andi %eq3A_560, %lt3A_561 : vector<8x4096xi1>
    %or3A_563 = arith.ori %gt3A_559, %and3A_562 : vector<8x4096xi1>
    %and3A_564 = arith.constant 32 : i32
    %and3A_565 = vector.broadcast %and3A_564 : i32 to vector<8x4096xi32>
    %and3A_566 = arith.andi %add3A, %and3A_565 : vector<8x4096xi32>
    %eq3A_567 = arith.constant 0 : i32
    %eq3A_568 = vector.broadcast %eq3A_567 : i32 to vector<8x4096xi32>
    %eq3A_569 = arith.cmpi eq, %and3A_566, %eq3A_568 : vector<8x4096xi32>
    %eq3A_570 = arith.xori %eq3A_544, %eq3A_569 : vector<8x4096xi1>
    %eq3A_571 = arith.constant dense<true> : vector<8x4096xi1>
    %eq3A_572 = arith.xori %eq3A_570, %eq3A_571 : vector<8x4096xi1>
    %ne3A_573 = arith.xori %or3A_563, %eq3A_572 : vector<8x4096xi1>
    %select_n3A_574 = arith.select %ne3A_573, %select_n3A_551, %select_n3A_537 : vector<8x4096xi1>, vector<8x4096xi32>
    %select_n3A_575 = arith.select %ne3A_573, %select_n3A_558, %select_n3A_538 : vector<8x4096xi1>, vector<8x4096xi32>
    %and3A_576 = arith.constant 1 : i32
    %and3A_577 = vector.broadcast %and3A_576 : i32 to vector<8x4096xi32>
    %and3A_578 = arith.andi %add3A, %and3A_577 : vector<8x4096xi32>
    %eq3A_579 = arith.constant 0 : i32
    %eq3A_580 = vector.broadcast %eq3A_579 : i32 to vector<8x4096xi32>
    %eq3A_581 = arith.cmpi eq, %and3A_578, %eq3A_580 : vector<8x4096xi32>
    %slice3A_582 = vector.extract_strided_slice %select_n3A_574 {offsets = [0, 1], sizes = [8, 4095], strides = [1, 1]} : vector<8x4096xi32> to vector<8x4095xi32>
    %slice3A_583 = vector.extract_strided_slice %select_n3A_574 {offsets = [0, 0], sizes = [8, 1], strides = [1, 1]} : vector<8x4096xi32> to vector<8x1xi32>
    %concatenate3A_584 = tpu.concatenate %slice3A_582, %slice3A_583 in 1 : vector<8x4095xi32>, vector<8x1xi32> -> vector<8x4096xi32>
    %slice3A_585 = vector.extract_strided_slice %select_n3A_574 {offsets = [0, 4095], sizes = [8, 1], strides = [1, 1]} : vector<8x4096xi32> to vector<8x1xi32>
    %slice3A_586 = vector.extract_strided_slice %select_n3A_574 {offsets = [0, 0], sizes = [8, 4095], strides = [1, 1]} : vector<8x4096xi32> to vector<8x4095xi32>
    %concatenate3A_587 = tpu.concatenate %slice3A_585, %slice3A_586 in 1 : vector<8x1xi32>, vector<8x4095xi32> -> vector<8x4096xi32>
    %select_n3A_588 = arith.select %eq3A_581, %concatenate3A_584, %concatenate3A_587 : vector<8x4096xi1>, vector<8x4096xi32>
    %slice3A_589 = vector.extract_strided_slice %select_n3A_575 {offsets = [0, 1], sizes = [8, 4095], strides = [1, 1]} : vector<8x4096xi32> to vector<8x4095xi32>
    %slice3A_590 = vector.extract_strided_slice %select_n3A_575 {offsets = [0, 0], sizes = [8, 1], strides = [1, 1]} : vector<8x4096xi32> to vector<8x1xi32>
    %concatenate3A_591 = tpu.concatenate %slice3A_589, %slice3A_590 in 1 : vector<8x4095xi32>, vector<8x1xi32> -> vector<8x4096xi32>
    %slice3A_592 = vector.extract_strided_slice %select_n3A_575 {offsets = [0, 4095], sizes = [8, 1], strides = [1, 1]} : vector<8x4096xi32> to vector<8x1xi32>
    %slice3A_593 = vector.extract_strided_slice %select_n3A_575 {offsets = [0, 0], sizes = [8, 4095], strides = [1, 1]} : vector<8x4096xi32> to vector<8x4095xi32>
    %concatenate3A_594 = tpu.concatenate %slice3A_592, %slice3A_593 in 1 : vector<8x1xi32>, vector<8x4095xi32> -> vector<8x4096xi32>
    %select_n3A_595 = arith.select %eq3A_581, %concatenate3A_591, %concatenate3A_594 : vector<8x4096xi1>, vector<8x4096xi32>
    %gt3A_596 = arith.cmpi sgt, %select_n3A_574, %select_n3A_588 : vector<8x4096xi32>
    %eq3A_597 = arith.cmpi eq, %select_n3A_574, %select_n3A_588 : vector<8x4096xi32>
    %lt3A_598 = arith.cmpi slt, %select_n3A_575, %select_n3A_595 : vector<8x4096xi32>
    %and3A_599 = arith.andi %eq3A_597, %lt3A_598 : vector<8x4096xi1>
    %or3A_600 = arith.ori %gt3A_596, %and3A_599 : vector<8x4096xi1>
    %and3A_601 = arith.constant 32 : i32
    %and3A_602 = vector.broadcast %and3A_601 : i32 to vector<8x4096xi32>
    %and3A_603 = arith.andi %add3A, %and3A_602 : vector<8x4096xi32>
    %eq3A_604 = arith.constant 0 : i32
    %eq3A_605 = vector.broadcast %eq3A_604 : i32 to vector<8x4096xi32>
    %eq3A_606 = arith.cmpi eq, %and3A_603, %eq3A_605 : vector<8x4096xi32>
    %eq3A_607 = arith.xori %eq3A_581, %eq3A_606 : vector<8x4096xi1>
    %eq3A_608 = arith.constant dense<true> : vector<8x4096xi1>
    %eq3A_609 = arith.xori %eq3A_607, %eq3A_608 : vector<8x4096xi1>
    %ne3A_610 = arith.xori %or3A_600, %eq3A_609 : vector<8x4096xi1>
    %select_n3A_611 = arith.select %ne3A_610, %select_n3A_588, %select_n3A_574 : vector<8x4096xi1>, vector<8x4096xi32>
    %select_n3A_612 = arith.select %ne3A_610, %select_n3A_595, %select_n3A_575 : vector<8x4096xi1>, vector<8x4096xi32>
    %and3A_613 = arith.constant 32 : i32
    %and3A_614 = vector.broadcast %and3A_613 : i32 to vector<8x4096xi32>
    %and3A_615 = arith.andi %add3A, %and3A_614 : vector<8x4096xi32>
    %eq3A_616 = arith.constant 0 : i32
    %eq3A_617 = vector.broadcast %eq3A_616 : i32 to vector<8x4096xi32>
    %eq3A_618 = arith.cmpi eq, %and3A_615, %eq3A_617 : vector<8x4096xi32>
    %slice3A_619 = vector.extract_strided_slice %select_n3A_611 {offsets = [0, 32], sizes = [8, 4064], strides = [1, 1]} : vector<8x4096xi32> to vector<8x4064xi32>
    %slice3A_620 = vector.extract_strided_slice %select_n3A_611 {offsets = [0, 0], sizes = [8, 32], strides = [1, 1]} : vector<8x4096xi32> to vector<8x32xi32>
    %concatenate3A_621 = tpu.concatenate %slice3A_619, %slice3A_620 in 1 : vector<8x4064xi32>, vector<8x32xi32> -> vector<8x4096xi32>
    %slice3A_622 = vector.extract_strided_slice %select_n3A_611 {offsets = [0, 4064], sizes = [8, 32], strides = [1, 1]} : vector<8x4096xi32> to vector<8x32xi32>
    %slice3A_623 = vector.extract_strided_slice %select_n3A_611 {offsets = [0, 0], sizes = [8, 4064], strides = [1, 1]} : vector<8x4096xi32> to vector<8x4064xi32>
    %concatenate3A_624 = tpu.concatenate %slice3A_622, %slice3A_623 in 1 : vector<8x32xi32>, vector<8x4064xi32> -> vector<8x4096xi32>
    %select_n3A_625 = arith.select %eq3A_618, %concatenate3A_621, %concatenate3A_624 : vector<8x4096xi1>, vector<8x4096xi32>
    %slice3A_626 = vector.extract_strided_slice %select_n3A_612 {offsets = [0, 32], sizes = [8, 4064], strides = [1, 1]} : vector<8x4096xi32> to vector<8x4064xi32>
    %slice3A_627 = vector.extract_strided_slice %select_n3A_612 {offsets = [0, 0], sizes = [8, 32], strides = [1, 1]} : vector<8x4096xi32> to vector<8x32xi32>
    %concatenate3A_628 = tpu.concatenate %slice3A_626, %slice3A_627 in 1 : vector<8x4064xi32>, vector<8x32xi32> -> vector<8x4096xi32>
    %slice3A_629 = vector.extract_strided_slice %select_n3A_612 {offsets = [0, 4064], sizes = [8, 32], strides = [1, 1]} : vector<8x4096xi32> to vector<8x32xi32>
    %slice3A_630 = vector.extract_strided_slice %select_n3A_612 {offsets = [0, 0], sizes = [8, 4064], strides = [1, 1]} : vector<8x4096xi32> to vector<8x4064xi32>
    %concatenate3A_631 = tpu.concatenate %slice3A_629, %slice3A_630 in 1 : vector<8x32xi32>, vector<8x4064xi32> -> vector<8x4096xi32>
    %select_n3A_632 = arith.select %eq3A_618, %concatenate3A_628, %concatenate3A_631 : vector<8x4096xi1>, vector<8x4096xi32>
    %gt3A_633 = arith.cmpi sgt, %select_n3A_611, %select_n3A_625 : vector<8x4096xi32>
    %eq3A_634 = arith.cmpi eq, %select_n3A_611, %select_n3A_625 : vector<8x4096xi32>
    %lt3A_635 = arith.cmpi slt, %select_n3A_612, %select_n3A_632 : vector<8x4096xi32>
    %and3A_636 = arith.andi %eq3A_634, %lt3A_635 : vector<8x4096xi1>
    %or3A_637 = arith.ori %gt3A_633, %and3A_636 : vector<8x4096xi1>
    %and3A_638 = arith.constant 64 : i32
    %and3A_639 = vector.broadcast %and3A_638 : i32 to vector<8x4096xi32>
    %and3A_640 = arith.andi %add3A, %and3A_639 : vector<8x4096xi32>
    %eq3A_641 = arith.constant 0 : i32
    %eq3A_642 = vector.broadcast %eq3A_641 : i32 to vector<8x4096xi32>
    %eq3A_643 = arith.cmpi eq, %and3A_640, %eq3A_642 : vector<8x4096xi32>
    %eq3A_644 = arith.xori %eq3A_618, %eq3A_643 : vector<8x4096xi1>
    %eq3A_645 = arith.constant dense<true> : vector<8x4096xi1>
    %eq3A_646 = arith.xori %eq3A_644, %eq3A_645 : vector<8x4096xi1>
    %ne3A_647 = arith.xori %or3A_637, %eq3A_646 : vector<8x4096xi1>
    %select_n3A_648 = arith.select %ne3A_647, %select_n3A_625, %select_n3A_611 : vector<8x4096xi1>, vector<8x4096xi32>
    %select_n3A_649 = arith.select %ne3A_647, %select_n3A_632, %select_n3A_612 : vector<8x4096xi1>, vector<8x4096xi32>
    %and3A_650 = arith.constant 16 : i32
    %and3A_651 = vector.broadcast %and3A_650 : i32 to vector<8x4096xi32>
    %and3A_652 = arith.andi %add3A, %and3A_651 : vector<8x4096xi32>
    %eq3A_653 = arith.constant 0 : i32
    %eq3A_654 = vector.broadcast %eq3A_653 : i32 to vector<8x4096xi32>
    %eq3A_655 = arith.cmpi eq, %and3A_652, %eq3A_654 : vector<8x4096xi32>
    %slice3A_656 = vector.extract_strided_slice %select_n3A_648 {offsets = [0, 16], sizes = [8, 4080], strides = [1, 1]} : vector<8x4096xi32> to vector<8x4080xi32>
    %slice3A_657 = vector.extract_strided_slice %select_n3A_648 {offsets = [0, 0], sizes = [8, 16], strides = [1, 1]} : vector<8x4096xi32> to vector<8x16xi32>
    %concatenate3A_658 = tpu.concatenate %slice3A_656, %slice3A_657 in 1 : vector<8x4080xi32>, vector<8x16xi32> -> vector<8x4096xi32>
    %slice3A_659 = vector.extract_strided_slice %select_n3A_648 {offsets = [0, 4080], sizes = [8, 16], strides = [1, 1]} : vector<8x4096xi32> to vector<8x16xi32>
    %slice3A_660 = vector.extract_strided_slice %select_n3A_648 {offsets = [0, 0], sizes = [8, 4080], strides = [1, 1]} : vector<8x4096xi32> to vector<8x4080xi32>
    %concatenate3A_661 = tpu.concatenate %slice3A_659, %slice3A_660 in 1 : vector<8x16xi32>, vector<8x4080xi32> -> vector<8x4096xi32>
    %select_n3A_662 = arith.select %eq3A_655, %concatenate3A_658, %concatenate3A_661 : vector<8x4096xi1>, vector<8x4096xi32>
    %slice3A_663 = vector.extract_strided_slice %select_n3A_649 {offsets = [0, 16], sizes = [8, 4080], strides = [1, 1]} : vector<8x4096xi32> to vector<8x4080xi32>
    %slice3A_664 = vector.extract_strided_slice %select_n3A_649 {offsets = [0, 0], sizes = [8, 16], strides = [1, 1]} : vector<8x4096xi32> to vector<8x16xi32>
    %concatenate3A_665 = tpu.concatenate %slice3A_663, %slice3A_664 in 1 : vector<8x4080xi32>, vector<8x16xi32> -> vector<8x4096xi32>
    %slice3A_666 = vector.extract_strided_slice %select_n3A_649 {offsets = [0, 4080], sizes = [8, 16], strides = [1, 1]} : vector<8x4096xi32> to vector<8x16xi32>
    %slice3A_667 = vector.extract_strided_slice %select_n3A_649 {offsets = [0, 0], sizes = [8, 4080], strides = [1, 1]} : vector<8x4096xi32> to vector<8x4080xi32>
    %concatenate3A_668 = tpu.concatenate %slice3A_666, %slice3A_667 in 1 : vector<8x16xi32>, vector<8x4080xi32> -> vector<8x4096xi32>
    %select_n3A_669 = arith.select %eq3A_655, %concatenate3A_665, %concatenate3A_668 : vector<8x4096xi1>, vector<8x4096xi32>
    %gt3A_670 = arith.cmpi sgt, %select_n3A_648, %select_n3A_662 : vector<8x4096xi32>
    %eq3A_671 = arith.cmpi eq, %select_n3A_648, %select_n3A_662 : vector<8x4096xi32>
    %lt3A_672 = arith.cmpi slt, %select_n3A_649, %select_n3A_669 : vector<8x4096xi32>
    %and3A_673 = arith.andi %eq3A_671, %lt3A_672 : vector<8x4096xi1>
    %or3A_674 = arith.ori %gt3A_670, %and3A_673 : vector<8x4096xi1>
    %and3A_675 = arith.constant 64 : i32
    %and3A_676 = vector.broadcast %and3A_675 : i32 to vector<8x4096xi32>
    %and3A_677 = arith.andi %add3A, %and3A_676 : vector<8x4096xi32>
    %eq3A_678 = arith.constant 0 : i32
    %eq3A_679 = vector.broadcast %eq3A_678 : i32 to vector<8x4096xi32>
    %eq3A_680 = arith.cmpi eq, %and3A_677, %eq3A_679 : vector<8x4096xi32>
    %eq3A_681 = arith.xori %eq3A_655, %eq3A_680 : vector<8x4096xi1>
    %eq3A_682 = arith.constant dense<true> : vector<8x4096xi1>
    %eq3A_683 = arith.xori %eq3A_681, %eq3A_682 : vector<8x4096xi1>
    %ne3A_684 = arith.xori %or3A_674, %eq3A_683 : vector<8x4096xi1>
    %select_n3A_685 = arith.select %ne3A_684, %select_n3A_662, %select_n3A_648 : vector<8x4096xi1>, vector<8x4096xi32>
    %select_n3A_686 = arith.select %ne3A_684, %select_n3A_669, %select_n3A_649 : vector<8x4096xi1>, vector<8x4096xi32>
    %and3A_687 = arith.constant 8 : i32
    %and3A_688 = vector.broadcast %and3A_687 : i32 to vector<8x4096xi32>
    %and3A_689 = arith.andi %add3A, %and3A_688 : vector<8x4096xi32>
    %eq3A_690 = arith.constant 0 : i32
    %eq3A_691 = vector.broadcast %eq3A_690 : i32 to vector<8x4096xi32>
    %eq3A_692 = arith.cmpi eq, %and3A_689, %eq3A_691 : vector<8x4096xi32>
    %slice3A_693 = vector.extract_strided_slice %select_n3A_685 {offsets = [0, 8], sizes = [8, 4088], strides = [1, 1]} : vector<8x4096xi32> to vector<8x4088xi32>
    %slice3A_694 = vector.extract_strided_slice %select_n3A_685 {offsets = [0, 0], sizes = [8, 8], strides = [1, 1]} : vector<8x4096xi32> to vector<8x8xi32>
    %concatenate3A_695 = tpu.concatenate %slice3A_693, %slice3A_694 in 1 : vector<8x4088xi32>, vector<8x8xi32> -> vector<8x4096xi32>
    %slice3A_696 = vector.extract_strided_slice %select_n3A_685 {offsets = [0, 4088], sizes = [8, 8], strides = [1, 1]} : vector<8x4096xi32> to vector<8x8xi32>
    %slice3A_697 = vector.extract_strided_slice %select_n3A_685 {offsets = [0, 0], sizes = [8, 4088], strides = [1, 1]} : vector<8x4096xi32> to vector<8x4088xi32>
    %concatenate3A_698 = tpu.concatenate %slice3A_696, %slice3A_697 in 1 : vector<8x8xi32>, vector<8x4088xi32> -> vector<8x4096xi32>
    %select_n3A_699 = arith.select %eq3A_692, %concatenate3A_695, %concatenate3A_698 : vector<8x4096xi1>, vector<8x4096xi32>
    %slice3A_700 = vector.extract_strided_slice %select_n3A_686 {offsets = [0, 8], sizes = [8, 4088], strides = [1, 1]} : vector<8x4096xi32> to vector<8x4088xi32>
    %slice3A_701 = vector.extract_strided_slice %select_n3A_686 {offsets = [0, 0], sizes = [8, 8], strides = [1, 1]} : vector<8x4096xi32> to vector<8x8xi32>
    %concatenate3A_702 = tpu.concatenate %slice3A_700, %slice3A_701 in 1 : vector<8x4088xi32>, vector<8x8xi32> -> vector<8x4096xi32>
    %slice3A_703 = vector.extract_strided_slice %select_n3A_686 {offsets = [0, 4088], sizes = [8, 8], strides = [1, 1]} : vector<8x4096xi32> to vector<8x8xi32>
    %slice3A_704 = vector.extract_strided_slice %select_n3A_686 {offsets = [0, 0], sizes = [8, 4088], strides = [1, 1]} : vector<8x4096xi32> to vector<8x4088xi32>
    %concatenate3A_705 = tpu.concatenate %slice3A_703, %slice3A_704 in 1 : vector<8x8xi32>, vector<8x4088xi32> -> vector<8x4096xi32>
    %select_n3A_706 = arith.select %eq3A_692, %concatenate3A_702, %concatenate3A_705 : vector<8x4096xi1>, vector<8x4096xi32>
    %gt3A_707 = arith.cmpi sgt, %select_n3A_685, %select_n3A_699 : vector<8x4096xi32>
    %eq3A_708 = arith.cmpi eq, %select_n3A_685, %select_n3A_699 : vector<8x4096xi32>
    %lt3A_709 = arith.cmpi slt, %select_n3A_686, %select_n3A_706 : vector<8x4096xi32>
    %and3A_710 = arith.andi %eq3A_708, %lt3A_709 : vector<8x4096xi1>
    %or3A_711 = arith.ori %gt3A_707, %and3A_710 : vector<8x4096xi1>
    %and3A_712 = arith.constant 64 : i32
    %and3A_713 = vector.broadcast %and3A_712 : i32 to vector<8x4096xi32>
    %and3A_714 = arith.andi %add3A, %and3A_713 : vector<8x4096xi32>
    %eq3A_715 = arith.constant 0 : i32
    %eq3A_716 = vector.broadcast %eq3A_715 : i32 to vector<8x4096xi32>
    %eq3A_717 = arith.cmpi eq, %and3A_714, %eq3A_716 : vector<8x4096xi32>
    %eq3A_718 = arith.xori %eq3A_692, %eq3A_717 : vector<8x4096xi1>
    %eq3A_719 = arith.constant dense<true> : vector<8x4096xi1>
    %eq3A_720 = arith.xori %eq3A_718, %eq3A_719 : vector<8x4096xi1>
    %ne3A_721 = arith.xori %or3A_711, %eq3A_720 : vector<8x4096xi1>
    %select_n3A_722 = arith.select %ne3A_721, %select_n3A_699, %select_n3A_685 : vector<8x4096xi1>, vector<8x4096xi32>
    %select_n3A_723 = arith.select %ne3A_721, %select_n3A_706, %select_n3A_686 : vector<8x4096xi1>, vector<8x4096xi32>
    %and3A_724 = arith.constant 4 : i32
    %and3A_725 = vector.broadcast %and3A_724 : i32 to vector<8x4096xi32>
    %and3A_726 = arith.andi %add3A, %and3A_725 : vector<8x4096xi32>
    %eq3A_727 = arith.constant 0 : i32
    %eq3A_728 = vector.broadcast %eq3A_727 : i32 to vector<8x4096xi32>
    %eq3A_729 = arith.cmpi eq, %and3A_726, %eq3A_728 : vector<8x4096xi32>
    %slice3A_730 = vector.extract_strided_slice %select_n3A_722 {offsets = [0, 4], sizes = [8, 4092], strides = [1, 1]} : vector<8x4096xi32> to vector<8x4092xi32>
    %slice3A_731 = vector.extract_strided_slice %select_n3A_722 {offsets = [0, 0], sizes = [8, 4], strides = [1, 1]} : vector<8x4096xi32> to vector<8x4xi32>
    %concatenate3A_732 = tpu.concatenate %slice3A_730, %slice3A_731 in 1 : vector<8x4092xi32>, vector<8x4xi32> -> vector<8x4096xi32>
    %slice3A_733 = vector.extract_strided_slice %select_n3A_722 {offsets = [0, 4092], sizes = [8, 4], strides = [1, 1]} : vector<8x4096xi32> to vector<8x4xi32>
    %slice3A_734 = vector.extract_strided_slice %select_n3A_722 {offsets = [0, 0], sizes = [8, 4092], strides = [1, 1]} : vector<8x4096xi32> to vector<8x4092xi32>
    %concatenate3A_735 = tpu.concatenate %slice3A_733, %slice3A_734 in 1 : vector<8x4xi32>, vector<8x4092xi32> -> vector<8x4096xi32>
    %select_n3A_736 = arith.select %eq3A_729, %concatenate3A_732, %concatenate3A_735 : vector<8x4096xi1>, vector<8x4096xi32>
    %slice3A_737 = vector.extract_strided_slice %select_n3A_723 {offsets = [0, 4], sizes = [8, 4092], strides = [1, 1]} : vector<8x4096xi32> to vector<8x4092xi32>
    %slice3A_738 = vector.extract_strided_slice %select_n3A_723 {offsets = [0, 0], sizes = [8, 4], strides = [1, 1]} : vector<8x4096xi32> to vector<8x4xi32>
    %concatenate3A_739 = tpu.concatenate %slice3A_737, %slice3A_738 in 1 : vector<8x4092xi32>, vector<8x4xi32> -> vector<8x4096xi32>
    %slice3A_740 = vector.extract_strided_slice %select_n3A_723 {offsets = [0, 4092], sizes = [8, 4], strides = [1, 1]} : vector<8x4096xi32> to vector<8x4xi32>
    %slice3A_741 = vector.extract_strided_slice %select_n3A_723 {offsets = [0, 0], sizes = [8, 4092], strides = [1, 1]} : vector<8x4096xi32> to vector<8x4092xi32>
    %concatenate3A_742 = tpu.concatenate %slice3A_740, %slice3A_741 in 1 : vector<8x4xi32>, vector<8x4092xi32> -> vector<8x4096xi32>
    %select_n3A_743 = arith.select %eq3A_729, %concatenate3A_739, %concatenate3A_742 : vector<8x4096xi1>, vector<8x4096xi32>
    %gt3A_744 = arith.cmpi sgt, %select_n3A_722, %select_n3A_736 : vector<8x4096xi32>
    %eq3A_745 = arith.cmpi eq, %select_n3A_722, %select_n3A_736 : vector<8x4096xi32>
    %lt3A_746 = arith.cmpi slt, %select_n3A_723, %select_n3A_743 : vector<8x4096xi32>
    %and3A_747 = arith.andi %eq3A_745, %lt3A_746 : vector<8x4096xi1>
    %or3A_748 = arith.ori %gt3A_744, %and3A_747 : vector<8x4096xi1>
    %and3A_749 = arith.constant 64 : i32
    %and3A_750 = vector.broadcast %and3A_749 : i32 to vector<8x4096xi32>
    %and3A_751 = arith.andi %add3A, %and3A_750 : vector<8x4096xi32>
    %eq3A_752 = arith.constant 0 : i32
    %eq3A_753 = vector.broadcast %eq3A_752 : i32 to vector<8x4096xi32>
    %eq3A_754 = arith.cmpi eq, %and3A_751, %eq3A_753 : vector<8x4096xi32>
    %eq3A_755 = arith.xori %eq3A_729, %eq3A_754 : vector<8x4096xi1>
    %eq3A_756 = arith.constant dense<true> : vector<8x4096xi1>
    %eq3A_757 = arith.xori %eq3A_755, %eq3A_756 : vector<8x4096xi1>
    %ne3A_758 = arith.xori %or3A_748, %eq3A_757 : vector<8x4096xi1>
    %select_n3A_759 = arith.select %ne3A_758, %select_n3A_736, %select_n3A_722 : vector<8x4096xi1>, vector<8x4096xi32>
    %select_n3A_760 = arith.select %ne3A_758, %select_n3A_743, %select_n3A_723 : vector<8x4096xi1>, vector<8x4096xi32>
    %and3A_761 = arith.constant 2 : i32
    %and3A_762 = vector.broadcast %and3A_761 : i32 to vector<8x4096xi32>
    %and3A_763 = arith.andi %add3A, %and3A_762 : vector<8x4096xi32>
    %eq3A_764 = arith.constant 0 : i32
    %eq3A_765 = vector.broadcast %eq3A_764 : i32 to vector<8x4096xi32>
    %eq3A_766 = arith.cmpi eq, %and3A_763, %eq3A_765 : vector<8x4096xi32>
    %slice3A_767 = vector.extract_strided_slice %select_n3A_759 {offsets = [0, 2], sizes = [8, 4094], strides = [1, 1]} : vector<8x4096xi32> to vector<8x4094xi32>
    %slice3A_768 = vector.extract_strided_slice %select_n3A_759 {offsets = [0, 0], sizes = [8, 2], strides = [1, 1]} : vector<8x4096xi32> to vector<8x2xi32>
    %concatenate3A_769 = tpu.concatenate %slice3A_767, %slice3A_768 in 1 : vector<8x4094xi32>, vector<8x2xi32> -> vector<8x4096xi32>
    %slice3A_770 = vector.extract_strided_slice %select_n3A_759 {offsets = [0, 4094], sizes = [8, 2], strides = [1, 1]} : vector<8x4096xi32> to vector<8x2xi32>
    %slice3A_771 = vector.extract_strided_slice %select_n3A_759 {offsets = [0, 0], sizes = [8, 4094], strides = [1, 1]} : vector<8x4096xi32> to vector<8x4094xi32>
    %concatenate3A_772 = tpu.concatenate %slice3A_770, %slice3A_771 in 1 : vector<8x2xi32>, vector<8x4094xi32> -> vector<8x4096xi32>
    %select_n3A_773 = arith.select %eq3A_766, %concatenate3A_769, %concatenate3A_772 : vector<8x4096xi1>, vector<8x4096xi32>
    %slice3A_774 = vector.extract_strided_slice %select_n3A_760 {offsets = [0, 2], sizes = [8, 4094], strides = [1, 1]} : vector<8x4096xi32> to vector<8x4094xi32>
    %slice3A_775 = vector.extract_strided_slice %select_n3A_760 {offsets = [0, 0], sizes = [8, 2], strides = [1, 1]} : vector<8x4096xi32> to vector<8x2xi32>
    %concatenate3A_776 = tpu.concatenate %slice3A_774, %slice3A_775 in 1 : vector<8x4094xi32>, vector<8x2xi32> -> vector<8x4096xi32>
    %slice3A_777 = vector.extract_strided_slice %select_n3A_760 {offsets = [0, 4094], sizes = [8, 2], strides = [1, 1]} : vector<8x4096xi32> to vector<8x2xi32>
    %slice3A_778 = vector.extract_strided_slice %select_n3A_760 {offsets = [0, 0], sizes = [8, 4094], strides = [1, 1]} : vector<8x4096xi32> to vector<8x4094xi32>
    %concatenate3A_779 = tpu.concatenate %slice3A_777, %slice3A_778 in 1 : vector<8x2xi32>, vector<8x4094xi32> -> vector<8x4096xi32>
    %select_n3A_780 = arith.select %eq3A_766, %concatenate3A_776, %concatenate3A_779 : vector<8x4096xi1>, vector<8x4096xi32>
    %gt3A_781 = arith.cmpi sgt, %select_n3A_759, %select_n3A_773 : vector<8x4096xi32>
    %eq3A_782 = arith.cmpi eq, %select_n3A_759, %select_n3A_773 : vector<8x4096xi32>
    %lt3A_783 = arith.cmpi slt, %select_n3A_760, %select_n3A_780 : vector<8x4096xi32>
    %and3A_784 = arith.andi %eq3A_782, %lt3A_783 : vector<8x4096xi1>
    %or3A_785 = arith.ori %gt3A_781, %and3A_784 : vector<8x4096xi1>
    %and3A_786 = arith.constant 64 : i32
    %and3A_787 = vector.broadcast %and3A_786 : i32 to vector<8x4096xi32>
    %and3A_788 = arith.andi %add3A, %and3A_787 : vector<8x4096xi32>
    %eq3A_789 = arith.constant 0 : i32
    %eq3A_790 = vector.broadcast %eq3A_789 : i32 to vector<8x4096xi32>
    %eq3A_791 = arith.cmpi eq, %and3A_788, %eq3A_790 : vector<8x4096xi32>
    %eq3A_792 = arith.xori %eq3A_766, %eq3A_791 : vector<8x4096xi1>
    %eq3A_793 = arith.constant dense<true> : vector<8x4096xi1>
    %eq3A_794 = arith.xori %eq3A_792, %eq3A_793 : vector<8x4096xi1>
    %ne3A_795 = arith.xori %or3A_785, %eq3A_794 : vector<8x4096xi1>
    %select_n3A_796 = arith.select %ne3A_795, %select_n3A_773, %select_n3A_759 : vector<8x4096xi1>, vector<8x4096xi32>
    %select_n3A_797 = arith.select %ne3A_795, %select_n3A_780, %select_n3A_760 : vector<8x4096xi1>, vector<8x4096xi32>
    %and3A_798 = arith.constant 1 : i32
    %and3A_799 = vector.broadcast %and3A_798 : i32 to vector<8x4096xi32>
    %and3A_800 = arith.andi %add3A, %and3A_799 : vector<8x4096xi32>
    %eq3A_801 = arith.constant 0 : i32
    %eq3A_802 = vector.broadcast %eq3A_801 : i32 to vector<8x4096xi32>
    %eq3A_803 = arith.cmpi eq, %and3A_800, %eq3A_802 : vector<8x4096xi32>
    %slice3A_804 = vector.extract_strided_slice %select_n3A_796 {offsets = [0, 1], sizes = [8, 4095], strides = [1, 1]} : vector<8x4096xi32> to vector<8x4095xi32>
    %slice3A_805 = vector.extract_strided_slice %select_n3A_796 {offsets = [0, 0], sizes = [8, 1], strides = [1, 1]} : vector<8x4096xi32> to vector<8x1xi32>
    %concatenate3A_806 = tpu.concatenate %slice3A_804, %slice3A_805 in 1 : vector<8x4095xi32>, vector<8x1xi32> -> vector<8x4096xi32>
    %slice3A_807 = vector.extract_strided_slice %select_n3A_796 {offsets = [0, 4095], sizes = [8, 1], strides = [1, 1]} : vector<8x4096xi32> to vector<8x1xi32>
    %slice3A_808 = vector.extract_strided_slice %select_n3A_796 {offsets = [0, 0], sizes = [8, 4095], strides = [1, 1]} : vector<8x4096xi32> to vector<8x4095xi32>
    %concatenate3A_809 = tpu.concatenate %slice3A_807, %slice3A_808 in 1 : vector<8x1xi32>, vector<8x4095xi32> -> vector<8x4096xi32>
    %select_n3A_810 = arith.select %eq3A_803, %concatenate3A_806, %concatenate3A_809 : vector<8x4096xi1>, vector<8x4096xi32>
    %slice3A_811 = vector.extract_strided_slice %select_n3A_797 {offsets = [0, 1], sizes = [8, 4095], strides = [1, 1]} : vector<8x4096xi32> to vector<8x4095xi32>
    %slice3A_812 = vector.extract_strided_slice %select_n3A_797 {offsets = [0, 0], sizes = [8, 1], strides = [1, 1]} : vector<8x4096xi32> to vector<8x1xi32>
    %concatenate3A_813 = tpu.concatenate %slice3A_811, %slice3A_812 in 1 : vector<8x4095xi32>, vector<8x1xi32> -> vector<8x4096xi32>
    %slice3A_814 = vector.extract_strided_slice %select_n3A_797 {offsets = [0, 4095], sizes = [8, 1], strides = [1, 1]} : vector<8x4096xi32> to vector<8x1xi32>
    %slice3A_815 = vector.extract_strided_slice %select_n3A_797 {offsets = [0, 0], sizes = [8, 4095], strides = [1, 1]} : vector<8x4096xi32> to vector<8x4095xi32>
    %concatenate3A_816 = tpu.concatenate %slice3A_814, %slice3A_815 in 1 : vector<8x1xi32>, vector<8x4095xi32> -> vector<8x4096xi32>
    %select_n3A_817 = arith.select %eq3A_803, %concatenate3A_813, %concatenate3A_816 : vector<8x4096xi1>, vector<8x4096xi32>
    %gt3A_818 = arith.cmpi sgt, %select_n3A_796, %select_n3A_810 : vector<8x4096xi32>
    %eq3A_819 = arith.cmpi eq, %select_n3A_796, %select_n3A_810 : vector<8x4096xi32>
    %lt3A_820 = arith.cmpi slt, %select_n3A_797, %select_n3A_817 : vector<8x4096xi32>
    %and3A_821 = arith.andi %eq3A_819, %lt3A_820 : vector<8x4096xi1>
    %or3A_822 = arith.ori %gt3A_818, %and3A_821 : vector<8x4096xi1>
    %and3A_823 = arith.constant 64 : i32
    %and3A_824 = vector.broadcast %and3A_823 : i32 to vector<8x4096xi32>
    %and3A_825 = arith.andi %add3A, %and3A_824 : vector<8x4096xi32>
    %eq3A_826 = arith.constant 0 : i32
    %eq3A_827 = vector.broadcast %eq3A_826 : i32 to vector<8x4096xi32>
    %eq3A_828 = arith.cmpi eq, %and3A_825, %eq3A_827 : vector<8x4096xi32>
    %eq3A_829 = arith.xori %eq3A_803, %eq3A_828 : vector<8x4096xi1>
    %eq3A_830 = arith.constant dense<true> : vector<8x4096xi1>
    %eq3A_831 = arith.xori %eq3A_829, %eq3A_830 : vector<8x4096xi1>
    %ne3A_832 = arith.xori %or3A_822, %eq3A_831 : vector<8x4096xi1>
    %select_n3A_833 = arith.select %ne3A_832, %select_n3A_810, %select_n3A_796 : vector<8x4096xi1>, vector<8x4096xi32>
    %select_n3A_834 = arith.select %ne3A_832, %select_n3A_817, %select_n3A_797 : vector<8x4096xi1>, vector<8x4096xi32>
    %and3A_835 = arith.constant 64 : i32
    %and3A_836 = vector.broadcast %and3A_835 : i32 to vector<8x4096xi32>
    %and3A_837 = arith.andi %add3A, %and3A_836 : vector<8x4096xi32>
    %eq3A_838 = arith.constant 0 : i32
    %eq3A_839 = vector.broadcast %eq3A_838 : i32 to vector<8x4096xi32>
    %eq3A_840 = arith.cmpi eq, %and3A_837, %eq3A_839 : vector<8x4096xi32>
    %slice3A_841 = vector.extract_strided_slice %select_n3A_833 {offsets = [0, 64], sizes = [8, 4032], strides = [1, 1]} : vector<8x4096xi32> to vector<8x4032xi32>
    %slice3A_842 = vector.extract_strided_slice %select_n3A_833 {offsets = [0, 0], sizes = [8, 64], strides = [1, 1]} : vector<8x4096xi32> to vector<8x64xi32>
    %concatenate3A_843 = tpu.concatenate %slice3A_841, %slice3A_842 in 1 : vector<8x4032xi32>, vector<8x64xi32> -> vector<8x4096xi32>
    %slice3A_844 = vector.extract_strided_slice %select_n3A_833 {offsets = [0, 4032], sizes = [8, 64], strides = [1, 1]} : vector<8x4096xi32> to vector<8x64xi32>
    %slice3A_845 = vector.extract_strided_slice %select_n3A_833 {offsets = [0, 0], sizes = [8, 4032], strides = [1, 1]} : vector<8x4096xi32> to vector<8x4032xi32>
    %concatenate3A_846 = tpu.concatenate %slice3A_844, %slice3A_845 in 1 : vector<8x64xi32>, vector<8x4032xi32> -> vector<8x4096xi32>
    %select_n3A_847 = arith.select %eq3A_840, %concatenate3A_843, %concatenate3A_846 : vector<8x4096xi1>, vector<8x4096xi32>
    %slice3A_848 = vector.extract_strided_slice %select_n3A_834 {offsets = [0, 64], sizes = [8, 4032], strides = [1, 1]} : vector<8x4096xi32> to vector<8x4032xi32>
    %slice3A_849 = vector.extract_strided_slice %select_n3A_834 {offsets = [0, 0], sizes = [8, 64], strides = [1, 1]} : vector<8x4096xi32> to vector<8x64xi32>
    %concatenate3A_850 = tpu.concatenate %slice3A_848, %slice3A_849 in 1 : vector<8x4032xi32>, vector<8x64xi32> -> vector<8x4096xi32>
    %slice3A_851 = vector.extract_strided_slice %select_n3A_834 {offsets = [0, 4032], sizes = [8, 64], strides = [1, 1]} : vector<8x4096xi32> to vector<8x64xi32>
    %slice3A_852 = vector.extract_strided_slice %select_n3A_834 {offsets = [0, 0], sizes = [8, 4032], strides = [1, 1]} : vector<8x4096xi32> to vector<8x4032xi32>
    %concatenate3A_853 = tpu.concatenate %slice3A_851, %slice3A_852 in 1 : vector<8x64xi32>, vector<8x4032xi32> -> vector<8x4096xi32>
    %select_n3A_854 = arith.select %eq3A_840, %concatenate3A_850, %concatenate3A_853 : vector<8x4096xi1>, vector<8x4096xi32>
    %gt3A_855 = arith.cmpi sgt, %select_n3A_833, %select_n3A_847 : vector<8x4096xi32>
    %eq3A_856 = arith.cmpi eq, %select_n3A_833, %select_n3A_847 : vector<8x4096xi32>
    %lt3A_857 = arith.cmpi slt, %select_n3A_834, %select_n3A_854 : vector<8x4096xi32>
    %and3A_858 = arith.andi %eq3A_856, %lt3A_857 : vector<8x4096xi1>
    %or3A_859 = arith.ori %gt3A_855, %and3A_858 : vector<8x4096xi1>
    %and3A_860 = arith.constant 128 : i32
    %and3A_861 = vector.broadcast %and3A_860 : i32 to vector<8x4096xi32>
    %and3A_862 = arith.andi %add3A, %and3A_861 : vector<8x4096xi32>
    %eq3A_863 = arith.constant 0 : i32
    %eq3A_864 = vector.broadcast %eq3A_863 : i32 to vector<8x4096xi32>
    %eq3A_865 = arith.cmpi eq, %and3A_862, %eq3A_864 : vector<8x4096xi32>
    %eq3A_866 = arith.xori %eq3A_840, %eq3A_865 : vector<8x4096xi1>
    %eq3A_867 = arith.constant dense<true> : vector<8x4096xi1>
    %eq3A_868 = arith.xori %eq3A_866, %eq3A_867 : vector<8x4096xi1>
    %ne3A_869 = arith.xori %or3A_859, %eq3A_868 : vector<8x4096xi1>
    %select_n3A_870 = arith.select %ne3A_869, %select_n3A_847, %select_n3A_833 : vector<8x4096xi1>, vector<8x4096xi32>
    %select_n3A_871 = arith.select %ne3A_869, %select_n3A_854, %select_n3A_834 : vector<8x4096xi1>, vector<8x4096xi32>
    %and3A_872 = arith.constant 32 : i32
    %and3A_873 = vector.broadcast %and3A_872 : i32 to vector<8x4096xi32>
    %and3A_874 = arith.andi %add3A, %and3A_873 : vector<8x4096xi32>
    %eq3A_875 = arith.constant 0 : i32
    %eq3A_876 = vector.broadcast %eq3A_875 : i32 to vector<8x4096xi32>
    %eq3A_877 = arith.cmpi eq, %and3A_874, %eq3A_876 : vector<8x4096xi32>
    %slice3A_878 = vector.extract_strided_slice %select_n3A_870 {offsets = [0, 32], sizes = [8, 4064], strides = [1, 1]} : vector<8x4096xi32> to vector<8x4064xi32>
    %slice3A_879 = vector.extract_strided_slice %select_n3A_870 {offsets = [0, 0], sizes = [8, 32], strides = [1, 1]} : vector<8x4096xi32> to vector<8x32xi32>
    %concatenate3A_880 = tpu.concatenate %slice3A_878, %slice3A_879 in 1 : vector<8x4064xi32>, vector<8x32xi32> -> vector<8x4096xi32>
    %slice3A_881 = vector.extract_strided_slice %select_n3A_870 {offsets = [0, 4064], sizes = [8, 32], strides = [1, 1]} : vector<8x4096xi32> to vector<8x32xi32>
    %slice3A_882 = vector.extract_strided_slice %select_n3A_870 {offsets = [0, 0], sizes = [8, 4064], strides = [1, 1]} : vector<8x4096xi32> to vector<8x4064xi32>
    %concatenate3A_883 = tpu.concatenate %slice3A_881, %slice3A_882 in 1 : vector<8x32xi32>, vector<8x4064xi32> -> vector<8x4096xi32>
    %select_n3A_884 = arith.select %eq3A_877, %concatenate3A_880, %concatenate3A_883 : vector<8x4096xi1>, vector<8x4096xi32>
    %slice3A_885 = vector.extract_strided_slice %select_n3A_871 {offsets = [0, 32], sizes = [8, 4064], strides = [1, 1]} : vector<8x4096xi32> to vector<8x4064xi32>
    %slice3A_886 = vector.extract_strided_slice %select_n3A_871 {offsets = [0, 0], sizes = [8, 32], strides = [1, 1]} : vector<8x4096xi32> to vector<8x32xi32>
    %concatenate3A_887 = tpu.concatenate %slice3A_885, %slice3A_886 in 1 : vector<8x4064xi32>, vector<8x32xi32> -> vector<8x4096xi32>
    %slice3A_888 = vector.extract_strided_slice %select_n3A_871 {offsets = [0, 4064], sizes = [8, 32], strides = [1, 1]} : vector<8x4096xi32> to vector<8x32xi32>
    %slice3A_889 = vector.extract_strided_slice %select_n3A_871 {offsets = [0, 0], sizes = [8, 4064], strides = [1, 1]} : vector<8x4096xi32> to vector<8x4064xi32>
    %concatenate3A_890 = tpu.concatenate %slice3A_888, %slice3A_889 in 1 : vector<8x32xi32>, vector<8x4064xi32> -> vector<8x4096xi32>
    %select_n3A_891 = arith.select %eq3A_877, %concatenate3A_887, %concatenate3A_890 : vector<8x4096xi1>, vector<8x4096xi32>
    %gt3A_892 = arith.cmpi sgt, %select_n3A_870, %select_n3A_884 : vector<8x4096xi32>
    %eq3A_893 = arith.cmpi eq, %select_n3A_870, %select_n3A_884 : vector<8x4096xi32>
    %lt3A_894 = arith.cmpi slt, %select_n3A_871, %select_n3A_891 : vector<8x4096xi32>
    %and3A_895 = arith.andi %eq3A_893, %lt3A_894 : vector<8x4096xi1>
    %or3A_896 = arith.ori %gt3A_892, %and3A_895 : vector<8x4096xi1>
    %and3A_897 = arith.constant 128 : i32
    %and3A_898 = vector.broadcast %and3A_897 : i32 to vector<8x4096xi32>
    %and3A_899 = arith.andi %add3A, %and3A_898 : vector<8x4096xi32>
    %eq3A_900 = arith.constant 0 : i32
    %eq3A_901 = vector.broadcast %eq3A_900 : i32 to vector<8x4096xi32>
    %eq3A_902 = arith.cmpi eq, %and3A_899, %eq3A_901 : vector<8x4096xi32>
    %eq3A_903 = arith.xori %eq3A_877, %eq3A_902 : vector<8x4096xi1>
    %eq3A_904 = arith.constant dense<true> : vector<8x4096xi1>
    %eq3A_905 = arith.xori %eq3A_903, %eq3A_904 : vector<8x4096xi1>
    %ne3A_906 = arith.xori %or3A_896, %eq3A_905 : vector<8x4096xi1>
    %select_n3A_907 = arith.select %ne3A_906, %select_n3A_884, %select_n3A_870 : vector<8x4096xi1>, vector<8x4096xi32>
    %select_n3A_908 = arith.select %ne3A_906, %select_n3A_891, %select_n3A_871 : vector<8x4096xi1>, vector<8x4096xi32>
    %and3A_909 = arith.constant 16 : i32
    %and3A_910 = vector.broadcast %and3A_909 : i32 to vector<8x4096xi32>
    %and3A_911 = arith.andi %add3A, %and3A_910 : vector<8x4096xi32>
    %eq3A_912 = arith.constant 0 : i32
    %eq3A_913 = vector.broadcast %eq3A_912 : i32 to vector<8x4096xi32>
    %eq3A_914 = arith.cmpi eq, %and3A_911, %eq3A_913 : vector<8x4096xi32>
    %slice3A_915 = vector.extract_strided_slice %select_n3A_907 {offsets = [0, 16], sizes = [8, 4080], strides = [1, 1]} : vector<8x4096xi32> to vector<8x4080xi32>
    %slice3A_916 = vector.extract_strided_slice %select_n3A_907 {offsets = [0, 0], sizes = [8, 16], strides = [1, 1]} : vector<8x4096xi32> to vector<8x16xi32>
    %concatenate3A_917 = tpu.concatenate %slice3A_915, %slice3A_916 in 1 : vector<8x4080xi32>, vector<8x16xi32> -> vector<8x4096xi32>
    %slice3A_918 = vector.extract_strided_slice %select_n3A_907 {offsets = [0, 4080], sizes = [8, 16], strides = [1, 1]} : vector<8x4096xi32> to vector<8x16xi32>
    %slice3A_919 = vector.extract_strided_slice %select_n3A_907 {offsets = [0, 0], sizes = [8, 4080], strides = [1, 1]} : vector<8x4096xi32> to vector<8x4080xi32>
    %concatenate3A_920 = tpu.concatenate %slice3A_918, %slice3A_919 in 1 : vector<8x16xi32>, vector<8x4080xi32> -> vector<8x4096xi32>
    %select_n3A_921 = arith.select %eq3A_914, %concatenate3A_917, %concatenate3A_920 : vector<8x4096xi1>, vector<8x4096xi32>
    %slice3A_922 = vector.extract_strided_slice %select_n3A_908 {offsets = [0, 16], sizes = [8, 4080], strides = [1, 1]} : vector<8x4096xi32> to vector<8x4080xi32>
    %slice3A_923 = vector.extract_strided_slice %select_n3A_908 {offsets = [0, 0], sizes = [8, 16], strides = [1, 1]} : vector<8x4096xi32> to vector<8x16xi32>
    %concatenate3A_924 = tpu.concatenate %slice3A_922, %slice3A_923 in 1 : vector<8x4080xi32>, vector<8x16xi32> -> vector<8x4096xi32>
    %slice3A_925 = vector.extract_strided_slice %select_n3A_908 {offsets = [0, 4080], sizes = [8, 16], strides = [1, 1]} : vector<8x4096xi32> to vector<8x16xi32>
    %slice3A_926 = vector.extract_strided_slice %select_n3A_908 {offsets = [0, 0], sizes = [8, 4080], strides = [1, 1]} : vector<8x4096xi32> to vector<8x4080xi32>
    %concatenate3A_927 = tpu.concatenate %slice3A_925, %slice3A_926 in 1 : vector<8x16xi32>, vector<8x4080xi32> -> vector<8x4096xi32>
    %select_n3A_928 = arith.select %eq3A_914, %concatenate3A_924, %concatenate3A_927 : vector<8x4096xi1>, vector<8x4096xi32>
    %gt3A_929 = arith.cmpi sgt, %select_n3A_907, %select_n3A_921 : vector<8x4096xi32>
    %eq3A_930 = arith.cmpi eq, %select_n3A_907, %select_n3A_921 : vector<8x4096xi32>
    %lt3A_931 = arith.cmpi slt, %select_n3A_908, %select_n3A_928 : vector<8x4096xi32>
    %and3A_932 = arith.andi %eq3A_930, %lt3A_931 : vector<8x4096xi1>
    %or3A_933 = arith.ori %gt3A_929, %and3A_932 : vector<8x4096xi1>
    %and3A_934 = arith.constant 128 : i32
    %and3A_935 = vector.broadcast %and3A_934 : i32 to vector<8x4096xi32>
    %and3A_936 = arith.andi %add3A, %and3A_935 : vector<8x4096xi32>
    %eq3A_937 = arith.constant 0 : i32
    %eq3A_938 = vector.broadcast %eq3A_937 : i32 to vector<8x4096xi32>
    %eq3A_939 = arith.cmpi eq, %and3A_936, %eq3A_938 : vector<8x4096xi32>
    %eq3A_940 = arith.xori %eq3A_914, %eq3A_939 : vector<8x4096xi1>
    %eq3A_941 = arith.constant dense<true> : vector<8x4096xi1>
    %eq3A_942 = arith.xori %eq3A_940, %eq3A_941 : vector<8x4096xi1>
    %ne3A_943 = arith.xori %or3A_933, %eq3A_942 : vector<8x4096xi1>
    %select_n3A_944 = arith.select %ne3A_943, %select_n3A_921, %select_n3A_907 : vector<8x4096xi1>, vector<8x4096xi32>
    %select_n3A_945 = arith.select %ne3A_943, %select_n3A_928, %select_n3A_908 : vector<8x4096xi1>, vector<8x4096xi32>
    %and3A_946 = arith.constant 8 : i32
    %and3A_947 = vector.broadcast %and3A_946 : i32 to vector<8x4096xi32>
    %and3A_948 = arith.andi %add3A, %and3A_947 : vector<8x4096xi32>
    %eq3A_949 = arith.constant 0 : i32
    %eq3A_950 = vector.broadcast %eq3A_949 : i32 to vector<8x4096xi32>
    %eq3A_951 = arith.cmpi eq, %and3A_948, %eq3A_950 : vector<8x4096xi32>
    %slice3A_952 = vector.extract_strided_slice %select_n3A_944 {offsets = [0, 8], sizes = [8, 4088], strides = [1, 1]} : vector<8x4096xi32> to vector<8x4088xi32>
    %slice3A_953 = vector.extract_strided_slice %select_n3A_944 {offsets = [0, 0], sizes = [8, 8], strides = [1, 1]} : vector<8x4096xi32> to vector<8x8xi32>
    %concatenate3A_954 = tpu.concatenate %slice3A_952, %slice3A_953 in 1 : vector<8x4088xi32>, vector<8x8xi32> -> vector<8x4096xi32>
    %slice3A_955 = vector.extract_strided_slice %select_n3A_944 {offsets = [0, 4088], sizes = [8, 8], strides = [1, 1]} : vector<8x4096xi32> to vector<8x8xi32>
    %slice3A_956 = vector.extract_strided_slice %select_n3A_944 {offsets = [0, 0], sizes = [8, 4088], strides = [1, 1]} : vector<8x4096xi32> to vector<8x4088xi32>
    %concatenate3A_957 = tpu.concatenate %slice3A_955, %slice3A_956 in 1 : vector<8x8xi32>, vector<8x4088xi32> -> vector<8x4096xi32>
    %select_n3A_958 = arith.select %eq3A_951, %concatenate3A_954, %concatenate3A_957 : vector<8x4096xi1>, vector<8x4096xi32>
    %slice3A_959 = vector.extract_strided_slice %select_n3A_945 {offsets = [0, 8], sizes = [8, 4088], strides = [1, 1]} : vector<8x4096xi32> to vector<8x4088xi32>
    %slice3A_960 = vector.extract_strided_slice %select_n3A_945 {offsets = [0, 0], sizes = [8, 8], strides = [1, 1]} : vector<8x4096xi32> to vector<8x8xi32>
    %concatenate3A_961 = tpu.concatenate %slice3A_959, %slice3A_960 in 1 : vector<8x4088xi32>, vector<8x8xi32> -> vector<8x4096xi32>
    %slice3A_962 = vector.extract_strided_slice %select_n3A_945 {offsets = [0, 4088], sizes = [8, 8], strides = [1, 1]} : vector<8x4096xi32> to vector<8x8xi32>
    %slice3A_963 = vector.extract_strided_slice %select_n3A_945 {offsets = [0, 0], sizes = [8, 4088], strides = [1, 1]} : vector<8x4096xi32> to vector<8x4088xi32>
    %concatenate3A_964 = tpu.concatenate %slice3A_962, %slice3A_963 in 1 : vector<8x8xi32>, vector<8x4088xi32> -> vector<8x4096xi32>
    %select_n3A_965 = arith.select %eq3A_951, %concatenate3A_961, %concatenate3A_964 : vector<8x4096xi1>, vector<8x4096xi32>
    %gt3A_966 = arith.cmpi sgt, %select_n3A_944, %select_n3A_958 : vector<8x4096xi32>
    %eq3A_967 = arith.cmpi eq, %select_n3A_944, %select_n3A_958 : vector<8x4096xi32>
    %lt3A_968 = arith.cmpi slt, %select_n3A_945, %select_n3A_965 : vector<8x4096xi32>
    %and3A_969 = arith.andi %eq3A_967, %lt3A_968 : vector<8x4096xi1>
    %or3A_970 = arith.ori %gt3A_966, %and3A_969 : vector<8x4096xi1>
    %and3A_971 = arith.constant 128 : i32
    %and3A_972 = vector.broadcast %and3A_971 : i32 to vector<8x4096xi32>
    %and3A_973 = arith.andi %add3A, %and3A_972 : vector<8x4096xi32>
    %eq3A_974 = arith.constant 0 : i32
    %eq3A_975 = vector.broadcast %eq3A_974 : i32 to vector<8x4096xi32>
    %eq3A_976 = arith.cmpi eq, %and3A_973, %eq3A_975 : vector<8x4096xi32>
    %eq3A_977 = arith.xori %eq3A_951, %eq3A_976 : vector<8x4096xi1>
    %eq3A_978 = arith.constant dense<true> : vector<8x4096xi1>
    %eq3A_979 = arith.xori %eq3A_977, %eq3A_978 : vector<8x4096xi1>
    %ne3A_980 = arith.xori %or3A_970, %eq3A_979 : vector<8x4096xi1>
    %select_n3A_981 = arith.select %ne3A_980, %select_n3A_958, %select_n3A_944 : vector<8x4096xi1>, vector<8x4096xi32>
    %select_n3A_982 = arith.select %ne3A_980, %select_n3A_965, %select_n3A_945 : vector<8x4096xi1>, vector<8x4096xi32>
    %and3A_983 = arith.constant 4 : i32
    %and3A_984 = vector.broadcast %and3A_983 : i32 to vector<8x4096xi32>
    %and3A_985 = arith.andi %add3A, %and3A_984 : vector<8x4096xi32>
    %eq3A_986 = arith.constant 0 : i32
    %eq3A_987 = vector.broadcast %eq3A_986 : i32 to vector<8x4096xi32>
    %eq3A_988 = arith.cmpi eq, %and3A_985, %eq3A_987 : vector<8x4096xi32>
    %slice3A_989 = vector.extract_strided_slice %select_n3A_981 {offsets = [0, 4], sizes = [8, 4092], strides = [1, 1]} : vector<8x4096xi32> to vector<8x4092xi32>
    %slice3A_990 = vector.extract_strided_slice %select_n3A_981 {offsets = [0, 0], sizes = [8, 4], strides = [1, 1]} : vector<8x4096xi32> to vector<8x4xi32>
    %concatenate3A_991 = tpu.concatenate %slice3A_989, %slice3A_990 in 1 : vector<8x4092xi32>, vector<8x4xi32> -> vector<8x4096xi32>
    %slice3A_992 = vector.extract_strided_slice %select_n3A_981 {offsets = [0, 4092], sizes = [8, 4], strides = [1, 1]} : vector<8x4096xi32> to vector<8x4xi32>
    %slice3A_993 = vector.extract_strided_slice %select_n3A_981 {offsets = [0, 0], sizes = [8, 4092], strides = [1, 1]} : vector<8x4096xi32> to vector<8x4092xi32>
    %concatenate3A_994 = tpu.concatenate %slice3A_992, %slice3A_993 in 1 : vector<8x4xi32>, vector<8x4092xi32> -> vector<8x4096xi32>
    %select_n3A_995 = arith.select %eq3A_988, %concatenate3A_991, %concatenate3A_994 : vector<8x4096xi1>, vector<8x4096xi32>
    %slice3A_996 = vector.extract_strided_slice %select_n3A_982 {offsets = [0, 4], sizes = [8, 4092], strides = [1, 1]} : vector<8x4096xi32> to vector<8x4092xi32>
    %slice3A_997 = vector.extract_strided_slice %select_n3A_982 {offsets = [0, 0], sizes = [8, 4], strides = [1, 1]} : vector<8x4096xi32> to vector<8x4xi32>
    %concatenate3A_998 = tpu.concatenate %slice3A_996, %slice3A_997 in 1 : vector<8x4092xi32>, vector<8x4xi32> -> vector<8x4096xi32>
    %slice3A_999 = vector.extract_strided_slice %select_n3A_982 {offsets = [0, 4092], sizes = [8, 4], strides = [1, 1]} : vector<8x4096xi32> to vector<8x4xi32>
    %slice3A_1000 = vector.extract_strided_slice %select_n3A_982 {offsets = [0, 0], sizes = [8, 4092], strides = [1, 1]} : vector<8x4096xi32> to vector<8x4092xi32>
    %concatenate3A_1001 = tpu.concatenate %slice3A_999, %slice3A_1000 in 1 : vector<8x4xi32>, vector<8x4092xi32> -> vector<8x4096xi32>
    %select_n3A_1002 = arith.select %eq3A_988, %concatenate3A_998, %concatenate3A_1001 : vector<8x4096xi1>, vector<8x4096xi32>
    %gt3A_1003 = arith.cmpi sgt, %select_n3A_981, %select_n3A_995 : vector<8x4096xi32>
    %eq3A_1004 = arith.cmpi eq, %select_n3A_981, %select_n3A_995 : vector<8x4096xi32>
    %lt3A_1005 = arith.cmpi slt, %select_n3A_982, %select_n3A_1002 : vector<8x4096xi32>
    %and3A_1006 = arith.andi %eq3A_1004, %lt3A_1005 : vector<8x4096xi1>
    %or3A_1007 = arith.ori %gt3A_1003, %and3A_1006 : vector<8x4096xi1>
    %and3A_1008 = arith.constant 128 : i32
    %and3A_1009 = vector.broadcast %and3A_1008 : i32 to vector<8x4096xi32>
    %and3A_1010 = arith.andi %add3A, %and3A_1009 : vector<8x4096xi32>
    %eq3A_1011 = arith.constant 0 : i32
    %eq3A_1012 = vector.broadcast %eq3A_1011 : i32 to vector<8x4096xi32>
    %eq3A_1013 = arith.cmpi eq, %and3A_1010, %eq3A_1012 : vector<8x4096xi32>
    %eq3A_1014 = arith.xori %eq3A_988, %eq3A_1013 : vector<8x4096xi1>
    %eq3A_1015 = arith.constant dense<true> : vector<8x4096xi1>
    %eq3A_1016 = arith.xori %eq3A_1014, %eq3A_1015 : vector<8x4096xi1>
    %ne3A_1017 = arith.xori %or3A_1007, %eq3A_1016 : vector<8x4096xi1>
    %select_n3A_1018 = arith.select %ne3A_1017, %select_n3A_995, %select_n3A_981 : vector<8x4096xi1>, vector<8x4096xi32>
    %select_n3A_1019 = arith.select %ne3A_1017, %select_n3A_1002, %select_n3A_982 : vector<8x4096xi1>, vector<8x4096xi32>
    %and3A_1020 = arith.constant 2 : i32
    %and3A_1021 = vector.broadcast %and3A_1020 : i32 to vector<8x4096xi32>
    %and3A_1022 = arith.andi %add3A, %and3A_1021 : vector<8x4096xi32>
    %eq3A_1023 = arith.constant 0 : i32
    %eq3A_1024 = vector.broadcast %eq3A_1023 : i32 to vector<8x4096xi32>
    %eq3A_1025 = arith.cmpi eq, %and3A_1022, %eq3A_1024 : vector<8x4096xi32>
    %slice3A_1026 = vector.extract_strided_slice %select_n3A_1018 {offsets = [0, 2], sizes = [8, 4094], strides = [1, 1]} : vector<8x4096xi32> to vector<8x4094xi32>
    %slice3A_1027 = vector.extract_strided_slice %select_n3A_1018 {offsets = [0, 0], sizes = [8, 2], strides = [1, 1]} : vector<8x4096xi32> to vector<8x2xi32>
    %concatenate3A_1028 = tpu.concatenate %slice3A_1026, %slice3A_1027 in 1 : vector<8x4094xi32>, vector<8x2xi32> -> vector<8x4096xi32>
    %slice3A_1029 = vector.extract_strided_slice %select_n3A_1018 {offsets = [0, 4094], sizes = [8, 2], strides = [1, 1]} : vector<8x4096xi32> to vector<8x2xi32>
    %slice3A_1030 = vector.extract_strided_slice %select_n3A_1018 {offsets = [0, 0], sizes = [8, 4094], strides = [1, 1]} : vector<8x4096xi32> to vector<8x4094xi32>
    %concatenate3A_1031 = tpu.concatenate %slice3A_1029, %slice3A_1030 in 1 : vector<8x2xi32>, vector<8x4094xi32> -> vector<8x4096xi32>
    %select_n3A_1032 = arith.select %eq3A_1025, %concatenate3A_1028, %concatenate3A_1031 : vector<8x4096xi1>, vector<8x4096xi32>
    %slice3A_1033 = vector.extract_strided_slice %select_n3A_1019 {offsets = [0, 2], sizes = [8, 4094], strides = [1, 1]} : vector<8x4096xi32> to vector<8x4094xi32>
    %slice3A_1034 = vector.extract_strided_slice %select_n3A_1019 {offsets = [0, 0], sizes = [8, 2], strides = [1, 1]} : vector<8x4096xi32> to vector<8x2xi32>
    %concatenate3A_1035 = tpu.concatenate %slice3A_1033, %slice3A_1034 in 1 : vector<8x4094xi32>, vector<8x2xi32> -> vector<8x4096xi32>
    %slice3A_1036 = vector.extract_strided_slice %select_n3A_1019 {offsets = [0, 4094], sizes = [8, 2], strides = [1, 1]} : vector<8x4096xi32> to vector<8x2xi32>
    %slice3A_1037 = vector.extract_strided_slice %select_n3A_1019 {offsets = [0, 0], sizes = [8, 4094], strides = [1, 1]} : vector<8x4096xi32> to vector<8x4094xi32>
    %concatenate3A_1038 = tpu.concatenate %slice3A_1036, %slice3A_1037 in 1 : vector<8x2xi32>, vector<8x4094xi32> -> vector<8x4096xi32>
    %select_n3A_1039 = arith.select %eq3A_1025, %concatenate3A_1035, %concatenate3A_1038 : vector<8x4096xi1>, vector<8x4096xi32>
    %gt3A_1040 = arith.cmpi sgt, %select_n3A_1018, %select_n3A_1032 : vector<8x4096xi32>
    %eq3A_1041 = arith.cmpi eq, %select_n3A_1018, %select_n3A_1032 : vector<8x4096xi32>
    %lt3A_1042 = arith.cmpi slt, %select_n3A_1019, %select_n3A_1039 : vector<8x4096xi32>
    %and3A_1043 = arith.andi %eq3A_1041, %lt3A_1042 : vector<8x4096xi1>
    %or3A_1044 = arith.ori %gt3A_1040, %and3A_1043 : vector<8x4096xi1>
    %and3A_1045 = arith.constant 128 : i32
    %and3A_1046 = vector.broadcast %and3A_1045 : i32 to vector<8x4096xi32>
    %and3A_1047 = arith.andi %add3A, %and3A_1046 : vector<8x4096xi32>
    %eq3A_1048 = arith.constant 0 : i32
    %eq3A_1049 = vector.broadcast %eq3A_1048 : i32 to vector<8x4096xi32>
    %eq3A_1050 = arith.cmpi eq, %and3A_1047, %eq3A_1049 : vector<8x4096xi32>
    %eq3A_1051 = arith.xori %eq3A_1025, %eq3A_1050 : vector<8x4096xi1>
    %eq3A_1052 = arith.constant dense<true> : vector<8x4096xi1>
    %eq3A_1053 = arith.xori %eq3A_1051, %eq3A_1052 : vector<8x4096xi1>
    %ne3A_1054 = arith.xori %or3A_1044, %eq3A_1053 : vector<8x4096xi1>
    %select_n3A_1055 = arith.select %ne3A_1054, %select_n3A_1032, %select_n3A_1018 : vector<8x4096xi1>, vector<8x4096xi32>
    %select_n3A_1056 = arith.select %ne3A_1054, %select_n3A_1039, %select_n3A_1019 : vector<8x4096xi1>, vector<8x4096xi32>
    %and3A_1057 = arith.constant 1 : i32
    %and3A_1058 = vector.broadcast %and3A_1057 : i32 to vector<8x4096xi32>
    %and3A_1059 = arith.andi %add3A, %and3A_1058 : vector<8x4096xi32>
    %eq3A_1060 = arith.constant 0 : i32
    %eq3A_1061 = vector.broadcast %eq3A_1060 : i32 to vector<8x4096xi32>
    %eq3A_1062 = arith.cmpi eq, %and3A_1059, %eq3A_1061 : vector<8x4096xi32>
    %slice3A_1063 = vector.extract_strided_slice %select_n3A_1055 {offsets = [0, 1], sizes = [8, 4095], strides = [1, 1]} : vector<8x4096xi32> to vector<8x4095xi32>
    %slice3A_1064 = vector.extract_strided_slice %select_n3A_1055 {offsets = [0, 0], sizes = [8, 1], strides = [1, 1]} : vector<8x4096xi32> to vector<8x1xi32>
    %concatenate3A_1065 = tpu.concatenate %slice3A_1063, %slice3A_1064 in 1 : vector<8x4095xi32>, vector<8x1xi32> -> vector<8x4096xi32>
    %slice3A_1066 = vector.extract_strided_slice %select_n3A_1055 {offsets = [0, 4095], sizes = [8, 1], strides = [1, 1]} : vector<8x4096xi32> to vector<8x1xi32>
    %slice3A_1067 = vector.extract_strided_slice %select_n3A_1055 {offsets = [0, 0], sizes = [8, 4095], strides = [1, 1]} : vector<8x4096xi32> to vector<8x4095xi32>
    %concatenate3A_1068 = tpu.concatenate %slice3A_1066, %slice3A_1067 in 1 : vector<8x1xi32>, vector<8x4095xi32> -> vector<8x4096xi32>
    %select_n3A_1069 = arith.select %eq3A_1062, %concatenate3A_1065, %concatenate3A_1068 : vector<8x4096xi1>, vector<8x4096xi32>
    %slice3A_1070 = vector.extract_strided_slice %select_n3A_1056 {offsets = [0, 1], sizes = [8, 4095], strides = [1, 1]} : vector<8x4096xi32> to vector<8x4095xi32>
    %slice3A_1071 = vector.extract_strided_slice %select_n3A_1056 {offsets = [0, 0], sizes = [8, 1], strides = [1, 1]} : vector<8x4096xi32> to vector<8x1xi32>
    %concatenate3A_1072 = tpu.concatenate %slice3A_1070, %slice3A_1071 in 1 : vector<8x4095xi32>, vector<8x1xi32> -> vector<8x4096xi32>
    %slice3A_1073 = vector.extract_strided_slice %select_n3A_1056 {offsets = [0, 4095], sizes = [8, 1], strides = [1, 1]} : vector<8x4096xi32> to vector<8x1xi32>
    %slice3A_1074 = vector.extract_strided_slice %select_n3A_1056 {offsets = [0, 0], sizes = [8, 4095], strides = [1, 1]} : vector<8x4096xi32> to vector<8x4095xi32>
    %concatenate3A_1075 = tpu.concatenate %slice3A_1073, %slice3A_1074 in 1 : vector<8x1xi32>, vector<8x4095xi32> -> vector<8x4096xi32>
    %select_n3A_1076 = arith.select %eq3A_1062, %concatenate3A_1072, %concatenate3A_1075 : vector<8x4096xi1>, vector<8x4096xi32>
    %gt3A_1077 = arith.cmpi sgt, %select_n3A_1055, %select_n3A_1069 : vector<8x4096xi32>
    %eq3A_1078 = arith.cmpi eq, %select_n3A_1055, %select_n3A_1069 : vector<8x4096xi32>
    %lt3A_1079 = arith.cmpi slt, %select_n3A_1056, %select_n3A_1076 : vector<8x4096xi32>
    %and3A_1080 = arith.andi %eq3A_1078, %lt3A_1079 : vector<8x4096xi1>
    %or3A_1081 = arith.ori %gt3A_1077, %and3A_1080 : vector<8x4096xi1>
    %and3A_1082 = arith.constant 128 : i32
    %and3A_1083 = vector.broadcast %and3A_1082 : i32 to vector<8x4096xi32>
    %and3A_1084 = arith.andi %add3A, %and3A_1083 : vector<8x4096xi32>
    %eq3A_1085 = arith.constant 0 : i32
    %eq3A_1086 = vector.broadcast %eq3A_1085 : i32 to vector<8x4096xi32>
    %eq3A_1087 = arith.cmpi eq, %and3A_1084, %eq3A_1086 : vector<8x4096xi32>
    %eq3A_1088 = arith.xori %eq3A_1062, %eq3A_1087 : vector<8x4096xi1>
    %eq3A_1089 = arith.constant dense<true> : vector<8x4096xi1>
    %eq3A_1090 = arith.xori %eq3A_1088, %eq3A_1089 : vector<8x4096xi1>
    %ne3A_1091 = arith.xori %or3A_1081, %eq3A_1090 : vector<8x4096xi1>
    %select_n3A_1092 = arith.select %ne3A_1091, %select_n3A_1069, %select_n3A_1055 : vector<8x4096xi1>, vector<8x4096xi32>
    %select_n3A_1093 = arith.select %ne3A_1091, %select_n3A_1076, %select_n3A_1056 : vector<8x4096xi1>, vector<8x4096xi32>
    %and3A_1094 = arith.constant 128 : i32
    %and3A_1095 = vector.broadcast %and3A_1094 : i32 to vector<8x4096xi32>
    %and3A_1096 = arith.andi %add3A, %and3A_1095 : vector<8x4096xi32>
    %eq3A_1097 = arith.constant 0 : i32
    %eq3A_1098 = vector.broadcast %eq3A_1097 : i32 to vector<8x4096xi32>
    %eq3A_1099 = arith.cmpi eq, %and3A_1096, %eq3A_1098 : vector<8x4096xi32>
    %slice3A_1100 = vector.extract_strided_slice %select_n3A_1092 {offsets = [0, 128], sizes = [8, 3968], strides = [1, 1]} : vector<8x4096xi32> to vector<8x3968xi32>
    %slice3A_1101 = vector.extract_strided_slice %select_n3A_1092 {offsets = [0, 0], sizes = [8, 128], strides = [1, 1]} : vector<8x4096xi32> to vector<8x128xi32>
    %concatenate3A_1102 = tpu.concatenate %slice3A_1100, %slice3A_1101 in 1 : vector<8x3968xi32>, vector<8x128xi32> -> vector<8x4096xi32>
    %slice3A_1103 = vector.extract_strided_slice %select_n3A_1092 {offsets = [0, 3968], sizes = [8, 128], strides = [1, 1]} : vector<8x4096xi32> to vector<8x128xi32>
    %slice3A_1104 = vector.extract_strided_slice %select_n3A_1092 {offsets = [0, 0], sizes = [8, 3968], strides = [1, 1]} : vector<8x4096xi32> to vector<8x3968xi32>
    %concatenate3A_1105 = tpu.concatenate %slice3A_1103, %slice3A_1104 in 1 : vector<8x128xi32>, vector<8x3968xi32> -> vector<8x4096xi32>
    %select_n3A_1106 = arith.select %eq3A_1099, %concatenate3A_1102, %concatenate3A_1105 : vector<8x4096xi1>, vector<8x4096xi32>
    %slice3A_1107 = vector.extract_strided_slice %select_n3A_1093 {offsets = [0, 128], sizes = [8, 3968], strides = [1, 1]} : vector<8x4096xi32> to vector<8x3968xi32>
    %slice3A_1108 = vector.extract_strided_slice %select_n3A_1093 {offsets = [0, 0], sizes = [8, 128], strides = [1, 1]} : vector<8x4096xi32> to vector<8x128xi32>
    %concatenate3A_1109 = tpu.concatenate %slice3A_1107, %slice3A_1108 in 1 : vector<8x3968xi32>, vector<8x128xi32> -> vector<8x4096xi32>
    %slice3A_1110 = vector.extract_strided_slice %select_n3A_1093 {offsets = [0, 3968], sizes = [8, 128], strides = [1, 1]} : vector<8x4096xi32> to vector<8x128xi32>
    %slice3A_1111 = vector.extract_strided_slice %select_n3A_1093 {offsets = [0, 0], sizes = [8, 3968], strides = [1, 1]} : vector<8x4096xi32> to vector<8x3968xi32>
    %concatenate3A_1112 = tpu.concatenate %slice3A_1110, %slice3A_1111 in 1 : vector<8x128xi32>, vector<8x3968xi32> -> vector<8x4096xi32>
    %select_n3A_1113 = arith.select %eq3A_1099, %concatenate3A_1109, %concatenate3A_1112 : vector<8x4096xi1>, vector<8x4096xi32>
    %gt3A_1114 = arith.cmpi sgt, %select_n3A_1092, %select_n3A_1106 : vector<8x4096xi32>
    %eq3A_1115 = arith.cmpi eq, %select_n3A_1092, %select_n3A_1106 : vector<8x4096xi32>
    %lt3A_1116 = arith.cmpi slt, %select_n3A_1093, %select_n3A_1113 : vector<8x4096xi32>
    %and3A_1117 = arith.andi %eq3A_1115, %lt3A_1116 : vector<8x4096xi1>
    %or3A_1118 = arith.ori %gt3A_1114, %and3A_1117 : vector<8x4096xi1>
    %and3A_1119 = arith.constant 256 : i32
    %and3A_1120 = vector.broadcast %and3A_1119 : i32 to vector<8x4096xi32>
    %and3A_1121 = arith.andi %add3A, %and3A_1120 : vector<8x4096xi32>
    %eq3A_1122 = arith.constant 0 : i32
    %eq3A_1123 = vector.broadcast %eq3A_1122 : i32 to vector<8x4096xi32>
    %eq3A_1124 = arith.cmpi eq, %and3A_1121, %eq3A_1123 : vector<8x4096xi32>
    %eq3A_1125 = arith.xori %eq3A_1099, %eq3A_1124 : vector<8x4096xi1>
    %eq3A_1126 = arith.constant dense<true> : vector<8x4096xi1>
    %eq3A_1127 = arith.xori %eq3A_1125, %eq3A_1126 : vector<8x4096xi1>
    %ne3A_1128 = arith.xori %or3A_1118, %eq3A_1127 : vector<8x4096xi1>
    %select_n3A_1129 = arith.select %ne3A_1128, %select_n3A_1106, %select_n3A_1092 : vector<8x4096xi1>, vector<8x4096xi32>
    %select_n3A_1130 = arith.select %ne3A_1128, %select_n3A_1113, %select_n3A_1093 : vector<8x4096xi1>, vector<8x4096xi32>
    %and3A_1131 = arith.constant 64 : i32
    %and3A_1132 = vector.broadcast %and3A_1131 : i32 to vector<8x4096xi32>
    %and3A_1133 = arith.andi %add3A, %and3A_1132 : vector<8x4096xi32>
    %eq3A_1134 = arith.constant 0 : i32
    %eq3A_1135 = vector.broadcast %eq3A_1134 : i32 to vector<8x4096xi32>
    %eq3A_1136 = arith.cmpi eq, %and3A_1133, %eq3A_1135 : vector<8x4096xi32>
    %slice3A_1137 = vector.extract_strided_slice %select_n3A_1129 {offsets = [0, 64], sizes = [8, 4032], strides = [1, 1]} : vector<8x4096xi32> to vector<8x4032xi32>
    %slice3A_1138 = vector.extract_strided_slice %select_n3A_1129 {offsets = [0, 0], sizes = [8, 64], strides = [1, 1]} : vector<8x4096xi32> to vector<8x64xi32>
    %concatenate3A_1139 = tpu.concatenate %slice3A_1137, %slice3A_1138 in 1 : vector<8x4032xi32>, vector<8x64xi32> -> vector<8x4096xi32>
    %slice3A_1140 = vector.extract_strided_slice %select_n3A_1129 {offsets = [0, 4032], sizes = [8, 64], strides = [1, 1]} : vector<8x4096xi32> to vector<8x64xi32>
    %slice3A_1141 = vector.extract_strided_slice %select_n3A_1129 {offsets = [0, 0], sizes = [8, 4032], strides = [1, 1]} : vector<8x4096xi32> to vector<8x4032xi32>
    %concatenate3A_1142 = tpu.concatenate %slice3A_1140, %slice3A_1141 in 1 : vector<8x64xi32>, vector<8x4032xi32> -> vector<8x4096xi32>
    %select_n3A_1143 = arith.select %eq3A_1136, %concatenate3A_1139, %concatenate3A_1142 : vector<8x4096xi1>, vector<8x4096xi32>
    %slice3A_1144 = vector.extract_strided_slice %select_n3A_1130 {offsets = [0, 64], sizes = [8, 4032], strides = [1, 1]} : vector<8x4096xi32> to vector<8x4032xi32>
    %slice3A_1145 = vector.extract_strided_slice %select_n3A_1130 {offsets = [0, 0], sizes = [8, 64], strides = [1, 1]} : vector<8x4096xi32> to vector<8x64xi32>
    %concatenate3A_1146 = tpu.concatenate %slice3A_1144, %slice3A_1145 in 1 : vector<8x4032xi32>, vector<8x64xi32> -> vector<8x4096xi32>
    %slice3A_1147 = vector.extract_strided_slice %select_n3A_1130 {offsets = [0, 4032], sizes = [8, 64], strides = [1, 1]} : vector<8x4096xi32> to vector<8x64xi32>
    %slice3A_1148 = vector.extract_strided_slice %select_n3A_1130 {offsets = [0, 0], sizes = [8, 4032], strides = [1, 1]} : vector<8x4096xi32> to vector<8x4032xi32>
    %concatenate3A_1149 = tpu.concatenate %slice3A_1147, %slice3A_1148 in 1 : vector<8x64xi32>, vector<8x4032xi32> -> vector<8x4096xi32>
    %select_n3A_1150 = arith.select %eq3A_1136, %concatenate3A_1146, %concatenate3A_1149 : vector<8x4096xi1>, vector<8x4096xi32>
    %gt3A_1151 = arith.cmpi sgt, %select_n3A_1129, %select_n3A_1143 : vector<8x4096xi32>
    %eq3A_1152 = arith.cmpi eq, %select_n3A_1129, %select_n3A_1143 : vector<8x4096xi32>
    %lt3A_1153 = arith.cmpi slt, %select_n3A_1130, %select_n3A_1150 : vector<8x4096xi32>
    %and3A_1154 = arith.andi %eq3A_1152, %lt3A_1153 : vector<8x4096xi1>
    %or3A_1155 = arith.ori %gt3A_1151, %and3A_1154 : vector<8x4096xi1>
    %and3A_1156 = arith.constant 256 : i32
    %and3A_1157 = vector.broadcast %and3A_1156 : i32 to vector<8x4096xi32>
    %and3A_1158 = arith.andi %add3A, %and3A_1157 : vector<8x4096xi32>
    %eq3A_1159 = arith.constant 0 : i32
    %eq3A_1160 = vector.broadcast %eq3A_1159 : i32 to vector<8x4096xi32>
    %eq3A_1161 = arith.cmpi eq, %and3A_1158, %eq3A_1160 : vector<8x4096xi32>
    %eq3A_1162 = arith.xori %eq3A_1136, %eq3A_1161 : vector<8x4096xi1>
    %eq3A_1163 = arith.constant dense<true> : vector<8x4096xi1>
    %eq3A_1164 = arith.xori %eq3A_1162, %eq3A_1163 : vector<8x4096xi1>
    %ne3A_1165 = arith.xori %or3A_1155, %eq3A_1164 : vector<8x4096xi1>
    %select_n3A_1166 = arith.select %ne3A_1165, %select_n3A_1143, %select_n3A_1129 : vector<8x4096xi1>, vector<8x4096xi32>
    %select_n3A_1167 = arith.select %ne3A_1165, %select_n3A_1150, %select_n3A_1130 : vector<8x4096xi1>, vector<8x4096xi32>
    %and3A_1168 = arith.constant 32 : i32
    %and3A_1169 = vector.broadcast %and3A_1168 : i32 to vector<8x4096xi32>
    %and3A_1170 = arith.andi %add3A, %and3A_1169 : vector<8x4096xi32>
    %eq3A_1171 = arith.constant 0 : i32
    %eq3A_1172 = vector.broadcast %eq3A_1171 : i32 to vector<8x4096xi32>
    %eq3A_1173 = arith.cmpi eq, %and3A_1170, %eq3A_1172 : vector<8x4096xi32>
    %slice3A_1174 = vector.extract_strided_slice %select_n3A_1166 {offsets = [0, 32], sizes = [8, 4064], strides = [1, 1]} : vector<8x4096xi32> to vector<8x4064xi32>
    %slice3A_1175 = vector.extract_strided_slice %select_n3A_1166 {offsets = [0, 0], sizes = [8, 32], strides = [1, 1]} : vector<8x4096xi32> to vector<8x32xi32>
    %concatenate3A_1176 = tpu.concatenate %slice3A_1174, %slice3A_1175 in 1 : vector<8x4064xi32>, vector<8x32xi32> -> vector<8x4096xi32>
    %slice3A_1177 = vector.extract_strided_slice %select_n3A_1166 {offsets = [0, 4064], sizes = [8, 32], strides = [1, 1]} : vector<8x4096xi32> to vector<8x32xi32>
    %slice3A_1178 = vector.extract_strided_slice %select_n3A_1166 {offsets = [0, 0], sizes = [8, 4064], strides = [1, 1]} : vector<8x4096xi32> to vector<8x4064xi32>
    %concatenate3A_1179 = tpu.concatenate %slice3A_1177, %slice3A_1178 in 1 : vector<8x32xi32>, vector<8x4064xi32> -> vector<8x4096xi32>
    %select_n3A_1180 = arith.select %eq3A_1173, %concatenate3A_1176, %concatenate3A_1179 : vector<8x4096xi1>, vector<8x4096xi32>
    %slice3A_1181 = vector.extract_strided_slice %select_n3A_1167 {offsets = [0, 32], sizes = [8, 4064], strides = [1, 1]} : vector<8x4096xi32> to vector<8x4064xi32>
    %slice3A_1182 = vector.extract_strided_slice %select_n3A_1167 {offsets = [0, 0], sizes = [8, 32], strides = [1, 1]} : vector<8x4096xi32> to vector<8x32xi32>
    %concatenate3A_1183 = tpu.concatenate %slice3A_1181, %slice3A_1182 in 1 : vector<8x4064xi32>, vector<8x32xi32> -> vector<8x4096xi32>
    %slice3A_1184 = vector.extract_strided_slice %select_n3A_1167 {offsets = [0, 4064], sizes = [8, 32], strides = [1, 1]} : vector<8x4096xi32> to vector<8x32xi32>
    %slice3A_1185 = vector.extract_strided_slice %select_n3A_1167 {offsets = [0, 0], sizes = [8, 4064], strides = [1, 1]} : vector<8x4096xi32> to vector<8x4064xi32>
    %concatenate3A_1186 = tpu.concatenate %slice3A_1184, %slice3A_1185 in 1 : vector<8x32xi32>, vector<8x4064xi32> -> vector<8x4096xi32>
    %select_n3A_1187 = arith.select %eq3A_1173, %concatenate3A_1183, %concatenate3A_1186 : vector<8x4096xi1>, vector<8x4096xi32>
    %gt3A_1188 = arith.cmpi sgt, %select_n3A_1166, %select_n3A_1180 : vector<8x4096xi32>
    %eq3A_1189 = arith.cmpi eq, %select_n3A_1166, %select_n3A_1180 : vector<8x4096xi32>
    %lt3A_1190 = arith.cmpi slt, %select_n3A_1167, %select_n3A_1187 : vector<8x4096xi32>
    %and3A_1191 = arith.andi %eq3A_1189, %lt3A_1190 : vector<8x4096xi1>
    %or3A_1192 = arith.ori %gt3A_1188, %and3A_1191 : vector<8x4096xi1>
    %and3A_1193 = arith.constant 256 : i32
    %and3A_1194 = vector.broadcast %and3A_1193 : i32 to vector<8x4096xi32>
    %and3A_1195 = arith.andi %add3A, %and3A_1194 : vector<8x4096xi32>
    %eq3A_1196 = arith.constant 0 : i32
    %eq3A_1197 = vector.broadcast %eq3A_1196 : i32 to vector<8x4096xi32>
    %eq3A_1198 = arith.cmpi eq, %and3A_1195, %eq3A_1197 : vector<8x4096xi32>
    %eq3A_1199 = arith.xori %eq3A_1173, %eq3A_1198 : vector<8x4096xi1>
    %eq3A_1200 = arith.constant dense<true> : vector<8x4096xi1>
    %eq3A_1201 = arith.xori %eq3A_1199, %eq3A_1200 : vector<8x4096xi1>
    %ne3A_1202 = arith.xori %or3A_1192, %eq3A_1201 : vector<8x4096xi1>
    %select_n3A_1203 = arith.select %ne3A_1202, %select_n3A_1180, %select_n3A_1166 : vector<8x4096xi1>, vector<8x4096xi32>
    %select_n3A_1204 = arith.select %ne3A_1202, %select_n3A_1187, %select_n3A_1167 : vector<8x4096xi1>, vector<8x4096xi32>
    %and3A_1205 = arith.constant 16 : i32
    %and3A_1206 = vector.broadcast %and3A_1205 : i32 to vector<8x4096xi32>
    %and3A_1207 = arith.andi %add3A, %and3A_1206 : vector<8x4096xi32>
    %eq3A_1208 = arith.constant 0 : i32
    %eq3A_1209 = vector.broadcast %eq3A_1208 : i32 to vector<8x4096xi32>
    %eq3A_1210 = arith.cmpi eq, %and3A_1207, %eq3A_1209 : vector<8x4096xi32>
    %slice3A_1211 = vector.extract_strided_slice %select_n3A_1203 {offsets = [0, 16], sizes = [8, 4080], strides = [1, 1]} : vector<8x4096xi32> to vector<8x4080xi32>
    %slice3A_1212 = vector.extract_strided_slice %select_n3A_1203 {offsets = [0, 0], sizes = [8, 16], strides = [1, 1]} : vector<8x4096xi32> to vector<8x16xi32>
    %concatenate3A_1213 = tpu.concatenate %slice3A_1211, %slice3A_1212 in 1 : vector<8x4080xi32>, vector<8x16xi32> -> vector<8x4096xi32>
    %slice3A_1214 = vector.extract_strided_slice %select_n3A_1203 {offsets = [0, 4080], sizes = [8, 16], strides = [1, 1]} : vector<8x4096xi32> to vector<8x16xi32>
    %slice3A_1215 = vector.extract_strided_slice %select_n3A_1203 {offsets = [0, 0], sizes = [8, 4080], strides = [1, 1]} : vector<8x4096xi32> to vector<8x4080xi32>
    %concatenate3A_1216 = tpu.concatenate %slice3A_1214, %slice3A_1215 in 1 : vector<8x16xi32>, vector<8x4080xi32> -> vector<8x4096xi32>
    %select_n3A_1217 = arith.select %eq3A_1210, %concatenate3A_1213, %concatenate3A_1216 : vector<8x4096xi1>, vector<8x4096xi32>
    %slice3A_1218 = vector.extract_strided_slice %select_n3A_1204 {offsets = [0, 16], sizes = [8, 4080], strides = [1, 1]} : vector<8x4096xi32> to vector<8x4080xi32>
    %slice3A_1219 = vector.extract_strided_slice %select_n3A_1204 {offsets = [0, 0], sizes = [8, 16], strides = [1, 1]} : vector<8x4096xi32> to vector<8x16xi32>
    %concatenate3A_1220 = tpu.concatenate %slice3A_1218, %slice3A_1219 in 1 : vector<8x4080xi32>, vector<8x16xi32> -> vector<8x4096xi32>
    %slice3A_1221 = vector.extract_strided_slice %select_n3A_1204 {offsets = [0, 4080], sizes = [8, 16], strides = [1, 1]} : vector<8x4096xi32> to vector<8x16xi32>
    %slice3A_1222 = vector.extract_strided_slice %select_n3A_1204 {offsets = [0, 0], sizes = [8, 4080], strides = [1, 1]} : vector<8x4096xi32> to vector<8x4080xi32>
    %concatenate3A_1223 = tpu.concatenate %slice3A_1221, %slice3A_1222 in 1 : vector<8x16xi32>, vector<8x4080xi32> -> vector<8x4096xi32>
    %select_n3A_1224 = arith.select %eq3A_1210, %concatenate3A_1220, %concatenate3A_1223 : vector<8x4096xi1>, vector<8x4096xi32>
    %gt3A_1225 = arith.cmpi sgt, %select_n3A_1203, %select_n3A_1217 : vector<8x4096xi32>
    %eq3A_1226 = arith.cmpi eq, %select_n3A_1203, %select_n3A_1217 : vector<8x4096xi32>
    %lt3A_1227 = arith.cmpi slt, %select_n3A_1204, %select_n3A_1224 : vector<8x4096xi32>
    %and3A_1228 = arith.andi %eq3A_1226, %lt3A_1227 : vector<8x4096xi1>
    %or3A_1229 = arith.ori %gt3A_1225, %and3A_1228 : vector<8x4096xi1>
    %and3A_1230 = arith.constant 256 : i32
    %and3A_1231 = vector.broadcast %and3A_1230 : i32 to vector<8x4096xi32>
    %and3A_1232 = arith.andi %add3A, %and3A_1231 : vector<8x4096xi32>
    %eq3A_1233 = arith.constant 0 : i32
    %eq3A_1234 = vector.broadcast %eq3A_1233 : i32 to vector<8x4096xi32>
    %eq3A_1235 = arith.cmpi eq, %and3A_1232, %eq3A_1234 : vector<8x4096xi32>
    %eq3A_1236 = arith.xori %eq3A_1210, %eq3A_1235 : vector<8x4096xi1>
    %eq3A_1237 = arith.constant dense<true> : vector<8x4096xi1>
    %eq3A_1238 = arith.xori %eq3A_1236, %eq3A_1237 : vector<8x4096xi1>
    %ne3A_1239 = arith.xori %or3A_1229, %eq3A_1238 : vector<8x4096xi1>
    %select_n3A_1240 = arith.select %ne3A_1239, %select_n3A_1217, %select_n3A_1203 : vector<8x4096xi1>, vector<8x4096xi32>
    %select_n3A_1241 = arith.select %ne3A_1239, %select_n3A_1224, %select_n3A_1204 : vector<8x4096xi1>, vector<8x4096xi32>
    %and3A_1242 = arith.constant 8 : i32
    %and3A_1243 = vector.broadcast %and3A_1242 : i32 to vector<8x4096xi32>
    %and3A_1244 = arith.andi %add3A, %and3A_1243 : vector<8x4096xi32>
    %eq3A_1245 = arith.constant 0 : i32
    %eq3A_1246 = vector.broadcast %eq3A_1245 : i32 to vector<8x4096xi32>
    %eq3A_1247 = arith.cmpi eq, %and3A_1244, %eq3A_1246 : vector<8x4096xi32>
    %slice3A_1248 = vector.extract_strided_slice %select_n3A_1240 {offsets = [0, 8], sizes = [8, 4088], strides = [1, 1]} : vector<8x4096xi32> to vector<8x4088xi32>
    %slice3A_1249 = vector.extract_strided_slice %select_n3A_1240 {offsets = [0, 0], sizes = [8, 8], strides = [1, 1]} : vector<8x4096xi32> to vector<8x8xi32>
    %concatenate3A_1250 = tpu.concatenate %slice3A_1248, %slice3A_1249 in 1 : vector<8x4088xi32>, vector<8x8xi32> -> vector<8x4096xi32>
    %slice3A_1251 = vector.extract_strided_slice %select_n3A_1240 {offsets = [0, 4088], sizes = [8, 8], strides = [1, 1]} : vector<8x4096xi32> to vector<8x8xi32>
    %slice3A_1252 = vector.extract_strided_slice %select_n3A_1240 {offsets = [0, 0], sizes = [8, 4088], strides = [1, 1]} : vector<8x4096xi32> to vector<8x4088xi32>
    %concatenate3A_1253 = tpu.concatenate %slice3A_1251, %slice3A_1252 in 1 : vector<8x8xi32>, vector<8x4088xi32> -> vector<8x4096xi32>
    %select_n3A_1254 = arith.select %eq3A_1247, %concatenate3A_1250, %concatenate3A_1253 : vector<8x4096xi1>, vector<8x4096xi32>
    %slice3A_1255 = vector.extract_strided_slice %select_n3A_1241 {offsets = [0, 8], sizes = [8, 4088], strides = [1, 1]} : vector<8x4096xi32> to vector<8x4088xi32>
    %slice3A_1256 = vector.extract_strided_slice %select_n3A_1241 {offsets = [0, 0], sizes = [8, 8], strides = [1, 1]} : vector<8x4096xi32> to vector<8x8xi32>
    %concatenate3A_1257 = tpu.concatenate %slice3A_1255, %slice3A_1256 in 1 : vector<8x4088xi32>, vector<8x8xi32> -> vector<8x4096xi32>
    %slice3A_1258 = vector.extract_strided_slice %select_n3A_1241 {offsets = [0, 4088], sizes = [8, 8], strides = [1, 1]} : vector<8x4096xi32> to vector<8x8xi32>
    %slice3A_1259 = vector.extract_strided_slice %select_n3A_1241 {offsets = [0, 0], sizes = [8, 4088], strides = [1, 1]} : vector<8x4096xi32> to vector<8x4088xi32>
    %concatenate3A_1260 = tpu.concatenate %slice3A_1258, %slice3A_1259 in 1 : vector<8x8xi32>, vector<8x4088xi32> -> vector<8x4096xi32>
    %select_n3A_1261 = arith.select %eq3A_1247, %concatenate3A_1257, %concatenate3A_1260 : vector<8x4096xi1>, vector<8x4096xi32>
    %gt3A_1262 = arith.cmpi sgt, %select_n3A_1240, %select_n3A_1254 : vector<8x4096xi32>
    %eq3A_1263 = arith.cmpi eq, %select_n3A_1240, %select_n3A_1254 : vector<8x4096xi32>
    %lt3A_1264 = arith.cmpi slt, %select_n3A_1241, %select_n3A_1261 : vector<8x4096xi32>
    %and3A_1265 = arith.andi %eq3A_1263, %lt3A_1264 : vector<8x4096xi1>
    %or3A_1266 = arith.ori %gt3A_1262, %and3A_1265 : vector<8x4096xi1>
    %and3A_1267 = arith.constant 256 : i32
    %and3A_1268 = vector.broadcast %and3A_1267 : i32 to vector<8x4096xi32>
    %and3A_1269 = arith.andi %add3A, %and3A_1268 : vector<8x4096xi32>
    %eq3A_1270 = arith.constant 0 : i32
    %eq3A_1271 = vector.broadcast %eq3A_1270 : i32 to vector<8x4096xi32>
    %eq3A_1272 = arith.cmpi eq, %and3A_1269, %eq3A_1271 : vector<8x4096xi32>
    %eq3A_1273 = arith.xori %eq3A_1247, %eq3A_1272 : vector<8x4096xi1>
    %eq3A_1274 = arith.constant dense<true> : vector<8x4096xi1>
    %eq3A_1275 = arith.xori %eq3A_1273, %eq3A_1274 : vector<8x4096xi1>
    %ne3A_1276 = arith.xori %or3A_1266, %eq3A_1275 : vector<8x4096xi1>
    %select_n3A_1277 = arith.select %ne3A_1276, %select_n3A_1254, %select_n3A_1240 : vector<8x4096xi1>, vector<8x4096xi32>
    %select_n3A_1278 = arith.select %ne3A_1276, %select_n3A_1261, %select_n3A_1241 : vector<8x4096xi1>, vector<8x4096xi32>
    %and3A_1279 = arith.constant 4 : i32
    %and3A_1280 = vector.broadcast %and3A_1279 : i32 to vector<8x4096xi32>
    %and3A_1281 = arith.andi %add3A, %and3A_1280 : vector<8x4096xi32>
    %eq3A_1282 = arith.constant 0 : i32
    %eq3A_1283 = vector.broadcast %eq3A_1282 : i32 to vector<8x4096xi32>
    %eq3A_1284 = arith.cmpi eq, %and3A_1281, %eq3A_1283 : vector<8x4096xi32>
    %slice3A_1285 = vector.extract_strided_slice %select_n3A_1277 {offsets = [0, 4], sizes = [8, 4092], strides = [1, 1]} : vector<8x4096xi32> to vector<8x4092xi32>
    %slice3A_1286 = vector.extract_strided_slice %select_n3A_1277 {offsets = [0, 0], sizes = [8, 4], strides = [1, 1]} : vector<8x4096xi32> to vector<8x4xi32>
    %concatenate3A_1287 = tpu.concatenate %slice3A_1285, %slice3A_1286 in 1 : vector<8x4092xi32>, vector<8x4xi32> -> vector<8x4096xi32>
    %slice3A_1288 = vector.extract_strided_slice %select_n3A_1277 {offsets = [0, 4092], sizes = [8, 4], strides = [1, 1]} : vector<8x4096xi32> to vector<8x4xi32>
    %slice3A_1289 = vector.extract_strided_slice %select_n3A_1277 {offsets = [0, 0], sizes = [8, 4092], strides = [1, 1]} : vector<8x4096xi32> to vector<8x4092xi32>
    %concatenate3A_1290 = tpu.concatenate %slice3A_1288, %slice3A_1289 in 1 : vector<8x4xi32>, vector<8x4092xi32> -> vector<8x4096xi32>
    %select_n3A_1291 = arith.select %eq3A_1284, %concatenate3A_1287, %concatenate3A_1290 : vector<8x4096xi1>, vector<8x4096xi32>
    %slice3A_1292 = vector.extract_strided_slice %select_n3A_1278 {offsets = [0, 4], sizes = [8, 4092], strides = [1, 1]} : vector<8x4096xi32> to vector<8x4092xi32>
    %slice3A_1293 = vector.extract_strided_slice %select_n3A_1278 {offsets = [0, 0], sizes = [8, 4], strides = [1, 1]} : vector<8x4096xi32> to vector<8x4xi32>
    %concatenate3A_1294 = tpu.concatenate %slice3A_1292, %slice3A_1293 in 1 : vector<8x4092xi32>, vector<8x4xi32> -> vector<8x4096xi32>
    %slice3A_1295 = vector.extract_strided_slice %select_n3A_1278 {offsets = [0, 4092], sizes = [8, 4], strides = [1, 1]} : vector<8x4096xi32> to vector<8x4xi32>
    %slice3A_1296 = vector.extract_strided_slice %select_n3A_1278 {offsets = [0, 0], sizes = [8, 4092], strides = [1, 1]} : vector<8x4096xi32> to vector<8x4092xi32>
    %concatenate3A_1297 = tpu.concatenate %slice3A_1295, %slice3A_1296 in 1 : vector<8x4xi32>, vector<8x4092xi32> -> vector<8x4096xi32>
    %select_n3A_1298 = arith.select %eq3A_1284, %concatenate3A_1294, %concatenate3A_1297 : vector<8x4096xi1>, vector<8x4096xi32>
    %gt3A_1299 = arith.cmpi sgt, %select_n3A_1277, %select_n3A_1291 : vector<8x4096xi32>
    %eq3A_1300 = arith.cmpi eq, %select_n3A_1277, %select_n3A_1291 : vector<8x4096xi32>
    %lt3A_1301 = arith.cmpi slt, %select_n3A_1278, %select_n3A_1298 : vector<8x4096xi32>
    %and3A_1302 = arith.andi %eq3A_1300, %lt3A_1301 : vector<8x4096xi1>
    %or3A_1303 = arith.ori %gt3A_1299, %and3A_1302 : vector<8x4096xi1>
    %and3A_1304 = arith.constant 256 : i32
    %and3A_1305 = vector.broadcast %and3A_1304 : i32 to vector<8x4096xi32>
    %and3A_1306 = arith.andi %add3A, %and3A_1305 : vector<8x4096xi32>
    %eq3A_1307 = arith.constant 0 : i32
    %eq3A_1308 = vector.broadcast %eq3A_1307 : i32 to vector<8x4096xi32>
    %eq3A_1309 = arith.cmpi eq, %and3A_1306, %eq3A_1308 : vector<8x4096xi32>
    %eq3A_1310 = arith.xori %eq3A_1284, %eq3A_1309 : vector<8x4096xi1>
    %eq3A_1311 = arith.constant dense<true> : vector<8x4096xi1>
    %eq3A_1312 = arith.xori %eq3A_1310, %eq3A_1311 : vector<8x4096xi1>
    %ne3A_1313 = arith.xori %or3A_1303, %eq3A_1312 : vector<8x4096xi1>
    %select_n3A_1314 = arith.select %ne3A_1313, %select_n3A_1291, %select_n3A_1277 : vector<8x4096xi1>, vector<8x4096xi32>
    %select_n3A_1315 = arith.select %ne3A_1313, %select_n3A_1298, %select_n3A_1278 : vector<8x4096xi1>, vector<8x4096xi32>
    %and3A_1316 = arith.constant 2 : i32
    %and3A_1317 = vector.broadcast %and3A_1316 : i32 to vector<8x4096xi32>
    %and3A_1318 = arith.andi %add3A, %and3A_1317 : vector<8x4096xi32>
    %eq3A_1319 = arith.constant 0 : i32
    %eq3A_1320 = vector.broadcast %eq3A_1319 : i32 to vector<8x4096xi32>
    %eq3A_1321 = arith.cmpi eq, %and3A_1318, %eq3A_1320 : vector<8x4096xi32>
    %slice3A_1322 = vector.extract_strided_slice %select_n3A_1314 {offsets = [0, 2], sizes = [8, 4094], strides = [1, 1]} : vector<8x4096xi32> to vector<8x4094xi32>
    %slice3A_1323 = vector.extract_strided_slice %select_n3A_1314 {offsets = [0, 0], sizes = [8, 2], strides = [1, 1]} : vector<8x4096xi32> to vector<8x2xi32>
    %concatenate3A_1324 = tpu.concatenate %slice3A_1322, %slice3A_1323 in 1 : vector<8x4094xi32>, vector<8x2xi32> -> vector<8x4096xi32>
    %slice3A_1325 = vector.extract_strided_slice %select_n3A_1314 {offsets = [0, 4094], sizes = [8, 2], strides = [1, 1]} : vector<8x4096xi32> to vector<8x2xi32>
    %slice3A_1326 = vector.extract_strided_slice %select_n3A_1314 {offsets = [0, 0], sizes = [8, 4094], strides = [1, 1]} : vector<8x4096xi32> to vector<8x4094xi32>
    %concatenate3A_1327 = tpu.concatenate %slice3A_1325, %slice3A_1326 in 1 : vector<8x2xi32>, vector<8x4094xi32> -> vector<8x4096xi32>
    %select_n3A_1328 = arith.select %eq3A_1321, %concatenate3A_1324, %concatenate3A_1327 : vector<8x4096xi1>, vector<8x4096xi32>
    %slice3A_1329 = vector.extract_strided_slice %select_n3A_1315 {offsets = [0, 2], sizes = [8, 4094], strides = [1, 1]} : vector<8x4096xi32> to vector<8x4094xi32>
    %slice3A_1330 = vector.extract_strided_slice %select_n3A_1315 {offsets = [0, 0], sizes = [8, 2], strides = [1, 1]} : vector<8x4096xi32> to vector<8x2xi32>
    %concatenate3A_1331 = tpu.concatenate %slice3A_1329, %slice3A_1330 in 1 : vector<8x4094xi32>, vector<8x2xi32> -> vector<8x4096xi32>
    %slice3A_1332 = vector.extract_strided_slice %select_n3A_1315 {offsets = [0, 4094], sizes = [8, 2], strides = [1, 1]} : vector<8x4096xi32> to vector<8x2xi32>
    %slice3A_1333 = vector.extract_strided_slice %select_n3A_1315 {offsets = [0, 0], sizes = [8, 4094], strides = [1, 1]} : vector<8x4096xi32> to vector<8x4094xi32>
    %concatenate3A_1334 = tpu.concatenate %slice3A_1332, %slice3A_1333 in 1 : vector<8x2xi32>, vector<8x4094xi32> -> vector<8x4096xi32>
    %select_n3A_1335 = arith.select %eq3A_1321, %concatenate3A_1331, %concatenate3A_1334 : vector<8x4096xi1>, vector<8x4096xi32>
    %gt3A_1336 = arith.cmpi sgt, %select_n3A_1314, %select_n3A_1328 : vector<8x4096xi32>
    %eq3A_1337 = arith.cmpi eq, %select_n3A_1314, %select_n3A_1328 : vector<8x4096xi32>
    %lt3A_1338 = arith.cmpi slt, %select_n3A_1315, %select_n3A_1335 : vector<8x4096xi32>
    %and3A_1339 = arith.andi %eq3A_1337, %lt3A_1338 : vector<8x4096xi1>
    %or3A_1340 = arith.ori %gt3A_1336, %and3A_1339 : vector<8x4096xi1>
    %and3A_1341 = arith.constant 256 : i32
    %and3A_1342 = vector.broadcast %and3A_1341 : i32 to vector<8x4096xi32>
    %and3A_1343 = arith.andi %add3A, %and3A_1342 : vector<8x4096xi32>
    %eq3A_1344 = arith.constant 0 : i32
    %eq3A_1345 = vector.broadcast %eq3A_1344 : i32 to vector<8x4096xi32>
    %eq3A_1346 = arith.cmpi eq, %and3A_1343, %eq3A_1345 : vector<8x4096xi32>
    %eq3A_1347 = arith.xori %eq3A_1321, %eq3A_1346 : vector<8x4096xi1>
    %eq3A_1348 = arith.constant dense<true> : vector<8x4096xi1>
    %eq3A_1349 = arith.xori %eq3A_1347, %eq3A_1348 : vector<8x4096xi1>
    %ne3A_1350 = arith.xori %or3A_1340, %eq3A_1349 : vector<8x4096xi1>
    %select_n3A_1351 = arith.select %ne3A_1350, %select_n3A_1328, %select_n3A_1314 : vector<8x4096xi1>, vector<8x4096xi32>
    %select_n3A_1352 = arith.select %ne3A_1350, %select_n3A_1335, %select_n3A_1315 : vector<8x4096xi1>, vector<8x4096xi32>
    %and3A_1353 = arith.constant 1 : i32
    %and3A_1354 = vector.broadcast %and3A_1353 : i32 to vector<8x4096xi32>
    %and3A_1355 = arith.andi %add3A, %and3A_1354 : vector<8x4096xi32>
    %eq3A_1356 = arith.constant 0 : i32
    %eq3A_1357 = vector.broadcast %eq3A_1356 : i32 to vector<8x4096xi32>
    %eq3A_1358 = arith.cmpi eq, %and3A_1355, %eq3A_1357 : vector<8x4096xi32>
    %slice3A_1359 = vector.extract_strided_slice %select_n3A_1351 {offsets = [0, 1], sizes = [8, 4095], strides = [1, 1]} : vector<8x4096xi32> to vector<8x4095xi32>
    %slice3A_1360 = vector.extract_strided_slice %select_n3A_1351 {offsets = [0, 0], sizes = [8, 1], strides = [1, 1]} : vector<8x4096xi32> to vector<8x1xi32>
    %concatenate3A_1361 = tpu.concatenate %slice3A_1359, %slice3A_1360 in 1 : vector<8x4095xi32>, vector<8x1xi32> -> vector<8x4096xi32>
    %slice3A_1362 = vector.extract_strided_slice %select_n3A_1351 {offsets = [0, 4095], sizes = [8, 1], strides = [1, 1]} : vector<8x4096xi32> to vector<8x1xi32>
    %slice3A_1363 = vector.extract_strided_slice %select_n3A_1351 {offsets = [0, 0], sizes = [8, 4095], strides = [1, 1]} : vector<8x4096xi32> to vector<8x4095xi32>
    %concatenate3A_1364 = tpu.concatenate %slice3A_1362, %slice3A_1363 in 1 : vector<8x1xi32>, vector<8x4095xi32> -> vector<8x4096xi32>
    %select_n3A_1365 = arith.select %eq3A_1358, %concatenate3A_1361, %concatenate3A_1364 : vector<8x4096xi1>, vector<8x4096xi32>
    %slice3A_1366 = vector.extract_strided_slice %select_n3A_1352 {offsets = [0, 1], sizes = [8, 4095], strides = [1, 1]} : vector<8x4096xi32> to vector<8x4095xi32>
    %slice3A_1367 = vector.extract_strided_slice %select_n3A_1352 {offsets = [0, 0], sizes = [8, 1], strides = [1, 1]} : vector<8x4096xi32> to vector<8x1xi32>
    %concatenate3A_1368 = tpu.concatenate %slice3A_1366, %slice3A_1367 in 1 : vector<8x4095xi32>, vector<8x1xi32> -> vector<8x4096xi32>
    %slice3A_1369 = vector.extract_strided_slice %select_n3A_1352 {offsets = [0, 4095], sizes = [8, 1], strides = [1, 1]} : vector<8x4096xi32> to vector<8x1xi32>
    %slice3A_1370 = vector.extract_strided_slice %select_n3A_1352 {offsets = [0, 0], sizes = [8, 4095], strides = [1, 1]} : vector<8x4096xi32> to vector<8x4095xi32>
    %concatenate3A_1371 = tpu.concatenate %slice3A_1369, %slice3A_1370 in 1 : vector<8x1xi32>, vector<8x4095xi32> -> vector<8x4096xi32>
    %select_n3A_1372 = arith.select %eq3A_1358, %concatenate3A_1368, %concatenate3A_1371 : vector<8x4096xi1>, vector<8x4096xi32>
    %gt3A_1373 = arith.cmpi sgt, %select_n3A_1351, %select_n3A_1365 : vector<8x4096xi32>
    %eq3A_1374 = arith.cmpi eq, %select_n3A_1351, %select_n3A_1365 : vector<8x4096xi32>
    %lt3A_1375 = arith.cmpi slt, %select_n3A_1352, %select_n3A_1372 : vector<8x4096xi32>
    %and3A_1376 = arith.andi %eq3A_1374, %lt3A_1375 : vector<8x4096xi1>
    %or3A_1377 = arith.ori %gt3A_1373, %and3A_1376 : vector<8x4096xi1>
    %and3A_1378 = arith.constant 256 : i32
    %and3A_1379 = vector.broadcast %and3A_1378 : i32 to vector<8x4096xi32>
    %and3A_1380 = arith.andi %add3A, %and3A_1379 : vector<8x4096xi32>
    %eq3A_1381 = arith.constant 0 : i32
    %eq3A_1382 = vector.broadcast %eq3A_1381 : i32 to vector<8x4096xi32>
    %eq3A_1383 = arith.cmpi eq, %and3A_1380, %eq3A_1382 : vector<8x4096xi32>
    %eq3A_1384 = arith.xori %eq3A_1358, %eq3A_1383 : vector<8x4096xi1>
    %eq3A_1385 = arith.constant dense<true> : vector<8x4096xi1>
    %eq3A_1386 = arith.xori %eq3A_1384, %eq3A_1385 : vector<8x4096xi1>
    %ne3A_1387 = arith.xori %or3A_1377, %eq3A_1386 : vector<8x4096xi1>
    %select_n3A_1388 = arith.select %ne3A_1387, %select_n3A_1365, %select_n3A_1351 : vector<8x4096xi1>, vector<8x4096xi32>
    %select_n3A_1389 = arith.select %ne3A_1387, %select_n3A_1372, %select_n3A_1352 : vector<8x4096xi1>, vector<8x4096xi32>
    %and3A_1390 = arith.constant 256 : i32
    %and3A_1391 = vector.broadcast %and3A_1390 : i32 to vector<8x4096xi32>
    %and3A_1392 = arith.andi %add3A, %and3A_1391 : vector<8x4096xi32>
    %eq3A_1393 = arith.constant 0 : i32
    %eq3A_1394 = vector.broadcast %eq3A_1393 : i32 to vector<8x4096xi32>
    %eq3A_1395 = arith.cmpi eq, %and3A_1392, %eq3A_1394 : vector<8x4096xi32>
    %slice3A_1396 = vector.extract_strided_slice %select_n3A_1388 {offsets = [0, 256], sizes = [8, 3840], strides = [1, 1]} : vector<8x4096xi32> to vector<8x3840xi32>
    %slice3A_1397 = vector.extract_strided_slice %select_n3A_1388 {offsets = [0, 0], sizes = [8, 256], strides = [1, 1]} : vector<8x4096xi32> to vector<8x256xi32>
    %concatenate3A_1398 = tpu.concatenate %slice3A_1396, %slice3A_1397 in 1 : vector<8x3840xi32>, vector<8x256xi32> -> vector<8x4096xi32>
    %slice3A_1399 = vector.extract_strided_slice %select_n3A_1388 {offsets = [0, 3840], sizes = [8, 256], strides = [1, 1]} : vector<8x4096xi32> to vector<8x256xi32>
    %slice3A_1400 = vector.extract_strided_slice %select_n3A_1388 {offsets = [0, 0], sizes = [8, 3840], strides = [1, 1]} : vector<8x4096xi32> to vector<8x3840xi32>
    %concatenate3A_1401 = tpu.concatenate %slice3A_1399, %slice3A_1400 in 1 : vector<8x256xi32>, vector<8x3840xi32> -> vector<8x4096xi32>
    %select_n3A_1402 = arith.select %eq3A_1395, %concatenate3A_1398, %concatenate3A_1401 : vector<8x4096xi1>, vector<8x4096xi32>
    %slice3A_1403 = vector.extract_strided_slice %select_n3A_1389 {offsets = [0, 256], sizes = [8, 3840], strides = [1, 1]} : vector<8x4096xi32> to vector<8x3840xi32>
    %slice3A_1404 = vector.extract_strided_slice %select_n3A_1389 {offsets = [0, 0], sizes = [8, 256], strides = [1, 1]} : vector<8x4096xi32> to vector<8x256xi32>
    %concatenate3A_1405 = tpu.concatenate %slice3A_1403, %slice3A_1404 in 1 : vector<8x3840xi32>, vector<8x256xi32> -> vector<8x4096xi32>
    %slice3A_1406 = vector.extract_strided_slice %select_n3A_1389 {offsets = [0, 3840], sizes = [8, 256], strides = [1, 1]} : vector<8x4096xi32> to vector<8x256xi32>
    %slice3A_1407 = vector.extract_strided_slice %select_n3A_1389 {offsets = [0, 0], sizes = [8, 3840], strides = [1, 1]} : vector<8x4096xi32> to vector<8x3840xi32>
    %concatenate3A_1408 = tpu.concatenate %slice3A_1406, %slice3A_1407 in 1 : vector<8x256xi32>, vector<8x3840xi32> -> vector<8x4096xi32>
    %select_n3A_1409 = arith.select %eq3A_1395, %concatenate3A_1405, %concatenate3A_1408 : vector<8x4096xi1>, vector<8x4096xi32>
    %gt3A_1410 = arith.cmpi sgt, %select_n3A_1388, %select_n3A_1402 : vector<8x4096xi32>
    %eq3A_1411 = arith.cmpi eq, %select_n3A_1388, %select_n3A_1402 : vector<8x4096xi32>
    %lt3A_1412 = arith.cmpi slt, %select_n3A_1389, %select_n3A_1409 : vector<8x4096xi32>
    %and3A_1413 = arith.andi %eq3A_1411, %lt3A_1412 : vector<8x4096xi1>
    %or3A_1414 = arith.ori %gt3A_1410, %and3A_1413 : vector<8x4096xi1>
    %and3A_1415 = arith.constant 512 : i32
    %and3A_1416 = vector.broadcast %and3A_1415 : i32 to vector<8x4096xi32>
    %and3A_1417 = arith.andi %add3A, %and3A_1416 : vector<8x4096xi32>
    %eq3A_1418 = arith.constant 0 : i32
    %eq3A_1419 = vector.broadcast %eq3A_1418 : i32 to vector<8x4096xi32>
    %eq3A_1420 = arith.cmpi eq, %and3A_1417, %eq3A_1419 : vector<8x4096xi32>
    %eq3A_1421 = arith.xori %eq3A_1395, %eq3A_1420 : vector<8x4096xi1>
    %eq3A_1422 = arith.constant dense<true> : vector<8x4096xi1>
    %eq3A_1423 = arith.xori %eq3A_1421, %eq3A_1422 : vector<8x4096xi1>
    %ne3A_1424 = arith.xori %or3A_1414, %eq3A_1423 : vector<8x4096xi1>
    %select_n3A_1425 = arith.select %ne3A_1424, %select_n3A_1402, %select_n3A_1388 : vector<8x4096xi1>, vector<8x4096xi32>
    %select_n3A_1426 = arith.select %ne3A_1424, %select_n3A_1409, %select_n3A_1389 : vector<8x4096xi1>, vector<8x4096xi32>
    %and3A_1427 = arith.constant 128 : i32
    %and3A_1428 = vector.broadcast %and3A_1427 : i32 to vector<8x4096xi32>
    %and3A_1429 = arith.andi %add3A, %and3A_1428 : vector<8x4096xi32>
    %eq3A_1430 = arith.constant 0 : i32
    %eq3A_1431 = vector.broadcast %eq3A_1430 : i32 to vector<8x4096xi32>
    %eq3A_1432 = arith.cmpi eq, %and3A_1429, %eq3A_1431 : vector<8x4096xi32>
    %slice3A_1433 = vector.extract_strided_slice %select_n3A_1425 {offsets = [0, 128], sizes = [8, 3968], strides = [1, 1]} : vector<8x4096xi32> to vector<8x3968xi32>
    %slice3A_1434 = vector.extract_strided_slice %select_n3A_1425 {offsets = [0, 0], sizes = [8, 128], strides = [1, 1]} : vector<8x4096xi32> to vector<8x128xi32>
    %concatenate3A_1435 = tpu.concatenate %slice3A_1433, %slice3A_1434 in 1 : vector<8x3968xi32>, vector<8x128xi32> -> vector<8x4096xi32>
    %slice3A_1436 = vector.extract_strided_slice %select_n3A_1425 {offsets = [0, 3968], sizes = [8, 128], strides = [1, 1]} : vector<8x4096xi32> to vector<8x128xi32>
    %slice3A_1437 = vector.extract_strided_slice %select_n3A_1425 {offsets = [0, 0], sizes = [8, 3968], strides = [1, 1]} : vector<8x4096xi32> to vector<8x3968xi32>
    %concatenate3A_1438 = tpu.concatenate %slice3A_1436, %slice3A_1437 in 1 : vector<8x128xi32>, vector<8x3968xi32> -> vector<8x4096xi32>
    %select_n3A_1439 = arith.select %eq3A_1432, %concatenate3A_1435, %concatenate3A_1438 : vector<8x4096xi1>, vector<8x4096xi32>
    %slice3A_1440 = vector.extract_strided_slice %select_n3A_1426 {offsets = [0, 128], sizes = [8, 3968], strides = [1, 1]} : vector<8x4096xi32> to vector<8x3968xi32>
    %slice3A_1441 = vector.extract_strided_slice %select_n3A_1426 {offsets = [0, 0], sizes = [8, 128], strides = [1, 1]} : vector<8x4096xi32> to vector<8x128xi32>
    %concatenate3A_1442 = tpu.concatenate %slice3A_1440, %slice3A_1441 in 1 : vector<8x3968xi32>, vector<8x128xi32> -> vector<8x4096xi32>
    %slice3A_1443 = vector.extract_strided_slice %select_n3A_1426 {offsets = [0, 3968], sizes = [8, 128], strides = [1, 1]} : vector<8x4096xi32> to vector<8x128xi32>
    %slice3A_1444 = vector.extract_strided_slice %select_n3A_1426 {offsets = [0, 0], sizes = [8, 3968], strides = [1, 1]} : vector<8x4096xi32> to vector<8x3968xi32>
    %concatenate3A_1445 = tpu.concatenate %slice3A_1443, %slice3A_1444 in 1 : vector<8x128xi32>, vector<8x3968xi32> -> vector<8x4096xi32>
    %select_n3A_1446 = arith.select %eq3A_1432, %concatenate3A_1442, %concatenate3A_1445 : vector<8x4096xi1>, vector<8x4096xi32>
    %gt3A_1447 = arith.cmpi sgt, %select_n3A_1425, %select_n3A_1439 : vector<8x4096xi32>
    %eq3A_1448 = arith.cmpi eq, %select_n3A_1425, %select_n3A_1439 : vector<8x4096xi32>
    %lt3A_1449 = arith.cmpi slt, %select_n3A_1426, %select_n3A_1446 : vector<8x4096xi32>
    %and3A_1450 = arith.andi %eq3A_1448, %lt3A_1449 : vector<8x4096xi1>
    %or3A_1451 = arith.ori %gt3A_1447, %and3A_1450 : vector<8x4096xi1>
    %and3A_1452 = arith.constant 512 : i32
    %and3A_1453 = vector.broadcast %and3A_1452 : i32 to vector<8x4096xi32>
    %and3A_1454 = arith.andi %add3A, %and3A_1453 : vector<8x4096xi32>
    %eq3A_1455 = arith.constant 0 : i32
    %eq3A_1456 = vector.broadcast %eq3A_1455 : i32 to vector<8x4096xi32>
    %eq3A_1457 = arith.cmpi eq, %and3A_1454, %eq3A_1456 : vector<8x4096xi32>
    %eq3A_1458 = arith.xori %eq3A_1432, %eq3A_1457 : vector<8x4096xi1>
    %eq3A_1459 = arith.constant dense<true> : vector<8x4096xi1>
    %eq3A_1460 = arith.xori %eq3A_1458, %eq3A_1459 : vector<8x4096xi1>
    %ne3A_1461 = arith.xori %or3A_1451, %eq3A_1460 : vector<8x4096xi1>
    %select_n3A_1462 = arith.select %ne3A_1461, %select_n3A_1439, %select_n3A_1425 : vector<8x4096xi1>, vector<8x4096xi32>
    %select_n3A_1463 = arith.select %ne3A_1461, %select_n3A_1446, %select_n3A_1426 : vector<8x4096xi1>, vector<8x4096xi32>
    %and3A_1464 = arith.constant 64 : i32
    %and3A_1465 = vector.broadcast %and3A_1464 : i32 to vector<8x4096xi32>
    %and3A_1466 = arith.andi %add3A, %and3A_1465 : vector<8x4096xi32>
    %eq3A_1467 = arith.constant 0 : i32
    %eq3A_1468 = vector.broadcast %eq3A_1467 : i32 to vector<8x4096xi32>
    %eq3A_1469 = arith.cmpi eq, %and3A_1466, %eq3A_1468 : vector<8x4096xi32>
    %slice3A_1470 = vector.extract_strided_slice %select_n3A_1462 {offsets = [0, 64], sizes = [8, 4032], strides = [1, 1]} : vector<8x4096xi32> to vector<8x4032xi32>
    %slice3A_1471 = vector.extract_strided_slice %select_n3A_1462 {offsets = [0, 0], sizes = [8, 64], strides = [1, 1]} : vector<8x4096xi32> to vector<8x64xi32>
    %concatenate3A_1472 = tpu.concatenate %slice3A_1470, %slice3A_1471 in 1 : vector<8x4032xi32>, vector<8x64xi32> -> vector<8x4096xi32>
    %slice3A_1473 = vector.extract_strided_slice %select_n3A_1462 {offsets = [0, 4032], sizes = [8, 64], strides = [1, 1]} : vector<8x4096xi32> to vector<8x64xi32>
    %slice3A_1474 = vector.extract_strided_slice %select_n3A_1462 {offsets = [0, 0], sizes = [8, 4032], strides = [1, 1]} : vector<8x4096xi32> to vector<8x4032xi32>
    %concatenate3A_1475 = tpu.concatenate %slice3A_1473, %slice3A_1474 in 1 : vector<8x64xi32>, vector<8x4032xi32> -> vector<8x4096xi32>
    %select_n3A_1476 = arith.select %eq3A_1469, %concatenate3A_1472, %concatenate3A_1475 : vector<8x4096xi1>, vector<8x4096xi32>
    %slice3A_1477 = vector.extract_strided_slice %select_n3A_1463 {offsets = [0, 64], sizes = [8, 4032], strides = [1, 1]} : vector<8x4096xi32> to vector<8x4032xi32>
    %slice3A_1478 = vector.extract_strided_slice %select_n3A_1463 {offsets = [0, 0], sizes = [8, 64], strides = [1, 1]} : vector<8x4096xi32> to vector<8x64xi32>
    %concatenate3A_1479 = tpu.concatenate %slice3A_1477, %slice3A_1478 in 1 : vector<8x4032xi32>, vector<8x64xi32> -> vector<8x4096xi32>
    %slice3A_1480 = vector.extract_strided_slice %select_n3A_1463 {offsets = [0, 4032], sizes = [8, 64], strides = [1, 1]} : vector<8x4096xi32> to vector<8x64xi32>
    %slice3A_1481 = vector.extract_strided_slice %select_n3A_1463 {offsets = [0, 0], sizes = [8, 4032], strides = [1, 1]} : vector<8x4096xi32> to vector<8x4032xi32>
    %concatenate3A_1482 = tpu.concatenate %slice3A_1480, %slice3A_1481 in 1 : vector<8x64xi32>, vector<8x4032xi32> -> vector<8x4096xi32>
    %select_n3A_1483 = arith.select %eq3A_1469, %concatenate3A_1479, %concatenate3A_1482 : vector<8x4096xi1>, vector<8x4096xi32>
    %gt3A_1484 = arith.cmpi sgt, %select_n3A_1462, %select_n3A_1476 : vector<8x4096xi32>
    %eq3A_1485 = arith.cmpi eq, %select_n3A_1462, %select_n3A_1476 : vector<8x4096xi32>
    %lt3A_1486 = arith.cmpi slt, %select_n3A_1463, %select_n3A_1483 : vector<8x4096xi32>
    %and3A_1487 = arith.andi %eq3A_1485, %lt3A_1486 : vector<8x4096xi1>
    %or3A_1488 = arith.ori %gt3A_1484, %and3A_1487 : vector<8x4096xi1>
    %and3A_1489 = arith.constant 512 : i32
    %and3A_1490 = vector.broadcast %and3A_1489 : i32 to vector<8x4096xi32>
    %and3A_1491 = arith.andi %add3A, %and3A_1490 : vector<8x4096xi32>
    %eq3A_1492 = arith.constant 0 : i32
    %eq3A_1493 = vector.broadcast %eq3A_1492 : i32 to vector<8x4096xi32>
    %eq3A_1494 = arith.cmpi eq, %and3A_1491, %eq3A_1493 : vector<8x4096xi32>
    %eq3A_1495 = arith.xori %eq3A_1469, %eq3A_1494 : vector<8x4096xi1>
    %eq3A_1496 = arith.constant dense<true> : vector<8x4096xi1>
    %eq3A_1497 = arith.xori %eq3A_1495, %eq3A_1496 : vector<8x4096xi1>
    %ne3A_1498 = arith.xori %or3A_1488, %eq3A_1497 : vector<8x4096xi1>
    %select_n3A_1499 = arith.select %ne3A_1498, %select_n3A_1476, %select_n3A_1462 : vector<8x4096xi1>, vector<8x4096xi32>
    %select_n3A_1500 = arith.select %ne3A_1498, %select_n3A_1483, %select_n3A_1463 : vector<8x4096xi1>, vector<8x4096xi32>
    %and3A_1501 = arith.constant 32 : i32
    %and3A_1502 = vector.broadcast %and3A_1501 : i32 to vector<8x4096xi32>
    %and3A_1503 = arith.andi %add3A, %and3A_1502 : vector<8x4096xi32>
    %eq3A_1504 = arith.constant 0 : i32
    %eq3A_1505 = vector.broadcast %eq3A_1504 : i32 to vector<8x4096xi32>
    %eq3A_1506 = arith.cmpi eq, %and3A_1503, %eq3A_1505 : vector<8x4096xi32>
    %slice3A_1507 = vector.extract_strided_slice %select_n3A_1499 {offsets = [0, 32], sizes = [8, 4064], strides = [1, 1]} : vector<8x4096xi32> to vector<8x4064xi32>
    %slice3A_1508 = vector.extract_strided_slice %select_n3A_1499 {offsets = [0, 0], sizes = [8, 32], strides = [1, 1]} : vector<8x4096xi32> to vector<8x32xi32>
    %concatenate3A_1509 = tpu.concatenate %slice3A_1507, %slice3A_1508 in 1 : vector<8x4064xi32>, vector<8x32xi32> -> vector<8x4096xi32>
    %slice3A_1510 = vector.extract_strided_slice %select_n3A_1499 {offsets = [0, 4064], sizes = [8, 32], strides = [1, 1]} : vector<8x4096xi32> to vector<8x32xi32>
    %slice3A_1511 = vector.extract_strided_slice %select_n3A_1499 {offsets = [0, 0], sizes = [8, 4064], strides = [1, 1]} : vector<8x4096xi32> to vector<8x4064xi32>
    %concatenate3A_1512 = tpu.concatenate %slice3A_1510, %slice3A_1511 in 1 : vector<8x32xi32>, vector<8x4064xi32> -> vector<8x4096xi32>
    %select_n3A_1513 = arith.select %eq3A_1506, %concatenate3A_1509, %concatenate3A_1512 : vector<8x4096xi1>, vector<8x4096xi32>
    %slice3A_1514 = vector.extract_strided_slice %select_n3A_1500 {offsets = [0, 32], sizes = [8, 4064], strides = [1, 1]} : vector<8x4096xi32> to vector<8x4064xi32>
    %slice3A_1515 = vector.extract_strided_slice %select_n3A_1500 {offsets = [0, 0], sizes = [8, 32], strides = [1, 1]} : vector<8x4096xi32> to vector<8x32xi32>
    %concatenate3A_1516 = tpu.concatenate %slice3A_1514, %slice3A_1515 in 1 : vector<8x4064xi32>, vector<8x32xi32> -> vector<8x4096xi32>
    %slice3A_1517 = vector.extract_strided_slice %select_n3A_1500 {offsets = [0, 4064], sizes = [8, 32], strides = [1, 1]} : vector<8x4096xi32> to vector<8x32xi32>
    %slice3A_1518 = vector.extract_strided_slice %select_n3A_1500 {offsets = [0, 0], sizes = [8, 4064], strides = [1, 1]} : vector<8x4096xi32> to vector<8x4064xi32>
    %concatenate3A_1519 = tpu.concatenate %slice3A_1517, %slice3A_1518 in 1 : vector<8x32xi32>, vector<8x4064xi32> -> vector<8x4096xi32>
    %select_n3A_1520 = arith.select %eq3A_1506, %concatenate3A_1516, %concatenate3A_1519 : vector<8x4096xi1>, vector<8x4096xi32>
    %gt3A_1521 = arith.cmpi sgt, %select_n3A_1499, %select_n3A_1513 : vector<8x4096xi32>
    %eq3A_1522 = arith.cmpi eq, %select_n3A_1499, %select_n3A_1513 : vector<8x4096xi32>
    %lt3A_1523 = arith.cmpi slt, %select_n3A_1500, %select_n3A_1520 : vector<8x4096xi32>
    %and3A_1524 = arith.andi %eq3A_1522, %lt3A_1523 : vector<8x4096xi1>
    %or3A_1525 = arith.ori %gt3A_1521, %and3A_1524 : vector<8x4096xi1>
    %and3A_1526 = arith.constant 512 : i32
    %and3A_1527 = vector.broadcast %and3A_1526 : i32 to vector<8x4096xi32>
    %and3A_1528 = arith.andi %add3A, %and3A_1527 : vector<8x4096xi32>
    %eq3A_1529 = arith.constant 0 : i32
    %eq3A_1530 = vector.broadcast %eq3A_1529 : i32 to vector<8x4096xi32>
    %eq3A_1531 = arith.cmpi eq, %and3A_1528, %eq3A_1530 : vector<8x4096xi32>
    %eq3A_1532 = arith.xori %eq3A_1506, %eq3A_1531 : vector<8x4096xi1>
    %eq3A_1533 = arith.constant dense<true> : vector<8x4096xi1>
    %eq3A_1534 = arith.xori %eq3A_1532, %eq3A_1533 : vector<8x4096xi1>
    %ne3A_1535 = arith.xori %or3A_1525, %eq3A_1534 : vector<8x4096xi1>
    %select_n3A_1536 = arith.select %ne3A_1535, %select_n3A_1513, %select_n3A_1499 : vector<8x4096xi1>, vector<8x4096xi32>
    %select_n3A_1537 = arith.select %ne3A_1535, %select_n3A_1520, %select_n3A_1500 : vector<8x4096xi1>, vector<8x4096xi32>
    %and3A_1538 = arith.constant 16 : i32
    %and3A_1539 = vector.broadcast %and3A_1538 : i32 to vector<8x4096xi32>
    %and3A_1540 = arith.andi %add3A, %and3A_1539 : vector<8x4096xi32>
    %eq3A_1541 = arith.constant 0 : i32
    %eq3A_1542 = vector.broadcast %eq3A_1541 : i32 to vector<8x4096xi32>
    %eq3A_1543 = arith.cmpi eq, %and3A_1540, %eq3A_1542 : vector<8x4096xi32>
    %slice3A_1544 = vector.extract_strided_slice %select_n3A_1536 {offsets = [0, 16], sizes = [8, 4080], strides = [1, 1]} : vector<8x4096xi32> to vector<8x4080xi32>
    %slice3A_1545 = vector.extract_strided_slice %select_n3A_1536 {offsets = [0, 0], sizes = [8, 16], strides = [1, 1]} : vector<8x4096xi32> to vector<8x16xi32>
    %concatenate3A_1546 = tpu.concatenate %slice3A_1544, %slice3A_1545 in 1 : vector<8x4080xi32>, vector<8x16xi32> -> vector<8x4096xi32>
    %slice3A_1547 = vector.extract_strided_slice %select_n3A_1536 {offsets = [0, 4080], sizes = [8, 16], strides = [1, 1]} : vector<8x4096xi32> to vector<8x16xi32>
    %slice3A_1548 = vector.extract_strided_slice %select_n3A_1536 {offsets = [0, 0], sizes = [8, 4080], strides = [1, 1]} : vector<8x4096xi32> to vector<8x4080xi32>
    %concatenate3A_1549 = tpu.concatenate %slice3A_1547, %slice3A_1548 in 1 : vector<8x16xi32>, vector<8x4080xi32> -> vector<8x4096xi32>
    %select_n3A_1550 = arith.select %eq3A_1543, %concatenate3A_1546, %concatenate3A_1549 : vector<8x4096xi1>, vector<8x4096xi32>
    %slice3A_1551 = vector.extract_strided_slice %select_n3A_1537 {offsets = [0, 16], sizes = [8, 4080], strides = [1, 1]} : vector<8x4096xi32> to vector<8x4080xi32>
    %slice3A_1552 = vector.extract_strided_slice %select_n3A_1537 {offsets = [0, 0], sizes = [8, 16], strides = [1, 1]} : vector<8x4096xi32> to vector<8x16xi32>
    %concatenate3A_1553 = tpu.concatenate %slice3A_1551, %slice3A_1552 in 1 : vector<8x4080xi32>, vector<8x16xi32> -> vector<8x4096xi32>
    %slice3A_1554 = vector.extract_strided_slice %select_n3A_1537 {offsets = [0, 4080], sizes = [8, 16], strides = [1, 1]} : vector<8x4096xi32> to vector<8x16xi32>
    %slice3A_1555 = vector.extract_strided_slice %select_n3A_1537 {offsets = [0, 0], sizes = [8, 4080], strides = [1, 1]} : vector<8x4096xi32> to vector<8x4080xi32>
    %concatenate3A_1556 = tpu.concatenate %slice3A_1554, %slice3A_1555 in 1 : vector<8x16xi32>, vector<8x4080xi32> -> vector<8x4096xi32>
    %select_n3A_1557 = arith.select %eq3A_1543, %concatenate3A_1553, %concatenate3A_1556 : vector<8x4096xi1>, vector<8x4096xi32>
    %gt3A_1558 = arith.cmpi sgt, %select_n3A_1536, %select_n3A_1550 : vector<8x4096xi32>
    %eq3A_1559 = arith.cmpi eq, %select_n3A_1536, %select_n3A_1550 : vector<8x4096xi32>
    %lt3A_1560 = arith.cmpi slt, %select_n3A_1537, %select_n3A_1557 : vector<8x4096xi32>
    %and3A_1561 = arith.andi %eq3A_1559, %lt3A_1560 : vector<8x4096xi1>
    %or3A_1562 = arith.ori %gt3A_1558, %and3A_1561 : vector<8x4096xi1>
    %and3A_1563 = arith.constant 512 : i32
    %and3A_1564 = vector.broadcast %and3A_1563 : i32 to vector<8x4096xi32>
    %and3A_1565 = arith.andi %add3A, %and3A_1564 : vector<8x4096xi32>
    %eq3A_1566 = arith.constant 0 : i32
    %eq3A_1567 = vector.broadcast %eq3A_1566 : i32 to vector<8x4096xi32>
    %eq3A_1568 = arith.cmpi eq, %and3A_1565, %eq3A_1567 : vector<8x4096xi32>
    %eq3A_1569 = arith.xori %eq3A_1543, %eq3A_1568 : vector<8x4096xi1>
    %eq3A_1570 = arith.constant dense<true> : vector<8x4096xi1>
    %eq3A_1571 = arith.xori %eq3A_1569, %eq3A_1570 : vector<8x4096xi1>
    %ne3A_1572 = arith.xori %or3A_1562, %eq3A_1571 : vector<8x4096xi1>
    %select_n3A_1573 = arith.select %ne3A_1572, %select_n3A_1550, %select_n3A_1536 : vector<8x4096xi1>, vector<8x4096xi32>
    %select_n3A_1574 = arith.select %ne3A_1572, %select_n3A_1557, %select_n3A_1537 : vector<8x4096xi1>, vector<8x4096xi32>
    %and3A_1575 = arith.constant 8 : i32
    %and3A_1576 = vector.broadcast %and3A_1575 : i32 to vector<8x4096xi32>
    %and3A_1577 = arith.andi %add3A, %and3A_1576 : vector<8x4096xi32>
    %eq3A_1578 = arith.constant 0 : i32
    %eq3A_1579 = vector.broadcast %eq3A_1578 : i32 to vector<8x4096xi32>
    %eq3A_1580 = arith.cmpi eq, %and3A_1577, %eq3A_1579 : vector<8x4096xi32>
    %slice3A_1581 = vector.extract_strided_slice %select_n3A_1573 {offsets = [0, 8], sizes = [8, 4088], strides = [1, 1]} : vector<8x4096xi32> to vector<8x4088xi32>
    %slice3A_1582 = vector.extract_strided_slice %select_n3A_1573 {offsets = [0, 0], sizes = [8, 8], strides = [1, 1]} : vector<8x4096xi32> to vector<8x8xi32>
    %concatenate3A_1583 = tpu.concatenate %slice3A_1581, %slice3A_1582 in 1 : vector<8x4088xi32>, vector<8x8xi32> -> vector<8x4096xi32>
    %slice3A_1584 = vector.extract_strided_slice %select_n3A_1573 {offsets = [0, 4088], sizes = [8, 8], strides = [1, 1]} : vector<8x4096xi32> to vector<8x8xi32>
    %slice3A_1585 = vector.extract_strided_slice %select_n3A_1573 {offsets = [0, 0], sizes = [8, 4088], strides = [1, 1]} : vector<8x4096xi32> to vector<8x4088xi32>
    %concatenate3A_1586 = tpu.concatenate %slice3A_1584, %slice3A_1585 in 1 : vector<8x8xi32>, vector<8x4088xi32> -> vector<8x4096xi32>
    %select_n3A_1587 = arith.select %eq3A_1580, %concatenate3A_1583, %concatenate3A_1586 : vector<8x4096xi1>, vector<8x4096xi32>
    %slice3A_1588 = vector.extract_strided_slice %select_n3A_1574 {offsets = [0, 8], sizes = [8, 4088], strides = [1, 1]} : vector<8x4096xi32> to vector<8x4088xi32>
    %slice3A_1589 = vector.extract_strided_slice %select_n3A_1574 {offsets = [0, 0], sizes = [8, 8], strides = [1, 1]} : vector<8x4096xi32> to vector<8x8xi32>
    %concatenate3A_1590 = tpu.concatenate %slice3A_1588, %slice3A_1589 in 1 : vector<8x4088xi32>, vector<8x8xi32> -> vector<8x4096xi32>
    %slice3A_1591 = vector.extract_strided_slice %select_n3A_1574 {offsets = [0, 4088], sizes = [8, 8], strides = [1, 1]} : vector<8x4096xi32> to vector<8x8xi32>
    %slice3A_1592 = vector.extract_strided_slice %select_n3A_1574 {offsets = [0, 0], sizes = [8, 4088], strides = [1, 1]} : vector<8x4096xi32> to vector<8x4088xi32>
    %concatenate3A_1593 = tpu.concatenate %slice3A_1591, %slice3A_1592 in 1 : vector<8x8xi32>, vector<8x4088xi32> -> vector<8x4096xi32>
    %select_n3A_1594 = arith.select %eq3A_1580, %concatenate3A_1590, %concatenate3A_1593 : vector<8x4096xi1>, vector<8x4096xi32>
    %gt3A_1595 = arith.cmpi sgt, %select_n3A_1573, %select_n3A_1587 : vector<8x4096xi32>
    %eq3A_1596 = arith.cmpi eq, %select_n3A_1573, %select_n3A_1587 : vector<8x4096xi32>
    %lt3A_1597 = arith.cmpi slt, %select_n3A_1574, %select_n3A_1594 : vector<8x4096xi32>
    %and3A_1598 = arith.andi %eq3A_1596, %lt3A_1597 : vector<8x4096xi1>
    %or3A_1599 = arith.ori %gt3A_1595, %and3A_1598 : vector<8x4096xi1>
    %and3A_1600 = arith.constant 512 : i32
    %and3A_1601 = vector.broadcast %and3A_1600 : i32 to vector<8x4096xi32>
    %and3A_1602 = arith.andi %add3A, %and3A_1601 : vector<8x4096xi32>
    %eq3A_1603 = arith.constant 0 : i32
    %eq3A_1604 = vector.broadcast %eq3A_1603 : i32 to vector<8x4096xi32>
    %eq3A_1605 = arith.cmpi eq, %and3A_1602, %eq3A_1604 : vector<8x4096xi32>
    %eq3A_1606 = arith.xori %eq3A_1580, %eq3A_1605 : vector<8x4096xi1>
    %eq3A_1607 = arith.constant dense<true> : vector<8x4096xi1>
    %eq3A_1608 = arith.xori %eq3A_1606, %eq3A_1607 : vector<8x4096xi1>
    %ne3A_1609 = arith.xori %or3A_1599, %eq3A_1608 : vector<8x4096xi1>
    %select_n3A_1610 = arith.select %ne3A_1609, %select_n3A_1587, %select_n3A_1573 : vector<8x4096xi1>, vector<8x4096xi32>
    %select_n3A_1611 = arith.select %ne3A_1609, %select_n3A_1594, %select_n3A_1574 : vector<8x4096xi1>, vector<8x4096xi32>
    %and3A_1612 = arith.constant 4 : i32
    %and3A_1613 = vector.broadcast %and3A_1612 : i32 to vector<8x4096xi32>
    %and3A_1614 = arith.andi %add3A, %and3A_1613 : vector<8x4096xi32>
    %eq3A_1615 = arith.constant 0 : i32
    %eq3A_1616 = vector.broadcast %eq3A_1615 : i32 to vector<8x4096xi32>
    %eq3A_1617 = arith.cmpi eq, %and3A_1614, %eq3A_1616 : vector<8x4096xi32>
    %slice3A_1618 = vector.extract_strided_slice %select_n3A_1610 {offsets = [0, 4], sizes = [8, 4092], strides = [1, 1]} : vector<8x4096xi32> to vector<8x4092xi32>
    %slice3A_1619 = vector.extract_strided_slice %select_n3A_1610 {offsets = [0, 0], sizes = [8, 4], strides = [1, 1]} : vector<8x4096xi32> to vector<8x4xi32>
    %concatenate3A_1620 = tpu.concatenate %slice3A_1618, %slice3A_1619 in 1 : vector<8x4092xi32>, vector<8x4xi32> -> vector<8x4096xi32>
    %slice3A_1621 = vector.extract_strided_slice %select_n3A_1610 {offsets = [0, 4092], sizes = [8, 4], strides = [1, 1]} : vector<8x4096xi32> to vector<8x4xi32>
    %slice3A_1622 = vector.extract_strided_slice %select_n3A_1610 {offsets = [0, 0], sizes = [8, 4092], strides = [1, 1]} : vector<8x4096xi32> to vector<8x4092xi32>
    %concatenate3A_1623 = tpu.concatenate %slice3A_1621, %slice3A_1622 in 1 : vector<8x4xi32>, vector<8x4092xi32> -> vector<8x4096xi32>
    %select_n3A_1624 = arith.select %eq3A_1617, %concatenate3A_1620, %concatenate3A_1623 : vector<8x4096xi1>, vector<8x4096xi32>
    %slice3A_1625 = vector.extract_strided_slice %select_n3A_1611 {offsets = [0, 4], sizes = [8, 4092], strides = [1, 1]} : vector<8x4096xi32> to vector<8x4092xi32>
    %slice3A_1626 = vector.extract_strided_slice %select_n3A_1611 {offsets = [0, 0], sizes = [8, 4], strides = [1, 1]} : vector<8x4096xi32> to vector<8x4xi32>
    %concatenate3A_1627 = tpu.concatenate %slice3A_1625, %slice3A_1626 in 1 : vector<8x4092xi32>, vector<8x4xi32> -> vector<8x4096xi32>
    %slice3A_1628 = vector.extract_strided_slice %select_n3A_1611 {offsets = [0, 4092], sizes = [8, 4], strides = [1, 1]} : vector<8x4096xi32> to vector<8x4xi32>
    %slice3A_1629 = vector.extract_strided_slice %select_n3A_1611 {offsets = [0, 0], sizes = [8, 4092], strides = [1, 1]} : vector<8x4096xi32> to vector<8x4092xi32>
    %concatenate3A_1630 = tpu.concatenate %slice3A_1628, %slice3A_1629 in 1 : vector<8x4xi32>, vector<8x4092xi32> -> vector<8x4096xi32>
    %select_n3A_1631 = arith.select %eq3A_1617, %concatenate3A_1627, %concatenate3A_1630 : vector<8x4096xi1>, vector<8x4096xi32>
    %gt3A_1632 = arith.cmpi sgt, %select_n3A_1610, %select_n3A_1624 : vector<8x4096xi32>
    %eq3A_1633 = arith.cmpi eq, %select_n3A_1610, %select_n3A_1624 : vector<8x4096xi32>
    %lt3A_1634 = arith.cmpi slt, %select_n3A_1611, %select_n3A_1631 : vector<8x4096xi32>
    %and3A_1635 = arith.andi %eq3A_1633, %lt3A_1634 : vector<8x4096xi1>
    %or3A_1636 = arith.ori %gt3A_1632, %and3A_1635 : vector<8x4096xi1>
    %and3A_1637 = arith.constant 512 : i32
    %and3A_1638 = vector.broadcast %and3A_1637 : i32 to vector<8x4096xi32>
    %and3A_1639 = arith.andi %add3A, %and3A_1638 : vector<8x4096xi32>
    %eq3A_1640 = arith.constant 0 : i32
    %eq3A_1641 = vector.broadcast %eq3A_1640 : i32 to vector<8x4096xi32>
    %eq3A_1642 = arith.cmpi eq, %and3A_1639, %eq3A_1641 : vector<8x4096xi32>
    %eq3A_1643 = arith.xori %eq3A_1617, %eq3A_1642 : vector<8x4096xi1>
    %eq3A_1644 = arith.constant dense<true> : vector<8x4096xi1>
    %eq3A_1645 = arith.xori %eq3A_1643, %eq3A_1644 : vector<8x4096xi1>
    %ne3A_1646 = arith.xori %or3A_1636, %eq3A_1645 : vector<8x4096xi1>
    %select_n3A_1647 = arith.select %ne3A_1646, %select_n3A_1624, %select_n3A_1610 : vector<8x4096xi1>, vector<8x4096xi32>
    %select_n3A_1648 = arith.select %ne3A_1646, %select_n3A_1631, %select_n3A_1611 : vector<8x4096xi1>, vector<8x4096xi32>
    %and3A_1649 = arith.constant 2 : i32
    %and3A_1650 = vector.broadcast %and3A_1649 : i32 to vector<8x4096xi32>
    %and3A_1651 = arith.andi %add3A, %and3A_1650 : vector<8x4096xi32>
    %eq3A_1652 = arith.constant 0 : i32
    %eq3A_1653 = vector.broadcast %eq3A_1652 : i32 to vector<8x4096xi32>
    %eq3A_1654 = arith.cmpi eq, %and3A_1651, %eq3A_1653 : vector<8x4096xi32>
    %slice3A_1655 = vector.extract_strided_slice %select_n3A_1647 {offsets = [0, 2], sizes = [8, 4094], strides = [1, 1]} : vector<8x4096xi32> to vector<8x4094xi32>
    %slice3A_1656 = vector.extract_strided_slice %select_n3A_1647 {offsets = [0, 0], sizes = [8, 2], strides = [1, 1]} : vector<8x4096xi32> to vector<8x2xi32>
    %concatenate3A_1657 = tpu.concatenate %slice3A_1655, %slice3A_1656 in 1 : vector<8x4094xi32>, vector<8x2xi32> -> vector<8x4096xi32>
    %slice3A_1658 = vector.extract_strided_slice %select_n3A_1647 {offsets = [0, 4094], sizes = [8, 2], strides = [1, 1]} : vector<8x4096xi32> to vector<8x2xi32>
    %slice3A_1659 = vector.extract_strided_slice %select_n3A_1647 {offsets = [0, 0], sizes = [8, 4094], strides = [1, 1]} : vector<8x4096xi32> to vector<8x4094xi32>
    %concatenate3A_1660 = tpu.concatenate %slice3A_1658, %slice3A_1659 in 1 : vector<8x2xi32>, vector<8x4094xi32> -> vector<8x4096xi32>
    %select_n3A_1661 = arith.select %eq3A_1654, %concatenate3A_1657, %concatenate3A_1660 : vector<8x4096xi1>, vector<8x4096xi32>
    %slice3A_1662 = vector.extract_strided_slice %select_n3A_1648 {offsets = [0, 2], sizes = [8, 4094], strides = [1, 1]} : vector<8x4096xi32> to vector<8x4094xi32>
    %slice3A_1663 = vector.extract_strided_slice %select_n3A_1648 {offsets = [0, 0], sizes = [8, 2], strides = [1, 1]} : vector<8x4096xi32> to vector<8x2xi32>
    %concatenate3A_1664 = tpu.concatenate %slice3A_1662, %slice3A_1663 in 1 : vector<8x4094xi32>, vector<8x2xi32> -> vector<8x4096xi32>
    %slice3A_1665 = vector.extract_strided_slice %select_n3A_1648 {offsets = [0, 4094], sizes = [8, 2], strides = [1, 1]} : vector<8x4096xi32> to vector<8x2xi32>
    %slice3A_1666 = vector.extract_strided_slice %select_n3A_1648 {offsets = [0, 0], sizes = [8, 4094], strides = [1, 1]} : vector<8x4096xi32> to vector<8x4094xi32>
    %concatenate3A_1667 = tpu.concatenate %slice3A_1665, %slice3A_1666 in 1 : vector<8x2xi32>, vector<8x4094xi32> -> vector<8x4096xi32>
    %select_n3A_1668 = arith.select %eq3A_1654, %concatenate3A_1664, %concatenate3A_1667 : vector<8x4096xi1>, vector<8x4096xi32>
    %gt3A_1669 = arith.cmpi sgt, %select_n3A_1647, %select_n3A_1661 : vector<8x4096xi32>
    %eq3A_1670 = arith.cmpi eq, %select_n3A_1647, %select_n3A_1661 : vector<8x4096xi32>
    %lt3A_1671 = arith.cmpi slt, %select_n3A_1648, %select_n3A_1668 : vector<8x4096xi32>
    %and3A_1672 = arith.andi %eq3A_1670, %lt3A_1671 : vector<8x4096xi1>
    %or3A_1673 = arith.ori %gt3A_1669, %and3A_1672 : vector<8x4096xi1>
    %and3A_1674 = arith.constant 512 : i32
    %and3A_1675 = vector.broadcast %and3A_1674 : i32 to vector<8x4096xi32>
    %and3A_1676 = arith.andi %add3A, %and3A_1675 : vector<8x4096xi32>
    %eq3A_1677 = arith.constant 0 : i32
    %eq3A_1678 = vector.broadcast %eq3A_1677 : i32 to vector<8x4096xi32>
    %eq3A_1679 = arith.cmpi eq, %and3A_1676, %eq3A_1678 : vector<8x4096xi32>
    %eq3A_1680 = arith.xori %eq3A_1654, %eq3A_1679 : vector<8x4096xi1>
    %eq3A_1681 = arith.constant dense<true> : vector<8x4096xi1>
    %eq3A_1682 = arith.xori %eq3A_1680, %eq3A_1681 : vector<8x4096xi1>
    %ne3A_1683 = arith.xori %or3A_1673, %eq3A_1682 : vector<8x4096xi1>
    %select_n3A_1684 = arith.select %ne3A_1683, %select_n3A_1661, %select_n3A_1647 : vector<8x4096xi1>, vector<8x4096xi32>
    %select_n3A_1685 = arith.select %ne3A_1683, %select_n3A_1668, %select_n3A_1648 : vector<8x4096xi1>, vector<8x4096xi32>
    %and3A_1686 = arith.constant 1 : i32
    %and3A_1687 = vector.broadcast %and3A_1686 : i32 to vector<8x4096xi32>
    %and3A_1688 = arith.andi %add3A, %and3A_1687 : vector<8x4096xi32>
    %eq3A_1689 = arith.constant 0 : i32
    %eq3A_1690 = vector.broadcast %eq3A_1689 : i32 to vector<8x4096xi32>
    %eq3A_1691 = arith.cmpi eq, %and3A_1688, %eq3A_1690 : vector<8x4096xi32>
    %slice3A_1692 = vector.extract_strided_slice %select_n3A_1684 {offsets = [0, 1], sizes = [8, 4095], strides = [1, 1]} : vector<8x4096xi32> to vector<8x4095xi32>
    %slice3A_1693 = vector.extract_strided_slice %select_n3A_1684 {offsets = [0, 0], sizes = [8, 1], strides = [1, 1]} : vector<8x4096xi32> to vector<8x1xi32>
    %concatenate3A_1694 = tpu.concatenate %slice3A_1692, %slice3A_1693 in 1 : vector<8x4095xi32>, vector<8x1xi32> -> vector<8x4096xi32>
    %slice3A_1695 = vector.extract_strided_slice %select_n3A_1684 {offsets = [0, 4095], sizes = [8, 1], strides = [1, 1]} : vector<8x4096xi32> to vector<8x1xi32>
    %slice3A_1696 = vector.extract_strided_slice %select_n3A_1684 {offsets = [0, 0], sizes = [8, 4095], strides = [1, 1]} : vector<8x4096xi32> to vector<8x4095xi32>
    %concatenate3A_1697 = tpu.concatenate %slice3A_1695, %slice3A_1696 in 1 : vector<8x1xi32>, vector<8x4095xi32> -> vector<8x4096xi32>
    %select_n3A_1698 = arith.select %eq3A_1691, %concatenate3A_1694, %concatenate3A_1697 : vector<8x4096xi1>, vector<8x4096xi32>
    %slice3A_1699 = vector.extract_strided_slice %select_n3A_1685 {offsets = [0, 1], sizes = [8, 4095], strides = [1, 1]} : vector<8x4096xi32> to vector<8x4095xi32>
    %slice3A_1700 = vector.extract_strided_slice %select_n3A_1685 {offsets = [0, 0], sizes = [8, 1], strides = [1, 1]} : vector<8x4096xi32> to vector<8x1xi32>
    %concatenate3A_1701 = tpu.concatenate %slice3A_1699, %slice3A_1700 in 1 : vector<8x4095xi32>, vector<8x1xi32> -> vector<8x4096xi32>
    %slice3A_1702 = vector.extract_strided_slice %select_n3A_1685 {offsets = [0, 4095], sizes = [8, 1], strides = [1, 1]} : vector<8x4096xi32> to vector<8x1xi32>
    %slice3A_1703 = vector.extract_strided_slice %select_n3A_1685 {offsets = [0, 0], sizes = [8, 4095], strides = [1, 1]} : vector<8x4096xi32> to vector<8x4095xi32>
    %concatenate3A_1704 = tpu.concatenate %slice3A_1702, %slice3A_1703 in 1 : vector<8x1xi32>, vector<8x4095xi32> -> vector<8x4096xi32>
    %select_n3A_1705 = arith.select %eq3A_1691, %concatenate3A_1701, %concatenate3A_1704 : vector<8x4096xi1>, vector<8x4096xi32>
    %gt3A_1706 = arith.cmpi sgt, %select_n3A_1684, %select_n3A_1698 : vector<8x4096xi32>
    %eq3A_1707 = arith.cmpi eq, %select_n3A_1684, %select_n3A_1698 : vector<8x4096xi32>
    %lt3A_1708 = arith.cmpi slt, %select_n3A_1685, %select_n3A_1705 : vector<8x4096xi32>
    %and3A_1709 = arith.andi %eq3A_1707, %lt3A_1708 : vector<8x4096xi1>
    %or3A_1710 = arith.ori %gt3A_1706, %and3A_1709 : vector<8x4096xi1>
    %and3A_1711 = arith.constant 512 : i32
    %and3A_1712 = vector.broadcast %and3A_1711 : i32 to vector<8x4096xi32>
    %and3A_1713 = arith.andi %add3A, %and3A_1712 : vector<8x4096xi32>
    %eq3A_1714 = arith.constant 0 : i32
    %eq3A_1715 = vector.broadcast %eq3A_1714 : i32 to vector<8x4096xi32>
    %eq3A_1716 = arith.cmpi eq, %and3A_1713, %eq3A_1715 : vector<8x4096xi32>
    %eq3A_1717 = arith.xori %eq3A_1691, %eq3A_1716 : vector<8x4096xi1>
    %eq3A_1718 = arith.constant dense<true> : vector<8x4096xi1>
    %eq3A_1719 = arith.xori %eq3A_1717, %eq3A_1718 : vector<8x4096xi1>
    %ne3A_1720 = arith.xori %or3A_1710, %eq3A_1719 : vector<8x4096xi1>
    %select_n3A_1721 = arith.select %ne3A_1720, %select_n3A_1698, %select_n3A_1684 : vector<8x4096xi1>, vector<8x4096xi32>
    %select_n3A_1722 = arith.select %ne3A_1720, %select_n3A_1705, %select_n3A_1685 : vector<8x4096xi1>, vector<8x4096xi32>
    %and3A_1723 = arith.constant 512 : i32
    %and3A_1724 = vector.broadcast %and3A_1723 : i32 to vector<8x4096xi32>
    %and3A_1725 = arith.andi %add3A, %and3A_1724 : vector<8x4096xi32>
    %eq3A_1726 = arith.constant 0 : i32
    %eq3A_1727 = vector.broadcast %eq3A_1726 : i32 to vector<8x4096xi32>
    %eq3A_1728 = arith.cmpi eq, %and3A_1725, %eq3A_1727 : vector<8x4096xi32>
    %slice3A_1729 = vector.extract_strided_slice %select_n3A_1721 {offsets = [0, 512], sizes = [8, 3584], strides = [1, 1]} : vector<8x4096xi32> to vector<8x3584xi32>
    %slice3A_1730 = vector.extract_strided_slice %select_n3A_1721 {offsets = [0, 0], sizes = [8, 512], strides = [1, 1]} : vector<8x4096xi32> to vector<8x512xi32>
    %concatenate3A_1731 = tpu.concatenate %slice3A_1729, %slice3A_1730 in 1 : vector<8x3584xi32>, vector<8x512xi32> -> vector<8x4096xi32>
    %slice3A_1732 = vector.extract_strided_slice %select_n3A_1721 {offsets = [0, 3584], sizes = [8, 512], strides = [1, 1]} : vector<8x4096xi32> to vector<8x512xi32>
    %slice3A_1733 = vector.extract_strided_slice %select_n3A_1721 {offsets = [0, 0], sizes = [8, 3584], strides = [1, 1]} : vector<8x4096xi32> to vector<8x3584xi32>
    %concatenate3A_1734 = tpu.concatenate %slice3A_1732, %slice3A_1733 in 1 : vector<8x512xi32>, vector<8x3584xi32> -> vector<8x4096xi32>
    %select_n3A_1735 = arith.select %eq3A_1728, %concatenate3A_1731, %concatenate3A_1734 : vector<8x4096xi1>, vector<8x4096xi32>
    %slice3A_1736 = vector.extract_strided_slice %select_n3A_1722 {offsets = [0, 512], sizes = [8, 3584], strides = [1, 1]} : vector<8x4096xi32> to vector<8x3584xi32>
    %slice3A_1737 = vector.extract_strided_slice %select_n3A_1722 {offsets = [0, 0], sizes = [8, 512], strides = [1, 1]} : vector<8x4096xi32> to vector<8x512xi32>
    %concatenate3A_1738 = tpu.concatenate %slice3A_1736, %slice3A_1737 in 1 : vector<8x3584xi32>, vector<8x512xi32> -> vector<8x4096xi32>
    %slice3A_1739 = vector.extract_strided_slice %select_n3A_1722 {offsets = [0, 3584], sizes = [8, 512], strides = [1, 1]} : vector<8x4096xi32> to vector<8x512xi32>
    %slice3A_1740 = vector.extract_strided_slice %select_n3A_1722 {offsets = [0, 0], sizes = [8, 3584], strides = [1, 1]} : vector<8x4096xi32> to vector<8x3584xi32>
    %concatenate3A_1741 = tpu.concatenate %slice3A_1739, %slice3A_1740 in 1 : vector<8x512xi32>, vector<8x3584xi32> -> vector<8x4096xi32>
    %select_n3A_1742 = arith.select %eq3A_1728, %concatenate3A_1738, %concatenate3A_1741 : vector<8x4096xi1>, vector<8x4096xi32>
    %gt3A_1743 = arith.cmpi sgt, %select_n3A_1721, %select_n3A_1735 : vector<8x4096xi32>
    %eq3A_1744 = arith.cmpi eq, %select_n3A_1721, %select_n3A_1735 : vector<8x4096xi32>
    %lt3A_1745 = arith.cmpi slt, %select_n3A_1722, %select_n3A_1742 : vector<8x4096xi32>
    %and3A_1746 = arith.andi %eq3A_1744, %lt3A_1745 : vector<8x4096xi1>
    %or3A_1747 = arith.ori %gt3A_1743, %and3A_1746 : vector<8x4096xi1>
    %and3A_1748 = arith.constant 1024 : i32
    %and3A_1749 = vector.broadcast %and3A_1748 : i32 to vector<8x4096xi32>
    %and3A_1750 = arith.andi %add3A, %and3A_1749 : vector<8x4096xi32>
    %eq3A_1751 = arith.constant 0 : i32
    %eq3A_1752 = vector.broadcast %eq3A_1751 : i32 to vector<8x4096xi32>
    %eq3A_1753 = arith.cmpi eq, %and3A_1750, %eq3A_1752 : vector<8x4096xi32>
    %eq3A_1754 = arith.xori %eq3A_1728, %eq3A_1753 : vector<8x4096xi1>
    %eq3A_1755 = arith.constant dense<true> : vector<8x4096xi1>
    %eq3A_1756 = arith.xori %eq3A_1754, %eq3A_1755 : vector<8x4096xi1>
    %ne3A_1757 = arith.xori %or3A_1747, %eq3A_1756 : vector<8x4096xi1>
    %select_n3A_1758 = arith.select %ne3A_1757, %select_n3A_1735, %select_n3A_1721 : vector<8x4096xi1>, vector<8x4096xi32>
    %select_n3A_1759 = arith.select %ne3A_1757, %select_n3A_1742, %select_n3A_1722 : vector<8x4096xi1>, vector<8x4096xi32>
    %and3A_1760 = arith.constant 256 : i32
    %and3A_1761 = vector.broadcast %and3A_1760 : i32 to vector<8x4096xi32>
    %and3A_1762 = arith.andi %add3A, %and3A_1761 : vector<8x4096xi32>
    %eq3A_1763 = arith.constant 0 : i32
    %eq3A_1764 = vector.broadcast %eq3A_1763 : i32 to vector<8x4096xi32>
    %eq3A_1765 = arith.cmpi eq, %and3A_1762, %eq3A_1764 : vector<8x4096xi32>
    %slice3A_1766 = vector.extract_strided_slice %select_n3A_1758 {offsets = [0, 256], sizes = [8, 3840], strides = [1, 1]} : vector<8x4096xi32> to vector<8x3840xi32>
    %slice3A_1767 = vector.extract_strided_slice %select_n3A_1758 {offsets = [0, 0], sizes = [8, 256], strides = [1, 1]} : vector<8x4096xi32> to vector<8x256xi32>
    %concatenate3A_1768 = tpu.concatenate %slice3A_1766, %slice3A_1767 in 1 : vector<8x3840xi32>, vector<8x256xi32> -> vector<8x4096xi32>
    %slice3A_1769 = vector.extract_strided_slice %select_n3A_1758 {offsets = [0, 3840], sizes = [8, 256], strides = [1, 1]} : vector<8x4096xi32> to vector<8x256xi32>
    %slice3A_1770 = vector.extract_strided_slice %select_n3A_1758 {offsets = [0, 0], sizes = [8, 3840], strides = [1, 1]} : vector<8x4096xi32> to vector<8x3840xi32>
    %concatenate3A_1771 = tpu.concatenate %slice3A_1769, %slice3A_1770 in 1 : vector<8x256xi32>, vector<8x3840xi32> -> vector<8x4096xi32>
    %select_n3A_1772 = arith.select %eq3A_1765, %concatenate3A_1768, %concatenate3A_1771 : vector<8x4096xi1>, vector<8x4096xi32>
    %slice3A_1773 = vector.extract_strided_slice %select_n3A_1759 {offsets = [0, 256], sizes = [8, 3840], strides = [1, 1]} : vector<8x4096xi32> to vector<8x3840xi32>
    %slice3A_1774 = vector.extract_strided_slice %select_n3A_1759 {offsets = [0, 0], sizes = [8, 256], strides = [1, 1]} : vector<8x4096xi32> to vector<8x256xi32>
    %concatenate3A_1775 = tpu.concatenate %slice3A_1773, %slice3A_1774 in 1 : vector<8x3840xi32>, vector<8x256xi32> -> vector<8x4096xi32>
    %slice3A_1776 = vector.extract_strided_slice %select_n3A_1759 {offsets = [0, 3840], sizes = [8, 256], strides = [1, 1]} : vector<8x4096xi32> to vector<8x256xi32>
    %slice3A_1777 = vector.extract_strided_slice %select_n3A_1759 {offsets = [0, 0], sizes = [8, 3840], strides = [1, 1]} : vector<8x4096xi32> to vector<8x3840xi32>
    %concatenate3A_1778 = tpu.concatenate %slice3A_1776, %slice3A_1777 in 1 : vector<8x256xi32>, vector<8x3840xi32> -> vector<8x4096xi32>
    %select_n3A_1779 = arith.select %eq3A_1765, %concatenate3A_1775, %concatenate3A_1778 : vector<8x4096xi1>, vector<8x4096xi32>
    %gt3A_1780 = arith.cmpi sgt, %select_n3A_1758, %select_n3A_1772 : vector<8x4096xi32>
    %eq3A_1781 = arith.cmpi eq, %select_n3A_1758, %select_n3A_1772 : vector<8x4096xi32>
    %lt3A_1782 = arith.cmpi slt, %select_n3A_1759, %select_n3A_1779 : vector<8x4096xi32>
    %and3A_1783 = arith.andi %eq3A_1781, %lt3A_1782 : vector<8x4096xi1>
    %or3A_1784 = arith.ori %gt3A_1780, %and3A_1783 : vector<8x4096xi1>
    %and3A_1785 = arith.constant 1024 : i32
    %and3A_1786 = vector.broadcast %and3A_1785 : i32 to vector<8x4096xi32>
    %and3A_1787 = arith.andi %add3A, %and3A_1786 : vector<8x4096xi32>
    %eq3A_1788 = arith.constant 0 : i32
    %eq3A_1789 = vector.broadcast %eq3A_1788 : i32 to vector<8x4096xi32>
    %eq3A_1790 = arith.cmpi eq, %and3A_1787, %eq3A_1789 : vector<8x4096xi32>
    %eq3A_1791 = arith.xori %eq3A_1765, %eq3A_1790 : vector<8x4096xi1>
    %eq3A_1792 = arith.constant dense<true> : vector<8x4096xi1>
    %eq3A_1793 = arith.xori %eq3A_1791, %eq3A_1792 : vector<8x4096xi1>
    %ne3A_1794 = arith.xori %or3A_1784, %eq3A_1793 : vector<8x4096xi1>
    %select_n3A_1795 = arith.select %ne3A_1794, %select_n3A_1772, %select_n3A_1758 : vector<8x4096xi1>, vector<8x4096xi32>
    %select_n3A_1796 = arith.select %ne3A_1794, %select_n3A_1779, %select_n3A_1759 : vector<8x4096xi1>, vector<8x4096xi32>
    %and3A_1797 = arith.constant 128 : i32
    %and3A_1798 = vector.broadcast %and3A_1797 : i32 to vector<8x4096xi32>
    %and3A_1799 = arith.andi %add3A, %and3A_1798 : vector<8x4096xi32>
    %eq3A_1800 = arith.constant 0 : i32
    %eq3A_1801 = vector.broadcast %eq3A_1800 : i32 to vector<8x4096xi32>
    %eq3A_1802 = arith.cmpi eq, %and3A_1799, %eq3A_1801 : vector<8x4096xi32>
    %slice3A_1803 = vector.extract_strided_slice %select_n3A_1795 {offsets = [0, 128], sizes = [8, 3968], strides = [1, 1]} : vector<8x4096xi32> to vector<8x3968xi32>
    %slice3A_1804 = vector.extract_strided_slice %select_n3A_1795 {offsets = [0, 0], sizes = [8, 128], strides = [1, 1]} : vector<8x4096xi32> to vector<8x128xi32>
    %concatenate3A_1805 = tpu.concatenate %slice3A_1803, %slice3A_1804 in 1 : vector<8x3968xi32>, vector<8x128xi32> -> vector<8x4096xi32>
    %slice3A_1806 = vector.extract_strided_slice %select_n3A_1795 {offsets = [0, 3968], sizes = [8, 128], strides = [1, 1]} : vector<8x4096xi32> to vector<8x128xi32>
    %slice3A_1807 = vector.extract_strided_slice %select_n3A_1795 {offsets = [0, 0], sizes = [8, 3968], strides = [1, 1]} : vector<8x4096xi32> to vector<8x3968xi32>
    %concatenate3A_1808 = tpu.concatenate %slice3A_1806, %slice3A_1807 in 1 : vector<8x128xi32>, vector<8x3968xi32> -> vector<8x4096xi32>
    %select_n3A_1809 = arith.select %eq3A_1802, %concatenate3A_1805, %concatenate3A_1808 : vector<8x4096xi1>, vector<8x4096xi32>
    %slice3A_1810 = vector.extract_strided_slice %select_n3A_1796 {offsets = [0, 128], sizes = [8, 3968], strides = [1, 1]} : vector<8x4096xi32> to vector<8x3968xi32>
    %slice3A_1811 = vector.extract_strided_slice %select_n3A_1796 {offsets = [0, 0], sizes = [8, 128], strides = [1, 1]} : vector<8x4096xi32> to vector<8x128xi32>
    %concatenate3A_1812 = tpu.concatenate %slice3A_1810, %slice3A_1811 in 1 : vector<8x3968xi32>, vector<8x128xi32> -> vector<8x4096xi32>
    %slice3A_1813 = vector.extract_strided_slice %select_n3A_1796 {offsets = [0, 3968], sizes = [8, 128], strides = [1, 1]} : vector<8x4096xi32> to vector<8x128xi32>
    %slice3A_1814 = vector.extract_strided_slice %select_n3A_1796 {offsets = [0, 0], sizes = [8, 3968], strides = [1, 1]} : vector<8x4096xi32> to vector<8x3968xi32>
    %concatenate3A_1815 = tpu.concatenate %slice3A_1813, %slice3A_1814 in 1 : vector<8x128xi32>, vector<8x3968xi32> -> vector<8x4096xi32>
    %select_n3A_1816 = arith.select %eq3A_1802, %concatenate3A_1812, %concatenate3A_1815 : vector<8x4096xi1>, vector<8x4096xi32>
    %gt3A_1817 = arith.cmpi sgt, %select_n3A_1795, %select_n3A_1809 : vector<8x4096xi32>
    %eq3A_1818 = arith.cmpi eq, %select_n3A_1795, %select_n3A_1809 : vector<8x4096xi32>
    %lt3A_1819 = arith.cmpi slt, %select_n3A_1796, %select_n3A_1816 : vector<8x4096xi32>
    %and3A_1820 = arith.andi %eq3A_1818, %lt3A_1819 : vector<8x4096xi1>
    %or3A_1821 = arith.ori %gt3A_1817, %and3A_1820 : vector<8x4096xi1>
    %and3A_1822 = arith.constant 1024 : i32
    %and3A_1823 = vector.broadcast %and3A_1822 : i32 to vector<8x4096xi32>
    %and3A_1824 = arith.andi %add3A, %and3A_1823 : vector<8x4096xi32>
    %eq3A_1825 = arith.constant 0 : i32
    %eq3A_1826 = vector.broadcast %eq3A_1825 : i32 to vector<8x4096xi32>
    %eq3A_1827 = arith.cmpi eq, %and3A_1824, %eq3A_1826 : vector<8x4096xi32>
    %eq3A_1828 = arith.xori %eq3A_1802, %eq3A_1827 : vector<8x4096xi1>
    %eq3A_1829 = arith.constant dense<true> : vector<8x4096xi1>
    %eq3A_1830 = arith.xori %eq3A_1828, %eq3A_1829 : vector<8x4096xi1>
    %ne3A_1831 = arith.xori %or3A_1821, %eq3A_1830 : vector<8x4096xi1>
    %select_n3A_1832 = arith.select %ne3A_1831, %select_n3A_1809, %select_n3A_1795 : vector<8x4096xi1>, vector<8x4096xi32>
    %select_n3A_1833 = arith.select %ne3A_1831, %select_n3A_1816, %select_n3A_1796 : vector<8x4096xi1>, vector<8x4096xi32>
    %and3A_1834 = arith.constant 64 : i32
    %and3A_1835 = vector.broadcast %and3A_1834 : i32 to vector<8x4096xi32>
    %and3A_1836 = arith.andi %add3A, %and3A_1835 : vector<8x4096xi32>
    %eq3A_1837 = arith.constant 0 : i32
    %eq3A_1838 = vector.broadcast %eq3A_1837 : i32 to vector<8x4096xi32>
    %eq3A_1839 = arith.cmpi eq, %and3A_1836, %eq3A_1838 : vector<8x4096xi32>
    %slice3A_1840 = vector.extract_strided_slice %select_n3A_1832 {offsets = [0, 64], sizes = [8, 4032], strides = [1, 1]} : vector<8x4096xi32> to vector<8x4032xi32>
    %slice3A_1841 = vector.extract_strided_slice %select_n3A_1832 {offsets = [0, 0], sizes = [8, 64], strides = [1, 1]} : vector<8x4096xi32> to vector<8x64xi32>
    %concatenate3A_1842 = tpu.concatenate %slice3A_1840, %slice3A_1841 in 1 : vector<8x4032xi32>, vector<8x64xi32> -> vector<8x4096xi32>
    %slice3A_1843 = vector.extract_strided_slice %select_n3A_1832 {offsets = [0, 4032], sizes = [8, 64], strides = [1, 1]} : vector<8x4096xi32> to vector<8x64xi32>
    %slice3A_1844 = vector.extract_strided_slice %select_n3A_1832 {offsets = [0, 0], sizes = [8, 4032], strides = [1, 1]} : vector<8x4096xi32> to vector<8x4032xi32>
    %concatenate3A_1845 = tpu.concatenate %slice3A_1843, %slice3A_1844 in 1 : vector<8x64xi32>, vector<8x4032xi32> -> vector<8x4096xi32>
    %select_n3A_1846 = arith.select %eq3A_1839, %concatenate3A_1842, %concatenate3A_1845 : vector<8x4096xi1>, vector<8x4096xi32>
    %slice3A_1847 = vector.extract_strided_slice %select_n3A_1833 {offsets = [0, 64], sizes = [8, 4032], strides = [1, 1]} : vector<8x4096xi32> to vector<8x4032xi32>
    %slice3A_1848 = vector.extract_strided_slice %select_n3A_1833 {offsets = [0, 0], sizes = [8, 64], strides = [1, 1]} : vector<8x4096xi32> to vector<8x64xi32>
    %concatenate3A_1849 = tpu.concatenate %slice3A_1847, %slice3A_1848 in 1 : vector<8x4032xi32>, vector<8x64xi32> -> vector<8x4096xi32>
    %slice3A_1850 = vector.extract_strided_slice %select_n3A_1833 {offsets = [0, 4032], sizes = [8, 64], strides = [1, 1]} : vector<8x4096xi32> to vector<8x64xi32>
    %slice3A_1851 = vector.extract_strided_slice %select_n3A_1833 {offsets = [0, 0], sizes = [8, 4032], strides = [1, 1]} : vector<8x4096xi32> to vector<8x4032xi32>
    %concatenate3A_1852 = tpu.concatenate %slice3A_1850, %slice3A_1851 in 1 : vector<8x64xi32>, vector<8x4032xi32> -> vector<8x4096xi32>
    %select_n3A_1853 = arith.select %eq3A_1839, %concatenate3A_1849, %concatenate3A_1852 : vector<8x4096xi1>, vector<8x4096xi32>
    %gt3A_1854 = arith.cmpi sgt, %select_n3A_1832, %select_n3A_1846 : vector<8x4096xi32>
    %eq3A_1855 = arith.cmpi eq, %select_n3A_1832, %select_n3A_1846 : vector<8x4096xi32>
    %lt3A_1856 = arith.cmpi slt, %select_n3A_1833, %select_n3A_1853 : vector<8x4096xi32>
    %and3A_1857 = arith.andi %eq3A_1855, %lt3A_1856 : vector<8x4096xi1>
    %or3A_1858 = arith.ori %gt3A_1854, %and3A_1857 : vector<8x4096xi1>
    %and3A_1859 = arith.constant 1024 : i32
    %and3A_1860 = vector.broadcast %and3A_1859 : i32 to vector<8x4096xi32>
    %and3A_1861 = arith.andi %add3A, %and3A_1860 : vector<8x4096xi32>
    %eq3A_1862 = arith.constant 0 : i32
    %eq3A_1863 = vector.broadcast %eq3A_1862 : i32 to vector<8x4096xi32>
    %eq3A_1864 = arith.cmpi eq, %and3A_1861, %eq3A_1863 : vector<8x4096xi32>
    %eq3A_1865 = arith.xori %eq3A_1839, %eq3A_1864 : vector<8x4096xi1>
    %eq3A_1866 = arith.constant dense<true> : vector<8x4096xi1>
    %eq3A_1867 = arith.xori %eq3A_1865, %eq3A_1866 : vector<8x4096xi1>
    %ne3A_1868 = arith.xori %or3A_1858, %eq3A_1867 : vector<8x4096xi1>
    %select_n3A_1869 = arith.select %ne3A_1868, %select_n3A_1846, %select_n3A_1832 : vector<8x4096xi1>, vector<8x4096xi32>
    %select_n3A_1870 = arith.select %ne3A_1868, %select_n3A_1853, %select_n3A_1833 : vector<8x4096xi1>, vector<8x4096xi32>
    %and3A_1871 = arith.constant 32 : i32
    %and3A_1872 = vector.broadcast %and3A_1871 : i32 to vector<8x4096xi32>
    %and3A_1873 = arith.andi %add3A, %and3A_1872 : vector<8x4096xi32>
    %eq3A_1874 = arith.constant 0 : i32
    %eq3A_1875 = vector.broadcast %eq3A_1874 : i32 to vector<8x4096xi32>
    %eq3A_1876 = arith.cmpi eq, %and3A_1873, %eq3A_1875 : vector<8x4096xi32>
    %slice3A_1877 = vector.extract_strided_slice %select_n3A_1869 {offsets = [0, 32], sizes = [8, 4064], strides = [1, 1]} : vector<8x4096xi32> to vector<8x4064xi32>
    %slice3A_1878 = vector.extract_strided_slice %select_n3A_1869 {offsets = [0, 0], sizes = [8, 32], strides = [1, 1]} : vector<8x4096xi32> to vector<8x32xi32>
    %concatenate3A_1879 = tpu.concatenate %slice3A_1877, %slice3A_1878 in 1 : vector<8x4064xi32>, vector<8x32xi32> -> vector<8x4096xi32>
    %slice3A_1880 = vector.extract_strided_slice %select_n3A_1869 {offsets = [0, 4064], sizes = [8, 32], strides = [1, 1]} : vector<8x4096xi32> to vector<8x32xi32>
    %slice3A_1881 = vector.extract_strided_slice %select_n3A_1869 {offsets = [0, 0], sizes = [8, 4064], strides = [1, 1]} : vector<8x4096xi32> to vector<8x4064xi32>
    %concatenate3A_1882 = tpu.concatenate %slice3A_1880, %slice3A_1881 in 1 : vector<8x32xi32>, vector<8x4064xi32> -> vector<8x4096xi32>
    %select_n3A_1883 = arith.select %eq3A_1876, %concatenate3A_1879, %concatenate3A_1882 : vector<8x4096xi1>, vector<8x4096xi32>
    %slice3A_1884 = vector.extract_strided_slice %select_n3A_1870 {offsets = [0, 32], sizes = [8, 4064], strides = [1, 1]} : vector<8x4096xi32> to vector<8x4064xi32>
    %slice3A_1885 = vector.extract_strided_slice %select_n3A_1870 {offsets = [0, 0], sizes = [8, 32], strides = [1, 1]} : vector<8x4096xi32> to vector<8x32xi32>
    %concatenate3A_1886 = tpu.concatenate %slice3A_1884, %slice3A_1885 in 1 : vector<8x4064xi32>, vector<8x32xi32> -> vector<8x4096xi32>
    %slice3A_1887 = vector.extract_strided_slice %select_n3A_1870 {offsets = [0, 4064], sizes = [8, 32], strides = [1, 1]} : vector<8x4096xi32> to vector<8x32xi32>
    %slice3A_1888 = vector.extract_strided_slice %select_n3A_1870 {offsets = [0, 0], sizes = [8, 4064], strides = [1, 1]} : vector<8x4096xi32> to vector<8x4064xi32>
    %concatenate3A_1889 = tpu.concatenate %slice3A_1887, %slice3A_1888 in 1 : vector<8x32xi32>, vector<8x4064xi32> -> vector<8x4096xi32>
    %select_n3A_1890 = arith.select %eq3A_1876, %concatenate3A_1886, %concatenate3A_1889 : vector<8x4096xi1>, vector<8x4096xi32>
    %gt3A_1891 = arith.cmpi sgt, %select_n3A_1869, %select_n3A_1883 : vector<8x4096xi32>
    %eq3A_1892 = arith.cmpi eq, %select_n3A_1869, %select_n3A_1883 : vector<8x4096xi32>
    %lt3A_1893 = arith.cmpi slt, %select_n3A_1870, %select_n3A_1890 : vector<8x4096xi32>
    %and3A_1894 = arith.andi %eq3A_1892, %lt3A_1893 : vector<8x4096xi1>
    %or3A_1895 = arith.ori %gt3A_1891, %and3A_1894 : vector<8x4096xi1>
    %and3A_1896 = arith.constant 1024 : i32
    %and3A_1897 = vector.broadcast %and3A_1896 : i32 to vector<8x4096xi32>
    %and3A_1898 = arith.andi %add3A, %and3A_1897 : vector<8x4096xi32>
    %eq3A_1899 = arith.constant 0 : i32
    %eq3A_1900 = vector.broadcast %eq3A_1899 : i32 to vector<8x4096xi32>
    %eq3A_1901 = arith.cmpi eq, %and3A_1898, %eq3A_1900 : vector<8x4096xi32>
    %eq3A_1902 = arith.xori %eq3A_1876, %eq3A_1901 : vector<8x4096xi1>
    %eq3A_1903 = arith.constant dense<true> : vector<8x4096xi1>
    %eq3A_1904 = arith.xori %eq3A_1902, %eq3A_1903 : vector<8x4096xi1>
    %ne3A_1905 = arith.xori %or3A_1895, %eq3A_1904 : vector<8x4096xi1>
    %select_n3A_1906 = arith.select %ne3A_1905, %select_n3A_1883, %select_n3A_1869 : vector<8x4096xi1>, vector<8x4096xi32>
    %select_n3A_1907 = arith.select %ne3A_1905, %select_n3A_1890, %select_n3A_1870 : vector<8x4096xi1>, vector<8x4096xi32>
    %and3A_1908 = arith.constant 16 : i32
    %and3A_1909 = vector.broadcast %and3A_1908 : i32 to vector<8x4096xi32>
    %and3A_1910 = arith.andi %add3A, %and3A_1909 : vector<8x4096xi32>
    %eq3A_1911 = arith.constant 0 : i32
    %eq3A_1912 = vector.broadcast %eq3A_1911 : i32 to vector<8x4096xi32>
    %eq3A_1913 = arith.cmpi eq, %and3A_1910, %eq3A_1912 : vector<8x4096xi32>
    %slice3A_1914 = vector.extract_strided_slice %select_n3A_1906 {offsets = [0, 16], sizes = [8, 4080], strides = [1, 1]} : vector<8x4096xi32> to vector<8x4080xi32>
    %slice3A_1915 = vector.extract_strided_slice %select_n3A_1906 {offsets = [0, 0], sizes = [8, 16], strides = [1, 1]} : vector<8x4096xi32> to vector<8x16xi32>
    %concatenate3A_1916 = tpu.concatenate %slice3A_1914, %slice3A_1915 in 1 : vector<8x4080xi32>, vector<8x16xi32> -> vector<8x4096xi32>
    %slice3A_1917 = vector.extract_strided_slice %select_n3A_1906 {offsets = [0, 4080], sizes = [8, 16], strides = [1, 1]} : vector<8x4096xi32> to vector<8x16xi32>
    %slice3A_1918 = vector.extract_strided_slice %select_n3A_1906 {offsets = [0, 0], sizes = [8, 4080], strides = [1, 1]} : vector<8x4096xi32> to vector<8x4080xi32>
    %concatenate3A_1919 = tpu.concatenate %slice3A_1917, %slice3A_1918 in 1 : vector<8x16xi32>, vector<8x4080xi32> -> vector<8x4096xi32>
    %select_n3A_1920 = arith.select %eq3A_1913, %concatenate3A_1916, %concatenate3A_1919 : vector<8x4096xi1>, vector<8x4096xi32>
    %slice3A_1921 = vector.extract_strided_slice %select_n3A_1907 {offsets = [0, 16], sizes = [8, 4080], strides = [1, 1]} : vector<8x4096xi32> to vector<8x4080xi32>
    %slice3A_1922 = vector.extract_strided_slice %select_n3A_1907 {offsets = [0, 0], sizes = [8, 16], strides = [1, 1]} : vector<8x4096xi32> to vector<8x16xi32>
    %concatenate3A_1923 = tpu.concatenate %slice3A_1921, %slice3A_1922 in 1 : vector<8x4080xi32>, vector<8x16xi32> -> vector<8x4096xi32>
    %slice3A_1924 = vector.extract_strided_slice %select_n3A_1907 {offsets = [0, 4080], sizes = [8, 16], strides = [1, 1]} : vector<8x4096xi32> to vector<8x16xi32>
    %slice3A_1925 = vector.extract_strided_slice %select_n3A_1907 {offsets = [0, 0], sizes = [8, 4080], strides = [1, 1]} : vector<8x4096xi32> to vector<8x4080xi32>
    %concatenate3A_1926 = tpu.concatenate %slice3A_1924, %slice3A_1925 in 1 : vector<8x16xi32>, vector<8x4080xi32> -> vector<8x4096xi32>
    %select_n3A_1927 = arith.select %eq3A_1913, %concatenate3A_1923, %concatenate3A_1926 : vector<8x4096xi1>, vector<8x4096xi32>
    %gt3A_1928 = arith.cmpi sgt, %select_n3A_1906, %select_n3A_1920 : vector<8x4096xi32>
    %eq3A_1929 = arith.cmpi eq, %select_n3A_1906, %select_n3A_1920 : vector<8x4096xi32>
    %lt3A_1930 = arith.cmpi slt, %select_n3A_1907, %select_n3A_1927 : vector<8x4096xi32>
    %and3A_1931 = arith.andi %eq3A_1929, %lt3A_1930 : vector<8x4096xi1>
    %or3A_1932 = arith.ori %gt3A_1928, %and3A_1931 : vector<8x4096xi1>
    %and3A_1933 = arith.constant 1024 : i32
    %and3A_1934 = vector.broadcast %and3A_1933 : i32 to vector<8x4096xi32>
    %and3A_1935 = arith.andi %add3A, %and3A_1934 : vector<8x4096xi32>
    %eq3A_1936 = arith.constant 0 : i32
    %eq3A_1937 = vector.broadcast %eq3A_1936 : i32 to vector<8x4096xi32>
    %eq3A_1938 = arith.cmpi eq, %and3A_1935, %eq3A_1937 : vector<8x4096xi32>
    %eq3A_1939 = arith.xori %eq3A_1913, %eq3A_1938 : vector<8x4096xi1>
    %eq3A_1940 = arith.constant dense<true> : vector<8x4096xi1>
    %eq3A_1941 = arith.xori %eq3A_1939, %eq3A_1940 : vector<8x4096xi1>
    %ne3A_1942 = arith.xori %or3A_1932, %eq3A_1941 : vector<8x4096xi1>
    %select_n3A_1943 = arith.select %ne3A_1942, %select_n3A_1920, %select_n3A_1906 : vector<8x4096xi1>, vector<8x4096xi32>
    %select_n3A_1944 = arith.select %ne3A_1942, %select_n3A_1927, %select_n3A_1907 : vector<8x4096xi1>, vector<8x4096xi32>
    %and3A_1945 = arith.constant 8 : i32
    %and3A_1946 = vector.broadcast %and3A_1945 : i32 to vector<8x4096xi32>
    %and3A_1947 = arith.andi %add3A, %and3A_1946 : vector<8x4096xi32>
    %eq3A_1948 = arith.constant 0 : i32
    %eq3A_1949 = vector.broadcast %eq3A_1948 : i32 to vector<8x4096xi32>
    %eq3A_1950 = arith.cmpi eq, %and3A_1947, %eq3A_1949 : vector<8x4096xi32>
    %slice3A_1951 = vector.extract_strided_slice %select_n3A_1943 {offsets = [0, 8], sizes = [8, 4088], strides = [1, 1]} : vector<8x4096xi32> to vector<8x4088xi32>
    %slice3A_1952 = vector.extract_strided_slice %select_n3A_1943 {offsets = [0, 0], sizes = [8, 8], strides = [1, 1]} : vector<8x4096xi32> to vector<8x8xi32>
    %concatenate3A_1953 = tpu.concatenate %slice3A_1951, %slice3A_1952 in 1 : vector<8x4088xi32>, vector<8x8xi32> -> vector<8x4096xi32>
    %slice3A_1954 = vector.extract_strided_slice %select_n3A_1943 {offsets = [0, 4088], sizes = [8, 8], strides = [1, 1]} : vector<8x4096xi32> to vector<8x8xi32>
    %slice3A_1955 = vector.extract_strided_slice %select_n3A_1943 {offsets = [0, 0], sizes = [8, 4088], strides = [1, 1]} : vector<8x4096xi32> to vector<8x4088xi32>
    %concatenate3A_1956 = tpu.concatenate %slice3A_1954, %slice3A_1955 in 1 : vector<8x8xi32>, vector<8x4088xi32> -> vector<8x4096xi32>
    %select_n3A_1957 = arith.select %eq3A_1950, %concatenate3A_1953, %concatenate3A_1956 : vector<8x4096xi1>, vector<8x4096xi32>
    %slice3A_1958 = vector.extract_strided_slice %select_n3A_1944 {offsets = [0, 8], sizes = [8, 4088], strides = [1, 1]} : vector<8x4096xi32> to vector<8x4088xi32>
    %slice3A_1959 = vector.extract_strided_slice %select_n3A_1944 {offsets = [0, 0], sizes = [8, 8], strides = [1, 1]} : vector<8x4096xi32> to vector<8x8xi32>
    %concatenate3A_1960 = tpu.concatenate %slice3A_1958, %slice3A_1959 in 1 : vector<8x4088xi32>, vector<8x8xi32> -> vector<8x4096xi32>
    %slice3A_1961 = vector.extract_strided_slice %select_n3A_1944 {offsets = [0, 4088], sizes = [8, 8], strides = [1, 1]} : vector<8x4096xi32> to vector<8x8xi32>
    %slice3A_1962 = vector.extract_strided_slice %select_n3A_1944 {offsets = [0, 0], sizes = [8, 4088], strides = [1, 1]} : vector<8x4096xi32> to vector<8x4088xi32>
    %concatenate3A_1963 = tpu.concatenate %slice3A_1961, %slice3A_1962 in 1 : vector<8x8xi32>, vector<8x4088xi32> -> vector<8x4096xi32>
    %select_n3A_1964 = arith.select %eq3A_1950, %concatenate3A_1960, %concatenate3A_1963 : vector<8x4096xi1>, vector<8x4096xi32>
    %gt3A_1965 = arith.cmpi sgt, %select_n3A_1943, %select_n3A_1957 : vector<8x4096xi32>
    %eq3A_1966 = arith.cmpi eq, %select_n3A_1943, %select_n3A_1957 : vector<8x4096xi32>
    %lt3A_1967 = arith.cmpi slt, %select_n3A_1944, %select_n3A_1964 : vector<8x4096xi32>
    %and3A_1968 = arith.andi %eq3A_1966, %lt3A_1967 : vector<8x4096xi1>
    %or3A_1969 = arith.ori %gt3A_1965, %and3A_1968 : vector<8x4096xi1>
    %and3A_1970 = arith.constant 1024 : i32
    %and3A_1971 = vector.broadcast %and3A_1970 : i32 to vector<8x4096xi32>
    %and3A_1972 = arith.andi %add3A, %and3A_1971 : vector<8x4096xi32>
    %eq3A_1973 = arith.constant 0 : i32
    %eq3A_1974 = vector.broadcast %eq3A_1973 : i32 to vector<8x4096xi32>
    %eq3A_1975 = arith.cmpi eq, %and3A_1972, %eq3A_1974 : vector<8x4096xi32>
    %eq3A_1976 = arith.xori %eq3A_1950, %eq3A_1975 : vector<8x4096xi1>
    %eq3A_1977 = arith.constant dense<true> : vector<8x4096xi1>
    %eq3A_1978 = arith.xori %eq3A_1976, %eq3A_1977 : vector<8x4096xi1>
    %ne3A_1979 = arith.xori %or3A_1969, %eq3A_1978 : vector<8x4096xi1>
    %select_n3A_1980 = arith.select %ne3A_1979, %select_n3A_1957, %select_n3A_1943 : vector<8x4096xi1>, vector<8x4096xi32>
    %select_n3A_1981 = arith.select %ne3A_1979, %select_n3A_1964, %select_n3A_1944 : vector<8x4096xi1>, vector<8x4096xi32>
    %and3A_1982 = arith.constant 4 : i32
    %and3A_1983 = vector.broadcast %and3A_1982 : i32 to vector<8x4096xi32>
    %and3A_1984 = arith.andi %add3A, %and3A_1983 : vector<8x4096xi32>
    %eq3A_1985 = arith.constant 0 : i32
    %eq3A_1986 = vector.broadcast %eq3A_1985 : i32 to vector<8x4096xi32>
    %eq3A_1987 = arith.cmpi eq, %and3A_1984, %eq3A_1986 : vector<8x4096xi32>
    %slice3A_1988 = vector.extract_strided_slice %select_n3A_1980 {offsets = [0, 4], sizes = [8, 4092], strides = [1, 1]} : vector<8x4096xi32> to vector<8x4092xi32>
    %slice3A_1989 = vector.extract_strided_slice %select_n3A_1980 {offsets = [0, 0], sizes = [8, 4], strides = [1, 1]} : vector<8x4096xi32> to vector<8x4xi32>
    %concatenate3A_1990 = tpu.concatenate %slice3A_1988, %slice3A_1989 in 1 : vector<8x4092xi32>, vector<8x4xi32> -> vector<8x4096xi32>
    %slice3A_1991 = vector.extract_strided_slice %select_n3A_1980 {offsets = [0, 4092], sizes = [8, 4], strides = [1, 1]} : vector<8x4096xi32> to vector<8x4xi32>
    %slice3A_1992 = vector.extract_strided_slice %select_n3A_1980 {offsets = [0, 0], sizes = [8, 4092], strides = [1, 1]} : vector<8x4096xi32> to vector<8x4092xi32>
    %concatenate3A_1993 = tpu.concatenate %slice3A_1991, %slice3A_1992 in 1 : vector<8x4xi32>, vector<8x4092xi32> -> vector<8x4096xi32>
    %select_n3A_1994 = arith.select %eq3A_1987, %concatenate3A_1990, %concatenate3A_1993 : vector<8x4096xi1>, vector<8x4096xi32>
    %slice3A_1995 = vector.extract_strided_slice %select_n3A_1981 {offsets = [0, 4], sizes = [8, 4092], strides = [1, 1]} : vector<8x4096xi32> to vector<8x4092xi32>
    %slice3A_1996 = vector.extract_strided_slice %select_n3A_1981 {offsets = [0, 0], sizes = [8, 4], strides = [1, 1]} : vector<8x4096xi32> to vector<8x4xi32>
    %concatenate3A_1997 = tpu.concatenate %slice3A_1995, %slice3A_1996 in 1 : vector<8x4092xi32>, vector<8x4xi32> -> vector<8x4096xi32>
    %slice3A_1998 = vector.extract_strided_slice %select_n3A_1981 {offsets = [0, 4092], sizes = [8, 4], strides = [1, 1]} : vector<8x4096xi32> to vector<8x4xi32>
    %slice3A_1999 = vector.extract_strided_slice %select_n3A_1981 {offsets = [0, 0], sizes = [8, 4092], strides = [1, 1]} : vector<8x4096xi32> to vector<8x4092xi32>
    %concatenate3A_2000 = tpu.concatenate %slice3A_1998, %slice3A_1999 in 1 : vector<8x4xi32>, vector<8x4092xi32> -> vector<8x4096xi32>
    %select_n3A_2001 = arith.select %eq3A_1987, %concatenate3A_1997, %concatenate3A_2000 : vector<8x4096xi1>, vector<8x4096xi32>
    %gt3A_2002 = arith.cmpi sgt, %select_n3A_1980, %select_n3A_1994 : vector<8x4096xi32>
    %eq3A_2003 = arith.cmpi eq, %select_n3A_1980, %select_n3A_1994 : vector<8x4096xi32>
    %lt3A_2004 = arith.cmpi slt, %select_n3A_1981, %select_n3A_2001 : vector<8x4096xi32>
    %and3A_2005 = arith.andi %eq3A_2003, %lt3A_2004 : vector<8x4096xi1>
    %or3A_2006 = arith.ori %gt3A_2002, %and3A_2005 : vector<8x4096xi1>
    %and3A_2007 = arith.constant 1024 : i32
    %and3A_2008 = vector.broadcast %and3A_2007 : i32 to vector<8x4096xi32>
    %and3A_2009 = arith.andi %add3A, %and3A_2008 : vector<8x4096xi32>
    %eq3A_2010 = arith.constant 0 : i32
    %eq3A_2011 = vector.broadcast %eq3A_2010 : i32 to vector<8x4096xi32>
    %eq3A_2012 = arith.cmpi eq, %and3A_2009, %eq3A_2011 : vector<8x4096xi32>
    %eq3A_2013 = arith.xori %eq3A_1987, %eq3A_2012 : vector<8x4096xi1>
    %eq3A_2014 = arith.constant dense<true> : vector<8x4096xi1>
    %eq3A_2015 = arith.xori %eq3A_2013, %eq3A_2014 : vector<8x4096xi1>
    %ne3A_2016 = arith.xori %or3A_2006, %eq3A_2015 : vector<8x4096xi1>
    %select_n3A_2017 = arith.select %ne3A_2016, %select_n3A_1994, %select_n3A_1980 : vector<8x4096xi1>, vector<8x4096xi32>
    %select_n3A_2018 = arith.select %ne3A_2016, %select_n3A_2001, %select_n3A_1981 : vector<8x4096xi1>, vector<8x4096xi32>
    %and3A_2019 = arith.constant 2 : i32
    %and3A_2020 = vector.broadcast %and3A_2019 : i32 to vector<8x4096xi32>
    %and3A_2021 = arith.andi %add3A, %and3A_2020 : vector<8x4096xi32>
    %eq3A_2022 = arith.constant 0 : i32
    %eq3A_2023 = vector.broadcast %eq3A_2022 : i32 to vector<8x4096xi32>
    %eq3A_2024 = arith.cmpi eq, %and3A_2021, %eq3A_2023 : vector<8x4096xi32>
    %slice3A_2025 = vector.extract_strided_slice %select_n3A_2017 {offsets = [0, 2], sizes = [8, 4094], strides = [1, 1]} : vector<8x4096xi32> to vector<8x4094xi32>
    %slice3A_2026 = vector.extract_strided_slice %select_n3A_2017 {offsets = [0, 0], sizes = [8, 2], strides = [1, 1]} : vector<8x4096xi32> to vector<8x2xi32>
    %concatenate3A_2027 = tpu.concatenate %slice3A_2025, %slice3A_2026 in 1 : vector<8x4094xi32>, vector<8x2xi32> -> vector<8x4096xi32>
    %slice3A_2028 = vector.extract_strided_slice %select_n3A_2017 {offsets = [0, 4094], sizes = [8, 2], strides = [1, 1]} : vector<8x4096xi32> to vector<8x2xi32>
    %slice3A_2029 = vector.extract_strided_slice %select_n3A_2017 {offsets = [0, 0], sizes = [8, 4094], strides = [1, 1]} : vector<8x4096xi32> to vector<8x4094xi32>
    %concatenate3A_2030 = tpu.concatenate %slice3A_2028, %slice3A_2029 in 1 : vector<8x2xi32>, vector<8x4094xi32> -> vector<8x4096xi32>
    %select_n3A_2031 = arith.select %eq3A_2024, %concatenate3A_2027, %concatenate3A_2030 : vector<8x4096xi1>, vector<8x4096xi32>
    %slice3A_2032 = vector.extract_strided_slice %select_n3A_2018 {offsets = [0, 2], sizes = [8, 4094], strides = [1, 1]} : vector<8x4096xi32> to vector<8x4094xi32>
    %slice3A_2033 = vector.extract_strided_slice %select_n3A_2018 {offsets = [0, 0], sizes = [8, 2], strides = [1, 1]} : vector<8x4096xi32> to vector<8x2xi32>
    %concatenate3A_2034 = tpu.concatenate %slice3A_2032, %slice3A_2033 in 1 : vector<8x4094xi32>, vector<8x2xi32> -> vector<8x4096xi32>
    %slice3A_2035 = vector.extract_strided_slice %select_n3A_2018 {offsets = [0, 4094], sizes = [8, 2], strides = [1, 1]} : vector<8x4096xi32> to vector<8x2xi32>
    %slice3A_2036 = vector.extract_strided_slice %select_n3A_2018 {offsets = [0, 0], sizes = [8, 4094], strides = [1, 1]} : vector<8x4096xi32> to vector<8x4094xi32>
    %concatenate3A_2037 = tpu.concatenate %slice3A_2035, %slice3A_2036 in 1 : vector<8x2xi32>, vector<8x4094xi32> -> vector<8x4096xi32>
    %select_n3A_2038 = arith.select %eq3A_2024, %concatenate3A_2034, %concatenate3A_2037 : vector<8x4096xi1>, vector<8x4096xi32>
    %gt3A_2039 = arith.cmpi sgt, %select_n3A_2017, %select_n3A_2031 : vector<8x4096xi32>
    %eq3A_2040 = arith.cmpi eq, %select_n3A_2017, %select_n3A_2031 : vector<8x4096xi32>
    %lt3A_2041 = arith.cmpi slt, %select_n3A_2018, %select_n3A_2038 : vector<8x4096xi32>
    %and3A_2042 = arith.andi %eq3A_2040, %lt3A_2041 : vector<8x4096xi1>
    %or3A_2043 = arith.ori %gt3A_2039, %and3A_2042 : vector<8x4096xi1>
    %and3A_2044 = arith.constant 1024 : i32
    %and3A_2045 = vector.broadcast %and3A_2044 : i32 to vector<8x4096xi32>
    %and3A_2046 = arith.andi %add3A, %and3A_2045 : vector<8x4096xi32>
    %eq3A_2047 = arith.constant 0 : i32
    %eq3A_2048 = vector.broadcast %eq3A_2047 : i32 to vector<8x4096xi32>
    %eq3A_2049 = arith.cmpi eq, %and3A_2046, %eq3A_2048 : vector<8x4096xi32>
    %eq3A_2050 = arith.xori %eq3A_2024, %eq3A_2049 : vector<8x4096xi1>
    %eq3A_2051 = arith.constant dense<true> : vector<8x4096xi1>
    %eq3A_2052 = arith.xori %eq3A_2050, %eq3A_2051 : vector<8x4096xi1>
    %ne3A_2053 = arith.xori %or3A_2043, %eq3A_2052 : vector<8x4096xi1>
    %select_n3A_2054 = arith.select %ne3A_2053, %select_n3A_2031, %select_n3A_2017 : vector<8x4096xi1>, vector<8x4096xi32>
    %select_n3A_2055 = arith.select %ne3A_2053, %select_n3A_2038, %select_n3A_2018 : vector<8x4096xi1>, vector<8x4096xi32>
    %and3A_2056 = arith.constant 1 : i32
    %and3A_2057 = vector.broadcast %and3A_2056 : i32 to vector<8x4096xi32>
    %and3A_2058 = arith.andi %add3A, %and3A_2057 : vector<8x4096xi32>
    %eq3A_2059 = arith.constant 0 : i32
    %eq3A_2060 = vector.broadcast %eq3A_2059 : i32 to vector<8x4096xi32>
    %eq3A_2061 = arith.cmpi eq, %and3A_2058, %eq3A_2060 : vector<8x4096xi32>
    %slice3A_2062 = vector.extract_strided_slice %select_n3A_2054 {offsets = [0, 1], sizes = [8, 4095], strides = [1, 1]} : vector<8x4096xi32> to vector<8x4095xi32>
    %slice3A_2063 = vector.extract_strided_slice %select_n3A_2054 {offsets = [0, 0], sizes = [8, 1], strides = [1, 1]} : vector<8x4096xi32> to vector<8x1xi32>
    %concatenate3A_2064 = tpu.concatenate %slice3A_2062, %slice3A_2063 in 1 : vector<8x4095xi32>, vector<8x1xi32> -> vector<8x4096xi32>
    %slice3A_2065 = vector.extract_strided_slice %select_n3A_2054 {offsets = [0, 4095], sizes = [8, 1], strides = [1, 1]} : vector<8x4096xi32> to vector<8x1xi32>
    %slice3A_2066 = vector.extract_strided_slice %select_n3A_2054 {offsets = [0, 0], sizes = [8, 4095], strides = [1, 1]} : vector<8x4096xi32> to vector<8x4095xi32>
    %concatenate3A_2067 = tpu.concatenate %slice3A_2065, %slice3A_2066 in 1 : vector<8x1xi32>, vector<8x4095xi32> -> vector<8x4096xi32>
    %select_n3A_2068 = arith.select %eq3A_2061, %concatenate3A_2064, %concatenate3A_2067 : vector<8x4096xi1>, vector<8x4096xi32>
    %slice3A_2069 = vector.extract_strided_slice %select_n3A_2055 {offsets = [0, 1], sizes = [8, 4095], strides = [1, 1]} : vector<8x4096xi32> to vector<8x4095xi32>
    %slice3A_2070 = vector.extract_strided_slice %select_n3A_2055 {offsets = [0, 0], sizes = [8, 1], strides = [1, 1]} : vector<8x4096xi32> to vector<8x1xi32>
    %concatenate3A_2071 = tpu.concatenate %slice3A_2069, %slice3A_2070 in 1 : vector<8x4095xi32>, vector<8x1xi32> -> vector<8x4096xi32>
    %slice3A_2072 = vector.extract_strided_slice %select_n3A_2055 {offsets = [0, 4095], sizes = [8, 1], strides = [1, 1]} : vector<8x4096xi32> to vector<8x1xi32>
    %slice3A_2073 = vector.extract_strided_slice %select_n3A_2055 {offsets = [0, 0], sizes = [8, 4095], strides = [1, 1]} : vector<8x4096xi32> to vector<8x4095xi32>
    %concatenate3A_2074 = tpu.concatenate %slice3A_2072, %slice3A_2073 in 1 : vector<8x1xi32>, vector<8x4095xi32> -> vector<8x4096xi32>
    %select_n3A_2075 = arith.select %eq3A_2061, %concatenate3A_2071, %concatenate3A_2074 : vector<8x4096xi1>, vector<8x4096xi32>
    %gt3A_2076 = arith.cmpi sgt, %select_n3A_2054, %select_n3A_2068 : vector<8x4096xi32>
    %eq3A_2077 = arith.cmpi eq, %select_n3A_2054, %select_n3A_2068 : vector<8x4096xi32>
    %lt3A_2078 = arith.cmpi slt, %select_n3A_2055, %select_n3A_2075 : vector<8x4096xi32>
    %and3A_2079 = arith.andi %eq3A_2077, %lt3A_2078 : vector<8x4096xi1>
    %or3A_2080 = arith.ori %gt3A_2076, %and3A_2079 : vector<8x4096xi1>
    %and3A_2081 = arith.constant 1024 : i32
    %and3A_2082 = vector.broadcast %and3A_2081 : i32 to vector<8x4096xi32>
    %and3A_2083 = arith.andi %add3A, %and3A_2082 : vector<8x4096xi32>
    %eq3A_2084 = arith.constant 0 : i32
    %eq3A_2085 = vector.broadcast %eq3A_2084 : i32 to vector<8x4096xi32>
    %eq3A_2086 = arith.cmpi eq, %and3A_2083, %eq3A_2085 : vector<8x4096xi32>
    %eq3A_2087 = arith.xori %eq3A_2061, %eq3A_2086 : vector<8x4096xi1>
    %eq3A_2088 = arith.constant dense<true> : vector<8x4096xi1>
    %eq3A_2089 = arith.xori %eq3A_2087, %eq3A_2088 : vector<8x4096xi1>
    %ne3A_2090 = arith.xori %or3A_2080, %eq3A_2089 : vector<8x4096xi1>
    %select_n3A_2091 = arith.select %ne3A_2090, %select_n3A_2068, %select_n3A_2054 : vector<8x4096xi1>, vector<8x4096xi32>
    %select_n3A_2092 = arith.select %ne3A_2090, %select_n3A_2075, %select_n3A_2055 : vector<8x4096xi1>, vector<8x4096xi32>
    %and3A_2093 = arith.constant 1024 : i32
    %and3A_2094 = vector.broadcast %and3A_2093 : i32 to vector<8x4096xi32>
    %and3A_2095 = arith.andi %add3A, %and3A_2094 : vector<8x4096xi32>
    %eq3A_2096 = arith.constant 0 : i32
    %eq3A_2097 = vector.broadcast %eq3A_2096 : i32 to vector<8x4096xi32>
    %eq3A_2098 = arith.cmpi eq, %and3A_2095, %eq3A_2097 : vector<8x4096xi32>
    %slice3A_2099 = vector.extract_strided_slice %select_n3A_2091 {offsets = [0, 1024], sizes = [8, 3072], strides = [1, 1]} : vector<8x4096xi32> to vector<8x3072xi32>
    %slice3A_2100 = vector.extract_strided_slice %select_n3A_2091 {offsets = [0, 0], sizes = [8, 1024], strides = [1, 1]} : vector<8x4096xi32> to vector<8x1024xi32>
    %concatenate3A_2101 = tpu.concatenate %slice3A_2099, %slice3A_2100 in 1 : vector<8x3072xi32>, vector<8x1024xi32> -> vector<8x4096xi32>
    %slice3A_2102 = vector.extract_strided_slice %select_n3A_2091 {offsets = [0, 3072], sizes = [8, 1024], strides = [1, 1]} : vector<8x4096xi32> to vector<8x1024xi32>
    %slice3A_2103 = vector.extract_strided_slice %select_n3A_2091 {offsets = [0, 0], sizes = [8, 3072], strides = [1, 1]} : vector<8x4096xi32> to vector<8x3072xi32>
    %concatenate3A_2104 = tpu.concatenate %slice3A_2102, %slice3A_2103 in 1 : vector<8x1024xi32>, vector<8x3072xi32> -> vector<8x4096xi32>
    %select_n3A_2105 = arith.select %eq3A_2098, %concatenate3A_2101, %concatenate3A_2104 : vector<8x4096xi1>, vector<8x4096xi32>
    %slice3A_2106 = vector.extract_strided_slice %select_n3A_2092 {offsets = [0, 1024], sizes = [8, 3072], strides = [1, 1]} : vector<8x4096xi32> to vector<8x3072xi32>
    %slice3A_2107 = vector.extract_strided_slice %select_n3A_2092 {offsets = [0, 0], sizes = [8, 1024], strides = [1, 1]} : vector<8x4096xi32> to vector<8x1024xi32>
    %concatenate3A_2108 = tpu.concatenate %slice3A_2106, %slice3A_2107 in 1 : vector<8x3072xi32>, vector<8x1024xi32> -> vector<8x4096xi32>
    %slice3A_2109 = vector.extract_strided_slice %select_n3A_2092 {offsets = [0, 3072], sizes = [8, 1024], strides = [1, 1]} : vector<8x4096xi32> to vector<8x1024xi32>
    %slice3A_2110 = vector.extract_strided_slice %select_n3A_2092 {offsets = [0, 0], sizes = [8, 3072], strides = [1, 1]} : vector<8x4096xi32> to vector<8x3072xi32>
    %concatenate3A_2111 = tpu.concatenate %slice3A_2109, %slice3A_2110 in 1 : vector<8x1024xi32>, vector<8x3072xi32> -> vector<8x4096xi32>
    %select_n3A_2112 = arith.select %eq3A_2098, %concatenate3A_2108, %concatenate3A_2111 : vector<8x4096xi1>, vector<8x4096xi32>
    %gt3A_2113 = arith.cmpi sgt, %select_n3A_2091, %select_n3A_2105 : vector<8x4096xi32>
    %eq3A_2114 = arith.cmpi eq, %select_n3A_2091, %select_n3A_2105 : vector<8x4096xi32>
    %lt3A_2115 = arith.cmpi slt, %select_n3A_2092, %select_n3A_2112 : vector<8x4096xi32>
    %and3A_2116 = arith.andi %eq3A_2114, %lt3A_2115 : vector<8x4096xi1>
    %or3A_2117 = arith.ori %gt3A_2113, %and3A_2116 : vector<8x4096xi1>
    %and3A_2118 = arith.constant 2048 : i32
    %and3A_2119 = vector.broadcast %and3A_2118 : i32 to vector<8x4096xi32>
    %and3A_2120 = arith.andi %add3A, %and3A_2119 : vector<8x4096xi32>
    %eq3A_2121 = arith.constant 0 : i32
    %eq3A_2122 = vector.broadcast %eq3A_2121 : i32 to vector<8x4096xi32>
    %eq3A_2123 = arith.cmpi eq, %and3A_2120, %eq3A_2122 : vector<8x4096xi32>
    %eq3A_2124 = arith.xori %eq3A_2098, %eq3A_2123 : vector<8x4096xi1>
    %eq3A_2125 = arith.constant dense<true> : vector<8x4096xi1>
    %eq3A_2126 = arith.xori %eq3A_2124, %eq3A_2125 : vector<8x4096xi1>
    %ne3A_2127 = arith.xori %or3A_2117, %eq3A_2126 : vector<8x4096xi1>
    %select_n3A_2128 = arith.select %ne3A_2127, %select_n3A_2105, %select_n3A_2091 : vector<8x4096xi1>, vector<8x4096xi32>
    %select_n3A_2129 = arith.select %ne3A_2127, %select_n3A_2112, %select_n3A_2092 : vector<8x4096xi1>, vector<8x4096xi32>
    %and3A_2130 = arith.constant 512 : i32
    %and3A_2131 = vector.broadcast %and3A_2130 : i32 to vector<8x4096xi32>
    %and3A_2132 = arith.andi %add3A, %and3A_2131 : vector<8x4096xi32>
    %eq3A_2133 = arith.constant 0 : i32
    %eq3A_2134 = vector.broadcast %eq3A_2133 : i32 to vector<8x4096xi32>
    %eq3A_2135 = arith.cmpi eq, %and3A_2132, %eq3A_2134 : vector<8x4096xi32>
    %slice3A_2136 = vector.extract_strided_slice %select_n3A_2128 {offsets = [0, 512], sizes = [8, 3584], strides = [1, 1]} : vector<8x4096xi32> to vector<8x3584xi32>
    %slice3A_2137 = vector.extract_strided_slice %select_n3A_2128 {offsets = [0, 0], sizes = [8, 512], strides = [1, 1]} : vector<8x4096xi32> to vector<8x512xi32>
    %concatenate3A_2138 = tpu.concatenate %slice3A_2136, %slice3A_2137 in 1 : vector<8x3584xi32>, vector<8x512xi32> -> vector<8x4096xi32>
    %slice3A_2139 = vector.extract_strided_slice %select_n3A_2128 {offsets = [0, 3584], sizes = [8, 512], strides = [1, 1]} : vector<8x4096xi32> to vector<8x512xi32>
    %slice3A_2140 = vector.extract_strided_slice %select_n3A_2128 {offsets = [0, 0], sizes = [8, 3584], strides = [1, 1]} : vector<8x4096xi32> to vector<8x3584xi32>
    %concatenate3A_2141 = tpu.concatenate %slice3A_2139, %slice3A_2140 in 1 : vector<8x512xi32>, vector<8x3584xi32> -> vector<8x4096xi32>
    %select_n3A_2142 = arith.select %eq3A_2135, %concatenate3A_2138, %concatenate3A_2141 : vector<8x4096xi1>, vector<8x4096xi32>
    %slice3A_2143 = vector.extract_strided_slice %select_n3A_2129 {offsets = [0, 512], sizes = [8, 3584], strides = [1, 1]} : vector<8x4096xi32> to vector<8x3584xi32>
    %slice3A_2144 = vector.extract_strided_slice %select_n3A_2129 {offsets = [0, 0], sizes = [8, 512], strides = [1, 1]} : vector<8x4096xi32> to vector<8x512xi32>
    %concatenate3A_2145 = tpu.concatenate %slice3A_2143, %slice3A_2144 in 1 : vector<8x3584xi32>, vector<8x512xi32> -> vector<8x4096xi32>
    %slice3A_2146 = vector.extract_strided_slice %select_n3A_2129 {offsets = [0, 3584], sizes = [8, 512], strides = [1, 1]} : vector<8x4096xi32> to vector<8x512xi32>
    %slice3A_2147 = vector.extract_strided_slice %select_n3A_2129 {offsets = [0, 0], sizes = [8, 3584], strides = [1, 1]} : vector<8x4096xi32> to vector<8x3584xi32>
    %concatenate3A_2148 = tpu.concatenate %slice3A_2146, %slice3A_2147 in 1 : vector<8x512xi32>, vector<8x3584xi32> -> vector<8x4096xi32>
    %select_n3A_2149 = arith.select %eq3A_2135, %concatenate3A_2145, %concatenate3A_2148 : vector<8x4096xi1>, vector<8x4096xi32>
    %gt3A_2150 = arith.cmpi sgt, %select_n3A_2128, %select_n3A_2142 : vector<8x4096xi32>
    %eq3A_2151 = arith.cmpi eq, %select_n3A_2128, %select_n3A_2142 : vector<8x4096xi32>
    %lt3A_2152 = arith.cmpi slt, %select_n3A_2129, %select_n3A_2149 : vector<8x4096xi32>
    %and3A_2153 = arith.andi %eq3A_2151, %lt3A_2152 : vector<8x4096xi1>
    %or3A_2154 = arith.ori %gt3A_2150, %and3A_2153 : vector<8x4096xi1>
    %and3A_2155 = arith.constant 2048 : i32
    %and3A_2156 = vector.broadcast %and3A_2155 : i32 to vector<8x4096xi32>
    %and3A_2157 = arith.andi %add3A, %and3A_2156 : vector<8x4096xi32>
    %eq3A_2158 = arith.constant 0 : i32
    %eq3A_2159 = vector.broadcast %eq3A_2158 : i32 to vector<8x4096xi32>
    %eq3A_2160 = arith.cmpi eq, %and3A_2157, %eq3A_2159 : vector<8x4096xi32>
    %eq3A_2161 = arith.xori %eq3A_2135, %eq3A_2160 : vector<8x4096xi1>
    %eq3A_2162 = arith.constant dense<true> : vector<8x4096xi1>
    %eq3A_2163 = arith.xori %eq3A_2161, %eq3A_2162 : vector<8x4096xi1>
    %ne3A_2164 = arith.xori %or3A_2154, %eq3A_2163 : vector<8x4096xi1>
    %select_n3A_2165 = arith.select %ne3A_2164, %select_n3A_2142, %select_n3A_2128 : vector<8x4096xi1>, vector<8x4096xi32>
    %select_n3A_2166 = arith.select %ne3A_2164, %select_n3A_2149, %select_n3A_2129 : vector<8x4096xi1>, vector<8x4096xi32>
    %and3A_2167 = arith.constant 256 : i32
    %and3A_2168 = vector.broadcast %and3A_2167 : i32 to vector<8x4096xi32>
    %and3A_2169 = arith.andi %add3A, %and3A_2168 : vector<8x4096xi32>
    %eq3A_2170 = arith.constant 0 : i32
    %eq3A_2171 = vector.broadcast %eq3A_2170 : i32 to vector<8x4096xi32>
    %eq3A_2172 = arith.cmpi eq, %and3A_2169, %eq3A_2171 : vector<8x4096xi32>
    %slice3A_2173 = vector.extract_strided_slice %select_n3A_2165 {offsets = [0, 256], sizes = [8, 3840], strides = [1, 1]} : vector<8x4096xi32> to vector<8x3840xi32>
    %slice3A_2174 = vector.extract_strided_slice %select_n3A_2165 {offsets = [0, 0], sizes = [8, 256], strides = [1, 1]} : vector<8x4096xi32> to vector<8x256xi32>
    %concatenate3A_2175 = tpu.concatenate %slice3A_2173, %slice3A_2174 in 1 : vector<8x3840xi32>, vector<8x256xi32> -> vector<8x4096xi32>
    %slice3A_2176 = vector.extract_strided_slice %select_n3A_2165 {offsets = [0, 3840], sizes = [8, 256], strides = [1, 1]} : vector<8x4096xi32> to vector<8x256xi32>
    %slice3A_2177 = vector.extract_strided_slice %select_n3A_2165 {offsets = [0, 0], sizes = [8, 3840], strides = [1, 1]} : vector<8x4096xi32> to vector<8x3840xi32>
    %concatenate3A_2178 = tpu.concatenate %slice3A_2176, %slice3A_2177 in 1 : vector<8x256xi32>, vector<8x3840xi32> -> vector<8x4096xi32>
    %select_n3A_2179 = arith.select %eq3A_2172, %concatenate3A_2175, %concatenate3A_2178 : vector<8x4096xi1>, vector<8x4096xi32>
    %slice3A_2180 = vector.extract_strided_slice %select_n3A_2166 {offsets = [0, 256], sizes = [8, 3840], strides = [1, 1]} : vector<8x4096xi32> to vector<8x3840xi32>
    %slice3A_2181 = vector.extract_strided_slice %select_n3A_2166 {offsets = [0, 0], sizes = [8, 256], strides = [1, 1]} : vector<8x4096xi32> to vector<8x256xi32>
    %concatenate3A_2182 = tpu.concatenate %slice3A_2180, %slice3A_2181 in 1 : vector<8x3840xi32>, vector<8x256xi32> -> vector<8x4096xi32>
    %slice3A_2183 = vector.extract_strided_slice %select_n3A_2166 {offsets = [0, 3840], sizes = [8, 256], strides = [1, 1]} : vector<8x4096xi32> to vector<8x256xi32>
    %slice3A_2184 = vector.extract_strided_slice %select_n3A_2166 {offsets = [0, 0], sizes = [8, 3840], strides = [1, 1]} : vector<8x4096xi32> to vector<8x3840xi32>
    %concatenate3A_2185 = tpu.concatenate %slice3A_2183, %slice3A_2184 in 1 : vector<8x256xi32>, vector<8x3840xi32> -> vector<8x4096xi32>
    %select_n3A_2186 = arith.select %eq3A_2172, %concatenate3A_2182, %concatenate3A_2185 : vector<8x4096xi1>, vector<8x4096xi32>
    %gt3A_2187 = arith.cmpi sgt, %select_n3A_2165, %select_n3A_2179 : vector<8x4096xi32>
    %eq3A_2188 = arith.cmpi eq, %select_n3A_2165, %select_n3A_2179 : vector<8x4096xi32>
    %lt3A_2189 = arith.cmpi slt, %select_n3A_2166, %select_n3A_2186 : vector<8x4096xi32>
    %and3A_2190 = arith.andi %eq3A_2188, %lt3A_2189 : vector<8x4096xi1>
    %or3A_2191 = arith.ori %gt3A_2187, %and3A_2190 : vector<8x4096xi1>
    %and3A_2192 = arith.constant 2048 : i32
    %and3A_2193 = vector.broadcast %and3A_2192 : i32 to vector<8x4096xi32>
    %and3A_2194 = arith.andi %add3A, %and3A_2193 : vector<8x4096xi32>
    %eq3A_2195 = arith.constant 0 : i32
    %eq3A_2196 = vector.broadcast %eq3A_2195 : i32 to vector<8x4096xi32>
    %eq3A_2197 = arith.cmpi eq, %and3A_2194, %eq3A_2196 : vector<8x4096xi32>
    %eq3A_2198 = arith.xori %eq3A_2172, %eq3A_2197 : vector<8x4096xi1>
    %eq3A_2199 = arith.constant dense<true> : vector<8x4096xi1>
    %eq3A_2200 = arith.xori %eq3A_2198, %eq3A_2199 : vector<8x4096xi1>
    %ne3A_2201 = arith.xori %or3A_2191, %eq3A_2200 : vector<8x4096xi1>
    %select_n3A_2202 = arith.select %ne3A_2201, %select_n3A_2179, %select_n3A_2165 : vector<8x4096xi1>, vector<8x4096xi32>
    %select_n3A_2203 = arith.select %ne3A_2201, %select_n3A_2186, %select_n3A_2166 : vector<8x4096xi1>, vector<8x4096xi32>
    %and3A_2204 = arith.constant 128 : i32
    %and3A_2205 = vector.broadcast %and3A_2204 : i32 to vector<8x4096xi32>
    %and3A_2206 = arith.andi %add3A, %and3A_2205 : vector<8x4096xi32>
    %eq3A_2207 = arith.constant 0 : i32
    %eq3A_2208 = vector.broadcast %eq3A_2207 : i32 to vector<8x4096xi32>
    %eq3A_2209 = arith.cmpi eq, %and3A_2206, %eq3A_2208 : vector<8x4096xi32>
    %slice3A_2210 = vector.extract_strided_slice %select_n3A_2202 {offsets = [0, 128], sizes = [8, 3968], strides = [1, 1]} : vector<8x4096xi32> to vector<8x3968xi32>
    %slice3A_2211 = vector.extract_strided_slice %select_n3A_2202 {offsets = [0, 0], sizes = [8, 128], strides = [1, 1]} : vector<8x4096xi32> to vector<8x128xi32>
    %concatenate3A_2212 = tpu.concatenate %slice3A_2210, %slice3A_2211 in 1 : vector<8x3968xi32>, vector<8x128xi32> -> vector<8x4096xi32>
    %slice3A_2213 = vector.extract_strided_slice %select_n3A_2202 {offsets = [0, 3968], sizes = [8, 128], strides = [1, 1]} : vector<8x4096xi32> to vector<8x128xi32>
    %slice3A_2214 = vector.extract_strided_slice %select_n3A_2202 {offsets = [0, 0], sizes = [8, 3968], strides = [1, 1]} : vector<8x4096xi32> to vector<8x3968xi32>
    %concatenate3A_2215 = tpu.concatenate %slice3A_2213, %slice3A_2214 in 1 : vector<8x128xi32>, vector<8x3968xi32> -> vector<8x4096xi32>
    %select_n3A_2216 = arith.select %eq3A_2209, %concatenate3A_2212, %concatenate3A_2215 : vector<8x4096xi1>, vector<8x4096xi32>
    %slice3A_2217 = vector.extract_strided_slice %select_n3A_2203 {offsets = [0, 128], sizes = [8, 3968], strides = [1, 1]} : vector<8x4096xi32> to vector<8x3968xi32>
    %slice3A_2218 = vector.extract_strided_slice %select_n3A_2203 {offsets = [0, 0], sizes = [8, 128], strides = [1, 1]} : vector<8x4096xi32> to vector<8x128xi32>
    %concatenate3A_2219 = tpu.concatenate %slice3A_2217, %slice3A_2218 in 1 : vector<8x3968xi32>, vector<8x128xi32> -> vector<8x4096xi32>
    %slice3A_2220 = vector.extract_strided_slice %select_n3A_2203 {offsets = [0, 3968], sizes = [8, 128], strides = [1, 1]} : vector<8x4096xi32> to vector<8x128xi32>
    %slice3A_2221 = vector.extract_strided_slice %select_n3A_2203 {offsets = [0, 0], sizes = [8, 3968], strides = [1, 1]} : vector<8x4096xi32> to vector<8x3968xi32>
    %concatenate3A_2222 = tpu.concatenate %slice3A_2220, %slice3A_2221 in 1 : vector<8x128xi32>, vector<8x3968xi32> -> vector<8x4096xi32>
    %select_n3A_2223 = arith.select %eq3A_2209, %concatenate3A_2219, %concatenate3A_2222 : vector<8x4096xi1>, vector<8x4096xi32>
    %gt3A_2224 = arith.cmpi sgt, %select_n3A_2202, %select_n3A_2216 : vector<8x4096xi32>
    %eq3A_2225 = arith.cmpi eq, %select_n3A_2202, %select_n3A_2216 : vector<8x4096xi32>
    %lt3A_2226 = arith.cmpi slt, %select_n3A_2203, %select_n3A_2223 : vector<8x4096xi32>
    %and3A_2227 = arith.andi %eq3A_2225, %lt3A_2226 : vector<8x4096xi1>
    %or3A_2228 = arith.ori %gt3A_2224, %and3A_2227 : vector<8x4096xi1>
    %and3A_2229 = arith.constant 2048 : i32
    %and3A_2230 = vector.broadcast %and3A_2229 : i32 to vector<8x4096xi32>
    %and3A_2231 = arith.andi %add3A, %and3A_2230 : vector<8x4096xi32>
    %eq3A_2232 = arith.constant 0 : i32
    %eq3A_2233 = vector.broadcast %eq3A_2232 : i32 to vector<8x4096xi32>
    %eq3A_2234 = arith.cmpi eq, %and3A_2231, %eq3A_2233 : vector<8x4096xi32>
    %eq3A_2235 = arith.xori %eq3A_2209, %eq3A_2234 : vector<8x4096xi1>
    %eq3A_2236 = arith.constant dense<true> : vector<8x4096xi1>
    %eq3A_2237 = arith.xori %eq3A_2235, %eq3A_2236 : vector<8x4096xi1>
    %ne3A_2238 = arith.xori %or3A_2228, %eq3A_2237 : vector<8x4096xi1>
    %select_n3A_2239 = arith.select %ne3A_2238, %select_n3A_2216, %select_n3A_2202 : vector<8x4096xi1>, vector<8x4096xi32>
    %select_n3A_2240 = arith.select %ne3A_2238, %select_n3A_2223, %select_n3A_2203 : vector<8x4096xi1>, vector<8x4096xi32>
    %and3A_2241 = arith.constant 64 : i32
    %and3A_2242 = vector.broadcast %and3A_2241 : i32 to vector<8x4096xi32>
    %and3A_2243 = arith.andi %add3A, %and3A_2242 : vector<8x4096xi32>
    %eq3A_2244 = arith.constant 0 : i32
    %eq3A_2245 = vector.broadcast %eq3A_2244 : i32 to vector<8x4096xi32>
    %eq3A_2246 = arith.cmpi eq, %and3A_2243, %eq3A_2245 : vector<8x4096xi32>
    %slice3A_2247 = vector.extract_strided_slice %select_n3A_2239 {offsets = [0, 64], sizes = [8, 4032], strides = [1, 1]} : vector<8x4096xi32> to vector<8x4032xi32>
    %slice3A_2248 = vector.extract_strided_slice %select_n3A_2239 {offsets = [0, 0], sizes = [8, 64], strides = [1, 1]} : vector<8x4096xi32> to vector<8x64xi32>
    %concatenate3A_2249 = tpu.concatenate %slice3A_2247, %slice3A_2248 in 1 : vector<8x4032xi32>, vector<8x64xi32> -> vector<8x4096xi32>
    %slice3A_2250 = vector.extract_strided_slice %select_n3A_2239 {offsets = [0, 4032], sizes = [8, 64], strides = [1, 1]} : vector<8x4096xi32> to vector<8x64xi32>
    %slice3A_2251 = vector.extract_strided_slice %select_n3A_2239 {offsets = [0, 0], sizes = [8, 4032], strides = [1, 1]} : vector<8x4096xi32> to vector<8x4032xi32>
    %concatenate3A_2252 = tpu.concatenate %slice3A_2250, %slice3A_2251 in 1 : vector<8x64xi32>, vector<8x4032xi32> -> vector<8x4096xi32>
    %select_n3A_2253 = arith.select %eq3A_2246, %concatenate3A_2249, %concatenate3A_2252 : vector<8x4096xi1>, vector<8x4096xi32>
    %slice3A_2254 = vector.extract_strided_slice %select_n3A_2240 {offsets = [0, 64], sizes = [8, 4032], strides = [1, 1]} : vector<8x4096xi32> to vector<8x4032xi32>
    %slice3A_2255 = vector.extract_strided_slice %select_n3A_2240 {offsets = [0, 0], sizes = [8, 64], strides = [1, 1]} : vector<8x4096xi32> to vector<8x64xi32>
    %concatenate3A_2256 = tpu.concatenate %slice3A_2254, %slice3A_2255 in 1 : vector<8x4032xi32>, vector<8x64xi32> -> vector<8x4096xi32>
    %slice3A_2257 = vector.extract_strided_slice %select_n3A_2240 {offsets = [0, 4032], sizes = [8, 64], strides = [1, 1]} : vector<8x4096xi32> to vector<8x64xi32>
    %slice3A_2258 = vector.extract_strided_slice %select_n3A_2240 {offsets = [0, 0], sizes = [8, 4032], strides = [1, 1]} : vector<8x4096xi32> to vector<8x4032xi32>
    %concatenate3A_2259 = tpu.concatenate %slice3A_2257, %slice3A_2258 in 1 : vector<8x64xi32>, vector<8x4032xi32> -> vector<8x4096xi32>
    %select_n3A_2260 = arith.select %eq3A_2246, %concatenate3A_2256, %concatenate3A_2259 : vector<8x4096xi1>, vector<8x4096xi32>
    %gt3A_2261 = arith.cmpi sgt, %select_n3A_2239, %select_n3A_2253 : vector<8x4096xi32>
    %eq3A_2262 = arith.cmpi eq, %select_n3A_2239, %select_n3A_2253 : vector<8x4096xi32>
    %lt3A_2263 = arith.cmpi slt, %select_n3A_2240, %select_n3A_2260 : vector<8x4096xi32>
    %and3A_2264 = arith.andi %eq3A_2262, %lt3A_2263 : vector<8x4096xi1>
    %or3A_2265 = arith.ori %gt3A_2261, %and3A_2264 : vector<8x4096xi1>
    %and3A_2266 = arith.constant 2048 : i32
    %and3A_2267 = vector.broadcast %and3A_2266 : i32 to vector<8x4096xi32>
    %and3A_2268 = arith.andi %add3A, %and3A_2267 : vector<8x4096xi32>
    %eq3A_2269 = arith.constant 0 : i32
    %eq3A_2270 = vector.broadcast %eq3A_2269 : i32 to vector<8x4096xi32>
    %eq3A_2271 = arith.cmpi eq, %and3A_2268, %eq3A_2270 : vector<8x4096xi32>
    %eq3A_2272 = arith.xori %eq3A_2246, %eq3A_2271 : vector<8x4096xi1>
    %eq3A_2273 = arith.constant dense<true> : vector<8x4096xi1>
    %eq3A_2274 = arith.xori %eq3A_2272, %eq3A_2273 : vector<8x4096xi1>
    %ne3A_2275 = arith.xori %or3A_2265, %eq3A_2274 : vector<8x4096xi1>
    %select_n3A_2276 = arith.select %ne3A_2275, %select_n3A_2253, %select_n3A_2239 : vector<8x4096xi1>, vector<8x4096xi32>
    %select_n3A_2277 = arith.select %ne3A_2275, %select_n3A_2260, %select_n3A_2240 : vector<8x4096xi1>, vector<8x4096xi32>
    %and3A_2278 = arith.constant 32 : i32
    %and3A_2279 = vector.broadcast %and3A_2278 : i32 to vector<8x4096xi32>
    %and3A_2280 = arith.andi %add3A, %and3A_2279 : vector<8x4096xi32>
    %eq3A_2281 = arith.constant 0 : i32
    %eq3A_2282 = vector.broadcast %eq3A_2281 : i32 to vector<8x4096xi32>
    %eq3A_2283 = arith.cmpi eq, %and3A_2280, %eq3A_2282 : vector<8x4096xi32>
    %slice3A_2284 = vector.extract_strided_slice %select_n3A_2276 {offsets = [0, 32], sizes = [8, 4064], strides = [1, 1]} : vector<8x4096xi32> to vector<8x4064xi32>
    %slice3A_2285 = vector.extract_strided_slice %select_n3A_2276 {offsets = [0, 0], sizes = [8, 32], strides = [1, 1]} : vector<8x4096xi32> to vector<8x32xi32>
    %concatenate3A_2286 = tpu.concatenate %slice3A_2284, %slice3A_2285 in 1 : vector<8x4064xi32>, vector<8x32xi32> -> vector<8x4096xi32>
    %slice3A_2287 = vector.extract_strided_slice %select_n3A_2276 {offsets = [0, 4064], sizes = [8, 32], strides = [1, 1]} : vector<8x4096xi32> to vector<8x32xi32>
    %slice3A_2288 = vector.extract_strided_slice %select_n3A_2276 {offsets = [0, 0], sizes = [8, 4064], strides = [1, 1]} : vector<8x4096xi32> to vector<8x4064xi32>
    %concatenate3A_2289 = tpu.concatenate %slice3A_2287, %slice3A_2288 in 1 : vector<8x32xi32>, vector<8x4064xi32> -> vector<8x4096xi32>
    %select_n3A_2290 = arith.select %eq3A_2283, %concatenate3A_2286, %concatenate3A_2289 : vector<8x4096xi1>, vector<8x4096xi32>
    %slice3A_2291 = vector.extract_strided_slice %select_n3A_2277 {offsets = [0, 32], sizes = [8, 4064], strides = [1, 1]} : vector<8x4096xi32> to vector<8x4064xi32>
    %slice3A_2292 = vector.extract_strided_slice %select_n3A_2277 {offsets = [0, 0], sizes = [8, 32], strides = [1, 1]} : vector<8x4096xi32> to vector<8x32xi32>
    %concatenate3A_2293 = tpu.concatenate %slice3A_2291, %slice3A_2292 in 1 : vector<8x4064xi32>, vector<8x32xi32> -> vector<8x4096xi32>
    %slice3A_2294 = vector.extract_strided_slice %select_n3A_2277 {offsets = [0, 4064], sizes = [8, 32], strides = [1, 1]} : vector<8x4096xi32> to vector<8x32xi32>
    %slice3A_2295 = vector.extract_strided_slice %select_n3A_2277 {offsets = [0, 0], sizes = [8, 4064], strides = [1, 1]} : vector<8x4096xi32> to vector<8x4064xi32>
    %concatenate3A_2296 = tpu.concatenate %slice3A_2294, %slice3A_2295 in 1 : vector<8x32xi32>, vector<8x4064xi32> -> vector<8x4096xi32>
    %select_n3A_2297 = arith.select %eq3A_2283, %concatenate3A_2293, %concatenate3A_2296 : vector<8x4096xi1>, vector<8x4096xi32>
    %gt3A_2298 = arith.cmpi sgt, %select_n3A_2276, %select_n3A_2290 : vector<8x4096xi32>
    %eq3A_2299 = arith.cmpi eq, %select_n3A_2276, %select_n3A_2290 : vector<8x4096xi32>
    %lt3A_2300 = arith.cmpi slt, %select_n3A_2277, %select_n3A_2297 : vector<8x4096xi32>
    %and3A_2301 = arith.andi %eq3A_2299, %lt3A_2300 : vector<8x4096xi1>
    %or3A_2302 = arith.ori %gt3A_2298, %and3A_2301 : vector<8x4096xi1>
    %and3A_2303 = arith.constant 2048 : i32
    %and3A_2304 = vector.broadcast %and3A_2303 : i32 to vector<8x4096xi32>
    %and3A_2305 = arith.andi %add3A, %and3A_2304 : vector<8x4096xi32>
    %eq3A_2306 = arith.constant 0 : i32
    %eq3A_2307 = vector.broadcast %eq3A_2306 : i32 to vector<8x4096xi32>
    %eq3A_2308 = arith.cmpi eq, %and3A_2305, %eq3A_2307 : vector<8x4096xi32>
    %eq3A_2309 = arith.xori %eq3A_2283, %eq3A_2308 : vector<8x4096xi1>
    %eq3A_2310 = arith.constant dense<true> : vector<8x4096xi1>
    %eq3A_2311 = arith.xori %eq3A_2309, %eq3A_2310 : vector<8x4096xi1>
    %ne3A_2312 = arith.xori %or3A_2302, %eq3A_2311 : vector<8x4096xi1>
    %select_n3A_2313 = arith.select %ne3A_2312, %select_n3A_2290, %select_n3A_2276 : vector<8x4096xi1>, vector<8x4096xi32>
    %select_n3A_2314 = arith.select %ne3A_2312, %select_n3A_2297, %select_n3A_2277 : vector<8x4096xi1>, vector<8x4096xi32>
    %and3A_2315 = arith.constant 16 : i32
    %and3A_2316 = vector.broadcast %and3A_2315 : i32 to vector<8x4096xi32>
    %and3A_2317 = arith.andi %add3A, %and3A_2316 : vector<8x4096xi32>
    %eq3A_2318 = arith.constant 0 : i32
    %eq3A_2319 = vector.broadcast %eq3A_2318 : i32 to vector<8x4096xi32>
    %eq3A_2320 = arith.cmpi eq, %and3A_2317, %eq3A_2319 : vector<8x4096xi32>
    %slice3A_2321 = vector.extract_strided_slice %select_n3A_2313 {offsets = [0, 16], sizes = [8, 4080], strides = [1, 1]} : vector<8x4096xi32> to vector<8x4080xi32>
    %slice3A_2322 = vector.extract_strided_slice %select_n3A_2313 {offsets = [0, 0], sizes = [8, 16], strides = [1, 1]} : vector<8x4096xi32> to vector<8x16xi32>
    %concatenate3A_2323 = tpu.concatenate %slice3A_2321, %slice3A_2322 in 1 : vector<8x4080xi32>, vector<8x16xi32> -> vector<8x4096xi32>
    %slice3A_2324 = vector.extract_strided_slice %select_n3A_2313 {offsets = [0, 4080], sizes = [8, 16], strides = [1, 1]} : vector<8x4096xi32> to vector<8x16xi32>
    %slice3A_2325 = vector.extract_strided_slice %select_n3A_2313 {offsets = [0, 0], sizes = [8, 4080], strides = [1, 1]} : vector<8x4096xi32> to vector<8x4080xi32>
    %concatenate3A_2326 = tpu.concatenate %slice3A_2324, %slice3A_2325 in 1 : vector<8x16xi32>, vector<8x4080xi32> -> vector<8x4096xi32>
    %select_n3A_2327 = arith.select %eq3A_2320, %concatenate3A_2323, %concatenate3A_2326 : vector<8x4096xi1>, vector<8x4096xi32>
    %slice3A_2328 = vector.extract_strided_slice %select_n3A_2314 {offsets = [0, 16], sizes = [8, 4080], strides = [1, 1]} : vector<8x4096xi32> to vector<8x4080xi32>
    %slice3A_2329 = vector.extract_strided_slice %select_n3A_2314 {offsets = [0, 0], sizes = [8, 16], strides = [1, 1]} : vector<8x4096xi32> to vector<8x16xi32>
    %concatenate3A_2330 = tpu.concatenate %slice3A_2328, %slice3A_2329 in 1 : vector<8x4080xi32>, vector<8x16xi32> -> vector<8x4096xi32>
    %slice3A_2331 = vector.extract_strided_slice %select_n3A_2314 {offsets = [0, 4080], sizes = [8, 16], strides = [1, 1]} : vector<8x4096xi32> to vector<8x16xi32>
    %slice3A_2332 = vector.extract_strided_slice %select_n3A_2314 {offsets = [0, 0], sizes = [8, 4080], strides = [1, 1]} : vector<8x4096xi32> to vector<8x4080xi32>
    %concatenate3A_2333 = tpu.concatenate %slice3A_2331, %slice3A_2332 in 1 : vector<8x16xi32>, vector<8x4080xi32> -> vector<8x4096xi32>
    %select_n3A_2334 = arith.select %eq3A_2320, %concatenate3A_2330, %concatenate3A_2333 : vector<8x4096xi1>, vector<8x4096xi32>
    %gt3A_2335 = arith.cmpi sgt, %select_n3A_2313, %select_n3A_2327 : vector<8x4096xi32>
    %eq3A_2336 = arith.cmpi eq, %select_n3A_2313, %select_n3A_2327 : vector<8x4096xi32>
    %lt3A_2337 = arith.cmpi slt, %select_n3A_2314, %select_n3A_2334 : vector<8x4096xi32>
    %and3A_2338 = arith.andi %eq3A_2336, %lt3A_2337 : vector<8x4096xi1>
    %or3A_2339 = arith.ori %gt3A_2335, %and3A_2338 : vector<8x4096xi1>
    %and3A_2340 = arith.constant 2048 : i32
    %and3A_2341 = vector.broadcast %and3A_2340 : i32 to vector<8x4096xi32>
    %and3A_2342 = arith.andi %add3A, %and3A_2341 : vector<8x4096xi32>
    %eq3A_2343 = arith.constant 0 : i32
    %eq3A_2344 = vector.broadcast %eq3A_2343 : i32 to vector<8x4096xi32>
    %eq3A_2345 = arith.cmpi eq, %and3A_2342, %eq3A_2344 : vector<8x4096xi32>
    %eq3A_2346 = arith.xori %eq3A_2320, %eq3A_2345 : vector<8x4096xi1>
    %eq3A_2347 = arith.constant dense<true> : vector<8x4096xi1>
    %eq3A_2348 = arith.xori %eq3A_2346, %eq3A_2347 : vector<8x4096xi1>
    %ne3A_2349 = arith.xori %or3A_2339, %eq3A_2348 : vector<8x4096xi1>
    %select_n3A_2350 = arith.select %ne3A_2349, %select_n3A_2327, %select_n3A_2313 : vector<8x4096xi1>, vector<8x4096xi32>
    %select_n3A_2351 = arith.select %ne3A_2349, %select_n3A_2334, %select_n3A_2314 : vector<8x4096xi1>, vector<8x4096xi32>
    %and3A_2352 = arith.constant 8 : i32
    %and3A_2353 = vector.broadcast %and3A_2352 : i32 to vector<8x4096xi32>
    %and3A_2354 = arith.andi %add3A, %and3A_2353 : vector<8x4096xi32>
    %eq3A_2355 = arith.constant 0 : i32
    %eq3A_2356 = vector.broadcast %eq3A_2355 : i32 to vector<8x4096xi32>
    %eq3A_2357 = arith.cmpi eq, %and3A_2354, %eq3A_2356 : vector<8x4096xi32>
    %slice3A_2358 = vector.extract_strided_slice %select_n3A_2350 {offsets = [0, 8], sizes = [8, 4088], strides = [1, 1]} : vector<8x4096xi32> to vector<8x4088xi32>
    %slice3A_2359 = vector.extract_strided_slice %select_n3A_2350 {offsets = [0, 0], sizes = [8, 8], strides = [1, 1]} : vector<8x4096xi32> to vector<8x8xi32>
    %concatenate3A_2360 = tpu.concatenate %slice3A_2358, %slice3A_2359 in 1 : vector<8x4088xi32>, vector<8x8xi32> -> vector<8x4096xi32>
    %slice3A_2361 = vector.extract_strided_slice %select_n3A_2350 {offsets = [0, 4088], sizes = [8, 8], strides = [1, 1]} : vector<8x4096xi32> to vector<8x8xi32>
    %slice3A_2362 = vector.extract_strided_slice %select_n3A_2350 {offsets = [0, 0], sizes = [8, 4088], strides = [1, 1]} : vector<8x4096xi32> to vector<8x4088xi32>
    %concatenate3A_2363 = tpu.concatenate %slice3A_2361, %slice3A_2362 in 1 : vector<8x8xi32>, vector<8x4088xi32> -> vector<8x4096xi32>
    %select_n3A_2364 = arith.select %eq3A_2357, %concatenate3A_2360, %concatenate3A_2363 : vector<8x4096xi1>, vector<8x4096xi32>
    %slice3A_2365 = vector.extract_strided_slice %select_n3A_2351 {offsets = [0, 8], sizes = [8, 4088], strides = [1, 1]} : vector<8x4096xi32> to vector<8x4088xi32>
    %slice3A_2366 = vector.extract_strided_slice %select_n3A_2351 {offsets = [0, 0], sizes = [8, 8], strides = [1, 1]} : vector<8x4096xi32> to vector<8x8xi32>
    %concatenate3A_2367 = tpu.concatenate %slice3A_2365, %slice3A_2366 in 1 : vector<8x4088xi32>, vector<8x8xi32> -> vector<8x4096xi32>
    %slice3A_2368 = vector.extract_strided_slice %select_n3A_2351 {offsets = [0, 4088], sizes = [8, 8], strides = [1, 1]} : vector<8x4096xi32> to vector<8x8xi32>
    %slice3A_2369 = vector.extract_strided_slice %select_n3A_2351 {offsets = [0, 0], sizes = [8, 4088], strides = [1, 1]} : vector<8x4096xi32> to vector<8x4088xi32>
    %concatenate3A_2370 = tpu.concatenate %slice3A_2368, %slice3A_2369 in 1 : vector<8x8xi32>, vector<8x4088xi32> -> vector<8x4096xi32>
    %select_n3A_2371 = arith.select %eq3A_2357, %concatenate3A_2367, %concatenate3A_2370 : vector<8x4096xi1>, vector<8x4096xi32>
    %gt3A_2372 = arith.cmpi sgt, %select_n3A_2350, %select_n3A_2364 : vector<8x4096xi32>
    %eq3A_2373 = arith.cmpi eq, %select_n3A_2350, %select_n3A_2364 : vector<8x4096xi32>
    %lt3A_2374 = arith.cmpi slt, %select_n3A_2351, %select_n3A_2371 : vector<8x4096xi32>
    %and3A_2375 = arith.andi %eq3A_2373, %lt3A_2374 : vector<8x4096xi1>
    %or3A_2376 = arith.ori %gt3A_2372, %and3A_2375 : vector<8x4096xi1>
    %and3A_2377 = arith.constant 2048 : i32
    %and3A_2378 = vector.broadcast %and3A_2377 : i32 to vector<8x4096xi32>
    %and3A_2379 = arith.andi %add3A, %and3A_2378 : vector<8x4096xi32>
    %eq3A_2380 = arith.constant 0 : i32
    %eq3A_2381 = vector.broadcast %eq3A_2380 : i32 to vector<8x4096xi32>
    %eq3A_2382 = arith.cmpi eq, %and3A_2379, %eq3A_2381 : vector<8x4096xi32>
    %eq3A_2383 = arith.xori %eq3A_2357, %eq3A_2382 : vector<8x4096xi1>
    %eq3A_2384 = arith.constant dense<true> : vector<8x4096xi1>
    %eq3A_2385 = arith.xori %eq3A_2383, %eq3A_2384 : vector<8x4096xi1>
    %ne3A_2386 = arith.xori %or3A_2376, %eq3A_2385 : vector<8x4096xi1>
    %select_n3A_2387 = arith.select %ne3A_2386, %select_n3A_2364, %select_n3A_2350 : vector<8x4096xi1>, vector<8x4096xi32>
    %select_n3A_2388 = arith.select %ne3A_2386, %select_n3A_2371, %select_n3A_2351 : vector<8x4096xi1>, vector<8x4096xi32>
    %and3A_2389 = arith.constant 4 : i32
    %and3A_2390 = vector.broadcast %and3A_2389 : i32 to vector<8x4096xi32>
    %and3A_2391 = arith.andi %add3A, %and3A_2390 : vector<8x4096xi32>
    %eq3A_2392 = arith.constant 0 : i32
    %eq3A_2393 = vector.broadcast %eq3A_2392 : i32 to vector<8x4096xi32>
    %eq3A_2394 = arith.cmpi eq, %and3A_2391, %eq3A_2393 : vector<8x4096xi32>
    %slice3A_2395 = vector.extract_strided_slice %select_n3A_2387 {offsets = [0, 4], sizes = [8, 4092], strides = [1, 1]} : vector<8x4096xi32> to vector<8x4092xi32>
    %slice3A_2396 = vector.extract_strided_slice %select_n3A_2387 {offsets = [0, 0], sizes = [8, 4], strides = [1, 1]} : vector<8x4096xi32> to vector<8x4xi32>
    %concatenate3A_2397 = tpu.concatenate %slice3A_2395, %slice3A_2396 in 1 : vector<8x4092xi32>, vector<8x4xi32> -> vector<8x4096xi32>
    %slice3A_2398 = vector.extract_strided_slice %select_n3A_2387 {offsets = [0, 4092], sizes = [8, 4], strides = [1, 1]} : vector<8x4096xi32> to vector<8x4xi32>
    %slice3A_2399 = vector.extract_strided_slice %select_n3A_2387 {offsets = [0, 0], sizes = [8, 4092], strides = [1, 1]} : vector<8x4096xi32> to vector<8x4092xi32>
    %concatenate3A_2400 = tpu.concatenate %slice3A_2398, %slice3A_2399 in 1 : vector<8x4xi32>, vector<8x4092xi32> -> vector<8x4096xi32>
    %select_n3A_2401 = arith.select %eq3A_2394, %concatenate3A_2397, %concatenate3A_2400 : vector<8x4096xi1>, vector<8x4096xi32>
    %slice3A_2402 = vector.extract_strided_slice %select_n3A_2388 {offsets = [0, 4], sizes = [8, 4092], strides = [1, 1]} : vector<8x4096xi32> to vector<8x4092xi32>
    %slice3A_2403 = vector.extract_strided_slice %select_n3A_2388 {offsets = [0, 0], sizes = [8, 4], strides = [1, 1]} : vector<8x4096xi32> to vector<8x4xi32>
    %concatenate3A_2404 = tpu.concatenate %slice3A_2402, %slice3A_2403 in 1 : vector<8x4092xi32>, vector<8x4xi32> -> vector<8x4096xi32>
    %slice3A_2405 = vector.extract_strided_slice %select_n3A_2388 {offsets = [0, 4092], sizes = [8, 4], strides = [1, 1]} : vector<8x4096xi32> to vector<8x4xi32>
    %slice3A_2406 = vector.extract_strided_slice %select_n3A_2388 {offsets = [0, 0], sizes = [8, 4092], strides = [1, 1]} : vector<8x4096xi32> to vector<8x4092xi32>
    %concatenate3A_2407 = tpu.concatenate %slice3A_2405, %slice3A_2406 in 1 : vector<8x4xi32>, vector<8x4092xi32> -> vector<8x4096xi32>
    %select_n3A_2408 = arith.select %eq3A_2394, %concatenate3A_2404, %concatenate3A_2407 : vector<8x4096xi1>, vector<8x4096xi32>
    %gt3A_2409 = arith.cmpi sgt, %select_n3A_2387, %select_n3A_2401 : vector<8x4096xi32>
    %eq3A_2410 = arith.cmpi eq, %select_n3A_2387, %select_n3A_2401 : vector<8x4096xi32>
    %lt3A_2411 = arith.cmpi slt, %select_n3A_2388, %select_n3A_2408 : vector<8x4096xi32>
    %and3A_2412 = arith.andi %eq3A_2410, %lt3A_2411 : vector<8x4096xi1>
    %or3A_2413 = arith.ori %gt3A_2409, %and3A_2412 : vector<8x4096xi1>
    %and3A_2414 = arith.constant 2048 : i32
    %and3A_2415 = vector.broadcast %and3A_2414 : i32 to vector<8x4096xi32>
    %and3A_2416 = arith.andi %add3A, %and3A_2415 : vector<8x4096xi32>
    %eq3A_2417 = arith.constant 0 : i32
    %eq3A_2418 = vector.broadcast %eq3A_2417 : i32 to vector<8x4096xi32>
    %eq3A_2419 = arith.cmpi eq, %and3A_2416, %eq3A_2418 : vector<8x4096xi32>
    %eq3A_2420 = arith.xori %eq3A_2394, %eq3A_2419 : vector<8x4096xi1>
    %eq3A_2421 = arith.constant dense<true> : vector<8x4096xi1>
    %eq3A_2422 = arith.xori %eq3A_2420, %eq3A_2421 : vector<8x4096xi1>
    %ne3A_2423 = arith.xori %or3A_2413, %eq3A_2422 : vector<8x4096xi1>
    %select_n3A_2424 = arith.select %ne3A_2423, %select_n3A_2401, %select_n3A_2387 : vector<8x4096xi1>, vector<8x4096xi32>
    %select_n3A_2425 = arith.select %ne3A_2423, %select_n3A_2408, %select_n3A_2388 : vector<8x4096xi1>, vector<8x4096xi32>
    %and3A_2426 = arith.constant 2 : i32
    %and3A_2427 = vector.broadcast %and3A_2426 : i32 to vector<8x4096xi32>
    %and3A_2428 = arith.andi %add3A, %and3A_2427 : vector<8x4096xi32>
    %eq3A_2429 = arith.constant 0 : i32
    %eq3A_2430 = vector.broadcast %eq3A_2429 : i32 to vector<8x4096xi32>
    %eq3A_2431 = arith.cmpi eq, %and3A_2428, %eq3A_2430 : vector<8x4096xi32>
    %slice3A_2432 = vector.extract_strided_slice %select_n3A_2424 {offsets = [0, 2], sizes = [8, 4094], strides = [1, 1]} : vector<8x4096xi32> to vector<8x4094xi32>
    %slice3A_2433 = vector.extract_strided_slice %select_n3A_2424 {offsets = [0, 0], sizes = [8, 2], strides = [1, 1]} : vector<8x4096xi32> to vector<8x2xi32>
    %concatenate3A_2434 = tpu.concatenate %slice3A_2432, %slice3A_2433 in 1 : vector<8x4094xi32>, vector<8x2xi32> -> vector<8x4096xi32>
    %slice3A_2435 = vector.extract_strided_slice %select_n3A_2424 {offsets = [0, 4094], sizes = [8, 2], strides = [1, 1]} : vector<8x4096xi32> to vector<8x2xi32>
    %slice3A_2436 = vector.extract_strided_slice %select_n3A_2424 {offsets = [0, 0], sizes = [8, 4094], strides = [1, 1]} : vector<8x4096xi32> to vector<8x4094xi32>
    %concatenate3A_2437 = tpu.concatenate %slice3A_2435, %slice3A_2436 in 1 : vector<8x2xi32>, vector<8x4094xi32> -> vector<8x4096xi32>
    %select_n3A_2438 = arith.select %eq3A_2431, %concatenate3A_2434, %concatenate3A_2437 : vector<8x4096xi1>, vector<8x4096xi32>
    %slice3A_2439 = vector.extract_strided_slice %select_n3A_2425 {offsets = [0, 2], sizes = [8, 4094], strides = [1, 1]} : vector<8x4096xi32> to vector<8x4094xi32>
    %slice3A_2440 = vector.extract_strided_slice %select_n3A_2425 {offsets = [0, 0], sizes = [8, 2], strides = [1, 1]} : vector<8x4096xi32> to vector<8x2xi32>
    %concatenate3A_2441 = tpu.concatenate %slice3A_2439, %slice3A_2440 in 1 : vector<8x4094xi32>, vector<8x2xi32> -> vector<8x4096xi32>
    %slice3A_2442 = vector.extract_strided_slice %select_n3A_2425 {offsets = [0, 4094], sizes = [8, 2], strides = [1, 1]} : vector<8x4096xi32> to vector<8x2xi32>
    %slice3A_2443 = vector.extract_strided_slice %select_n3A_2425 {offsets = [0, 0], sizes = [8, 4094], strides = [1, 1]} : vector<8x4096xi32> to vector<8x4094xi32>
    %concatenate3A_2444 = tpu.concatenate %slice3A_2442, %slice3A_2443 in 1 : vector<8x2xi32>, vector<8x4094xi32> -> vector<8x4096xi32>
    %select_n3A_2445 = arith.select %eq3A_2431, %concatenate3A_2441, %concatenate3A_2444 : vector<8x4096xi1>, vector<8x4096xi32>
    %gt3A_2446 = arith.cmpi sgt, %select_n3A_2424, %select_n3A_2438 : vector<8x4096xi32>
    %eq3A_2447 = arith.cmpi eq, %select_n3A_2424, %select_n3A_2438 : vector<8x4096xi32>
    %lt3A_2448 = arith.cmpi slt, %select_n3A_2425, %select_n3A_2445 : vector<8x4096xi32>
    %and3A_2449 = arith.andi %eq3A_2447, %lt3A_2448 : vector<8x4096xi1>
    %or3A_2450 = arith.ori %gt3A_2446, %and3A_2449 : vector<8x4096xi1>
    %and3A_2451 = arith.constant 2048 : i32
    %and3A_2452 = vector.broadcast %and3A_2451 : i32 to vector<8x4096xi32>
    %and3A_2453 = arith.andi %add3A, %and3A_2452 : vector<8x4096xi32>
    %eq3A_2454 = arith.constant 0 : i32
    %eq3A_2455 = vector.broadcast %eq3A_2454 : i32 to vector<8x4096xi32>
    %eq3A_2456 = arith.cmpi eq, %and3A_2453, %eq3A_2455 : vector<8x4096xi32>
    %eq3A_2457 = arith.xori %eq3A_2431, %eq3A_2456 : vector<8x4096xi1>
    %eq3A_2458 = arith.constant dense<true> : vector<8x4096xi1>
    %eq3A_2459 = arith.xori %eq3A_2457, %eq3A_2458 : vector<8x4096xi1>
    %ne3A_2460 = arith.xori %or3A_2450, %eq3A_2459 : vector<8x4096xi1>
    %select_n3A_2461 = arith.select %ne3A_2460, %select_n3A_2438, %select_n3A_2424 : vector<8x4096xi1>, vector<8x4096xi32>
    %select_n3A_2462 = arith.select %ne3A_2460, %select_n3A_2445, %select_n3A_2425 : vector<8x4096xi1>, vector<8x4096xi32>
    %and3A_2463 = arith.constant 1 : i32
    %and3A_2464 = vector.broadcast %and3A_2463 : i32 to vector<8x4096xi32>
    %and3A_2465 = arith.andi %add3A, %and3A_2464 : vector<8x4096xi32>
    %eq3A_2466 = arith.constant 0 : i32
    %eq3A_2467 = vector.broadcast %eq3A_2466 : i32 to vector<8x4096xi32>
    %eq3A_2468 = arith.cmpi eq, %and3A_2465, %eq3A_2467 : vector<8x4096xi32>
    %slice3A_2469 = vector.extract_strided_slice %select_n3A_2461 {offsets = [0, 1], sizes = [8, 4095], strides = [1, 1]} : vector<8x4096xi32> to vector<8x4095xi32>
    %slice3A_2470 = vector.extract_strided_slice %select_n3A_2461 {offsets = [0, 0], sizes = [8, 1], strides = [1, 1]} : vector<8x4096xi32> to vector<8x1xi32>
    %concatenate3A_2471 = tpu.concatenate %slice3A_2469, %slice3A_2470 in 1 : vector<8x4095xi32>, vector<8x1xi32> -> vector<8x4096xi32>
    %slice3A_2472 = vector.extract_strided_slice %select_n3A_2461 {offsets = [0, 4095], sizes = [8, 1], strides = [1, 1]} : vector<8x4096xi32> to vector<8x1xi32>
    %slice3A_2473 = vector.extract_strided_slice %select_n3A_2461 {offsets = [0, 0], sizes = [8, 4095], strides = [1, 1]} : vector<8x4096xi32> to vector<8x4095xi32>
    %concatenate3A_2474 = tpu.concatenate %slice3A_2472, %slice3A_2473 in 1 : vector<8x1xi32>, vector<8x4095xi32> -> vector<8x4096xi32>
    %select_n3A_2475 = arith.select %eq3A_2468, %concatenate3A_2471, %concatenate3A_2474 : vector<8x4096xi1>, vector<8x4096xi32>
    %slice3A_2476 = vector.extract_strided_slice %select_n3A_2462 {offsets = [0, 1], sizes = [8, 4095], strides = [1, 1]} : vector<8x4096xi32> to vector<8x4095xi32>
    %slice3A_2477 = vector.extract_strided_slice %select_n3A_2462 {offsets = [0, 0], sizes = [8, 1], strides = [1, 1]} : vector<8x4096xi32> to vector<8x1xi32>
    %concatenate3A_2478 = tpu.concatenate %slice3A_2476, %slice3A_2477 in 1 : vector<8x4095xi32>, vector<8x1xi32> -> vector<8x4096xi32>
    %slice3A_2479 = vector.extract_strided_slice %select_n3A_2462 {offsets = [0, 4095], sizes = [8, 1], strides = [1, 1]} : vector<8x4096xi32> to vector<8x1xi32>
    %slice3A_2480 = vector.extract_strided_slice %select_n3A_2462 {offsets = [0, 0], sizes = [8, 4095], strides = [1, 1]} : vector<8x4096xi32> to vector<8x4095xi32>
    %concatenate3A_2481 = tpu.concatenate %slice3A_2479, %slice3A_2480 in 1 : vector<8x1xi32>, vector<8x4095xi32> -> vector<8x4096xi32>
    %select_n3A_2482 = arith.select %eq3A_2468, %concatenate3A_2478, %concatenate3A_2481 : vector<8x4096xi1>, vector<8x4096xi32>
    %gt3A_2483 = arith.cmpi sgt, %select_n3A_2461, %select_n3A_2475 : vector<8x4096xi32>
    %eq3A_2484 = arith.cmpi eq, %select_n3A_2461, %select_n3A_2475 : vector<8x4096xi32>
    %lt3A_2485 = arith.cmpi slt, %select_n3A_2462, %select_n3A_2482 : vector<8x4096xi32>
    %and3A_2486 = arith.andi %eq3A_2484, %lt3A_2485 : vector<8x4096xi1>
    %or3A_2487 = arith.ori %gt3A_2483, %and3A_2486 : vector<8x4096xi1>
    %and3A_2488 = arith.constant 2048 : i32
    %and3A_2489 = vector.broadcast %and3A_2488 : i32 to vector<8x4096xi32>
    %and3A_2490 = arith.andi %add3A, %and3A_2489 : vector<8x4096xi32>
    %eq3A_2491 = arith.constant 0 : i32
    %eq3A_2492 = vector.broadcast %eq3A_2491 : i32 to vector<8x4096xi32>
    %eq3A_2493 = arith.cmpi eq, %and3A_2490, %eq3A_2492 : vector<8x4096xi32>
    %eq3A_2494 = arith.xori %eq3A_2468, %eq3A_2493 : vector<8x4096xi1>
    %eq3A_2495 = arith.constant dense<true> : vector<8x4096xi1>
    %eq3A_2496 = arith.xori %eq3A_2494, %eq3A_2495 : vector<8x4096xi1>
    %ne3A_2497 = arith.xori %or3A_2487, %eq3A_2496 : vector<8x4096xi1>
    %select_n3A_2498 = arith.select %ne3A_2497, %select_n3A_2475, %select_n3A_2461 : vector<8x4096xi1>, vector<8x4096xi32>
    %select_n3A_2499 = arith.select %ne3A_2497, %select_n3A_2482, %select_n3A_2462 : vector<8x4096xi1>, vector<8x4096xi32>
    %and3A_2500 = arith.constant 2048 : i32
    %and3A_2501 = vector.broadcast %and3A_2500 : i32 to vector<8x4096xi32>
    %and3A_2502 = arith.andi %add3A, %and3A_2501 : vector<8x4096xi32>
    %eq3A_2503 = arith.constant 0 : i32
    %eq3A_2504 = vector.broadcast %eq3A_2503 : i32 to vector<8x4096xi32>
    %eq3A_2505 = arith.cmpi eq, %and3A_2502, %eq3A_2504 : vector<8x4096xi32>
    %slice3A_2506 = vector.extract_strided_slice %select_n3A_2498 {offsets = [0, 2048], sizes = [8, 2048], strides = [1, 1]} : vector<8x4096xi32> to vector<8x2048xi32>
    %slice3A_2507 = vector.extract_strided_slice %select_n3A_2498 {offsets = [0, 0], sizes = [8, 2048], strides = [1, 1]} : vector<8x4096xi32> to vector<8x2048xi32>
    %concatenate3A_2508 = tpu.concatenate %slice3A_2506, %slice3A_2507 in 1 : vector<8x2048xi32>, vector<8x2048xi32> -> vector<8x4096xi32>
    %slice3A_2509 = vector.extract_strided_slice %select_n3A_2498 {offsets = [0, 2048], sizes = [8, 2048], strides = [1, 1]} : vector<8x4096xi32> to vector<8x2048xi32>
    %slice3A_2510 = vector.extract_strided_slice %select_n3A_2498 {offsets = [0, 0], sizes = [8, 2048], strides = [1, 1]} : vector<8x4096xi32> to vector<8x2048xi32>
    %concatenate3A_2511 = tpu.concatenate %slice3A_2509, %slice3A_2510 in 1 : vector<8x2048xi32>, vector<8x2048xi32> -> vector<8x4096xi32>
    %select_n3A_2512 = arith.select %eq3A_2505, %concatenate3A_2508, %concatenate3A_2511 : vector<8x4096xi1>, vector<8x4096xi32>
    %slice3A_2513 = vector.extract_strided_slice %select_n3A_2499 {offsets = [0, 2048], sizes = [8, 2048], strides = [1, 1]} : vector<8x4096xi32> to vector<8x2048xi32>
    %slice3A_2514 = vector.extract_strided_slice %select_n3A_2499 {offsets = [0, 0], sizes = [8, 2048], strides = [1, 1]} : vector<8x4096xi32> to vector<8x2048xi32>
    %concatenate3A_2515 = tpu.concatenate %slice3A_2513, %slice3A_2514 in 1 : vector<8x2048xi32>, vector<8x2048xi32> -> vector<8x4096xi32>
    %slice3A_2516 = vector.extract_strided_slice %select_n3A_2499 {offsets = [0, 2048], sizes = [8, 2048], strides = [1, 1]} : vector<8x4096xi32> to vector<8x2048xi32>
    %slice3A_2517 = vector.extract_strided_slice %select_n3A_2499 {offsets = [0, 0], sizes = [8, 2048], strides = [1, 1]} : vector<8x4096xi32> to vector<8x2048xi32>
    %concatenate3A_2518 = tpu.concatenate %slice3A_2516, %slice3A_2517 in 1 : vector<8x2048xi32>, vector<8x2048xi32> -> vector<8x4096xi32>
    %select_n3A_2519 = arith.select %eq3A_2505, %concatenate3A_2515, %concatenate3A_2518 : vector<8x4096xi1>, vector<8x4096xi32>
    %gt3A_2520 = arith.cmpi sgt, %select_n3A_2498, %select_n3A_2512 : vector<8x4096xi32>
    %eq3A_2521 = arith.cmpi eq, %select_n3A_2498, %select_n3A_2512 : vector<8x4096xi32>
    %lt3A_2522 = arith.cmpi slt, %select_n3A_2499, %select_n3A_2519 : vector<8x4096xi32>
    %and3A_2523 = arith.andi %eq3A_2521, %lt3A_2522 : vector<8x4096xi1>
    %or3A_2524 = arith.ori %gt3A_2520, %and3A_2523 : vector<8x4096xi1>
    %and3A_2525 = arith.constant 4096 : i32
    %and3A_2526 = vector.broadcast %and3A_2525 : i32 to vector<8x4096xi32>
    %and3A_2527 = arith.andi %add3A, %and3A_2526 : vector<8x4096xi32>
    %eq3A_2528 = arith.constant 0 : i32
    %eq3A_2529 = vector.broadcast %eq3A_2528 : i32 to vector<8x4096xi32>
    %eq3A_2530 = arith.cmpi eq, %and3A_2527, %eq3A_2529 : vector<8x4096xi32>
    %eq3A_2531 = arith.xori %eq3A_2505, %eq3A_2530 : vector<8x4096xi1>
    %eq3A_2532 = arith.constant dense<true> : vector<8x4096xi1>
    %eq3A_2533 = arith.xori %eq3A_2531, %eq3A_2532 : vector<8x4096xi1>
    %ne3A_2534 = arith.xori %or3A_2524, %eq3A_2533 : vector<8x4096xi1>
    %select_n3A_2535 = arith.select %ne3A_2534, %select_n3A_2512, %select_n3A_2498 : vector<8x4096xi1>, vector<8x4096xi32>
    %select_n3A_2536 = arith.select %ne3A_2534, %select_n3A_2519, %select_n3A_2499 : vector<8x4096xi1>, vector<8x4096xi32>
    %and3A_2537 = arith.constant 1024 : i32
    %and3A_2538 = vector.broadcast %and3A_2537 : i32 to vector<8x4096xi32>
    %and3A_2539 = arith.andi %add3A, %and3A_2538 : vector<8x4096xi32>
    %eq3A_2540 = arith.constant 0 : i32
    %eq3A_2541 = vector.broadcast %eq3A_2540 : i32 to vector<8x4096xi32>
    %eq3A_2542 = arith.cmpi eq, %and3A_2539, %eq3A_2541 : vector<8x4096xi32>
    %slice3A_2543 = vector.extract_strided_slice %select_n3A_2535 {offsets = [0, 1024], sizes = [8, 3072], strides = [1, 1]} : vector<8x4096xi32> to vector<8x3072xi32>
    %slice3A_2544 = vector.extract_strided_slice %select_n3A_2535 {offsets = [0, 0], sizes = [8, 1024], strides = [1, 1]} : vector<8x4096xi32> to vector<8x1024xi32>
    %concatenate3A_2545 = tpu.concatenate %slice3A_2543, %slice3A_2544 in 1 : vector<8x3072xi32>, vector<8x1024xi32> -> vector<8x4096xi32>
    %slice3A_2546 = vector.extract_strided_slice %select_n3A_2535 {offsets = [0, 3072], sizes = [8, 1024], strides = [1, 1]} : vector<8x4096xi32> to vector<8x1024xi32>
    %slice3A_2547 = vector.extract_strided_slice %select_n3A_2535 {offsets = [0, 0], sizes = [8, 3072], strides = [1, 1]} : vector<8x4096xi32> to vector<8x3072xi32>
    %concatenate3A_2548 = tpu.concatenate %slice3A_2546, %slice3A_2547 in 1 : vector<8x1024xi32>, vector<8x3072xi32> -> vector<8x4096xi32>
    %select_n3A_2549 = arith.select %eq3A_2542, %concatenate3A_2545, %concatenate3A_2548 : vector<8x4096xi1>, vector<8x4096xi32>
    %slice3A_2550 = vector.extract_strided_slice %select_n3A_2536 {offsets = [0, 1024], sizes = [8, 3072], strides = [1, 1]} : vector<8x4096xi32> to vector<8x3072xi32>
    %slice3A_2551 = vector.extract_strided_slice %select_n3A_2536 {offsets = [0, 0], sizes = [8, 1024], strides = [1, 1]} : vector<8x4096xi32> to vector<8x1024xi32>
    %concatenate3A_2552 = tpu.concatenate %slice3A_2550, %slice3A_2551 in 1 : vector<8x3072xi32>, vector<8x1024xi32> -> vector<8x4096xi32>
    %slice3A_2553 = vector.extract_strided_slice %select_n3A_2536 {offsets = [0, 3072], sizes = [8, 1024], strides = [1, 1]} : vector<8x4096xi32> to vector<8x1024xi32>
    %slice3A_2554 = vector.extract_strided_slice %select_n3A_2536 {offsets = [0, 0], sizes = [8, 3072], strides = [1, 1]} : vector<8x4096xi32> to vector<8x3072xi32>
    %concatenate3A_2555 = tpu.concatenate %slice3A_2553, %slice3A_2554 in 1 : vector<8x1024xi32>, vector<8x3072xi32> -> vector<8x4096xi32>
    %select_n3A_2556 = arith.select %eq3A_2542, %concatenate3A_2552, %concatenate3A_2555 : vector<8x4096xi1>, vector<8x4096xi32>
    %gt3A_2557 = arith.cmpi sgt, %select_n3A_2535, %select_n3A_2549 : vector<8x4096xi32>
    %eq3A_2558 = arith.cmpi eq, %select_n3A_2535, %select_n3A_2549 : vector<8x4096xi32>
    %lt3A_2559 = arith.cmpi slt, %select_n3A_2536, %select_n3A_2556 : vector<8x4096xi32>
    %and3A_2560 = arith.andi %eq3A_2558, %lt3A_2559 : vector<8x4096xi1>
    %or3A_2561 = arith.ori %gt3A_2557, %and3A_2560 : vector<8x4096xi1>
    %and3A_2562 = arith.constant 4096 : i32
    %and3A_2563 = vector.broadcast %and3A_2562 : i32 to vector<8x4096xi32>
    %and3A_2564 = arith.andi %add3A, %and3A_2563 : vector<8x4096xi32>
    %eq3A_2565 = arith.constant 0 : i32
    %eq3A_2566 = vector.broadcast %eq3A_2565 : i32 to vector<8x4096xi32>
    %eq3A_2567 = arith.cmpi eq, %and3A_2564, %eq3A_2566 : vector<8x4096xi32>
    %eq3A_2568 = arith.xori %eq3A_2542, %eq3A_2567 : vector<8x4096xi1>
    %eq3A_2569 = arith.constant dense<true> : vector<8x4096xi1>
    %eq3A_2570 = arith.xori %eq3A_2568, %eq3A_2569 : vector<8x4096xi1>
    %ne3A_2571 = arith.xori %or3A_2561, %eq3A_2570 : vector<8x4096xi1>
    %select_n3A_2572 = arith.select %ne3A_2571, %select_n3A_2549, %select_n3A_2535 : vector<8x4096xi1>, vector<8x4096xi32>
    %select_n3A_2573 = arith.select %ne3A_2571, %select_n3A_2556, %select_n3A_2536 : vector<8x4096xi1>, vector<8x4096xi32>
    %and3A_2574 = arith.constant 512 : i32
    %and3A_2575 = vector.broadcast %and3A_2574 : i32 to vector<8x4096xi32>
    %and3A_2576 = arith.andi %add3A, %and3A_2575 : vector<8x4096xi32>
    %eq3A_2577 = arith.constant 0 : i32
    %eq3A_2578 = vector.broadcast %eq3A_2577 : i32 to vector<8x4096xi32>
    %eq3A_2579 = arith.cmpi eq, %and3A_2576, %eq3A_2578 : vector<8x4096xi32>
    %slice3A_2580 = vector.extract_strided_slice %select_n3A_2572 {offsets = [0, 512], sizes = [8, 3584], strides = [1, 1]} : vector<8x4096xi32> to vector<8x3584xi32>
    %slice3A_2581 = vector.extract_strided_slice %select_n3A_2572 {offsets = [0, 0], sizes = [8, 512], strides = [1, 1]} : vector<8x4096xi32> to vector<8x512xi32>
    %concatenate3A_2582 = tpu.concatenate %slice3A_2580, %slice3A_2581 in 1 : vector<8x3584xi32>, vector<8x512xi32> -> vector<8x4096xi32>
    %slice3A_2583 = vector.extract_strided_slice %select_n3A_2572 {offsets = [0, 3584], sizes = [8, 512], strides = [1, 1]} : vector<8x4096xi32> to vector<8x512xi32>
    %slice3A_2584 = vector.extract_strided_slice %select_n3A_2572 {offsets = [0, 0], sizes = [8, 3584], strides = [1, 1]} : vector<8x4096xi32> to vector<8x3584xi32>
    %concatenate3A_2585 = tpu.concatenate %slice3A_2583, %slice3A_2584 in 1 : vector<8x512xi32>, vector<8x3584xi32> -> vector<8x4096xi32>
    %select_n3A_2586 = arith.select %eq3A_2579, %concatenate3A_2582, %concatenate3A_2585 : vector<8x4096xi1>, vector<8x4096xi32>
    %slice3A_2587 = vector.extract_strided_slice %select_n3A_2573 {offsets = [0, 512], sizes = [8, 3584], strides = [1, 1]} : vector<8x4096xi32> to vector<8x3584xi32>
    %slice3A_2588 = vector.extract_strided_slice %select_n3A_2573 {offsets = [0, 0], sizes = [8, 512], strides = [1, 1]} : vector<8x4096xi32> to vector<8x512xi32>
    %concatenate3A_2589 = tpu.concatenate %slice3A_2587, %slice3A_2588 in 1 : vector<8x3584xi32>, vector<8x512xi32> -> vector<8x4096xi32>
    %slice3A_2590 = vector.extract_strided_slice %select_n3A_2573 {offsets = [0, 3584], sizes = [8, 512], strides = [1, 1]} : vector<8x4096xi32> to vector<8x512xi32>
    %slice3A_2591 = vector.extract_strided_slice %select_n3A_2573 {offsets = [0, 0], sizes = [8, 3584], strides = [1, 1]} : vector<8x4096xi32> to vector<8x3584xi32>
    %concatenate3A_2592 = tpu.concatenate %slice3A_2590, %slice3A_2591 in 1 : vector<8x512xi32>, vector<8x3584xi32> -> vector<8x4096xi32>
    %select_n3A_2593 = arith.select %eq3A_2579, %concatenate3A_2589, %concatenate3A_2592 : vector<8x4096xi1>, vector<8x4096xi32>
    %gt3A_2594 = arith.cmpi sgt, %select_n3A_2572, %select_n3A_2586 : vector<8x4096xi32>
    %eq3A_2595 = arith.cmpi eq, %select_n3A_2572, %select_n3A_2586 : vector<8x4096xi32>
    %lt3A_2596 = arith.cmpi slt, %select_n3A_2573, %select_n3A_2593 : vector<8x4096xi32>
    %and3A_2597 = arith.andi %eq3A_2595, %lt3A_2596 : vector<8x4096xi1>
    %or3A_2598 = arith.ori %gt3A_2594, %and3A_2597 : vector<8x4096xi1>
    %and3A_2599 = arith.constant 4096 : i32
    %and3A_2600 = vector.broadcast %and3A_2599 : i32 to vector<8x4096xi32>
    %and3A_2601 = arith.andi %add3A, %and3A_2600 : vector<8x4096xi32>
    %eq3A_2602 = arith.constant 0 : i32
    %eq3A_2603 = vector.broadcast %eq3A_2602 : i32 to vector<8x4096xi32>
    %eq3A_2604 = arith.cmpi eq, %and3A_2601, %eq3A_2603 : vector<8x4096xi32>
    %eq3A_2605 = arith.xori %eq3A_2579, %eq3A_2604 : vector<8x4096xi1>
    %eq3A_2606 = arith.constant dense<true> : vector<8x4096xi1>
    %eq3A_2607 = arith.xori %eq3A_2605, %eq3A_2606 : vector<8x4096xi1>
    %ne3A_2608 = arith.xori %or3A_2598, %eq3A_2607 : vector<8x4096xi1>
    %select_n3A_2609 = arith.select %ne3A_2608, %select_n3A_2586, %select_n3A_2572 : vector<8x4096xi1>, vector<8x4096xi32>
    %select_n3A_2610 = arith.select %ne3A_2608, %select_n3A_2593, %select_n3A_2573 : vector<8x4096xi1>, vector<8x4096xi32>
    %and3A_2611 = arith.constant 256 : i32
    %and3A_2612 = vector.broadcast %and3A_2611 : i32 to vector<8x4096xi32>
    %and3A_2613 = arith.andi %add3A, %and3A_2612 : vector<8x4096xi32>
    %eq3A_2614 = arith.constant 0 : i32
    %eq3A_2615 = vector.broadcast %eq3A_2614 : i32 to vector<8x4096xi32>
    %eq3A_2616 = arith.cmpi eq, %and3A_2613, %eq3A_2615 : vector<8x4096xi32>
    %slice3A_2617 = vector.extract_strided_slice %select_n3A_2609 {offsets = [0, 256], sizes = [8, 3840], strides = [1, 1]} : vector<8x4096xi32> to vector<8x3840xi32>
    %slice3A_2618 = vector.extract_strided_slice %select_n3A_2609 {offsets = [0, 0], sizes = [8, 256], strides = [1, 1]} : vector<8x4096xi32> to vector<8x256xi32>
    %concatenate3A_2619 = tpu.concatenate %slice3A_2617, %slice3A_2618 in 1 : vector<8x3840xi32>, vector<8x256xi32> -> vector<8x4096xi32>
    %slice3A_2620 = vector.extract_strided_slice %select_n3A_2609 {offsets = [0, 3840], sizes = [8, 256], strides = [1, 1]} : vector<8x4096xi32> to vector<8x256xi32>
    %slice3A_2621 = vector.extract_strided_slice %select_n3A_2609 {offsets = [0, 0], sizes = [8, 3840], strides = [1, 1]} : vector<8x4096xi32> to vector<8x3840xi32>
    %concatenate3A_2622 = tpu.concatenate %slice3A_2620, %slice3A_2621 in 1 : vector<8x256xi32>, vector<8x3840xi32> -> vector<8x4096xi32>
    %select_n3A_2623 = arith.select %eq3A_2616, %concatenate3A_2619, %concatenate3A_2622 : vector<8x4096xi1>, vector<8x4096xi32>
    %slice3A_2624 = vector.extract_strided_slice %select_n3A_2610 {offsets = [0, 256], sizes = [8, 3840], strides = [1, 1]} : vector<8x4096xi32> to vector<8x3840xi32>
    %slice3A_2625 = vector.extract_strided_slice %select_n3A_2610 {offsets = [0, 0], sizes = [8, 256], strides = [1, 1]} : vector<8x4096xi32> to vector<8x256xi32>
    %concatenate3A_2626 = tpu.concatenate %slice3A_2624, %slice3A_2625 in 1 : vector<8x3840xi32>, vector<8x256xi32> -> vector<8x4096xi32>
    %slice3A_2627 = vector.extract_strided_slice %select_n3A_2610 {offsets = [0, 3840], sizes = [8, 256], strides = [1, 1]} : vector<8x4096xi32> to vector<8x256xi32>
    %slice3A_2628 = vector.extract_strided_slice %select_n3A_2610 {offsets = [0, 0], sizes = [8, 3840], strides = [1, 1]} : vector<8x4096xi32> to vector<8x3840xi32>
    %concatenate3A_2629 = tpu.concatenate %slice3A_2627, %slice3A_2628 in 1 : vector<8x256xi32>, vector<8x3840xi32> -> vector<8x4096xi32>
    %select_n3A_2630 = arith.select %eq3A_2616, %concatenate3A_2626, %concatenate3A_2629 : vector<8x4096xi1>, vector<8x4096xi32>
    %gt3A_2631 = arith.cmpi sgt, %select_n3A_2609, %select_n3A_2623 : vector<8x4096xi32>
    %eq3A_2632 = arith.cmpi eq, %select_n3A_2609, %select_n3A_2623 : vector<8x4096xi32>
    %lt3A_2633 = arith.cmpi slt, %select_n3A_2610, %select_n3A_2630 : vector<8x4096xi32>
    %and3A_2634 = arith.andi %eq3A_2632, %lt3A_2633 : vector<8x4096xi1>
    %or3A_2635 = arith.ori %gt3A_2631, %and3A_2634 : vector<8x4096xi1>
    %and3A_2636 = arith.constant 4096 : i32
    %and3A_2637 = vector.broadcast %and3A_2636 : i32 to vector<8x4096xi32>
    %and3A_2638 = arith.andi %add3A, %and3A_2637 : vector<8x4096xi32>
    %eq3A_2639 = arith.constant 0 : i32
    %eq3A_2640 = vector.broadcast %eq3A_2639 : i32 to vector<8x4096xi32>
    %eq3A_2641 = arith.cmpi eq, %and3A_2638, %eq3A_2640 : vector<8x4096xi32>
    %eq3A_2642 = arith.xori %eq3A_2616, %eq3A_2641 : vector<8x4096xi1>
    %eq3A_2643 = arith.constant dense<true> : vector<8x4096xi1>
    %eq3A_2644 = arith.xori %eq3A_2642, %eq3A_2643 : vector<8x4096xi1>
    %ne3A_2645 = arith.xori %or3A_2635, %eq3A_2644 : vector<8x4096xi1>
    %select_n3A_2646 = arith.select %ne3A_2645, %select_n3A_2623, %select_n3A_2609 : vector<8x4096xi1>, vector<8x4096xi32>
    %select_n3A_2647 = arith.select %ne3A_2645, %select_n3A_2630, %select_n3A_2610 : vector<8x4096xi1>, vector<8x4096xi32>
    %and3A_2648 = arith.constant 128 : i32
    %and3A_2649 = vector.broadcast %and3A_2648 : i32 to vector<8x4096xi32>
    %and3A_2650 = arith.andi %add3A, %and3A_2649 : vector<8x4096xi32>
    %eq3A_2651 = arith.constant 0 : i32
    %eq3A_2652 = vector.broadcast %eq3A_2651 : i32 to vector<8x4096xi32>
    %eq3A_2653 = arith.cmpi eq, %and3A_2650, %eq3A_2652 : vector<8x4096xi32>
    %slice3A_2654 = vector.extract_strided_slice %select_n3A_2646 {offsets = [0, 128], sizes = [8, 3968], strides = [1, 1]} : vector<8x4096xi32> to vector<8x3968xi32>
    %slice3A_2655 = vector.extract_strided_slice %select_n3A_2646 {offsets = [0, 0], sizes = [8, 128], strides = [1, 1]} : vector<8x4096xi32> to vector<8x128xi32>
    %concatenate3A_2656 = tpu.concatenate %slice3A_2654, %slice3A_2655 in 1 : vector<8x3968xi32>, vector<8x128xi32> -> vector<8x4096xi32>
    %slice3A_2657 = vector.extract_strided_slice %select_n3A_2646 {offsets = [0, 3968], sizes = [8, 128], strides = [1, 1]} : vector<8x4096xi32> to vector<8x128xi32>
    %slice3A_2658 = vector.extract_strided_slice %select_n3A_2646 {offsets = [0, 0], sizes = [8, 3968], strides = [1, 1]} : vector<8x4096xi32> to vector<8x3968xi32>
    %concatenate3A_2659 = tpu.concatenate %slice3A_2657, %slice3A_2658 in 1 : vector<8x128xi32>, vector<8x3968xi32> -> vector<8x4096xi32>
    %select_n3A_2660 = arith.select %eq3A_2653, %concatenate3A_2656, %concatenate3A_2659 : vector<8x4096xi1>, vector<8x4096xi32>
    %slice3A_2661 = vector.extract_strided_slice %select_n3A_2647 {offsets = [0, 128], sizes = [8, 3968], strides = [1, 1]} : vector<8x4096xi32> to vector<8x3968xi32>
    %slice3A_2662 = vector.extract_strided_slice %select_n3A_2647 {offsets = [0, 0], sizes = [8, 128], strides = [1, 1]} : vector<8x4096xi32> to vector<8x128xi32>
    %concatenate3A_2663 = tpu.concatenate %slice3A_2661, %slice3A_2662 in 1 : vector<8x3968xi32>, vector<8x128xi32> -> vector<8x4096xi32>
    %slice3A_2664 = vector.extract_strided_slice %select_n3A_2647 {offsets = [0, 3968], sizes = [8, 128], strides = [1, 1]} : vector<8x4096xi32> to vector<8x128xi32>
    %slice3A_2665 = vector.extract_strided_slice %select_n3A_2647 {offsets = [0, 0], sizes = [8, 3968], strides = [1, 1]} : vector<8x4096xi32> to vector<8x3968xi32>
    %concatenate3A_2666 = tpu.concatenate %slice3A_2664, %slice3A_2665 in 1 : vector<8x128xi32>, vector<8x3968xi32> -> vector<8x4096xi32>
    %select_n3A_2667 = arith.select %eq3A_2653, %concatenate3A_2663, %concatenate3A_2666 : vector<8x4096xi1>, vector<8x4096xi32>
    %gt3A_2668 = arith.cmpi sgt, %select_n3A_2646, %select_n3A_2660 : vector<8x4096xi32>
    %eq3A_2669 = arith.cmpi eq, %select_n3A_2646, %select_n3A_2660 : vector<8x4096xi32>
    %lt3A_2670 = arith.cmpi slt, %select_n3A_2647, %select_n3A_2667 : vector<8x4096xi32>
    %and3A_2671 = arith.andi %eq3A_2669, %lt3A_2670 : vector<8x4096xi1>
    %or3A_2672 = arith.ori %gt3A_2668, %and3A_2671 : vector<8x4096xi1>
    %and3A_2673 = arith.constant 4096 : i32
    %and3A_2674 = vector.broadcast %and3A_2673 : i32 to vector<8x4096xi32>
    %and3A_2675 = arith.andi %add3A, %and3A_2674 : vector<8x4096xi32>
    %eq3A_2676 = arith.constant 0 : i32
    %eq3A_2677 = vector.broadcast %eq3A_2676 : i32 to vector<8x4096xi32>
    %eq3A_2678 = arith.cmpi eq, %and3A_2675, %eq3A_2677 : vector<8x4096xi32>
    %eq3A_2679 = arith.xori %eq3A_2653, %eq3A_2678 : vector<8x4096xi1>
    %eq3A_2680 = arith.constant dense<true> : vector<8x4096xi1>
    %eq3A_2681 = arith.xori %eq3A_2679, %eq3A_2680 : vector<8x4096xi1>
    %ne3A_2682 = arith.xori %or3A_2672, %eq3A_2681 : vector<8x4096xi1>
    %select_n3A_2683 = arith.select %ne3A_2682, %select_n3A_2660, %select_n3A_2646 : vector<8x4096xi1>, vector<8x4096xi32>
    %select_n3A_2684 = arith.select %ne3A_2682, %select_n3A_2667, %select_n3A_2647 : vector<8x4096xi1>, vector<8x4096xi32>
    %and3A_2685 = arith.constant 64 : i32
    %and3A_2686 = vector.broadcast %and3A_2685 : i32 to vector<8x4096xi32>
    %and3A_2687 = arith.andi %add3A, %and3A_2686 : vector<8x4096xi32>
    %eq3A_2688 = arith.constant 0 : i32
    %eq3A_2689 = vector.broadcast %eq3A_2688 : i32 to vector<8x4096xi32>
    %eq3A_2690 = arith.cmpi eq, %and3A_2687, %eq3A_2689 : vector<8x4096xi32>
    %slice3A_2691 = vector.extract_strided_slice %select_n3A_2683 {offsets = [0, 64], sizes = [8, 4032], strides = [1, 1]} : vector<8x4096xi32> to vector<8x4032xi32>
    %slice3A_2692 = vector.extract_strided_slice %select_n3A_2683 {offsets = [0, 0], sizes = [8, 64], strides = [1, 1]} : vector<8x4096xi32> to vector<8x64xi32>
    %concatenate3A_2693 = tpu.concatenate %slice3A_2691, %slice3A_2692 in 1 : vector<8x4032xi32>, vector<8x64xi32> -> vector<8x4096xi32>
    %slice3A_2694 = vector.extract_strided_slice %select_n3A_2683 {offsets = [0, 4032], sizes = [8, 64], strides = [1, 1]} : vector<8x4096xi32> to vector<8x64xi32>
    %slice3A_2695 = vector.extract_strided_slice %select_n3A_2683 {offsets = [0, 0], sizes = [8, 4032], strides = [1, 1]} : vector<8x4096xi32> to vector<8x4032xi32>
    %concatenate3A_2696 = tpu.concatenate %slice3A_2694, %slice3A_2695 in 1 : vector<8x64xi32>, vector<8x4032xi32> -> vector<8x4096xi32>
    %select_n3A_2697 = arith.select %eq3A_2690, %concatenate3A_2693, %concatenate3A_2696 : vector<8x4096xi1>, vector<8x4096xi32>
    %slice3A_2698 = vector.extract_strided_slice %select_n3A_2684 {offsets = [0, 64], sizes = [8, 4032], strides = [1, 1]} : vector<8x4096xi32> to vector<8x4032xi32>
    %slice3A_2699 = vector.extract_strided_slice %select_n3A_2684 {offsets = [0, 0], sizes = [8, 64], strides = [1, 1]} : vector<8x4096xi32> to vector<8x64xi32>
    %concatenate3A_2700 = tpu.concatenate %slice3A_2698, %slice3A_2699 in 1 : vector<8x4032xi32>, vector<8x64xi32> -> vector<8x4096xi32>
    %slice3A_2701 = vector.extract_strided_slice %select_n3A_2684 {offsets = [0, 4032], sizes = [8, 64], strides = [1, 1]} : vector<8x4096xi32> to vector<8x64xi32>
    %slice3A_2702 = vector.extract_strided_slice %select_n3A_2684 {offsets = [0, 0], sizes = [8, 4032], strides = [1, 1]} : vector<8x4096xi32> to vector<8x4032xi32>
    %concatenate3A_2703 = tpu.concatenate %slice3A_2701, %slice3A_2702 in 1 : vector<8x64xi32>, vector<8x4032xi32> -> vector<8x4096xi32>
    %select_n3A_2704 = arith.select %eq3A_2690, %concatenate3A_2700, %concatenate3A_2703 : vector<8x4096xi1>, vector<8x4096xi32>
    %gt3A_2705 = arith.cmpi sgt, %select_n3A_2683, %select_n3A_2697 : vector<8x4096xi32>
    %eq3A_2706 = arith.cmpi eq, %select_n3A_2683, %select_n3A_2697 : vector<8x4096xi32>
    %lt3A_2707 = arith.cmpi slt, %select_n3A_2684, %select_n3A_2704 : vector<8x4096xi32>
    %and3A_2708 = arith.andi %eq3A_2706, %lt3A_2707 : vector<8x4096xi1>
    %or3A_2709 = arith.ori %gt3A_2705, %and3A_2708 : vector<8x4096xi1>
    %and3A_2710 = arith.constant 4096 : i32
    %and3A_2711 = vector.broadcast %and3A_2710 : i32 to vector<8x4096xi32>
    %and3A_2712 = arith.andi %add3A, %and3A_2711 : vector<8x4096xi32>
    %eq3A_2713 = arith.constant 0 : i32
    %eq3A_2714 = vector.broadcast %eq3A_2713 : i32 to vector<8x4096xi32>
    %eq3A_2715 = arith.cmpi eq, %and3A_2712, %eq3A_2714 : vector<8x4096xi32>
    %eq3A_2716 = arith.xori %eq3A_2690, %eq3A_2715 : vector<8x4096xi1>
    %eq3A_2717 = arith.constant dense<true> : vector<8x4096xi1>
    %eq3A_2718 = arith.xori %eq3A_2716, %eq3A_2717 : vector<8x4096xi1>
    %ne3A_2719 = arith.xori %or3A_2709, %eq3A_2718 : vector<8x4096xi1>
    %select_n3A_2720 = arith.select %ne3A_2719, %select_n3A_2697, %select_n3A_2683 : vector<8x4096xi1>, vector<8x4096xi32>
    %select_n3A_2721 = arith.select %ne3A_2719, %select_n3A_2704, %select_n3A_2684 : vector<8x4096xi1>, vector<8x4096xi32>
    %and3A_2722 = arith.constant 32 : i32
    %and3A_2723 = vector.broadcast %and3A_2722 : i32 to vector<8x4096xi32>
    %and3A_2724 = arith.andi %add3A, %and3A_2723 : vector<8x4096xi32>
    %eq3A_2725 = arith.constant 0 : i32
    %eq3A_2726 = vector.broadcast %eq3A_2725 : i32 to vector<8x4096xi32>
    %eq3A_2727 = arith.cmpi eq, %and3A_2724, %eq3A_2726 : vector<8x4096xi32>
    %slice3A_2728 = vector.extract_strided_slice %select_n3A_2720 {offsets = [0, 32], sizes = [8, 4064], strides = [1, 1]} : vector<8x4096xi32> to vector<8x4064xi32>
    %slice3A_2729 = vector.extract_strided_slice %select_n3A_2720 {offsets = [0, 0], sizes = [8, 32], strides = [1, 1]} : vector<8x4096xi32> to vector<8x32xi32>
    %concatenate3A_2730 = tpu.concatenate %slice3A_2728, %slice3A_2729 in 1 : vector<8x4064xi32>, vector<8x32xi32> -> vector<8x4096xi32>
    %slice3A_2731 = vector.extract_strided_slice %select_n3A_2720 {offsets = [0, 4064], sizes = [8, 32], strides = [1, 1]} : vector<8x4096xi32> to vector<8x32xi32>
    %slice3A_2732 = vector.extract_strided_slice %select_n3A_2720 {offsets = [0, 0], sizes = [8, 4064], strides = [1, 1]} : vector<8x4096xi32> to vector<8x4064xi32>
    %concatenate3A_2733 = tpu.concatenate %slice3A_2731, %slice3A_2732 in 1 : vector<8x32xi32>, vector<8x4064xi32> -> vector<8x4096xi32>
    %select_n3A_2734 = arith.select %eq3A_2727, %concatenate3A_2730, %concatenate3A_2733 : vector<8x4096xi1>, vector<8x4096xi32>
    %slice3A_2735 = vector.extract_strided_slice %select_n3A_2721 {offsets = [0, 32], sizes = [8, 4064], strides = [1, 1]} : vector<8x4096xi32> to vector<8x4064xi32>
    %slice3A_2736 = vector.extract_strided_slice %select_n3A_2721 {offsets = [0, 0], sizes = [8, 32], strides = [1, 1]} : vector<8x4096xi32> to vector<8x32xi32>
    %concatenate3A_2737 = tpu.concatenate %slice3A_2735, %slice3A_2736 in 1 : vector<8x4064xi32>, vector<8x32xi32> -> vector<8x4096xi32>
    %slice3A_2738 = vector.extract_strided_slice %select_n3A_2721 {offsets = [0, 4064], sizes = [8, 32], strides = [1, 1]} : vector<8x4096xi32> to vector<8x32xi32>
    %slice3A_2739 = vector.extract_strided_slice %select_n3A_2721 {offsets = [0, 0], sizes = [8, 4064], strides = [1, 1]} : vector<8x4096xi32> to vector<8x4064xi32>
    %concatenate3A_2740 = tpu.concatenate %slice3A_2738, %slice3A_2739 in 1 : vector<8x32xi32>, vector<8x4064xi32> -> vector<8x4096xi32>
    %select_n3A_2741 = arith.select %eq3A_2727, %concatenate3A_2737, %concatenate3A_2740 : vector<8x4096xi1>, vector<8x4096xi32>
    %gt3A_2742 = arith.cmpi sgt, %select_n3A_2720, %select_n3A_2734 : vector<8x4096xi32>
    %eq3A_2743 = arith.cmpi eq, %select_n3A_2720, %select_n3A_2734 : vector<8x4096xi32>
    %lt3A_2744 = arith.cmpi slt, %select_n3A_2721, %select_n3A_2741 : vector<8x4096xi32>
    %and3A_2745 = arith.andi %eq3A_2743, %lt3A_2744 : vector<8x4096xi1>
    %or3A_2746 = arith.ori %gt3A_2742, %and3A_2745 : vector<8x4096xi1>
    %and3A_2747 = arith.constant 4096 : i32
    %and3A_2748 = vector.broadcast %and3A_2747 : i32 to vector<8x4096xi32>
    %and3A_2749 = arith.andi %add3A, %and3A_2748 : vector<8x4096xi32>
    %eq3A_2750 = arith.constant 0 : i32
    %eq3A_2751 = vector.broadcast %eq3A_2750 : i32 to vector<8x4096xi32>
    %eq3A_2752 = arith.cmpi eq, %and3A_2749, %eq3A_2751 : vector<8x4096xi32>
    %eq3A_2753 = arith.xori %eq3A_2727, %eq3A_2752 : vector<8x4096xi1>
    %eq3A_2754 = arith.constant dense<true> : vector<8x4096xi1>
    %eq3A_2755 = arith.xori %eq3A_2753, %eq3A_2754 : vector<8x4096xi1>
    %ne3A_2756 = arith.xori %or3A_2746, %eq3A_2755 : vector<8x4096xi1>
    %select_n3A_2757 = arith.select %ne3A_2756, %select_n3A_2734, %select_n3A_2720 : vector<8x4096xi1>, vector<8x4096xi32>
    %select_n3A_2758 = arith.select %ne3A_2756, %select_n3A_2741, %select_n3A_2721 : vector<8x4096xi1>, vector<8x4096xi32>
    %and3A_2759 = arith.constant 16 : i32
    %and3A_2760 = vector.broadcast %and3A_2759 : i32 to vector<8x4096xi32>
    %and3A_2761 = arith.andi %add3A, %and3A_2760 : vector<8x4096xi32>
    %eq3A_2762 = arith.constant 0 : i32
    %eq3A_2763 = vector.broadcast %eq3A_2762 : i32 to vector<8x4096xi32>
    %eq3A_2764 = arith.cmpi eq, %and3A_2761, %eq3A_2763 : vector<8x4096xi32>
    %slice3A_2765 = vector.extract_strided_slice %select_n3A_2757 {offsets = [0, 16], sizes = [8, 4080], strides = [1, 1]} : vector<8x4096xi32> to vector<8x4080xi32>
    %slice3A_2766 = vector.extract_strided_slice %select_n3A_2757 {offsets = [0, 0], sizes = [8, 16], strides = [1, 1]} : vector<8x4096xi32> to vector<8x16xi32>
    %concatenate3A_2767 = tpu.concatenate %slice3A_2765, %slice3A_2766 in 1 : vector<8x4080xi32>, vector<8x16xi32> -> vector<8x4096xi32>
    %slice3A_2768 = vector.extract_strided_slice %select_n3A_2757 {offsets = [0, 4080], sizes = [8, 16], strides = [1, 1]} : vector<8x4096xi32> to vector<8x16xi32>
    %slice3A_2769 = vector.extract_strided_slice %select_n3A_2757 {offsets = [0, 0], sizes = [8, 4080], strides = [1, 1]} : vector<8x4096xi32> to vector<8x4080xi32>
    %concatenate3A_2770 = tpu.concatenate %slice3A_2768, %slice3A_2769 in 1 : vector<8x16xi32>, vector<8x4080xi32> -> vector<8x4096xi32>
    %select_n3A_2771 = arith.select %eq3A_2764, %concatenate3A_2767, %concatenate3A_2770 : vector<8x4096xi1>, vector<8x4096xi32>
    %slice3A_2772 = vector.extract_strided_slice %select_n3A_2758 {offsets = [0, 16], sizes = [8, 4080], strides = [1, 1]} : vector<8x4096xi32> to vector<8x4080xi32>
    %slice3A_2773 = vector.extract_strided_slice %select_n3A_2758 {offsets = [0, 0], sizes = [8, 16], strides = [1, 1]} : vector<8x4096xi32> to vector<8x16xi32>
    %concatenate3A_2774 = tpu.concatenate %slice3A_2772, %slice3A_2773 in 1 : vector<8x4080xi32>, vector<8x16xi32> -> vector<8x4096xi32>
    %slice3A_2775 = vector.extract_strided_slice %select_n3A_2758 {offsets = [0, 4080], sizes = [8, 16], strides = [1, 1]} : vector<8x4096xi32> to vector<8x16xi32>
    %slice3A_2776 = vector.extract_strided_slice %select_n3A_2758 {offsets = [0, 0], sizes = [8, 4080], strides = [1, 1]} : vector<8x4096xi32> to vector<8x4080xi32>
    %concatenate3A_2777 = tpu.concatenate %slice3A_2775, %slice3A_2776 in 1 : vector<8x16xi32>, vector<8x4080xi32> -> vector<8x4096xi32>
    %select_n3A_2778 = arith.select %eq3A_2764, %concatenate3A_2774, %concatenate3A_2777 : vector<8x4096xi1>, vector<8x4096xi32>
    %gt3A_2779 = arith.cmpi sgt, %select_n3A_2757, %select_n3A_2771 : vector<8x4096xi32>
    %eq3A_2780 = arith.cmpi eq, %select_n3A_2757, %select_n3A_2771 : vector<8x4096xi32>
    %lt3A_2781 = arith.cmpi slt, %select_n3A_2758, %select_n3A_2778 : vector<8x4096xi32>
    %and3A_2782 = arith.andi %eq3A_2780, %lt3A_2781 : vector<8x4096xi1>
    %or3A_2783 = arith.ori %gt3A_2779, %and3A_2782 : vector<8x4096xi1>
    %and3A_2784 = arith.constant 4096 : i32
    %and3A_2785 = vector.broadcast %and3A_2784 : i32 to vector<8x4096xi32>
    %and3A_2786 = arith.andi %add3A, %and3A_2785 : vector<8x4096xi32>
    %eq3A_2787 = arith.constant 0 : i32
    %eq3A_2788 = vector.broadcast %eq3A_2787 : i32 to vector<8x4096xi32>
    %eq3A_2789 = arith.cmpi eq, %and3A_2786, %eq3A_2788 : vector<8x4096xi32>
    %eq3A_2790 = arith.xori %eq3A_2764, %eq3A_2789 : vector<8x4096xi1>
    %eq3A_2791 = arith.constant dense<true> : vector<8x4096xi1>
    %eq3A_2792 = arith.xori %eq3A_2790, %eq3A_2791 : vector<8x4096xi1>
    %ne3A_2793 = arith.xori %or3A_2783, %eq3A_2792 : vector<8x4096xi1>
    %select_n3A_2794 = arith.select %ne3A_2793, %select_n3A_2771, %select_n3A_2757 : vector<8x4096xi1>, vector<8x4096xi32>
    %select_n3A_2795 = arith.select %ne3A_2793, %select_n3A_2778, %select_n3A_2758 : vector<8x4096xi1>, vector<8x4096xi32>
    %and3A_2796 = arith.constant 8 : i32
    %and3A_2797 = vector.broadcast %and3A_2796 : i32 to vector<8x4096xi32>
    %and3A_2798 = arith.andi %add3A, %and3A_2797 : vector<8x4096xi32>
    %eq3A_2799 = arith.constant 0 : i32
    %eq3A_2800 = vector.broadcast %eq3A_2799 : i32 to vector<8x4096xi32>
    %eq3A_2801 = arith.cmpi eq, %and3A_2798, %eq3A_2800 : vector<8x4096xi32>
    %slice3A_2802 = vector.extract_strided_slice %select_n3A_2794 {offsets = [0, 8], sizes = [8, 4088], strides = [1, 1]} : vector<8x4096xi32> to vector<8x4088xi32>
    %slice3A_2803 = vector.extract_strided_slice %select_n3A_2794 {offsets = [0, 0], sizes = [8, 8], strides = [1, 1]} : vector<8x4096xi32> to vector<8x8xi32>
    %concatenate3A_2804 = tpu.concatenate %slice3A_2802, %slice3A_2803 in 1 : vector<8x4088xi32>, vector<8x8xi32> -> vector<8x4096xi32>
    %slice3A_2805 = vector.extract_strided_slice %select_n3A_2794 {offsets = [0, 4088], sizes = [8, 8], strides = [1, 1]} : vector<8x4096xi32> to vector<8x8xi32>
    %slice3A_2806 = vector.extract_strided_slice %select_n3A_2794 {offsets = [0, 0], sizes = [8, 4088], strides = [1, 1]} : vector<8x4096xi32> to vector<8x4088xi32>
    %concatenate3A_2807 = tpu.concatenate %slice3A_2805, %slice3A_2806 in 1 : vector<8x8xi32>, vector<8x4088xi32> -> vector<8x4096xi32>
    %select_n3A_2808 = arith.select %eq3A_2801, %concatenate3A_2804, %concatenate3A_2807 : vector<8x4096xi1>, vector<8x4096xi32>
    %slice3A_2809 = vector.extract_strided_slice %select_n3A_2795 {offsets = [0, 8], sizes = [8, 4088], strides = [1, 1]} : vector<8x4096xi32> to vector<8x4088xi32>
    %slice3A_2810 = vector.extract_strided_slice %select_n3A_2795 {offsets = [0, 0], sizes = [8, 8], strides = [1, 1]} : vector<8x4096xi32> to vector<8x8xi32>
    %concatenate3A_2811 = tpu.concatenate %slice3A_2809, %slice3A_2810 in 1 : vector<8x4088xi32>, vector<8x8xi32> -> vector<8x4096xi32>
    %slice3A_2812 = vector.extract_strided_slice %select_n3A_2795 {offsets = [0, 4088], sizes = [8, 8], strides = [1, 1]} : vector<8x4096xi32> to vector<8x8xi32>
    %slice3A_2813 = vector.extract_strided_slice %select_n3A_2795 {offsets = [0, 0], sizes = [8, 4088], strides = [1, 1]} : vector<8x4096xi32> to vector<8x4088xi32>
    %concatenate3A_2814 = tpu.concatenate %slice3A_2812, %slice3A_2813 in 1 : vector<8x8xi32>, vector<8x4088xi32> -> vector<8x4096xi32>
    %select_n3A_2815 = arith.select %eq3A_2801, %concatenate3A_2811, %concatenate3A_2814 : vector<8x4096xi1>, vector<8x4096xi32>
    %gt3A_2816 = arith.cmpi sgt, %select_n3A_2794, %select_n3A_2808 : vector<8x4096xi32>
    %eq3A_2817 = arith.cmpi eq, %select_n3A_2794, %select_n3A_2808 : vector<8x4096xi32>
    %lt3A_2818 = arith.cmpi slt, %select_n3A_2795, %select_n3A_2815 : vector<8x4096xi32>
    %and3A_2819 = arith.andi %eq3A_2817, %lt3A_2818 : vector<8x4096xi1>
    %or3A_2820 = arith.ori %gt3A_2816, %and3A_2819 : vector<8x4096xi1>
    %and3A_2821 = arith.constant 4096 : i32
    %and3A_2822 = vector.broadcast %and3A_2821 : i32 to vector<8x4096xi32>
    %and3A_2823 = arith.andi %add3A, %and3A_2822 : vector<8x4096xi32>
    %eq3A_2824 = arith.constant 0 : i32
    %eq3A_2825 = vector.broadcast %eq3A_2824 : i32 to vector<8x4096xi32>
    %eq3A_2826 = arith.cmpi eq, %and3A_2823, %eq3A_2825 : vector<8x4096xi32>
    %eq3A_2827 = arith.xori %eq3A_2801, %eq3A_2826 : vector<8x4096xi1>
    %eq3A_2828 = arith.constant dense<true> : vector<8x4096xi1>
    %eq3A_2829 = arith.xori %eq3A_2827, %eq3A_2828 : vector<8x4096xi1>
    %ne3A_2830 = arith.xori %or3A_2820, %eq3A_2829 : vector<8x4096xi1>
    %select_n3A_2831 = arith.select %ne3A_2830, %select_n3A_2808, %select_n3A_2794 : vector<8x4096xi1>, vector<8x4096xi32>
    %select_n3A_2832 = arith.select %ne3A_2830, %select_n3A_2815, %select_n3A_2795 : vector<8x4096xi1>, vector<8x4096xi32>
    %and3A_2833 = arith.constant 4 : i32
    %and3A_2834 = vector.broadcast %and3A_2833 : i32 to vector<8x4096xi32>
    %and3A_2835 = arith.andi %add3A, %and3A_2834 : vector<8x4096xi32>
    %eq3A_2836 = arith.constant 0 : i32
    %eq3A_2837 = vector.broadcast %eq3A_2836 : i32 to vector<8x4096xi32>
    %eq3A_2838 = arith.cmpi eq, %and3A_2835, %eq3A_2837 : vector<8x4096xi32>
    %slice3A_2839 = vector.extract_strided_slice %select_n3A_2831 {offsets = [0, 4], sizes = [8, 4092], strides = [1, 1]} : vector<8x4096xi32> to vector<8x4092xi32>
    %slice3A_2840 = vector.extract_strided_slice %select_n3A_2831 {offsets = [0, 0], sizes = [8, 4], strides = [1, 1]} : vector<8x4096xi32> to vector<8x4xi32>
    %concatenate3A_2841 = tpu.concatenate %slice3A_2839, %slice3A_2840 in 1 : vector<8x4092xi32>, vector<8x4xi32> -> vector<8x4096xi32>
    %slice3A_2842 = vector.extract_strided_slice %select_n3A_2831 {offsets = [0, 4092], sizes = [8, 4], strides = [1, 1]} : vector<8x4096xi32> to vector<8x4xi32>
    %slice3A_2843 = vector.extract_strided_slice %select_n3A_2831 {offsets = [0, 0], sizes = [8, 4092], strides = [1, 1]} : vector<8x4096xi32> to vector<8x4092xi32>
    %concatenate3A_2844 = tpu.concatenate %slice3A_2842, %slice3A_2843 in 1 : vector<8x4xi32>, vector<8x4092xi32> -> vector<8x4096xi32>
    %select_n3A_2845 = arith.select %eq3A_2838, %concatenate3A_2841, %concatenate3A_2844 : vector<8x4096xi1>, vector<8x4096xi32>
    %slice3A_2846 = vector.extract_strided_slice %select_n3A_2832 {offsets = [0, 4], sizes = [8, 4092], strides = [1, 1]} : vector<8x4096xi32> to vector<8x4092xi32>
    %slice3A_2847 = vector.extract_strided_slice %select_n3A_2832 {offsets = [0, 0], sizes = [8, 4], strides = [1, 1]} : vector<8x4096xi32> to vector<8x4xi32>
    %concatenate3A_2848 = tpu.concatenate %slice3A_2846, %slice3A_2847 in 1 : vector<8x4092xi32>, vector<8x4xi32> -> vector<8x4096xi32>
    %slice3A_2849 = vector.extract_strided_slice %select_n3A_2832 {offsets = [0, 4092], sizes = [8, 4], strides = [1, 1]} : vector<8x4096xi32> to vector<8x4xi32>
    %slice3A_2850 = vector.extract_strided_slice %select_n3A_2832 {offsets = [0, 0], sizes = [8, 4092], strides = [1, 1]} : vector<8x4096xi32> to vector<8x4092xi32>
    %concatenate3A_2851 = tpu.concatenate %slice3A_2849, %slice3A_2850 in 1 : vector<8x4xi32>, vector<8x4092xi32> -> vector<8x4096xi32>
    %select_n3A_2852 = arith.select %eq3A_2838, %concatenate3A_2848, %concatenate3A_2851 : vector<8x4096xi1>, vector<8x4096xi32>
    %gt3A_2853 = arith.cmpi sgt, %select_n3A_2831, %select_n3A_2845 : vector<8x4096xi32>
    %eq3A_2854 = arith.cmpi eq, %select_n3A_2831, %select_n3A_2845 : vector<8x4096xi32>
    %lt3A_2855 = arith.cmpi slt, %select_n3A_2832, %select_n3A_2852 : vector<8x4096xi32>
    %and3A_2856 = arith.andi %eq3A_2854, %lt3A_2855 : vector<8x4096xi1>
    %or3A_2857 = arith.ori %gt3A_2853, %and3A_2856 : vector<8x4096xi1>
    %and3A_2858 = arith.constant 4096 : i32
    %and3A_2859 = vector.broadcast %and3A_2858 : i32 to vector<8x4096xi32>
    %and3A_2860 = arith.andi %add3A, %and3A_2859 : vector<8x4096xi32>
    %eq3A_2861 = arith.constant 0 : i32
    %eq3A_2862 = vector.broadcast %eq3A_2861 : i32 to vector<8x4096xi32>
    %eq3A_2863 = arith.cmpi eq, %and3A_2860, %eq3A_2862 : vector<8x4096xi32>
    %eq3A_2864 = arith.xori %eq3A_2838, %eq3A_2863 : vector<8x4096xi1>
    %eq3A_2865 = arith.constant dense<true> : vector<8x4096xi1>
    %eq3A_2866 = arith.xori %eq3A_2864, %eq3A_2865 : vector<8x4096xi1>
    %ne3A_2867 = arith.xori %or3A_2857, %eq3A_2866 : vector<8x4096xi1>
    %select_n3A_2868 = arith.select %ne3A_2867, %select_n3A_2845, %select_n3A_2831 : vector<8x4096xi1>, vector<8x4096xi32>
    %select_n3A_2869 = arith.select %ne3A_2867, %select_n3A_2852, %select_n3A_2832 : vector<8x4096xi1>, vector<8x4096xi32>
    %and3A_2870 = arith.constant 2 : i32
    %and3A_2871 = vector.broadcast %and3A_2870 : i32 to vector<8x4096xi32>
    %and3A_2872 = arith.andi %add3A, %and3A_2871 : vector<8x4096xi32>
    %eq3A_2873 = arith.constant 0 : i32
    %eq3A_2874 = vector.broadcast %eq3A_2873 : i32 to vector<8x4096xi32>
    %eq3A_2875 = arith.cmpi eq, %and3A_2872, %eq3A_2874 : vector<8x4096xi32>
    %slice3A_2876 = vector.extract_strided_slice %select_n3A_2868 {offsets = [0, 2], sizes = [8, 4094], strides = [1, 1]} : vector<8x4096xi32> to vector<8x4094xi32>
    %slice3A_2877 = vector.extract_strided_slice %select_n3A_2868 {offsets = [0, 0], sizes = [8, 2], strides = [1, 1]} : vector<8x4096xi32> to vector<8x2xi32>
    %concatenate3A_2878 = tpu.concatenate %slice3A_2876, %slice3A_2877 in 1 : vector<8x4094xi32>, vector<8x2xi32> -> vector<8x4096xi32>
    %slice3A_2879 = vector.extract_strided_slice %select_n3A_2868 {offsets = [0, 4094], sizes = [8, 2], strides = [1, 1]} : vector<8x4096xi32> to vector<8x2xi32>
    %slice3A_2880 = vector.extract_strided_slice %select_n3A_2868 {offsets = [0, 0], sizes = [8, 4094], strides = [1, 1]} : vector<8x4096xi32> to vector<8x4094xi32>
    %concatenate3A_2881 = tpu.concatenate %slice3A_2879, %slice3A_2880 in 1 : vector<8x2xi32>, vector<8x4094xi32> -> vector<8x4096xi32>
    %select_n3A_2882 = arith.select %eq3A_2875, %concatenate3A_2878, %concatenate3A_2881 : vector<8x4096xi1>, vector<8x4096xi32>
    %slice3A_2883 = vector.extract_strided_slice %select_n3A_2869 {offsets = [0, 2], sizes = [8, 4094], strides = [1, 1]} : vector<8x4096xi32> to vector<8x4094xi32>
    %slice3A_2884 = vector.extract_strided_slice %select_n3A_2869 {offsets = [0, 0], sizes = [8, 2], strides = [1, 1]} : vector<8x4096xi32> to vector<8x2xi32>
    %concatenate3A_2885 = tpu.concatenate %slice3A_2883, %slice3A_2884 in 1 : vector<8x4094xi32>, vector<8x2xi32> -> vector<8x4096xi32>
    %slice3A_2886 = vector.extract_strided_slice %select_n3A_2869 {offsets = [0, 4094], sizes = [8, 2], strides = [1, 1]} : vector<8x4096xi32> to vector<8x2xi32>
    %slice3A_2887 = vector.extract_strided_slice %select_n3A_2869 {offsets = [0, 0], sizes = [8, 4094], strides = [1, 1]} : vector<8x4096xi32> to vector<8x4094xi32>
    %concatenate3A_2888 = tpu.concatenate %slice3A_2886, %slice3A_2887 in 1 : vector<8x2xi32>, vector<8x4094xi32> -> vector<8x4096xi32>
    %select_n3A_2889 = arith.select %eq3A_2875, %concatenate3A_2885, %concatenate3A_2888 : vector<8x4096xi1>, vector<8x4096xi32>
    %gt3A_2890 = arith.cmpi sgt, %select_n3A_2868, %select_n3A_2882 : vector<8x4096xi32>
    %eq3A_2891 = arith.cmpi eq, %select_n3A_2868, %select_n3A_2882 : vector<8x4096xi32>
    %lt3A_2892 = arith.cmpi slt, %select_n3A_2869, %select_n3A_2889 : vector<8x4096xi32>
    %and3A_2893 = arith.andi %eq3A_2891, %lt3A_2892 : vector<8x4096xi1>
    %or3A_2894 = arith.ori %gt3A_2890, %and3A_2893 : vector<8x4096xi1>
    %and3A_2895 = arith.constant 4096 : i32
    %and3A_2896 = vector.broadcast %and3A_2895 : i32 to vector<8x4096xi32>
    %and3A_2897 = arith.andi %add3A, %and3A_2896 : vector<8x4096xi32>
    %eq3A_2898 = arith.constant 0 : i32
    %eq3A_2899 = vector.broadcast %eq3A_2898 : i32 to vector<8x4096xi32>
    %eq3A_2900 = arith.cmpi eq, %and3A_2897, %eq3A_2899 : vector<8x4096xi32>
    %eq3A_2901 = arith.xori %eq3A_2875, %eq3A_2900 : vector<8x4096xi1>
    %eq3A_2902 = arith.constant dense<true> : vector<8x4096xi1>
    %eq3A_2903 = arith.xori %eq3A_2901, %eq3A_2902 : vector<8x4096xi1>
    %ne3A_2904 = arith.xori %or3A_2894, %eq3A_2903 : vector<8x4096xi1>
    %select_n3A_2905 = arith.select %ne3A_2904, %select_n3A_2882, %select_n3A_2868 : vector<8x4096xi1>, vector<8x4096xi32>
    %select_n3A_2906 = arith.select %ne3A_2904, %select_n3A_2889, %select_n3A_2869 : vector<8x4096xi1>, vector<8x4096xi32>
    %and3A_2907 = arith.constant 1 : i32
    %and3A_2908 = vector.broadcast %and3A_2907 : i32 to vector<8x4096xi32>
    %and3A_2909 = arith.andi %add3A, %and3A_2908 : vector<8x4096xi32>
    %eq3A_2910 = arith.constant 0 : i32
    %eq3A_2911 = vector.broadcast %eq3A_2910 : i32 to vector<8x4096xi32>
    %eq3A_2912 = arith.cmpi eq, %and3A_2909, %eq3A_2911 : vector<8x4096xi32>
    %slice3A_2913 = vector.extract_strided_slice %select_n3A_2905 {offsets = [0, 1], sizes = [8, 4095], strides = [1, 1]} : vector<8x4096xi32> to vector<8x4095xi32>
    %slice3A_2914 = vector.extract_strided_slice %select_n3A_2905 {offsets = [0, 0], sizes = [8, 1], strides = [1, 1]} : vector<8x4096xi32> to vector<8x1xi32>
    %concatenate3A_2915 = tpu.concatenate %slice3A_2913, %slice3A_2914 in 1 : vector<8x4095xi32>, vector<8x1xi32> -> vector<8x4096xi32>
    %slice3A_2916 = vector.extract_strided_slice %select_n3A_2905 {offsets = [0, 4095], sizes = [8, 1], strides = [1, 1]} : vector<8x4096xi32> to vector<8x1xi32>
    %slice3A_2917 = vector.extract_strided_slice %select_n3A_2905 {offsets = [0, 0], sizes = [8, 4095], strides = [1, 1]} : vector<8x4096xi32> to vector<8x4095xi32>
    %concatenate3A_2918 = tpu.concatenate %slice3A_2916, %slice3A_2917 in 1 : vector<8x1xi32>, vector<8x4095xi32> -> vector<8x4096xi32>
    %select_n3A_2919 = arith.select %eq3A_2912, %concatenate3A_2915, %concatenate3A_2918 : vector<8x4096xi1>, vector<8x4096xi32>
    %slice3A_2920 = vector.extract_strided_slice %select_n3A_2906 {offsets = [0, 1], sizes = [8, 4095], strides = [1, 1]} : vector<8x4096xi32> to vector<8x4095xi32>
    %slice3A_2921 = vector.extract_strided_slice %select_n3A_2906 {offsets = [0, 0], sizes = [8, 1], strides = [1, 1]} : vector<8x4096xi32> to vector<8x1xi32>
    %concatenate3A_2922 = tpu.concatenate %slice3A_2920, %slice3A_2921 in 1 : vector<8x4095xi32>, vector<8x1xi32> -> vector<8x4096xi32>
    %slice3A_2923 = vector.extract_strided_slice %select_n3A_2906 {offsets = [0, 4095], sizes = [8, 1], strides = [1, 1]} : vector<8x4096xi32> to vector<8x1xi32>
    %slice3A_2924 = vector.extract_strided_slice %select_n3A_2906 {offsets = [0, 0], sizes = [8, 4095], strides = [1, 1]} : vector<8x4096xi32> to vector<8x4095xi32>
    %concatenate3A_2925 = tpu.concatenate %slice3A_2923, %slice3A_2924 in 1 : vector<8x1xi32>, vector<8x4095xi32> -> vector<8x4096xi32>
    %select_n3A_2926 = arith.select %eq3A_2912, %concatenate3A_2922, %concatenate3A_2925 : vector<8x4096xi1>, vector<8x4096xi32>
    %gt3A_2927 = arith.cmpi sgt, %select_n3A_2905, %select_n3A_2919 : vector<8x4096xi32>
    %eq3A_2928 = arith.cmpi eq, %select_n3A_2905, %select_n3A_2919 : vector<8x4096xi32>
    %lt3A_2929 = arith.cmpi slt, %select_n3A_2906, %select_n3A_2926 : vector<8x4096xi32>
    %and3A_2930 = arith.andi %eq3A_2928, %lt3A_2929 : vector<8x4096xi1>
    %or3A_2931 = arith.ori %gt3A_2927, %and3A_2930 : vector<8x4096xi1>
    %and3A_2932 = arith.constant 4096 : i32
    %and3A_2933 = vector.broadcast %and3A_2932 : i32 to vector<8x4096xi32>
    %and3A_2934 = arith.andi %add3A, %and3A_2933 : vector<8x4096xi32>
    %eq3A_2935 = arith.constant 0 : i32
    %eq3A_2936 = vector.broadcast %eq3A_2935 : i32 to vector<8x4096xi32>
    %eq3A_2937 = arith.cmpi eq, %and3A_2934, %eq3A_2936 : vector<8x4096xi32>
    %eq3A_2938 = arith.xori %eq3A_2912, %eq3A_2937 : vector<8x4096xi1>
    %eq3A_2939 = arith.constant dense<true> : vector<8x4096xi1>
    %eq3A_2940 = arith.xori %eq3A_2938, %eq3A_2939 : vector<8x4096xi1>
    %ne3A_2941 = arith.xori %or3A_2931, %eq3A_2940 : vector<8x4096xi1>
    %select_n3A_2942 = arith.select %ne3A_2941, %select_n3A_2919, %select_n3A_2905 : vector<8x4096xi1>, vector<8x4096xi32>
    %select_n3A_2943 = arith.select %ne3A_2941, %select_n3A_2926, %select_n3A_2906 : vector<8x4096xi1>, vector<8x4096xi32>
    %and3A_2944 = arith.constant 4096 : i32
    %and3A_2945 = vector.broadcast %and3A_2944 : i32 to vector<8x4096xi32>
    %and3A_2946 = arith.andi %add3A, %and3A_2945 : vector<8x4096xi32>
    %eq3A_2947 = arith.constant 0 : i32
    %eq3A_2948 = vector.broadcast %eq3A_2947 : i32 to vector<8x4096xi32>
    %eq3A_2949 = arith.cmpi eq, %and3A_2946, %eq3A_2948 : vector<8x4096xi32>
    %slice3A_2950 = vector.extract_strided_slice %select_n3A_2942 {offsets = [4, 0], sizes = [4, 4096], strides = [1, 1]} : vector<8x4096xi32> to vector<4x4096xi32>
    %slice3A_2951 = vector.extract_strided_slice %select_n3A_2942 {offsets = [0, 0], sizes = [4, 4096], strides = [1, 1]} : vector<8x4096xi32> to vector<4x4096xi32>
    %concatenate3A_2952 = tpu.concatenate %slice3A_2950, %slice3A_2951 in 0 : vector<4x4096xi32>, vector<4x4096xi32> -> vector<8x4096xi32>
    %slice3A_2953 = vector.extract_strided_slice %select_n3A_2943 {offsets = [4, 0], sizes = [4, 4096], strides = [1, 1]} : vector<8x4096xi32> to vector<4x4096xi32>
    %slice3A_2954 = vector.extract_strided_slice %select_n3A_2943 {offsets = [0, 0], sizes = [4, 4096], strides = [1, 1]} : vector<8x4096xi32> to vector<4x4096xi32>
    %concatenate3A_2955 = tpu.concatenate %slice3A_2953, %slice3A_2954 in 0 : vector<4x4096xi32>, vector<4x4096xi32> -> vector<8x4096xi32>
    %gt3A_2956 = arith.cmpi sgt, %select_n3A_2942, %concatenate3A_2952 : vector<8x4096xi32>
    %eq3A_2957 = arith.cmpi eq, %select_n3A_2942, %concatenate3A_2952 : vector<8x4096xi32>
    %lt3A_2958 = arith.cmpi slt, %select_n3A_2943, %concatenate3A_2955 : vector<8x4096xi32>
    %and3A_2959 = arith.andi %eq3A_2957, %lt3A_2958 : vector<8x4096xi1>
    %or3A_2960 = arith.ori %gt3A_2956, %and3A_2959 : vector<8x4096xi1>
    %eq3A_2961 = arith.cmpi eq, %add3A, %add3A : vector<8x4096xi32>
    %eq3A_2962 = arith.xori %eq3A_2949, %eq3A_2961 : vector<8x4096xi1>
    %eq3A_2963 = arith.constant dense<true> : vector<8x4096xi1>
    %eq3A_2964 = arith.xori %eq3A_2962, %eq3A_2963 : vector<8x4096xi1>
    %ne3A_2965 = arith.xori %or3A_2960, %eq3A_2964 : vector<8x4096xi1>
    %select_n3A_2966 = arith.select %ne3A_2965, %concatenate3A_2952, %select_n3A_2942 : vector<8x4096xi1>, vector<8x4096xi32>
    %select_n3A_2967 = arith.select %ne3A_2965, %concatenate3A_2955, %select_n3A_2943 : vector<8x4096xi1>, vector<8x4096xi32>
    %and3A_2968 = arith.constant 2048 : i32
    %and3A_2969 = vector.broadcast %and3A_2968 : i32 to vector<8x4096xi32>
    %and3A_2970 = arith.andi %add3A, %and3A_2969 : vector<8x4096xi32>
    %eq3A_2971 = arith.constant 0 : i32
    %eq3A_2972 = vector.broadcast %eq3A_2971 : i32 to vector<8x4096xi32>
    %eq3A_2973 = arith.cmpi eq, %and3A_2970, %eq3A_2972 : vector<8x4096xi32>
    %slice3A_2974 = vector.extract_strided_slice %select_n3A_2966 {offsets = [0, 2048], sizes = [8, 2048], strides = [1, 1]} : vector<8x4096xi32> to vector<8x2048xi32>
    %slice3A_2975 = vector.extract_strided_slice %select_n3A_2966 {offsets = [0, 0], sizes = [8, 2048], strides = [1, 1]} : vector<8x4096xi32> to vector<8x2048xi32>
    %concatenate3A_2976 = tpu.concatenate %slice3A_2974, %slice3A_2975 in 1 : vector<8x2048xi32>, vector<8x2048xi32> -> vector<8x4096xi32>
    %slice3A_2977 = vector.extract_strided_slice %select_n3A_2966 {offsets = [0, 2048], sizes = [8, 2048], strides = [1, 1]} : vector<8x4096xi32> to vector<8x2048xi32>
    %slice3A_2978 = vector.extract_strided_slice %select_n3A_2966 {offsets = [0, 0], sizes = [8, 2048], strides = [1, 1]} : vector<8x4096xi32> to vector<8x2048xi32>
    %concatenate3A_2979 = tpu.concatenate %slice3A_2977, %slice3A_2978 in 1 : vector<8x2048xi32>, vector<8x2048xi32> -> vector<8x4096xi32>
    %select_n3A_2980 = arith.select %eq3A_2973, %concatenate3A_2976, %concatenate3A_2979 : vector<8x4096xi1>, vector<8x4096xi32>
    %slice3A_2981 = vector.extract_strided_slice %select_n3A_2967 {offsets = [0, 2048], sizes = [8, 2048], strides = [1, 1]} : vector<8x4096xi32> to vector<8x2048xi32>
    %slice3A_2982 = vector.extract_strided_slice %select_n3A_2967 {offsets = [0, 0], sizes = [8, 2048], strides = [1, 1]} : vector<8x4096xi32> to vector<8x2048xi32>
    %concatenate3A_2983 = tpu.concatenate %slice3A_2981, %slice3A_2982 in 1 : vector<8x2048xi32>, vector<8x2048xi32> -> vector<8x4096xi32>
    %slice3A_2984 = vector.extract_strided_slice %select_n3A_2967 {offsets = [0, 2048], sizes = [8, 2048], strides = [1, 1]} : vector<8x4096xi32> to vector<8x2048xi32>
    %slice3A_2985 = vector.extract_strided_slice %select_n3A_2967 {offsets = [0, 0], sizes = [8, 2048], strides = [1, 1]} : vector<8x4096xi32> to vector<8x2048xi32>
    %concatenate3A_2986 = tpu.concatenate %slice3A_2984, %slice3A_2985 in 1 : vector<8x2048xi32>, vector<8x2048xi32> -> vector<8x4096xi32>
    %select_n3A_2987 = arith.select %eq3A_2973, %concatenate3A_2983, %concatenate3A_2986 : vector<8x4096xi1>, vector<8x4096xi32>
    %gt3A_2988 = arith.cmpi sgt, %select_n3A_2966, %select_n3A_2980 : vector<8x4096xi32>
    %eq3A_2989 = arith.cmpi eq, %select_n3A_2966, %select_n3A_2980 : vector<8x4096xi32>
    %lt3A_2990 = arith.cmpi slt, %select_n3A_2967, %select_n3A_2987 : vector<8x4096xi32>
    %and3A_2991 = arith.andi %eq3A_2989, %lt3A_2990 : vector<8x4096xi1>
    %or3A_2992 = arith.ori %gt3A_2988, %and3A_2991 : vector<8x4096xi1>
    %eq3A_2993 = arith.cmpi eq, %add3A, %add3A : vector<8x4096xi32>
    %eq3A_2994 = arith.xori %eq3A_2973, %eq3A_2993 : vector<8x4096xi1>
    %eq3A_2995 = arith.constant dense<true> : vector<8x4096xi1>
    %eq3A_2996 = arith.xori %eq3A_2994, %eq3A_2995 : vector<8x4096xi1>
    %ne3A_2997 = arith.xori %or3A_2992, %eq3A_2996 : vector<8x4096xi1>
    %select_n3A_2998 = arith.select %ne3A_2997, %select_n3A_2980, %select_n3A_2966 : vector<8x4096xi1>, vector<8x4096xi32>
    %select_n3A_2999 = arith.select %ne3A_2997, %select_n3A_2987, %select_n3A_2967 : vector<8x4096xi1>, vector<8x4096xi32>
    %and3A_3000 = arith.constant 1024 : i32
    %and3A_3001 = vector.broadcast %and3A_3000 : i32 to vector<8x4096xi32>
    %and3A_3002 = arith.andi %add3A, %and3A_3001 : vector<8x4096xi32>
    %eq3A_3003 = arith.constant 0 : i32
    %eq3A_3004 = vector.broadcast %eq3A_3003 : i32 to vector<8x4096xi32>
    %eq3A_3005 = arith.cmpi eq, %and3A_3002, %eq3A_3004 : vector<8x4096xi32>
    %slice3A_3006 = vector.extract_strided_slice %select_n3A_2998 {offsets = [0, 1024], sizes = [8, 3072], strides = [1, 1]} : vector<8x4096xi32> to vector<8x3072xi32>
    %slice3A_3007 = vector.extract_strided_slice %select_n3A_2998 {offsets = [0, 0], sizes = [8, 1024], strides = [1, 1]} : vector<8x4096xi32> to vector<8x1024xi32>
    %concatenate3A_3008 = tpu.concatenate %slice3A_3006, %slice3A_3007 in 1 : vector<8x3072xi32>, vector<8x1024xi32> -> vector<8x4096xi32>
    %slice3A_3009 = vector.extract_strided_slice %select_n3A_2998 {offsets = [0, 3072], sizes = [8, 1024], strides = [1, 1]} : vector<8x4096xi32> to vector<8x1024xi32>
    %slice3A_3010 = vector.extract_strided_slice %select_n3A_2998 {offsets = [0, 0], sizes = [8, 3072], strides = [1, 1]} : vector<8x4096xi32> to vector<8x3072xi32>
    %concatenate3A_3011 = tpu.concatenate %slice3A_3009, %slice3A_3010 in 1 : vector<8x1024xi32>, vector<8x3072xi32> -> vector<8x4096xi32>
    %select_n3A_3012 = arith.select %eq3A_3005, %concatenate3A_3008, %concatenate3A_3011 : vector<8x4096xi1>, vector<8x4096xi32>
    %slice3A_3013 = vector.extract_strided_slice %select_n3A_2999 {offsets = [0, 1024], sizes = [8, 3072], strides = [1, 1]} : vector<8x4096xi32> to vector<8x3072xi32>
    %slice3A_3014 = vector.extract_strided_slice %select_n3A_2999 {offsets = [0, 0], sizes = [8, 1024], strides = [1, 1]} : vector<8x4096xi32> to vector<8x1024xi32>
    %concatenate3A_3015 = tpu.concatenate %slice3A_3013, %slice3A_3014 in 1 : vector<8x3072xi32>, vector<8x1024xi32> -> vector<8x4096xi32>
    %slice3A_3016 = vector.extract_strided_slice %select_n3A_2999 {offsets = [0, 3072], sizes = [8, 1024], strides = [1, 1]} : vector<8x4096xi32> to vector<8x1024xi32>
    %slice3A_3017 = vector.extract_strided_slice %select_n3A_2999 {offsets = [0, 0], sizes = [8, 3072], strides = [1, 1]} : vector<8x4096xi32> to vector<8x3072xi32>
    %concatenate3A_3018 = tpu.concatenate %slice3A_3016, %slice3A_3017 in 1 : vector<8x1024xi32>, vector<8x3072xi32> -> vector<8x4096xi32>
    %select_n3A_3019 = arith.select %eq3A_3005, %concatenate3A_3015, %concatenate3A_3018 : vector<8x4096xi1>, vector<8x4096xi32>
    %gt3A_3020 = arith.cmpi sgt, %select_n3A_2998, %select_n3A_3012 : vector<8x4096xi32>
    %eq3A_3021 = arith.cmpi eq, %select_n3A_2998, %select_n3A_3012 : vector<8x4096xi32>
    %lt3A_3022 = arith.cmpi slt, %select_n3A_2999, %select_n3A_3019 : vector<8x4096xi32>
    %and3A_3023 = arith.andi %eq3A_3021, %lt3A_3022 : vector<8x4096xi1>
    %or3A_3024 = arith.ori %gt3A_3020, %and3A_3023 : vector<8x4096xi1>
    %eq3A_3025 = arith.cmpi eq, %add3A, %add3A : vector<8x4096xi32>
    %eq3A_3026 = arith.xori %eq3A_3005, %eq3A_3025 : vector<8x4096xi1>
    %eq3A_3027 = arith.constant dense<true> : vector<8x4096xi1>
    %eq3A_3028 = arith.xori %eq3A_3026, %eq3A_3027 : vector<8x4096xi1>
    %ne3A_3029 = arith.xori %or3A_3024, %eq3A_3028 : vector<8x4096xi1>
    %select_n3A_3030 = arith.select %ne3A_3029, %select_n3A_3012, %select_n3A_2998 : vector<8x4096xi1>, vector<8x4096xi32>
    %select_n3A_3031 = arith.select %ne3A_3029, %select_n3A_3019, %select_n3A_2999 : vector<8x4096xi1>, vector<8x4096xi32>
    %and3A_3032 = arith.constant 512 : i32
    %and3A_3033 = vector.broadcast %and3A_3032 : i32 to vector<8x4096xi32>
    %and3A_3034 = arith.andi %add3A, %and3A_3033 : vector<8x4096xi32>
    %eq3A_3035 = arith.constant 0 : i32
    %eq3A_3036 = vector.broadcast %eq3A_3035 : i32 to vector<8x4096xi32>
    %eq3A_3037 = arith.cmpi eq, %and3A_3034, %eq3A_3036 : vector<8x4096xi32>
    %slice3A_3038 = vector.extract_strided_slice %select_n3A_3030 {offsets = [0, 512], sizes = [8, 3584], strides = [1, 1]} : vector<8x4096xi32> to vector<8x3584xi32>
    %slice3A_3039 = vector.extract_strided_slice %select_n3A_3030 {offsets = [0, 0], sizes = [8, 512], strides = [1, 1]} : vector<8x4096xi32> to vector<8x512xi32>
    %concatenate3A_3040 = tpu.concatenate %slice3A_3038, %slice3A_3039 in 1 : vector<8x3584xi32>, vector<8x512xi32> -> vector<8x4096xi32>
    %slice3A_3041 = vector.extract_strided_slice %select_n3A_3030 {offsets = [0, 3584], sizes = [8, 512], strides = [1, 1]} : vector<8x4096xi32> to vector<8x512xi32>
    %slice3A_3042 = vector.extract_strided_slice %select_n3A_3030 {offsets = [0, 0], sizes = [8, 3584], strides = [1, 1]} : vector<8x4096xi32> to vector<8x3584xi32>
    %concatenate3A_3043 = tpu.concatenate %slice3A_3041, %slice3A_3042 in 1 : vector<8x512xi32>, vector<8x3584xi32> -> vector<8x4096xi32>
    %select_n3A_3044 = arith.select %eq3A_3037, %concatenate3A_3040, %concatenate3A_3043 : vector<8x4096xi1>, vector<8x4096xi32>
    %slice3A_3045 = vector.extract_strided_slice %select_n3A_3031 {offsets = [0, 512], sizes = [8, 3584], strides = [1, 1]} : vector<8x4096xi32> to vector<8x3584xi32>
    %slice3A_3046 = vector.extract_strided_slice %select_n3A_3031 {offsets = [0, 0], sizes = [8, 512], strides = [1, 1]} : vector<8x4096xi32> to vector<8x512xi32>
    %concatenate3A_3047 = tpu.concatenate %slice3A_3045, %slice3A_3046 in 1 : vector<8x3584xi32>, vector<8x512xi32> -> vector<8x4096xi32>
    %slice3A_3048 = vector.extract_strided_slice %select_n3A_3031 {offsets = [0, 3584], sizes = [8, 512], strides = [1, 1]} : vector<8x4096xi32> to vector<8x512xi32>
    %slice3A_3049 = vector.extract_strided_slice %select_n3A_3031 {offsets = [0, 0], sizes = [8, 3584], strides = [1, 1]} : vector<8x4096xi32> to vector<8x3584xi32>
    %concatenate3A_3050 = tpu.concatenate %slice3A_3048, %slice3A_3049 in 1 : vector<8x512xi32>, vector<8x3584xi32> -> vector<8x4096xi32>
    %select_n3A_3051 = arith.select %eq3A_3037, %concatenate3A_3047, %concatenate3A_3050 : vector<8x4096xi1>, vector<8x4096xi32>
    %gt3A_3052 = arith.cmpi sgt, %select_n3A_3030, %select_n3A_3044 : vector<8x4096xi32>
    %eq3A_3053 = arith.cmpi eq, %select_n3A_3030, %select_n3A_3044 : vector<8x4096xi32>
    %lt3A_3054 = arith.cmpi slt, %select_n3A_3031, %select_n3A_3051 : vector<8x4096xi32>
    %and3A_3055 = arith.andi %eq3A_3053, %lt3A_3054 : vector<8x4096xi1>
    %or3A_3056 = arith.ori %gt3A_3052, %and3A_3055 : vector<8x4096xi1>
    %eq3A_3057 = arith.cmpi eq, %add3A, %add3A : vector<8x4096xi32>
    %eq3A_3058 = arith.xori %eq3A_3037, %eq3A_3057 : vector<8x4096xi1>
    %eq3A_3059 = arith.constant dense<true> : vector<8x4096xi1>
    %eq3A_3060 = arith.xori %eq3A_3058, %eq3A_3059 : vector<8x4096xi1>
    %ne3A_3061 = arith.xori %or3A_3056, %eq3A_3060 : vector<8x4096xi1>
    %select_n3A_3062 = arith.select %ne3A_3061, %select_n3A_3044, %select_n3A_3030 : vector<8x4096xi1>, vector<8x4096xi32>
    %select_n3A_3063 = arith.select %ne3A_3061, %select_n3A_3051, %select_n3A_3031 : vector<8x4096xi1>, vector<8x4096xi32>
    %and3A_3064 = arith.constant 256 : i32
    %and3A_3065 = vector.broadcast %and3A_3064 : i32 to vector<8x4096xi32>
    %and3A_3066 = arith.andi %add3A, %and3A_3065 : vector<8x4096xi32>
    %eq3A_3067 = arith.constant 0 : i32
    %eq3A_3068 = vector.broadcast %eq3A_3067 : i32 to vector<8x4096xi32>
    %eq3A_3069 = arith.cmpi eq, %and3A_3066, %eq3A_3068 : vector<8x4096xi32>
    %slice3A_3070 = vector.extract_strided_slice %select_n3A_3062 {offsets = [0, 256], sizes = [8, 3840], strides = [1, 1]} : vector<8x4096xi32> to vector<8x3840xi32>
    %slice3A_3071 = vector.extract_strided_slice %select_n3A_3062 {offsets = [0, 0], sizes = [8, 256], strides = [1, 1]} : vector<8x4096xi32> to vector<8x256xi32>
    %concatenate3A_3072 = tpu.concatenate %slice3A_3070, %slice3A_3071 in 1 : vector<8x3840xi32>, vector<8x256xi32> -> vector<8x4096xi32>
    %slice3A_3073 = vector.extract_strided_slice %select_n3A_3062 {offsets = [0, 3840], sizes = [8, 256], strides = [1, 1]} : vector<8x4096xi32> to vector<8x256xi32>
    %slice3A_3074 = vector.extract_strided_slice %select_n3A_3062 {offsets = [0, 0], sizes = [8, 3840], strides = [1, 1]} : vector<8x4096xi32> to vector<8x3840xi32>
    %concatenate3A_3075 = tpu.concatenate %slice3A_3073, %slice3A_3074 in 1 : vector<8x256xi32>, vector<8x3840xi32> -> vector<8x4096xi32>
    %select_n3A_3076 = arith.select %eq3A_3069, %concatenate3A_3072, %concatenate3A_3075 : vector<8x4096xi1>, vector<8x4096xi32>
    %slice3A_3077 = vector.extract_strided_slice %select_n3A_3063 {offsets = [0, 256], sizes = [8, 3840], strides = [1, 1]} : vector<8x4096xi32> to vector<8x3840xi32>
    %slice3A_3078 = vector.extract_strided_slice %select_n3A_3063 {offsets = [0, 0], sizes = [8, 256], strides = [1, 1]} : vector<8x4096xi32> to vector<8x256xi32>
    %concatenate3A_3079 = tpu.concatenate %slice3A_3077, %slice3A_3078 in 1 : vector<8x3840xi32>, vector<8x256xi32> -> vector<8x4096xi32>
    %slice3A_3080 = vector.extract_strided_slice %select_n3A_3063 {offsets = [0, 3840], sizes = [8, 256], strides = [1, 1]} : vector<8x4096xi32> to vector<8x256xi32>
    %slice3A_3081 = vector.extract_strided_slice %select_n3A_3063 {offsets = [0, 0], sizes = [8, 3840], strides = [1, 1]} : vector<8x4096xi32> to vector<8x3840xi32>
    %concatenate3A_3082 = tpu.concatenate %slice3A_3080, %slice3A_3081 in 1 : vector<8x256xi32>, vector<8x3840xi32> -> vector<8x4096xi32>
    %select_n3A_3083 = arith.select %eq3A_3069, %concatenate3A_3079, %concatenate3A_3082 : vector<8x4096xi1>, vector<8x4096xi32>
    %gt3A_3084 = arith.cmpi sgt, %select_n3A_3062, %select_n3A_3076 : vector<8x4096xi32>
    %eq3A_3085 = arith.cmpi eq, %select_n3A_3062, %select_n3A_3076 : vector<8x4096xi32>
    %lt3A_3086 = arith.cmpi slt, %select_n3A_3063, %select_n3A_3083 : vector<8x4096xi32>
    %and3A_3087 = arith.andi %eq3A_3085, %lt3A_3086 : vector<8x4096xi1>
    %or3A_3088 = arith.ori %gt3A_3084, %and3A_3087 : vector<8x4096xi1>
    %eq3A_3089 = arith.cmpi eq, %add3A, %add3A : vector<8x4096xi32>
    %eq3A_3090 = arith.xori %eq3A_3069, %eq3A_3089 : vector<8x4096xi1>
    %eq3A_3091 = arith.constant dense<true> : vector<8x4096xi1>
    %eq3A_3092 = arith.xori %eq3A_3090, %eq3A_3091 : vector<8x4096xi1>
    %ne3A_3093 = arith.xori %or3A_3088, %eq3A_3092 : vector<8x4096xi1>
    %select_n3A_3094 = arith.select %ne3A_3093, %select_n3A_3076, %select_n3A_3062 : vector<8x4096xi1>, vector<8x4096xi32>
    %select_n3A_3095 = arith.select %ne3A_3093, %select_n3A_3083, %select_n3A_3063 : vector<8x4096xi1>, vector<8x4096xi32>
    %and3A_3096 = arith.constant 128 : i32
    %and3A_3097 = vector.broadcast %and3A_3096 : i32 to vector<8x4096xi32>
    %and3A_3098 = arith.andi %add3A, %and3A_3097 : vector<8x4096xi32>
    %eq3A_3099 = arith.constant 0 : i32
    %eq3A_3100 = vector.broadcast %eq3A_3099 : i32 to vector<8x4096xi32>
    %eq3A_3101 = arith.cmpi eq, %and3A_3098, %eq3A_3100 : vector<8x4096xi32>
    %slice3A_3102 = vector.extract_strided_slice %select_n3A_3094 {offsets = [0, 128], sizes = [8, 3968], strides = [1, 1]} : vector<8x4096xi32> to vector<8x3968xi32>
    %slice3A_3103 = vector.extract_strided_slice %select_n3A_3094 {offsets = [0, 0], sizes = [8, 128], strides = [1, 1]} : vector<8x4096xi32> to vector<8x128xi32>
    %concatenate3A_3104 = tpu.concatenate %slice3A_3102, %slice3A_3103 in 1 : vector<8x3968xi32>, vector<8x128xi32> -> vector<8x4096xi32>
    %slice3A_3105 = vector.extract_strided_slice %select_n3A_3094 {offsets = [0, 3968], sizes = [8, 128], strides = [1, 1]} : vector<8x4096xi32> to vector<8x128xi32>
    %slice3A_3106 = vector.extract_strided_slice %select_n3A_3094 {offsets = [0, 0], sizes = [8, 3968], strides = [1, 1]} : vector<8x4096xi32> to vector<8x3968xi32>
    %concatenate3A_3107 = tpu.concatenate %slice3A_3105, %slice3A_3106 in 1 : vector<8x128xi32>, vector<8x3968xi32> -> vector<8x4096xi32>
    %select_n3A_3108 = arith.select %eq3A_3101, %concatenate3A_3104, %concatenate3A_3107 : vector<8x4096xi1>, vector<8x4096xi32>
    %slice3A_3109 = vector.extract_strided_slice %select_n3A_3095 {offsets = [0, 128], sizes = [8, 3968], strides = [1, 1]} : vector<8x4096xi32> to vector<8x3968xi32>
    %slice3A_3110 = vector.extract_strided_slice %select_n3A_3095 {offsets = [0, 0], sizes = [8, 128], strides = [1, 1]} : vector<8x4096xi32> to vector<8x128xi32>
    %concatenate3A_3111 = tpu.concatenate %slice3A_3109, %slice3A_3110 in 1 : vector<8x3968xi32>, vector<8x128xi32> -> vector<8x4096xi32>
    %slice3A_3112 = vector.extract_strided_slice %select_n3A_3095 {offsets = [0, 3968], sizes = [8, 128], strides = [1, 1]} : vector<8x4096xi32> to vector<8x128xi32>
    %slice3A_3113 = vector.extract_strided_slice %select_n3A_3095 {offsets = [0, 0], sizes = [8, 3968], strides = [1, 1]} : vector<8x4096xi32> to vector<8x3968xi32>
    %concatenate3A_3114 = tpu.concatenate %slice3A_3112, %slice3A_3113 in 1 : vector<8x128xi32>, vector<8x3968xi32> -> vector<8x4096xi32>
    %select_n3A_3115 = arith.select %eq3A_3101, %concatenate3A_3111, %concatenate3A_3114 : vector<8x4096xi1>, vector<8x4096xi32>
    %gt3A_3116 = arith.cmpi sgt, %select_n3A_3094, %select_n3A_3108 : vector<8x4096xi32>
    %eq3A_3117 = arith.cmpi eq, %select_n3A_3094, %select_n3A_3108 : vector<8x4096xi32>
    %lt3A_3118 = arith.cmpi slt, %select_n3A_3095, %select_n3A_3115 : vector<8x4096xi32>
    %and3A_3119 = arith.andi %eq3A_3117, %lt3A_3118 : vector<8x4096xi1>
    %or3A_3120 = arith.ori %gt3A_3116, %and3A_3119 : vector<8x4096xi1>
    %eq3A_3121 = arith.cmpi eq, %add3A, %add3A : vector<8x4096xi32>
    %eq3A_3122 = arith.xori %eq3A_3101, %eq3A_3121 : vector<8x4096xi1>
    %eq3A_3123 = arith.constant dense<true> : vector<8x4096xi1>
    %eq3A_3124 = arith.xori %eq3A_3122, %eq3A_3123 : vector<8x4096xi1>
    %ne3A_3125 = arith.xori %or3A_3120, %eq3A_3124 : vector<8x4096xi1>
    %select_n3A_3126 = arith.select %ne3A_3125, %select_n3A_3108, %select_n3A_3094 : vector<8x4096xi1>, vector<8x4096xi32>
    %select_n3A_3127 = arith.select %ne3A_3125, %select_n3A_3115, %select_n3A_3095 : vector<8x4096xi1>, vector<8x4096xi32>
    %and3A_3128 = arith.constant 64 : i32
    %and3A_3129 = vector.broadcast %and3A_3128 : i32 to vector<8x4096xi32>
    %and3A_3130 = arith.andi %add3A, %and3A_3129 : vector<8x4096xi32>
    %eq3A_3131 = arith.constant 0 : i32
    %eq3A_3132 = vector.broadcast %eq3A_3131 : i32 to vector<8x4096xi32>
    %eq3A_3133 = arith.cmpi eq, %and3A_3130, %eq3A_3132 : vector<8x4096xi32>
    %slice3A_3134 = vector.extract_strided_slice %select_n3A_3126 {offsets = [0, 64], sizes = [8, 4032], strides = [1, 1]} : vector<8x4096xi32> to vector<8x4032xi32>
    %slice3A_3135 = vector.extract_strided_slice %select_n3A_3126 {offsets = [0, 0], sizes = [8, 64], strides = [1, 1]} : vector<8x4096xi32> to vector<8x64xi32>
    %concatenate3A_3136 = tpu.concatenate %slice3A_3134, %slice3A_3135 in 1 : vector<8x4032xi32>, vector<8x64xi32> -> vector<8x4096xi32>
    %slice3A_3137 = vector.extract_strided_slice %select_n3A_3126 {offsets = [0, 4032], sizes = [8, 64], strides = [1, 1]} : vector<8x4096xi32> to vector<8x64xi32>
    %slice3A_3138 = vector.extract_strided_slice %select_n3A_3126 {offsets = [0, 0], sizes = [8, 4032], strides = [1, 1]} : vector<8x4096xi32> to vector<8x4032xi32>
    %concatenate3A_3139 = tpu.concatenate %slice3A_3137, %slice3A_3138 in 1 : vector<8x64xi32>, vector<8x4032xi32> -> vector<8x4096xi32>
    %select_n3A_3140 = arith.select %eq3A_3133, %concatenate3A_3136, %concatenate3A_3139 : vector<8x4096xi1>, vector<8x4096xi32>
    %slice3A_3141 = vector.extract_strided_slice %select_n3A_3127 {offsets = [0, 64], sizes = [8, 4032], strides = [1, 1]} : vector<8x4096xi32> to vector<8x4032xi32>
    %slice3A_3142 = vector.extract_strided_slice %select_n3A_3127 {offsets = [0, 0], sizes = [8, 64], strides = [1, 1]} : vector<8x4096xi32> to vector<8x64xi32>
    %concatenate3A_3143 = tpu.concatenate %slice3A_3141, %slice3A_3142 in 1 : vector<8x4032xi32>, vector<8x64xi32> -> vector<8x4096xi32>
    %slice3A_3144 = vector.extract_strided_slice %select_n3A_3127 {offsets = [0, 4032], sizes = [8, 64], strides = [1, 1]} : vector<8x4096xi32> to vector<8x64xi32>
    %slice3A_3145 = vector.extract_strided_slice %select_n3A_3127 {offsets = [0, 0], sizes = [8, 4032], strides = [1, 1]} : vector<8x4096xi32> to vector<8x4032xi32>
    %concatenate3A_3146 = tpu.concatenate %slice3A_3144, %slice3A_3145 in 1 : vector<8x64xi32>, vector<8x4032xi32> -> vector<8x4096xi32>
    %select_n3A_3147 = arith.select %eq3A_3133, %concatenate3A_3143, %concatenate3A_3146 : vector<8x4096xi1>, vector<8x4096xi32>
    %gt3A_3148 = arith.cmpi sgt, %select_n3A_3126, %select_n3A_3140 : vector<8x4096xi32>
    %eq3A_3149 = arith.cmpi eq, %select_n3A_3126, %select_n3A_3140 : vector<8x4096xi32>
    %lt3A_3150 = arith.cmpi slt, %select_n3A_3127, %select_n3A_3147 : vector<8x4096xi32>
    %and3A_3151 = arith.andi %eq3A_3149, %lt3A_3150 : vector<8x4096xi1>
    %or3A_3152 = arith.ori %gt3A_3148, %and3A_3151 : vector<8x4096xi1>
    %eq3A_3153 = arith.cmpi eq, %add3A, %add3A : vector<8x4096xi32>
    %eq3A_3154 = arith.xori %eq3A_3133, %eq3A_3153 : vector<8x4096xi1>
    %eq3A_3155 = arith.constant dense<true> : vector<8x4096xi1>
    %eq3A_3156 = arith.xori %eq3A_3154, %eq3A_3155 : vector<8x4096xi1>
    %ne3A_3157 = arith.xori %or3A_3152, %eq3A_3156 : vector<8x4096xi1>
    %select_n3A_3158 = arith.select %ne3A_3157, %select_n3A_3140, %select_n3A_3126 : vector<8x4096xi1>, vector<8x4096xi32>
    %select_n3A_3159 = arith.select %ne3A_3157, %select_n3A_3147, %select_n3A_3127 : vector<8x4096xi1>, vector<8x4096xi32>
    %and3A_3160 = arith.constant 32 : i32
    %and3A_3161 = vector.broadcast %and3A_3160 : i32 to vector<8x4096xi32>
    %and3A_3162 = arith.andi %add3A, %and3A_3161 : vector<8x4096xi32>
    %eq3A_3163 = arith.constant 0 : i32
    %eq3A_3164 = vector.broadcast %eq3A_3163 : i32 to vector<8x4096xi32>
    %eq3A_3165 = arith.cmpi eq, %and3A_3162, %eq3A_3164 : vector<8x4096xi32>
    %slice3A_3166 = vector.extract_strided_slice %select_n3A_3158 {offsets = [0, 32], sizes = [8, 4064], strides = [1, 1]} : vector<8x4096xi32> to vector<8x4064xi32>
    %slice3A_3167 = vector.extract_strided_slice %select_n3A_3158 {offsets = [0, 0], sizes = [8, 32], strides = [1, 1]} : vector<8x4096xi32> to vector<8x32xi32>
    %concatenate3A_3168 = tpu.concatenate %slice3A_3166, %slice3A_3167 in 1 : vector<8x4064xi32>, vector<8x32xi32> -> vector<8x4096xi32>
    %slice3A_3169 = vector.extract_strided_slice %select_n3A_3158 {offsets = [0, 4064], sizes = [8, 32], strides = [1, 1]} : vector<8x4096xi32> to vector<8x32xi32>
    %slice3A_3170 = vector.extract_strided_slice %select_n3A_3158 {offsets = [0, 0], sizes = [8, 4064], strides = [1, 1]} : vector<8x4096xi32> to vector<8x4064xi32>
    %concatenate3A_3171 = tpu.concatenate %slice3A_3169, %slice3A_3170 in 1 : vector<8x32xi32>, vector<8x4064xi32> -> vector<8x4096xi32>
    %select_n3A_3172 = arith.select %eq3A_3165, %concatenate3A_3168, %concatenate3A_3171 : vector<8x4096xi1>, vector<8x4096xi32>
    %slice3A_3173 = vector.extract_strided_slice %select_n3A_3159 {offsets = [0, 32], sizes = [8, 4064], strides = [1, 1]} : vector<8x4096xi32> to vector<8x4064xi32>
    %slice3A_3174 = vector.extract_strided_slice %select_n3A_3159 {offsets = [0, 0], sizes = [8, 32], strides = [1, 1]} : vector<8x4096xi32> to vector<8x32xi32>
    %concatenate3A_3175 = tpu.concatenate %slice3A_3173, %slice3A_3174 in 1 : vector<8x4064xi32>, vector<8x32xi32> -> vector<8x4096xi32>
    %slice3A_3176 = vector.extract_strided_slice %select_n3A_3159 {offsets = [0, 4064], sizes = [8, 32], strides = [1, 1]} : vector<8x4096xi32> to vector<8x32xi32>
    %slice3A_3177 = vector.extract_strided_slice %select_n3A_3159 {offsets = [0, 0], sizes = [8, 4064], strides = [1, 1]} : vector<8x4096xi32> to vector<8x4064xi32>
    %concatenate3A_3178 = tpu.concatenate %slice3A_3176, %slice3A_3177 in 1 : vector<8x32xi32>, vector<8x4064xi32> -> vector<8x4096xi32>
    %select_n3A_3179 = arith.select %eq3A_3165, %concatenate3A_3175, %concatenate3A_3178 : vector<8x4096xi1>, vector<8x4096xi32>
    %gt3A_3180 = arith.cmpi sgt, %select_n3A_3158, %select_n3A_3172 : vector<8x4096xi32>
    %eq3A_3181 = arith.cmpi eq, %select_n3A_3158, %select_n3A_3172 : vector<8x4096xi32>
    %lt3A_3182 = arith.cmpi slt, %select_n3A_3159, %select_n3A_3179 : vector<8x4096xi32>
    %and3A_3183 = arith.andi %eq3A_3181, %lt3A_3182 : vector<8x4096xi1>
    %or3A_3184 = arith.ori %gt3A_3180, %and3A_3183 : vector<8x4096xi1>
    %eq3A_3185 = arith.cmpi eq, %add3A, %add3A : vector<8x4096xi32>
    %eq3A_3186 = arith.xori %eq3A_3165, %eq3A_3185 : vector<8x4096xi1>
    %eq3A_3187 = arith.constant dense<true> : vector<8x4096xi1>
    %eq3A_3188 = arith.xori %eq3A_3186, %eq3A_3187 : vector<8x4096xi1>
    %ne3A_3189 = arith.xori %or3A_3184, %eq3A_3188 : vector<8x4096xi1>
    %select_n3A_3190 = arith.select %ne3A_3189, %select_n3A_3172, %select_n3A_3158 : vector<8x4096xi1>, vector<8x4096xi32>
    %select_n3A_3191 = arith.select %ne3A_3189, %select_n3A_3179, %select_n3A_3159 : vector<8x4096xi1>, vector<8x4096xi32>
    %and3A_3192 = arith.constant 16 : i32
    %and3A_3193 = vector.broadcast %and3A_3192 : i32 to vector<8x4096xi32>
    %and3A_3194 = arith.andi %add3A, %and3A_3193 : vector<8x4096xi32>
    %eq3A_3195 = arith.constant 0 : i32
    %eq3A_3196 = vector.broadcast %eq3A_3195 : i32 to vector<8x4096xi32>
    %eq3A_3197 = arith.cmpi eq, %and3A_3194, %eq3A_3196 : vector<8x4096xi32>
    %slice3A_3198 = vector.extract_strided_slice %select_n3A_3190 {offsets = [0, 16], sizes = [8, 4080], strides = [1, 1]} : vector<8x4096xi32> to vector<8x4080xi32>
    %slice3A_3199 = vector.extract_strided_slice %select_n3A_3190 {offsets = [0, 0], sizes = [8, 16], strides = [1, 1]} : vector<8x4096xi32> to vector<8x16xi32>
    %concatenate3A_3200 = tpu.concatenate %slice3A_3198, %slice3A_3199 in 1 : vector<8x4080xi32>, vector<8x16xi32> -> vector<8x4096xi32>
    %slice3A_3201 = vector.extract_strided_slice %select_n3A_3190 {offsets = [0, 4080], sizes = [8, 16], strides = [1, 1]} : vector<8x4096xi32> to vector<8x16xi32>
    %slice3A_3202 = vector.extract_strided_slice %select_n3A_3190 {offsets = [0, 0], sizes = [8, 4080], strides = [1, 1]} : vector<8x4096xi32> to vector<8x4080xi32>
    %concatenate3A_3203 = tpu.concatenate %slice3A_3201, %slice3A_3202 in 1 : vector<8x16xi32>, vector<8x4080xi32> -> vector<8x4096xi32>
    %select_n3A_3204 = arith.select %eq3A_3197, %concatenate3A_3200, %concatenate3A_3203 : vector<8x4096xi1>, vector<8x4096xi32>
    %slice3A_3205 = vector.extract_strided_slice %select_n3A_3191 {offsets = [0, 16], sizes = [8, 4080], strides = [1, 1]} : vector<8x4096xi32> to vector<8x4080xi32>
    %slice3A_3206 = vector.extract_strided_slice %select_n3A_3191 {offsets = [0, 0], sizes = [8, 16], strides = [1, 1]} : vector<8x4096xi32> to vector<8x16xi32>
    %concatenate3A_3207 = tpu.concatenate %slice3A_3205, %slice3A_3206 in 1 : vector<8x4080xi32>, vector<8x16xi32> -> vector<8x4096xi32>
    %slice3A_3208 = vector.extract_strided_slice %select_n3A_3191 {offsets = [0, 4080], sizes = [8, 16], strides = [1, 1]} : vector<8x4096xi32> to vector<8x16xi32>
    %slice3A_3209 = vector.extract_strided_slice %select_n3A_3191 {offsets = [0, 0], sizes = [8, 4080], strides = [1, 1]} : vector<8x4096xi32> to vector<8x4080xi32>
    %concatenate3A_3210 = tpu.concatenate %slice3A_3208, %slice3A_3209 in 1 : vector<8x16xi32>, vector<8x4080xi32> -> vector<8x4096xi32>
    %select_n3A_3211 = arith.select %eq3A_3197, %concatenate3A_3207, %concatenate3A_3210 : vector<8x4096xi1>, vector<8x4096xi32>
    %gt3A_3212 = arith.cmpi sgt, %select_n3A_3190, %select_n3A_3204 : vector<8x4096xi32>
    %eq3A_3213 = arith.cmpi eq, %select_n3A_3190, %select_n3A_3204 : vector<8x4096xi32>
    %lt3A_3214 = arith.cmpi slt, %select_n3A_3191, %select_n3A_3211 : vector<8x4096xi32>
    %and3A_3215 = arith.andi %eq3A_3213, %lt3A_3214 : vector<8x4096xi1>
    %or3A_3216 = arith.ori %gt3A_3212, %and3A_3215 : vector<8x4096xi1>
    %eq3A_3217 = arith.cmpi eq, %add3A, %add3A : vector<8x4096xi32>
    %eq3A_3218 = arith.xori %eq3A_3197, %eq3A_3217 : vector<8x4096xi1>
    %eq3A_3219 = arith.constant dense<true> : vector<8x4096xi1>
    %eq3A_3220 = arith.xori %eq3A_3218, %eq3A_3219 : vector<8x4096xi1>
    %ne3A_3221 = arith.xori %or3A_3216, %eq3A_3220 : vector<8x4096xi1>
    %select_n3A_3222 = arith.select %ne3A_3221, %select_n3A_3204, %select_n3A_3190 : vector<8x4096xi1>, vector<8x4096xi32>
    %select_n3A_3223 = arith.select %ne3A_3221, %select_n3A_3211, %select_n3A_3191 : vector<8x4096xi1>, vector<8x4096xi32>
    %and3A_3224 = arith.constant 8 : i32
    %and3A_3225 = vector.broadcast %and3A_3224 : i32 to vector<8x4096xi32>
    %and3A_3226 = arith.andi %add3A, %and3A_3225 : vector<8x4096xi32>
    %eq3A_3227 = arith.constant 0 : i32
    %eq3A_3228 = vector.broadcast %eq3A_3227 : i32 to vector<8x4096xi32>
    %eq3A_3229 = arith.cmpi eq, %and3A_3226, %eq3A_3228 : vector<8x4096xi32>
    %slice3A_3230 = vector.extract_strided_slice %select_n3A_3222 {offsets = [0, 8], sizes = [8, 4088], strides = [1, 1]} : vector<8x4096xi32> to vector<8x4088xi32>
    %slice3A_3231 = vector.extract_strided_slice %select_n3A_3222 {offsets = [0, 0], sizes = [8, 8], strides = [1, 1]} : vector<8x4096xi32> to vector<8x8xi32>
    %concatenate3A_3232 = tpu.concatenate %slice3A_3230, %slice3A_3231 in 1 : vector<8x4088xi32>, vector<8x8xi32> -> vector<8x4096xi32>
    %slice3A_3233 = vector.extract_strided_slice %select_n3A_3222 {offsets = [0, 4088], sizes = [8, 8], strides = [1, 1]} : vector<8x4096xi32> to vector<8x8xi32>
    %slice3A_3234 = vector.extract_strided_slice %select_n3A_3222 {offsets = [0, 0], sizes = [8, 4088], strides = [1, 1]} : vector<8x4096xi32> to vector<8x4088xi32>
    %concatenate3A_3235 = tpu.concatenate %slice3A_3233, %slice3A_3234 in 1 : vector<8x8xi32>, vector<8x4088xi32> -> vector<8x4096xi32>
    %select_n3A_3236 = arith.select %eq3A_3229, %concatenate3A_3232, %concatenate3A_3235 : vector<8x4096xi1>, vector<8x4096xi32>
    %slice3A_3237 = vector.extract_strided_slice %select_n3A_3223 {offsets = [0, 8], sizes = [8, 4088], strides = [1, 1]} : vector<8x4096xi32> to vector<8x4088xi32>
    %slice3A_3238 = vector.extract_strided_slice %select_n3A_3223 {offsets = [0, 0], sizes = [8, 8], strides = [1, 1]} : vector<8x4096xi32> to vector<8x8xi32>
    %concatenate3A_3239 = tpu.concatenate %slice3A_3237, %slice3A_3238 in 1 : vector<8x4088xi32>, vector<8x8xi32> -> vector<8x4096xi32>
    %slice3A_3240 = vector.extract_strided_slice %select_n3A_3223 {offsets = [0, 4088], sizes = [8, 8], strides = [1, 1]} : vector<8x4096xi32> to vector<8x8xi32>
    %slice3A_3241 = vector.extract_strided_slice %select_n3A_3223 {offsets = [0, 0], sizes = [8, 4088], strides = [1, 1]} : vector<8x4096xi32> to vector<8x4088xi32>
    %concatenate3A_3242 = tpu.concatenate %slice3A_3240, %slice3A_3241 in 1 : vector<8x8xi32>, vector<8x4088xi32> -> vector<8x4096xi32>
    %select_n3A_3243 = arith.select %eq3A_3229, %concatenate3A_3239, %concatenate3A_3242 : vector<8x4096xi1>, vector<8x4096xi32>
    %gt3A_3244 = arith.cmpi sgt, %select_n3A_3222, %select_n3A_3236 : vector<8x4096xi32>
    %eq3A_3245 = arith.cmpi eq, %select_n3A_3222, %select_n3A_3236 : vector<8x4096xi32>
    %lt3A_3246 = arith.cmpi slt, %select_n3A_3223, %select_n3A_3243 : vector<8x4096xi32>
    %and3A_3247 = arith.andi %eq3A_3245, %lt3A_3246 : vector<8x4096xi1>
    %or3A_3248 = arith.ori %gt3A_3244, %and3A_3247 : vector<8x4096xi1>
    %eq3A_3249 = arith.cmpi eq, %add3A, %add3A : vector<8x4096xi32>
    %eq3A_3250 = arith.xori %eq3A_3229, %eq3A_3249 : vector<8x4096xi1>
    %eq3A_3251 = arith.constant dense<true> : vector<8x4096xi1>
    %eq3A_3252 = arith.xori %eq3A_3250, %eq3A_3251 : vector<8x4096xi1>
    %ne3A_3253 = arith.xori %or3A_3248, %eq3A_3252 : vector<8x4096xi1>
    %select_n3A_3254 = arith.select %ne3A_3253, %select_n3A_3236, %select_n3A_3222 : vector<8x4096xi1>, vector<8x4096xi32>
    %select_n3A_3255 = arith.select %ne3A_3253, %select_n3A_3243, %select_n3A_3223 : vector<8x4096xi1>, vector<8x4096xi32>
    %and3A_3256 = arith.constant 4 : i32
    %and3A_3257 = vector.broadcast %and3A_3256 : i32 to vector<8x4096xi32>
    %and3A_3258 = arith.andi %add3A, %and3A_3257 : vector<8x4096xi32>
    %eq3A_3259 = arith.constant 0 : i32
    %eq3A_3260 = vector.broadcast %eq3A_3259 : i32 to vector<8x4096xi32>
    %eq3A_3261 = arith.cmpi eq, %and3A_3258, %eq3A_3260 : vector<8x4096xi32>
    %slice3A_3262 = vector.extract_strided_slice %select_n3A_3254 {offsets = [0, 4], sizes = [8, 4092], strides = [1, 1]} : vector<8x4096xi32> to vector<8x4092xi32>
    %slice3A_3263 = vector.extract_strided_slice %select_n3A_3254 {offsets = [0, 0], sizes = [8, 4], strides = [1, 1]} : vector<8x4096xi32> to vector<8x4xi32>
    %concatenate3A_3264 = tpu.concatenate %slice3A_3262, %slice3A_3263 in 1 : vector<8x4092xi32>, vector<8x4xi32> -> vector<8x4096xi32>
    %slice3A_3265 = vector.extract_strided_slice %select_n3A_3254 {offsets = [0, 4092], sizes = [8, 4], strides = [1, 1]} : vector<8x4096xi32> to vector<8x4xi32>
    %slice3A_3266 = vector.extract_strided_slice %select_n3A_3254 {offsets = [0, 0], sizes = [8, 4092], strides = [1, 1]} : vector<8x4096xi32> to vector<8x4092xi32>
    %concatenate3A_3267 = tpu.concatenate %slice3A_3265, %slice3A_3266 in 1 : vector<8x4xi32>, vector<8x4092xi32> -> vector<8x4096xi32>
    %select_n3A_3268 = arith.select %eq3A_3261, %concatenate3A_3264, %concatenate3A_3267 : vector<8x4096xi1>, vector<8x4096xi32>
    %slice3A_3269 = vector.extract_strided_slice %select_n3A_3255 {offsets = [0, 4], sizes = [8, 4092], strides = [1, 1]} : vector<8x4096xi32> to vector<8x4092xi32>
    %slice3A_3270 = vector.extract_strided_slice %select_n3A_3255 {offsets = [0, 0], sizes = [8, 4], strides = [1, 1]} : vector<8x4096xi32> to vector<8x4xi32>
    %concatenate3A_3271 = tpu.concatenate %slice3A_3269, %slice3A_3270 in 1 : vector<8x4092xi32>, vector<8x4xi32> -> vector<8x4096xi32>
    %slice3A_3272 = vector.extract_strided_slice %select_n3A_3255 {offsets = [0, 4092], sizes = [8, 4], strides = [1, 1]} : vector<8x4096xi32> to vector<8x4xi32>
    %slice3A_3273 = vector.extract_strided_slice %select_n3A_3255 {offsets = [0, 0], sizes = [8, 4092], strides = [1, 1]} : vector<8x4096xi32> to vector<8x4092xi32>
    %concatenate3A_3274 = tpu.concatenate %slice3A_3272, %slice3A_3273 in 1 : vector<8x4xi32>, vector<8x4092xi32> -> vector<8x4096xi32>
    %select_n3A_3275 = arith.select %eq3A_3261, %concatenate3A_3271, %concatenate3A_3274 : vector<8x4096xi1>, vector<8x4096xi32>
    %gt3A_3276 = arith.cmpi sgt, %select_n3A_3254, %select_n3A_3268 : vector<8x4096xi32>
    %eq3A_3277 = arith.cmpi eq, %select_n3A_3254, %select_n3A_3268 : vector<8x4096xi32>
    %lt3A_3278 = arith.cmpi slt, %select_n3A_3255, %select_n3A_3275 : vector<8x4096xi32>
    %and3A_3279 = arith.andi %eq3A_3277, %lt3A_3278 : vector<8x4096xi1>
    %or3A_3280 = arith.ori %gt3A_3276, %and3A_3279 : vector<8x4096xi1>
    %eq3A_3281 = arith.cmpi eq, %add3A, %add3A : vector<8x4096xi32>
    %eq3A_3282 = arith.xori %eq3A_3261, %eq3A_3281 : vector<8x4096xi1>
    %eq3A_3283 = arith.constant dense<true> : vector<8x4096xi1>
    %eq3A_3284 = arith.xori %eq3A_3282, %eq3A_3283 : vector<8x4096xi1>
    %ne3A_3285 = arith.xori %or3A_3280, %eq3A_3284 : vector<8x4096xi1>
    %select_n3A_3286 = arith.select %ne3A_3285, %select_n3A_3268, %select_n3A_3254 : vector<8x4096xi1>, vector<8x4096xi32>
    %select_n3A_3287 = arith.select %ne3A_3285, %select_n3A_3275, %select_n3A_3255 : vector<8x4096xi1>, vector<8x4096xi32>
    %and3A_3288 = arith.constant 2 : i32
    %and3A_3289 = vector.broadcast %and3A_3288 : i32 to vector<8x4096xi32>
    %and3A_3290 = arith.andi %add3A, %and3A_3289 : vector<8x4096xi32>
    %eq3A_3291 = arith.constant 0 : i32
    %eq3A_3292 = vector.broadcast %eq3A_3291 : i32 to vector<8x4096xi32>
    %eq3A_3293 = arith.cmpi eq, %and3A_3290, %eq3A_3292 : vector<8x4096xi32>
    %slice3A_3294 = vector.extract_strided_slice %select_n3A_3286 {offsets = [0, 2], sizes = [8, 4094], strides = [1, 1]} : vector<8x4096xi32> to vector<8x4094xi32>
    %slice3A_3295 = vector.extract_strided_slice %select_n3A_3286 {offsets = [0, 0], sizes = [8, 2], strides = [1, 1]} : vector<8x4096xi32> to vector<8x2xi32>
    %concatenate3A_3296 = tpu.concatenate %slice3A_3294, %slice3A_3295 in 1 : vector<8x4094xi32>, vector<8x2xi32> -> vector<8x4096xi32>
    %slice3A_3297 = vector.extract_strided_slice %select_n3A_3286 {offsets = [0, 4094], sizes = [8, 2], strides = [1, 1]} : vector<8x4096xi32> to vector<8x2xi32>
    %slice3A_3298 = vector.extract_strided_slice %select_n3A_3286 {offsets = [0, 0], sizes = [8, 4094], strides = [1, 1]} : vector<8x4096xi32> to vector<8x4094xi32>
    %concatenate3A_3299 = tpu.concatenate %slice3A_3297, %slice3A_3298 in 1 : vector<8x2xi32>, vector<8x4094xi32> -> vector<8x4096xi32>
    %select_n3A_3300 = arith.select %eq3A_3293, %concatenate3A_3296, %concatenate3A_3299 : vector<8x4096xi1>, vector<8x4096xi32>
    %slice3A_3301 = vector.extract_strided_slice %select_n3A_3287 {offsets = [0, 2], sizes = [8, 4094], strides = [1, 1]} : vector<8x4096xi32> to vector<8x4094xi32>
    %slice3A_3302 = vector.extract_strided_slice %select_n3A_3287 {offsets = [0, 0], sizes = [8, 2], strides = [1, 1]} : vector<8x4096xi32> to vector<8x2xi32>
    %concatenate3A_3303 = tpu.concatenate %slice3A_3301, %slice3A_3302 in 1 : vector<8x4094xi32>, vector<8x2xi32> -> vector<8x4096xi32>
    %slice3A_3304 = vector.extract_strided_slice %select_n3A_3287 {offsets = [0, 4094], sizes = [8, 2], strides = [1, 1]} : vector<8x4096xi32> to vector<8x2xi32>
    %slice3A_3305 = vector.extract_strided_slice %select_n3A_3287 {offsets = [0, 0], sizes = [8, 4094], strides = [1, 1]} : vector<8x4096xi32> to vector<8x4094xi32>
    %concatenate3A_3306 = tpu.concatenate %slice3A_3304, %slice3A_3305 in 1 : vector<8x2xi32>, vector<8x4094xi32> -> vector<8x4096xi32>
    %select_n3A_3307 = arith.select %eq3A_3293, %concatenate3A_3303, %concatenate3A_3306 : vector<8x4096xi1>, vector<8x4096xi32>
    %gt3A_3308 = arith.cmpi sgt, %select_n3A_3286, %select_n3A_3300 : vector<8x4096xi32>
    %eq3A_3309 = arith.cmpi eq, %select_n3A_3286, %select_n3A_3300 : vector<8x4096xi32>
    %lt3A_3310 = arith.cmpi slt, %select_n3A_3287, %select_n3A_3307 : vector<8x4096xi32>
    %and3A_3311 = arith.andi %eq3A_3309, %lt3A_3310 : vector<8x4096xi1>
    %or3A_3312 = arith.ori %gt3A_3308, %and3A_3311 : vector<8x4096xi1>
    %eq3A_3313 = arith.cmpi eq, %add3A, %add3A : vector<8x4096xi32>
    %eq3A_3314 = arith.xori %eq3A_3293, %eq3A_3313 : vector<8x4096xi1>
    %eq3A_3315 = arith.constant dense<true> : vector<8x4096xi1>
    %eq3A_3316 = arith.xori %eq3A_3314, %eq3A_3315 : vector<8x4096xi1>
    %ne3A_3317 = arith.xori %or3A_3312, %eq3A_3316 : vector<8x4096xi1>
    %select_n3A_3318 = arith.select %ne3A_3317, %select_n3A_3300, %select_n3A_3286 : vector<8x4096xi1>, vector<8x4096xi32>
    %select_n3A_3319 = arith.select %ne3A_3317, %select_n3A_3307, %select_n3A_3287 : vector<8x4096xi1>, vector<8x4096xi32>
    %and3A_3320 = arith.constant 1 : i32
    %and3A_3321 = vector.broadcast %and3A_3320 : i32 to vector<8x4096xi32>
    %and3A_3322 = arith.andi %add3A, %and3A_3321 : vector<8x4096xi32>
    %eq3A_3323 = arith.constant 0 : i32
    %eq3A_3324 = vector.broadcast %eq3A_3323 : i32 to vector<8x4096xi32>
    %eq3A_3325 = arith.cmpi eq, %and3A_3322, %eq3A_3324 : vector<8x4096xi32>
    %slice3A_3326 = vector.extract_strided_slice %select_n3A_3318 {offsets = [0, 1], sizes = [8, 4095], strides = [1, 1]} : vector<8x4096xi32> to vector<8x4095xi32>
    %slice3A_3327 = vector.extract_strided_slice %select_n3A_3318 {offsets = [0, 0], sizes = [8, 1], strides = [1, 1]} : vector<8x4096xi32> to vector<8x1xi32>
    %concatenate3A_3328 = tpu.concatenate %slice3A_3326, %slice3A_3327 in 1 : vector<8x4095xi32>, vector<8x1xi32> -> vector<8x4096xi32>
    %slice3A_3329 = vector.extract_strided_slice %select_n3A_3318 {offsets = [0, 4095], sizes = [8, 1], strides = [1, 1]} : vector<8x4096xi32> to vector<8x1xi32>
    %slice3A_3330 = vector.extract_strided_slice %select_n3A_3318 {offsets = [0, 0], sizes = [8, 4095], strides = [1, 1]} : vector<8x4096xi32> to vector<8x4095xi32>
    %concatenate3A_3331 = tpu.concatenate %slice3A_3329, %slice3A_3330 in 1 : vector<8x1xi32>, vector<8x4095xi32> -> vector<8x4096xi32>
    %select_n3A_3332 = arith.select %eq3A_3325, %concatenate3A_3328, %concatenate3A_3331 : vector<8x4096xi1>, vector<8x4096xi32>
    %slice3A_3333 = vector.extract_strided_slice %select_n3A_3319 {offsets = [0, 1], sizes = [8, 4095], strides = [1, 1]} : vector<8x4096xi32> to vector<8x4095xi32>
    %slice3A_3334 = vector.extract_strided_slice %select_n3A_3319 {offsets = [0, 0], sizes = [8, 1], strides = [1, 1]} : vector<8x4096xi32> to vector<8x1xi32>
    %concatenate3A_3335 = tpu.concatenate %slice3A_3333, %slice3A_3334 in 1 : vector<8x4095xi32>, vector<8x1xi32> -> vector<8x4096xi32>
    %slice3A_3336 = vector.extract_strided_slice %select_n3A_3319 {offsets = [0, 4095], sizes = [8, 1], strides = [1, 1]} : vector<8x4096xi32> to vector<8x1xi32>
    %slice3A_3337 = vector.extract_strided_slice %select_n3A_3319 {offsets = [0, 0], sizes = [8, 4095], strides = [1, 1]} : vector<8x4096xi32> to vector<8x4095xi32>
    %concatenate3A_3338 = tpu.concatenate %slice3A_3336, %slice3A_3337 in 1 : vector<8x1xi32>, vector<8x4095xi32> -> vector<8x4096xi32>
    %select_n3A_3339 = arith.select %eq3A_3325, %concatenate3A_3335, %concatenate3A_3338 : vector<8x4096xi1>, vector<8x4096xi32>
    %gt3A_3340 = arith.cmpi sgt, %select_n3A_3318, %select_n3A_3332 : vector<8x4096xi32>
    %eq3A_3341 = arith.cmpi eq, %select_n3A_3318, %select_n3A_3332 : vector<8x4096xi32>
    %lt3A_3342 = arith.cmpi slt, %select_n3A_3319, %select_n3A_3339 : vector<8x4096xi32>
    %and3A_3343 = arith.andi %eq3A_3341, %lt3A_3342 : vector<8x4096xi1>
    %or3A_3344 = arith.ori %gt3A_3340, %and3A_3343 : vector<8x4096xi1>
    %eq3A_3345 = arith.cmpi eq, %add3A, %add3A : vector<8x4096xi32>
    %eq3A_3346 = arith.xori %eq3A_3325, %eq3A_3345 : vector<8x4096xi1>
    %eq3A_3347 = arith.constant dense<true> : vector<8x4096xi1>
    %eq3A_3348 = arith.xori %eq3A_3346, %eq3A_3347 : vector<8x4096xi1>
    %ne3A_3349 = arith.xori %or3A_3344, %eq3A_3348 : vector<8x4096xi1>
    %select_n3A_3350 = arith.select %ne3A_3349, %select_n3A_3339, %select_n3A_3319 : vector<8x4096xi1>, vector<8x4096xi32>
    %slice3A_3351 = vector.extract_strided_slice %select_n3A_3350 {offsets = [0, 0], sizes = [4, 4096], strides = [1, 1]} : vector<8x4096xi32> to vector<4x4096xi32>
    %swap3A = arith.constant 0 : index
    %swap3A_3352 = arith.constant 0 : index
    %swap3A_3353 = vector.load %arg1[%swap3A, %swap3A_3352] : memref<4x4096xi32, #tpu.memory_space<vmem>>, vector<4x4096xi32>
    tpu.vector_store %arg1[%swap3A, %swap3A_3352], %slice3A_3351 {strides = array<i32>} : memref<4x4096xi32, #tpu.memory_space<vmem>>, vector<4x4096xi32>,
    return
  }
}

</mosaic_0001>

<sc_bundles>
// kernel: kernel.4.cloned.1.call-start
scs
__scs_entry_jumppad:
0x0: {  	(pc) =	sbr.rel $0x88, $3  }
0x1: {  	(tag) =	ssettag $0x0;
	lr =	simm.s32 $0x1  }
0x2: {  	[smem:$0x3F9F] =	sst lr;
	_ =	strace $0xD0000000  }
0x3: {  	_ = 	snop  }
0x4: {  	_ = 	snop  }
0x5: {  	_ = 	snop  }
0x6: {  	_ = 	snop  }
0x7: {  	_ = 	snop  }
__scs_overlays_trampoline_lowered:
0x8: {  	[smem:$0x3FAE] =	sst s0  }
0x9: {  	[smem:$0x3FAF] =	sst s1  }
0xa: {  	[smem:$0x3FB0] =	sst s2  }
0xb: {  	[smem:$0x3FB1] =	sst s3  }
0xc: {  	[smem:$0x3FB2] =	sst s4  }
0xd: {  	[smem:$0x3FB3] =	sst s5  }
0xe: {  	[smem:$0x3FB4] =	sst s6  }
0xf: {  	[smem:$0x3FB5] =	sst s7  }
0x10: {  	[smem:$0x3FB6] =	sst s8  }
0x11: {  	[smem:$0x3FB7] =	sst s9;
	s0 =	simm.s32 @!p0 $0x0  }
0x12: {  	s1 =	sld [smem:$0x3F9D];
	s0 =	simm.s32 @p0 $0x1  }
0x13: {  	[smem:$0x3FB8] =	sst s0;
	s0 =	simm.s32 @!p1 $0x0  }
0x14: {  	s2 =	sld [smem:$0x3F9C];
	s0 =	simm.s32 @p1 $0x1  }
0x15: {  	[smem:$0x3FB9] =	sst s0;
	s0 =	simm.s32 @!p2 $0x0  }
0x16: {  	s3 =	sld [smem:$0x3FDB];
	s0 =	simm.s32 @p2 $0x1  }
0x17: {  	s4 =	simm.s32 $0x1BF5;
	[smem:$0x3FBB] =	sst s0  }
0x18: {  	s0 =	sld [smem:$0x3F9E];
	_ =	swait.ge [sflag:s4], $0x0  }
0x19: {  	s7 =	sld [smem:$0x3F9F]  }
0x1a: {  	s8 =	sadd.s32 $0xFFFFE003, lr  }
0x1b: {  	s9 =	sadd.s32 $0xFFFFFEF7, lr;
	s5 =	simm.s32 $0xFFFFFFFF;
	p2 =	slt.u32 s8, $0xFFFFF086  }
0x1c: {  	p1 =	slt.u32 s9, $0xF7A;
	s5 =	simm.s32 @!p2 $0x0  }
0x1d: {  	s5 =	simm.s32 @p1 $0x1;
	p0 =	seq.s32 s7, s2  }
0x1e: {  	s7 =	smul.u32 @!p0 $0xF7A, s2;
	p2 =	seq.s32 @!p0 s5, $0x0  }
0x1f: {  	s9 =	smul.u32 $0xF7A, s1;
	s8 =	simm.s32 @!p0 $0x1BF5;
	p2 =	por !p2, p0  }
0x20: {  	[sflag:s8] =	ssyncset.s32 @!p0 $0xFFFFF086;
	s6 =	sadd.s32 @!p0 s3, s7;
	s7 =	simm.s32 @!p0 $0x108  }
0x21: {  	s3 =	sadd.s32 s3, s9;
	s6 =	sadd.s32 @!p0 $0x88, s6;
	s7 =	simm.s32 @p2 $0x1082  }
0x22: {  	[simem:s7], [sflag:s8] =	dma.local @!p0 [hbm:s6], $0xF7A  }
0x23: {  	s9 =	sor.u32 $0xD0000000, s2;
	s6 =	simm.s32 $0x108;
	_ =	swait.ge @!p0 [sflag:s8], $0x0  }
0x24: {  	s3 =	sadd.s32 $0x88, s3;
	s6 =	simm.s32 @!p1 $0x1082;
	[sflag:s4] =	ssyncset.s32 $0xFFFFF086  }
0x25: {  	[simem:s6], [sflag:s4] =	dma.local [hbm:s3], $0xF7A  }
0x26: {  	[smem:$0x3F9F] =	sst s1;
	(tag) =	ssettag s2;
	_ =	strace s9  }
0x27: {  	s1 =	sld [smem:$0x3FAF]  }
0x28: {  	s2 =	sld [smem:$0x3FB0]  }
0x29: {  	s4 =	sld [smem:$0x3FB2]  }
0x2a: {  	p0 =	seq.s32 s5, $0x0;
	s5 =	sld [smem:$0x3FB3]  }
0x2b: {  	s6 =	sld [smem:$0x3FB4]  }
0x2c: {  	s7 =	sld [smem:$0x3FB5]  }
0x2d: {  	s3 =	simm.s32 $0x108;
	s8 =	sld [smem:$0x3FB6]  }
0x2e: {  	s3 =	simm.s32 @!p0 $0x1082;
	s9 =	sld [smem:$0x3FB7]  }
0x2f: {  	lr =	sadd.s32 s0, s3;
	s0 =	sld [smem:$0x3FAE]  }
0x30: {  	s3 =	sld [smem:$0x3FB1]  }
0x31: {  	[smem:$0x3FBA] =	sst s10  }
0x32: {  	s10 =	sld [smem:$0x3FB8];
	_ =	sdelay $0x3  }
0x33: {  	p0 =	seq.s32 s10, $0x1;
	s10 =	sld [smem:$0x3FBA];
	_ =	sdelay $0x3  }
0x34: {  	[smem:$0x3FBA] =	sst s10  }
0x35: {  	s10 =	sld [smem:$0x3FB9];
	_ =	sdelay $0x3  }
0x36: {  	p1 =	seq.s32 s10, $0x1;
	s10 =	sld [smem:$0x3FBA];
	_ =	sdelay $0x3  }
0x37: {  	[smem:$0x3FBA] =	sst s10  }
0x38: {  	s10 =	sld [smem:$0x3FBB]  }
0x39: {  	_ = 	snop;
	(pc) =	sbr.ind lr, $3  }
0x3a: {  	_ = 	snop  }
0x3b: {  	_ = 	snop  }
0x3c: {  	p2 =	seq.s32 s10, $0x1;
	s10 =	sld [smem:$0x3FBA]  }
0x3d: {  	_ =	shalt  }
0x3e: {  	_ =	shalt  }
0x3f: {  	_ =	shalt  }
0x40: {  	_ =	shalt  }
0x41: {  	_ =	shalt  }
0x42: {  	_ =	shalt  }
0x43: {  	_ =	shalt  }
0x44: {  	_ =	shalt  }
0x45: {  	_ =	shalt  }
0x46: {  	_ =	shalt  }
0x47: {  	_ =	shalt  }
0x48: {  	_ =	shalt  }
0x49: {  	_ =	shalt  }
0x4a: {  	_ =	shalt  }
0x4b: {  	_ =	shalt  }
0x4c: {  	_ =	shalt  }
0x4d: {  	_ =	shalt  }
0x4e: {  	_ =	shalt  }
0x4f: {  	_ =	shalt  }
0x50: {  	_ =	shalt  }
0x51: {  	_ =	shalt  }
0x52: {  	_ =	shalt  }
0x53: {  	_ =	shalt  }
0x54: {  	_ =	shalt  }
0x55: {  	_ =	shalt  }
0x56: {  	_ =	shalt  }
0x57: {  	_ =	shalt  }
0x58: {  	_ =	shalt  }
0x59: {  	_ =	shalt  }
0x5a: {  	_ =	shalt  }
0x5b: {  	_ =	shalt  }
0x5c: {  	_ =	shalt  }
0x5d: {  	_ =	shalt  }
0x5e: {  	_ =	shalt  }
0x5f: {  	_ =	shalt  }
0x60: {  	_ =	shalt  }
0x61: {  	_ =	shalt  }
0x62: {  	_ =	shalt  }
0x63: {  	_ =	shalt  }
0x64: {  	_ =	shalt  }
0x65: {  	_ =	shalt  }
0x66: {  	_ =	shalt  }
0x67: {  	_ =	shalt  }
0x68: {  	_ =	shalt  }
0x69: {  	_ =	shalt  }
0x6a: {  	_ =	shalt  }
0x6b: {  	_ =	shalt  }
0x6c: {  	_ =	shalt  }
0x6d: {  	_ =	shalt  }
0x6e: {  	_ =	shalt  }
0x6f: {  	_ =	shalt  }
0x70: {  	_ =	shalt  }
0x71: {  	_ =	shalt  }
0x72: {  	_ =	shalt  }
0x73: {  	_ =	shalt  }
0x74: {  	_ =	shalt  }
0x75: {  	_ =	shalt  }
0x76: {  	_ =	shalt  }
0x77: {  	_ =	shalt  }
0x78: {  	_ =	shalt  }
0x79: {  	_ =	shalt  }
0x7a: {  	_ =	shalt  }
0x7b: {  	_ =	shalt  }
0x7c: {  	_ =	shalt  }
0x7d: {  	_ =	shalt  }
0x7e: {  	_ =	shalt  }
0x7f: {  	_ =	shalt  }
0x80: {  	_ =	shalt  }
0x81: {  	_ =	shalt  }
0x82: {  	_ =	shalt  }
0x83: {  	_ =	shalt  }
0x84: {  	_ =	shalt  }
0x85: {  	_ =	shalt  }
0x86: {  	_ =	shalt  }
0x87: {  	_ =	shalt  }
.Lfunc_end0:
.L_simem_size_0:
called_computation_lowered:
.L_overlay_start_0:
0x88: {  	s2 =	sld [smem:$0x3FD9]  }
0x89: {  	s3 =	sld [smem:$0x3FFE];
	_ =	sdelay $0x1  }
0x8a: {  	s1 =	srdreg.scid  }
0x8b: {  	s0 =	sand.u32 $0x1, s1  }
0x8c: {  	s17 =	sshll.u32 s0, $0xA;
	s2 =	sadd.s32 s3, s2  }
0x8d: {  	s2 =	sadd.s32 s2, s17  }
0x8e: {  	[smem:$0x3FC6] =	sst s2  }
0x8f: {  	_ = 	snop  }
0x90: {  	s2 =	sld [smem:$0x3FC9]  }
0x91: {  	s18 =	sld [smem:$0x3FD0];
	(tm) =	ssettm $0x1  }
0x92: {  	s4 =	sld [smem:$0x3FFB];
	_ =	sdelay $0x3  }
0x93: {  	_ =	strace s4  }
0x94: {  	s4 =	sld [smem:$0x3FFC];
	_ =	sdelay $0x3  }
0x95: {  	_ =	strace s4  }
0x96: {  	s4 =	sld [smem:$0x3FFD];
	_ =	sdelay $0x3  }
0x97: {  	_ =	strace s4  }
0x98: {  	_ =	strace $0x8FFFFFFF  }
0x99: {  	s19 =	sld [smem:$0x3FDB];
	_ =	sdelay $0x1  }
0x9a: {  	s5 =	simm.s32 $_scs_section_size  }
0x9b: {  	s6 =	simm.s32 $_size__tile_overlayer_lowered;
	s7 =	simm.s32 $_tile_overlayer_lowered  }
0x9c: {  	s22 =	simm.s32 $0x1BFF;
	s21 =	sshll.u32 s7, $0x1;
	s4 =	sadd.s32 s5, s19  }
0x9d: {  	s8 =	simm.s32 $0x0;
	s20 =	sshll.u32 s6, $0x1;
	s6 =	sadd.s32 s21, s4  }
0x9e: {  	[timem:s8], [sflag:s22] =	dma.local [hbm:s6], s20  }
0x9f: {  	_ =	swait.ge [sflag:s22], s20  }
0xa0: {  	s5 =	ssub.s32 $0x0, s20;
	[sflag:s22] =	ssyncset.done $0x0  }
0xa1: {  	[sflag:s22] =	ssyncadd.s32 s5;
	_ =	sdelay $0x1  }
0xa2: {  	s23 =	simm.s32 $0x1B8B  }
0xa3: {  	_ =	swait.ge [sflag:s23], $0x1  }
0xa4: {  	[sflag:s23] =	ssyncset.done $0x0  }
0xa5: {  	s25 =	simm.s32 $0x1B8E;
	s24 =	sld [smem:$0x3FFE];
	[sflag:s23] =	ssyncadd.s32 $0xFFFFFFFF  }
0xa6: {  	s26 =	simm.s32 $execute0_lowered;
	[smem:$0x3FD2] =	sst s25  }
0xa7: {  	s6 =	sshll.u32 s26, $0x1;
	_ =	strace $0x80000046;
	[dreg:$0x1] =	wrdreg $0xFFFFFFFF  }
0xa8: {  	s28 =	simm.s32 $_size_execute0_lowered;
	s4 =	sadd.s32 s4, s6;
	[dreg:$0x0] =	wrdreg $0x0  }
0xa9: {  	s6 =	sshll.u32 s28, $0x1;
	[dreg:$0x2] =	wrdreg s4  }
0xaa: {  	[dreg:$0x3] =	wrdreg s6  }
0xab: {  	[dreg:$0x4] =	wrdreg $0xC0  }
0xac: {  	_ =	task [dreg:s8], $0x5FFFF  }
0xad: {  	[dreg:$0x1] =	wrdreg $0xFFFFFFFF  }
0xae: {  	[dreg:$0x0] =	wrdreg $0x60  }
0xaf: {  	[dreg:$0x2] =	wrdreg s2  }
0xb0: {  	[dreg:$0x3] =	wrdreg s24  }
0xb1: {  	[dreg:$0x4] =	wrdreg s18  }
0xb2: {  	[dreg:$0x5] =	wrdreg $0x9  }
0xb3: {  	_ =	task.clear_ibuf [dreg:s8], $0x6FFFF;
	_ =	strace $0x90000046  }
0xb4: {  	s29 =	simm.s32 $0x9;
	_ =	strace $0x80000048  }
0xb5: {  	_ =	swait.ge [sflag:s29], $0x1  }
0xb6: {  	[sflag:s29] =	ssyncadd.s32 $0xFFFFFFFF  }
0xb7: {  	_ =	strace $0x90000048  }
0xb8: {  	_ =	sfence  }
0xb9: {  	s30 =	sld [smem:$0x0];
	_ =	sdelay $0x2  }
0xba: {  	s31 =	sshll.u32 s1, $0xD;
	s1 =	sshrl.u32 s1, $0x2  }
0xbb: {  	s3 =	sand.u32 $0x4000, s31;
	s1 =	sadd.s32 s1, s30  }
0xbc: {  	s0 =	sor.u32 s3, s0;
	s1 =	sshll.u32 s1, $0x11  }
0xbd: {  	s0 =	sor.u32 s1, s0  }
0xbe: {  	s0 =	sadd.s32 $0x8F2B, s0  }
0xbf: {  	[sflag:s0] =	ssyncadd.remote.s32 $0x1  }
0xc0: {  	_ =	sfence.sel $0xFFFF  }
0xc1: {  	[dreg:$0x0] =	wrdreg $0xFFFFFFFF;
	(pc) =	sbr.abs _section_cstart, $3  }
0xc2: {  	[dreg:$0x1] =	wrdreg $0xFFFFFFFF  }
0xc3: {  	_ =	task.clear_ibuf [dreg:s8], $0x2FFFF;
	_ =	strace $0x9FFFFFFF  }
0xc4: {  	(tm) =	ssettm $0x7FFFFFFF  }
0xc5: {  	_ =	shalt  }
tec
execute0_lowered:
.L_overlay_start_1:
0x0: {  	(tag) =	ssettag $0x1  }
0x1: {  	s0 =	srdreg.scid;
	s1 =	rddreg [dreg:$0x0]  }
0x2: {  	s3 =	stileid.u32;
	s2 =	rddreg [dreg:$0x1];
	s0 =	sand.u32 $0x1, s0  }
0x3: {  	s5 =	rddreg [dreg:$0x2];
	s3 =	sshll.u32 s3, $0x7;
	s4 =	sshll.u32 s0, $0x6  }
0x4: {  	s8 =	simm.s32 $0x3;
	s12 =	simm.s32 $0x2;
	s4 =	sor.u32 s4, s3  }
0x5: {  	s3 =	simm.s32 $0x0;
	s6 =	smul.u32 $0x300, s4;
	s2 =	sadd.s32 s4, s2  }
0x6: {  	[smem:$0x7FF] =	sst s3;
	s4 =	smul.u32 $0x1800, s4;
	s2 =	sadd.s32 $0x600, s2  }
0x7: {  	_ =	strace $0x80000047;
	s6 =	sadd.s32 s5, s6;
	[dreg:$0x4] =	wrdreg s2  }
0x8: {  	s4 =	sshrl.u32 s4, $0x3;
	s23 =	sadd.s32 $0x1800, s6;
	[dreg:$0xc] =	wrdreg s6  }
0x9: {  	s24 =	sadd.s32 $0x3000, s6;
	s4 =	sadd.s32 s5, s4;
	[dreg:$0x5] =	wrdreg s23  }
0xa: {  	s0 =	ssub.s32 $0x2, s0;
	[dreg:$0x6] =	wrdreg s24;
	s25 =	sadd.s32 $0x4800, s4  }
0xb: {  	s28 =	sshrl.u32 s0, $0x1;
	s26 =	sadd.s32 $0x6000, s4;
	[dreg:$0x7] =	wrdreg s25  }
0xc: {  	s0 =	ssub.s32 s0, s28;
	s29 =	sadd.s32 $0x7800, s4;
	[dreg:$0x8] =	wrdreg s26  }
0xd: {  	v2 =	vlaneseq.u32;
	s7 =	smax.u32 s0, $0x1;
	s30 =	sadd.s32 $0x9000, s4;
	[dreg:$0x9] =	wrdreg s29  }
0xe: {  	vm0 =	vmmov $0xffff;
	v1 =	vshrl.u32 v2, $0x3;
	s5 =	sadd.s32 $0x100, s1;
	s31 =	sadd.s32 $0xA800, s4;
	[dreg:$0xa] =	wrdreg s30  }
0xf: {  	v0 =	vand.u32 $0x7, v2;
	v2 =	vor.u32 $0x8, v2;
	v1 =	vmul.u32 $0x8, v1;
	s6 =	sadd.s32 $0x200, s1;
	s4 =	simm.s32 $0x1;
	[dreg:$0xb] =	wrdreg s31  }
.LBB2_1:
0x10: {  	s13 =	rddreg [dreg:$0x4]  }
0x11: {  	[tilespmem:s3], [sflag:$0x3] =	stream.linear.gather [hbm4b:s13+s3], $0x200, $0x38;
	[tilespmem:$0x18200] =	vst v63  }
0x12: {  	_ =	swait.ge [sflag:s8], $0x200  }
0x13: {  	[sflag:s8] =	ssyncset.done $0x0  }
0x14: {  	[sflag:s8] =	ssyncadd.s32 $0xFFFFFE00  }
0x15: {  	v3 =	vld [tilespmem:$0x0];
	_ =	sdelay $0x4  }
0x16: {  	v4 =	vshrl.u32 v3, $0x3  }
0x17: {  	v4 =	vmul.u32 $0x30, v4  }
0x18: {  	v3 =	vand.u32 $0x7, v3  }
0x19: {  	v3 =	vor.u32 v3, v4  }
0x1a: {  	v4 =	vperm.xlane v3, v0;
	_ =	sdelay $0x1  }
0x1b: {  	v4 =	vadd.s32 v1, v4;
	_ =	sdelay $0x3  }
0x1c: {  	s0 =	simm.s32 $0x200;
	v3 =	vperm.xlane v3, v2  }
0x1d: {  	[tilespmem:s0], [sflag:$0x1] =	stream.indirect_vreg.gather [hbm4b:s1+s3], $0x80, v4, vm0, $0xb8;
	[tilespmem:$0x18200] =	vst v63  }
0x1e: {  	s24 =	simm.s32 $0xA00;
	v3 =	vadd.s32 v1, v3  }
0x1f: {  	[tilespmem:s24], [sflag:$0x1] =	stream.indirect_vreg.gather [hbm4b:s5+s3], $0x80, v4, vm0, $0xb8;
	[tilespmem:$0x18200] =	vst v63  }
0x20: {  	s25 =	simm.s32 $0x1200  }
0x21: {  	[tilespmem:s25], [sflag:$0x1] =	stream.indirect_vreg.gather [hbm4b:s6+s3], $0x80, v4, vm0, $0xb8;
	[tilespmem:$0x18200] =	vst v63  }
0x22: {  	s26 =	simm.s32 $0x1A00  }
0x23: {  	[tilespmem:s26], [sflag:$0x1] =	stream.indirect_vreg.gather [hbm4b:s1+s3], $0x80, v3, vm0, $0xb8;
	[tilespmem:$0x18200] =	vst v63  }
0x24: {  	s28 =	simm.s32 $0x2200  }
0x25: {  	[tilespmem:s28], [sflag:$0x1] =	stream.indirect_vreg.gather [hbm4b:s5+s3], $0x80, v3, vm0, $0xb8;
	[tilespmem:$0x18200] =	vst v63  }
0x26: {  	s29 =	simm.s32 $0x2A00  }
0x27: {  	[tilespmem:s29], [sflag:$0x1] =	stream.indirect_vreg.gather [hbm4b:s6+s3], $0x80, v3, vm0, $0xb8;
	[tilespmem:$0x18200] =	vst v63  }
0x28: {  	v3 =	vld [tilespmem:$0x10];
	_ =	sdelay $0x4  }
0x29: {  	v33 =	vshrl.u32 v3, $0x3  }
0x2a: {  	v4 =	vmul.u32 $0x30, v33  }
0x2b: {  	v3 =	vand.u32 $0x7, v3  }
0x2c: {  	v3 =	vor.u32 v3, v4  }
0x2d: {  	v4 =	vperm.xlane v3, v0;
	_ =	sdelay $0x1  }
0x2e: {  	v4 =	vadd.s32 v1, v4;
	_ =	sdelay $0x3  }
0x2f: {  	s30 =	simm.s32 $0x3200;
	v3 =	vperm.xlane v3, v2  }
0x30: {  	[tilespmem:s30], [sflag:$0x1] =	stream.indirect_vreg.gather [hbm4b:s1+s3], $0x80, v4, vm0, $0xb8;
	[tilespmem:$0x18200] =	vst v63  }
0x31: {  	s31 =	simm.s32 $0x3A00;
	v3 =	vadd.s32 v1, v3  }
0x32: {  	[tilespmem:s31], [sflag:$0x1] =	stream.indirect_vreg.gather [hbm4b:s5+s3], $0x80, v4, vm0, $0xb8;
	[tilespmem:$0x18200] =	vst v63  }
0x33: {  	s2 =	simm.s32 $0x4200  }
0x34: {  	[tilespmem:s2], [sflag:$0x1] =	stream.indirect_vreg.gather [hbm4b:s6+s3], $0x80, v4, vm0, $0xb8;
	[tilespmem:$0x18200] =	vst v63  }
0x35: {  	s10 =	simm.s32 $0x4A00  }
0x36: {  	[tilespmem:s10], [sflag:$0x1] =	stream.indirect_vreg.gather [hbm4b:s1+s3], $0x80, v3, vm0, $0xb8;
	[tilespmem:$0x18200] =	vst v63  }
0x37: {  	s11 =	simm.s32 $0x5200  }
0x38: {  	[tilespmem:s11], [sflag:$0x1] =	stream.indirect_vreg.gather [hbm4b:s5+s3], $0x80, v3, vm0, $0xb8;
	[tilespmem:$0x18200] =	vst v63  }
0x39: {  	s13 =	simm.s32 $0x5A00  }
0x3a: {  	[tilespmem:s13], [sflag:$0x1] =	stream.indirect_vreg.gather [hbm4b:s6+s3], $0x80, v3, vm0, $0xb8;
	[tilespmem:$0x18200] =	vst v63  }
0x3b: {  	v3 =	vld [tilespmem:$0x20];
	_ =	sdelay $0x4  }
0x3c: {  	v34 =	vshrl.u32 v3, $0x3  }
0x3d: {  	v4 =	vmul.u32 $0x30, v34  }
0x3e: {  	v3 =	vand.u32 $0x7, v3  }
0x3f: {  	v3 =	vor.u32 v3, v4  }
0x40: {  	v4 =	vperm.xlane v3, v0;
	_ =	sdelay $0x1  }
0x41: {  	v4 =	vadd.s32 v1, v4;
	_ =	sdelay $0x3  }
0x42: {  	s15 =	simm.s32 $0x6200;
	v3 =	vperm.xlane v3, v2  }
0x43: {  	[tilespmem:s15], [sflag:$0x1] =	stream.indirect_vreg.gather [hbm4b:s1+s3], $0x80, v4, vm0, $0xb8;
	[tilespmem:$0x18200] =	vst v63  }
0x44: {  	s16 =	simm.s32 $0x6A00;
	v3 =	vadd.s32 v1, v3  }
0x45: {  	[tilespmem:s16], [sflag:$0x1] =	stream.indirect_vreg.gather [hbm4b:s5+s3], $0x80, v4, vm0, $0xb8;
	[tilespmem:$0x18200] =	vst v63  }
0x46: {  	s19 =	simm.s32 $0x7200  }
0x47: {  	[tilespmem:s19], [sflag:$0x1] =	stream.indirect_vreg.gather [hbm4b:s6+s3], $0x80, v4, vm0, $0xb8;
	[tilespmem:$0x18200] =	vst v63  }
0x48: {  	s20 =	simm.s32 $0x7A00  }
0x49: {  	[tilespmem:s20], [sflag:$0x1] =	stream.indirect_vreg.gather [hbm4b:s1+s3], $0x80, v3, vm0, $0xb8;
	[tilespmem:$0x18200] =	vst v63  }
0x4a: {  	s23 =	simm.s32 $0x8200  }
0x4b: {  	[tilespmem:s23], [sflag:$0x1] =	stream.indirect_vreg.gather [hbm4b:s5+s3], $0x80, v3, vm0, $0xb8;
	[tilespmem:$0x18200] =	vst v63  }
0x4c: {  	s24 =	simm.s32 $0x8A00  }
0x4d: {  	[tilespmem:s24], [sflag:$0x1] =	stream.indirect_vreg.gather [hbm4b:s6+s3], $0x80, v3, vm0, $0xb8;
	[tilespmem:$0x18200] =	vst v63  }
0x4e: {  	v3 =	vld [tilespmem:$0x30];
	_ =	sdelay $0x4  }
0x4f: {  	v35 =	vshrl.u32 v3, $0x3  }
0x50: {  	v4 =	vmul.u32 $0x30, v35  }
0x51: {  	v3 =	vand.u32 $0x7, v3  }
0x52: {  	v3 =	vor.u32 v3, v4  }
0x53: {  	v4 =	vperm.xlane v3, v0;
	_ =	sdelay $0x1  }
0x54: {  	v4 =	vadd.s32 v1, v4;
	_ =	sdelay $0x3  }
0x55: {  	s31 =	simm.s32 $0x9200;
	v3 =	vperm.xlane v3, v2  }
0x56: {  	[tilespmem:s31], [sflag:$0x1] =	stream.indirect_vreg.gather [hbm4b:s1+s3], $0x80, v4, vm0, $0xb8;
	[tilespmem:$0x18200] =	vst v63  }
0x57: {  	s13 =	simm.s32 $0x9A00;
	v3 =	vadd.s32 v1, v3  }
0x58: {  	[tilespmem:s13], [sflag:$0x1] =	stream.indirect_vreg.gather [hbm4b:s5+s3], $0x80, v4, vm0, $0xb8;
	[tilespmem:$0x18200] =	vst v63  }
0x59: {  	s15 =	simm.s32 $0xA200  }
0x5a: {  	[tilespmem:s15], [sflag:$0x1] =	stream.indirect_vreg.gather [hbm4b:s6+s3], $0x80, v4, vm0, $0xb8;
	[tilespmem:$0x18200] =	vst v63  }
0x5b: {  	s16 =	simm.s32 $0xAA00  }
0x5c: {  	[tilespmem:s16], [sflag:$0x1] =	stream.indirect_vreg.gather [hbm4b:s1+s3], $0x80, v3, vm0, $0xb8;
	[tilespmem:$0x18200] =	vst v63  }
0x5d: {  	s19 =	simm.s32 $0xB200  }
0x5e: {  	[tilespmem:s19], [sflag:$0x1] =	stream.indirect_vreg.gather [hbm4b:s5+s3], $0x80, v3, vm0, $0xb8;
	[tilespmem:$0x18200] =	vst v63  }
0x5f: {  	s20 =	simm.s32 $0xBA00  }
0x60: {  	[tilespmem:s20], [sflag:$0x1] =	stream.indirect_vreg.gather [hbm4b:s6+s3], $0x80, v3, vm0, $0xb8;
	[tilespmem:$0x18200] =	vst v63  }
0x61: {  	_ =	swait.ge [sflag:s4], $0xC000  }
0x62: {  	[sflag:s4] =	ssyncset.done $0x0  }
0x63: {  	[sflag:s4] =	ssyncadd.s32 $0xFFFF4000  }
0x64: {  	v3 =	vld [tilespmem:$0x40];
	_ =	sdelay $0x4  }
0x65: {  	v36 =	vshrl.u32 v3, $0x3  }
0x66: {  	v4 =	vmul.u32 $0x30, v36  }
0x67: {  	v3 =	vand.u32 $0x7, v3  }
0x68: {  	v3 =	vor.u32 v3, v4  }
0x69: {  	v4 =	vperm.xlane v3, v0;
	_ =	sdelay $0x1  }
0x6a: {  	v4 =	vadd.s32 v1, v4;
	_ =	sdelay $0x3  }
0x6b: {  	s23 =	simm.s32 $0xC200;
	v3 =	vperm.xlane v3, v2  }
0x6c: {  	[tilespmem:s23], [sflag:$0x2] =	stream.indirect_vreg.gather [hbm4b:s1+s3], $0x80, v4, vm0, $0xb8;
	[tilespmem:$0x18200] =	vst v63  }
0x6d: {  	s24 =	simm.s32 $0xCA00;
	v3 =	vadd.s32 v1, v3  }
0x6e: {  	[tilespmem:s24], [sflag:$0x2] =	stream.indirect_vreg.gather [hbm4b:s5+s3], $0x80, v4, vm0, $0xb8;
	[tilespmem:$0x18200] =	vst v63  }
0x6f: {  	s13 =	simm.s32 $0xD200  }
0x70: {  	[tilespmem:s13], [sflag:$0x2] =	stream.indirect_vreg.gather [hbm4b:s6+s3], $0x80, v4, vm0, $0xb8;
	[tilespmem:$0x18200] =	vst v63  }
0x71: {  	s16 =	simm.s32 $0xDA00  }
0x72: {  	[tilespmem:s16], [sflag:$0x2] =	stream.indirect_vreg.gather [hbm4b:s1+s3], $0x80, v3, vm0, $0xb8;
	[tilespmem:$0x18200] =	vst v63  }
0x73: {  	s19 =	simm.s32 $0xE200  }
0x74: {  	[tilespmem:s19], [sflag:$0x2] =	stream.indirect_vreg.gather [hbm4b:s5+s3], $0x80, v3, vm0, $0xb8;
	[tilespmem:$0x18200] =	vst v63  }
0x75: {  	s20 =	simm.s32 $0xEA00  }
0x76: {  	[tilespmem:s20], [sflag:$0x2] =	stream.indirect_vreg.gather [hbm4b:s6+s3], $0x80, v3, vm0, $0xb8;
	[tilespmem:$0x18200] =	vst v63  }
0x77: {  	v3 =	vld [tilespmem:$0x50];
	_ =	sdelay $0x4  }
0x78: {  	v37 =	vshrl.u32 v3, $0x3  }
0x79: {  	v4 =	vmul.u32 $0x30, v37  }
0x7a: {  	v3 =	vand.u32 $0x7, v3  }
0x7b: {  	v3 =	vor.u32 v3, v4  }
0x7c: {  	v4 =	vperm.xlane v3, v0;
	_ =	sdelay $0x1  }
0x7d: {  	v4 =	vadd.s32 v1, v4;
	_ =	sdelay $0x3  }
0x7e: {  	s23 =	simm.s32 $0xF200;
	v3 =	vperm.xlane v3, v2  }
0x7f: {  	[tilespmem:s23], [sflag:$0x2] =	stream.indirect_vreg.gather [hbm4b:s1+s3], $0x80, v4, vm0, $0xb8;
	[tilespmem:$0x18200] =	vst v63  }
0x80: {  	s24 =	simm.s32 $0xFA00;
	v3 =	vadd.s32 v1, v3  }
0x81: {  	[tilespmem:s24], [sflag:$0x2] =	stream.indirect_vreg.gather [hbm4b:s5+s3], $0x80, v4, vm0, $0xb8;
	[tilespmem:$0x18200] =	vst v63  }
0x82: {  	s13 =	simm.s32 $0x10200  }
0x83: {  	[tilespmem:s13], [sflag:$0x2] =	stream.indirect_vreg.gather [hbm4b:s6+s3], $0x80, v4, vm0, $0xb8;
	[tilespmem:$0x18200] =	vst v63  }
0x84: {  	s19 =	simm.s32 $0x10A00  }
0x85: {  	[tilespmem:s19], [sflag:$0x2] =	stream.indirect_vreg.gather [hbm4b:s1+s3], $0x80, v3, vm0, $0xb8;
	[tilespmem:$0x18200] =	vst v63  }
0x86: {  	s20 =	simm.s32 $0x11200  }
0x87: {  	[tilespmem:s20], [sflag:$0x2] =	stream.indirect_vreg.gather [hbm4b:s5+s3], $0x80, v3, vm0, $0xb8;
	[tilespmem:$0x18200] =	vst v63  }
0x88: {  	s23 =	simm.s32 $0x11A00  }
0x89: {  	[tilespmem:s23], [sflag:$0x2] =	stream.indirect_vreg.gather [hbm4b:s6+s3], $0x80, v3, vm0, $0xb8;
	[tilespmem:$0x18200] =	vst v63  }
0x8a: {  	v3 =	vld [tilespmem:$0x60];
	_ =	sdelay $0x4  }
0x8b: {  	v38 =	vshrl.u32 v3, $0x3  }
0x8c: {  	v4 =	vmul.u32 $0x30, v38  }
0x8d: {  	v3 =	vand.u32 $0x7, v3  }
0x8e: {  	v3 =	vor.u32 v3, v4  }
0x8f: {  	v4 =	vperm.xlane v3, v0;
	_ =	sdelay $0x1  }
0x90: {  	v4 =	vadd.s32 v1, v4;
	_ =	sdelay $0x3  }
0x91: {  	s24 =	simm.s32 $0x12200;
	v3 =	vperm.xlane v3, v2  }
0x92: {  	[tilespmem:s24], [sflag:$0x2] =	stream.indirect_vreg.gather [hbm4b:s1+s3], $0x80, v4, vm0, $0xb8;
	[tilespmem:$0x18200] =	vst v63  }
0x93: {  	s13 =	simm.s32 $0x12A00;
	v3 =	vadd.s32 v1, v3  }
0x94: {  	[tilespmem:s13], [sflag:$0x2] =	stream.indirect_vreg.gather [hbm4b:s5+s3], $0x80, v4, vm0, $0xb8;
	[tilespmem:$0x18200] =	vst v63  }
0x95: {  	s23 =	simm.s32 $0x13200  }
0x96: {  	[tilespmem:s23], [sflag:$0x2] =	stream.indirect_vreg.gather [hbm4b:s6+s3], $0x80, v4, vm0, $0xb8;
	[tilespmem:$0x18200] =	vst v63  }
0x97: {  	s24 =	simm.s32 $0x13A00  }
0x98: {  	[tilespmem:s24], [sflag:$0x2] =	stream.indirect_vreg.gather [hbm4b:s1+s3], $0x80, v3, vm0, $0xb8;
	[tilespmem:$0x18200] =	vst v63  }
0x99: {  	s13 =	simm.s32 $0x14200  }
0x9a: {  	[tilespmem:s13], [sflag:$0x2] =	stream.indirect_vreg.gather [hbm4b:s5+s3], $0x80, v3, vm0, $0xb8;
	[tilespmem:$0x18200] =	vst v63  }
0x9b: {  	s23 =	simm.s32 $0x14A00  }
0x9c: {  	[tilespmem:s23], [sflag:$0x2] =	stream.indirect_vreg.gather [hbm4b:s6+s3], $0x80, v3, vm0, $0xb8;
	[tilespmem:$0x18200] =	vst v63  }
0x9d: {  	v3 =	vld [tilespmem:$0x70];
	_ =	sdelay $0x4  }
0x9e: {  	v39 =	vshrl.u32 v3, $0x3  }
0x9f: {  	v4 =	vmul.u32 $0x30, v39  }
0xa0: {  	v3 =	vand.u32 $0x7, v3  }
0xa1: {  	v3 =	vor.u32 v3, v4  }
0xa2: {  	v4 =	vperm.xlane v3, v0;
	_ =	sdelay $0x1  }
0xa3: {  	v4 =	vadd.s32 v1, v4;
	_ =	sdelay $0x3  }
0xa4: {  	s24 =	simm.s32 $0x15200;
	v3 =	vperm.xlane v3, v2  }
0xa5: {  	[tilespmem:s24], [sflag:$0x2] =	stream.indirect_vreg.gather [hbm4b:s1+s3], $0x80, v4, vm0, $0xb8;
	[tilespmem:$0x18200] =	vst v63  }
0xa6: {  	s13 =	simm.s32 $0x15A00;
	v3 =	vadd.s32 v1, v3  }
0xa7: {  	[tilespmem:s13], [sflag:$0x2] =	stream.indirect_vreg.gather [hbm4b:s5+s3], $0x80, v4, vm0, $0xb8;
	[tilespmem:$0x18200] =	vst v63  }
0xa8: {  	s13 =	simm.s32 $0x16200  }
0xa9: {  	[tilespmem:s13], [sflag:$0x2] =	stream.indirect_vreg.gather [hbm4b:s6+s3], $0x80, v4, vm0, $0xb8;
	[tilespmem:$0x18200] =	vst v63  }
0xaa: {  	s13 =	simm.s32 $0x16A00  }
0xab: {  	[tilespmem:s13], [sflag:$0x2] =	stream.indirect_vreg.gather [hbm4b:s1+s3], $0x80, v3, vm0, $0xb8;
	[tilespmem:$0x18200] =	vst v63  }
0xac: {  	s13 =	simm.s32 $0x17200  }
0xad: {  	[tilespmem:s13], [sflag:$0x2] =	stream.indirect_vreg.gather [hbm4b:s5+s3], $0x80, v3, vm0, $0xb8;
	[tilespmem:$0x18200] =	vst v63  }
0xae: {  	s0 =	simm.s32 $0x17A00  }
0xaf: {  	[tilespmem:s0], [sflag:$0x2] =	stream.indirect_vreg.gather [hbm4b:s6+s3], $0x80, v3, vm0, $0xb8;
	[tilespmem:$0x18200] =	vst v63  }
0xb0: {  	s13 =	rddreg [dreg:$0xc];
	s0 =	simm.s32 $0x200  }
0xb1: {  	[hbm4b:s13+s3] =	stream.linear.scatter [tilespmem:s0], [sflag:$0x3], $0xC000, $0x38;
	[tilespmem:$0x18200] =	vst v63  }
0xb2: {  	_ =	swait.ge [sflag:s8], $0xC000  }
0xb3: {  	[sflag:s8] =	ssyncset.done $0x0  }
0xb4: {  	[sflag:s8] =	ssyncadd.s32 $0xFFFF4000  }
0xb5: {  	_ =	swait.ge [sflag:s12], $0xC000  }
0xb6: {  	[sflag:s12] =	ssyncset.done $0x0  }
0xb7: {  	[sflag:s12] =	ssyncadd.s32 $0xFFFF4000  }
0xb8: {  	v3 =	vld [tilespmem:$0x80];
	_ =	sdelay $0x4  }
0xb9: {  	v40 =	vshrl.u32 v3, $0x3  }
0xba: {  	v4 =	vmul.u32 $0x30, v40  }
0xbb: {  	v3 =	vand.u32 $0x7, v3  }
0xbc: {  	v3 =	vor.u32 v3, v4  }
0xbd: {  	v4 =	vperm.xlane v3, v0;
	_ =	sdelay $0x1  }
0xbe: {  	v4 =	vadd.s32 v1, v4;
	_ =	sdelay $0x3  }
0xbf: {  	v3 =	vperm.xlane v3, v2  }
0xc0: {  	[tilespmem:s0], [sflag:$0x1] =	stream.indirect_vreg.gather [hbm4b:s1+s3], $0x80, v4, vm0, $0xb8;
	[tilespmem:$0x18200] =	vst v63  }
0xc1: {  	s9 =	simm.s32 $0xA00;
	v3 =	vadd.s32 v1, v3  }
0xc2: {  	[tilespmem:s9], [sflag:$0x1] =	stream.indirect_vreg.gather [hbm4b:s5+s3], $0x80, v4, vm0, $0xb8;
	[tilespmem:$0x18200] =	vst v63  }
0xc3: {  	s14 =	simm.s32 $0x1200  }
0xc4: {  	[tilespmem:s14], [sflag:$0x1] =	stream.indirect_vreg.gather [hbm4b:s6+s3], $0x80, v4, vm0, $0xb8;
	[tilespmem:$0x18200] =	vst v63  }
0xc5: {  	s17 =	simm.s32 $0x1A00  }
0xc6: {  	[tilespmem:s17], [sflag:$0x1] =	stream.indirect_vreg.gather [hbm4b:s1+s3], $0x80, v3, vm0, $0xb8;
	[tilespmem:$0x18200] =	vst v63  }
0xc7: {  	s18 =	simm.s32 $0x2200  }
0xc8: {  	[tilespmem:s18], [sflag:$0x1] =	stream.indirect_vreg.gather [hbm4b:s5+s3], $0x80, v3, vm0, $0xb8;
	[tilespmem:$0x18200] =	vst v63  }
0xc9: {  	s26 =	simm.s32 $0x2A00  }
0xca: {  	[tilespmem:s26], [sflag:$0x1] =	stream.indirect_vreg.gather [hbm4b:s6+s3], $0x80, v3, vm0, $0xb8;
	[tilespmem:$0x18200] =	vst v63  }
0xcb: {  	v3 =	vld [tilespmem:$0x90];
	_ =	sdelay $0x4  }
0xcc: {  	v41 =	vshrl.u32 v3, $0x3  }
0xcd: {  	v4 =	vmul.u32 $0x30, v41  }
0xce: {  	v3 =	vand.u32 $0x7, v3  }
0xcf: {  	v3 =	vor.u32 v3, v4  }
0xd0: {  	v4 =	vperm.xlane v3, v0;
	_ =	sdelay $0x1  }
0xd1: {  	v4 =	vadd.s32 v1, v4;
	_ =	sdelay $0x3  }
0xd2: {  	s28 =	simm.s32 $0x3200;
	v3 =	vperm.xlane v3, v2  }
0xd3: {  	[tilespmem:s28], [sflag:$0x1] =	stream.indirect_vreg.gather [hbm4b:s1+s3], $0x80, v4, vm0, $0xb8;
	[tilespmem:$0x18200] =	vst v63  }
0xd4: {  	s21 =	simm.s32 $0x3A00;
	v3 =	vadd.s32 v1, v3  }
0xd5: {  	[tilespmem:s21], [sflag:$0x1] =	stream.indirect_vreg.gather [hbm4b:s5+s3], $0x80, v4, vm0, $0xb8;
	[tilespmem:$0x18200] =	vst v63  }
0xd6: {  	s22 =	simm.s32 $0x4200  }
0xd7: {  	[tilespmem:s22], [sflag:$0x1] =	stream.indirect_vreg.gather [hbm4b:s6+s3], $0x80, v4, vm0, $0xb8;
	[tilespmem:$0x18200] =	vst v63  }
0xd8: {  	s25 =	simm.s32 $0x4A00  }
0xd9: {  	[tilespmem:s25], [sflag:$0x1] =	stream.indirect_vreg.gather [hbm4b:s1+s3], $0x80, v3, vm0, $0xb8;
	[tilespmem:$0x18200] =	vst v63  }
0xda: {  	s26 =	simm.s32 $0x5200  }
0xdb: {  	[tilespmem:s26], [sflag:$0x1] =	stream.indirect_vreg.gather [hbm4b:s5+s3], $0x80, v3, vm0, $0xb8;
	[tilespmem:$0x18200] =	vst v63  }
0xdc: {  	s29 =	simm.s32 $0x5A00  }
0xdd: {  	[tilespmem:s29], [sflag:$0x1] =	stream.indirect_vreg.gather [hbm4b:s6+s3], $0x80, v3, vm0, $0xb8;
	[tilespmem:$0x18200] =	vst v63  }
0xde: {  	v3 =	vld [tilespmem:$0xA0];
	_ =	sdelay $0x4  }
0xdf: {  	v42 =	vshrl.u32 v3, $0x3  }
0xe0: {  	v4 =	vmul.u32 $0x30, v42  }
0xe1: {  	v3 =	vand.u32 $0x7, v3  }
0xe2: {  	v3 =	vor.u32 v3, v4  }
0xe3: {  	v4 =	vperm.xlane v3, v0;
	_ =	sdelay $0x1  }
0xe4: {  	v4 =	vadd.s32 v1, v4;
	_ =	sdelay $0x3  }
0xe5: {  	s30 =	simm.s32 $0x6200;
	v3 =	vperm.xlane v3, v2  }
0xe6: {  	[tilespmem:s30], [sflag:$0x1] =	stream.indirect_vreg.gather [hbm4b:s1+s3], $0x80, v4, vm0, $0xb8;
	[tilespmem:$0x18200] =	vst v63  }
0xe7: {  	s29 =	simm.s32 $0x6A00;
	v3 =	vadd.s32 v1, v3  }
0xe8: {  	[tilespmem:s29], [sflag:$0x1] =	stream.indirect_vreg.gather [hbm4b:s5+s3], $0x80, v4, vm0, $0xb8;
	[tilespmem:$0x18200] =	vst v63  }
0xe9: {  	s30 =	simm.s32 $0x7200  }
0xea: {  	[tilespmem:s30], [sflag:$0x1] =	stream.indirect_vreg.gather [hbm4b:s6+s3], $0x80, v4, vm0, $0xb8;
	[tilespmem:$0x18200] =	vst v63  }
0xeb: {  	s10 =	simm.s32 $0x7A00  }
0xec: {  	[tilespmem:s10], [sflag:$0x1] =	stream.indirect_vreg.gather [hbm4b:s1+s3], $0x80, v3, vm0, $0xb8;
	[tilespmem:$0x18200] =	vst v63  }
0xed: {  	s11 =	simm.s32 $0x8200  }
0xee: {  	[tilespmem:s11], [sflag:$0x1] =	stream.indirect_vreg.gather [hbm4b:s5+s3], $0x80, v3, vm0, $0xb8;
	[tilespmem:$0x18200] =	vst v63  }
0xef: {  	s2 =	simm.s32 $0x8A00  }
0xf0: {  	[tilespmem:s2], [sflag:$0x1] =	stream.indirect_vreg.gather [hbm4b:s6+s3], $0x80, v3, vm0, $0xb8;
	[tilespmem:$0x18200] =	vst v63  }
0xf1: {  	v3 =	vld [tilespmem:$0xB0];
	_ =	sdelay $0x4  }
0xf2: {  	v43 =	vshrl.u32 v3, $0x3  }
0xf3: {  	v4 =	vmul.u32 $0x30, v43  }
0xf4: {  	v3 =	vand.u32 $0x7, v3  }
0xf5: {  	v3 =	vor.u32 v3, v4  }
0xf6: {  	v4 =	vperm.xlane v3, v0;
	_ =	sdelay $0x1  }
0xf7: {  	v4 =	vadd.s32 v1, v4;
	_ =	sdelay $0x3  }
0xf8: {  	s31 =	simm.s32 $0x9200;
	v3 =	vperm.xlane v3, v2  }
0xf9: {  	[tilespmem:s31], [sflag:$0x1] =	stream.indirect_vreg.gather [hbm4b:s1+s3], $0x80, v4, vm0, $0xb8;
	[tilespmem:$0x18200] =	vst v63  }
0xfa: {  	v3 =	vadd.s32 v1, v3;
	s31 =	simm.s32 $0x9A00  }
0xfb: {  	[tilespmem:s31], [sflag:$0x1] =	stream.indirect_vreg.gather [hbm4b:s5+s3], $0x80, v4, vm0, $0xb8;
	[tilespmem:$0x18200] =	vst v63  }
0xfc: {  	s28 =	simm.s32 $0xA200  }
0xfd: {  	[tilespmem:s28], [sflag:$0x1] =	stream.indirect_vreg.gather [hbm4b:s6+s3], $0x80, v4, vm0, $0xb8;
	[tilespmem:$0x18200] =	vst v63  }
0xfe: {  	s11 =	simm.s32 $0xAA00  }
0xff: {  	[tilespmem:s11], [sflag:$0x1] =	stream.indirect_vreg.gather [hbm4b:s1+s3], $0x80, v3, vm0, $0xb8;
	[tilespmem:$0x18200] =	vst v63  }
0x100: {  	s10 =	simm.s32 $0xB200  }
0x101: {  	[tilespmem:s10], [sflag:$0x1] =	stream.indirect_vreg.gather [hbm4b:s5+s3], $0x80, v3, vm0, $0xb8;
	[tilespmem:$0x18200] =	vst v63  }
0x102: {  	s15 =	simm.s32 $0xBA00  }
0x103: {  	[tilespmem:s15], [sflag:$0x1] =	stream.indirect_vreg.gather [hbm4b:s6+s3], $0x80, v3, vm0, $0xb8;
	[tilespmem:$0x18200] =	vst v63  }
0x104: {  	s18 =	rddreg [dreg:$0x5];
	s21 =	simm.s32 $0xC200  }
0x105: {  	[hbm4b:s18+s3] =	stream.linear.scatter [tilespmem:s21], [sflag:$0x3], $0xC000, $0x38;
	[tilespmem:$0x18200] =	vst v63  }
0x106: {  	_ =	swait.ge [sflag:s8], $0xC000  }
0x107: {  	[sflag:s8] =	ssyncset.done $0x0  }
0x108: {  	[sflag:s8] =	ssyncadd.s32 $0xFFFF4000  }
0x109: {  	_ =	swait.ge [sflag:s4], $0xC000  }
0x10a: {  	[sflag:s4] =	ssyncset.done $0x0  }
0x10b: {  	[sflag:s4] =	ssyncadd.s32 $0xFFFF4000  }
0x10c: {  	v3 =	vld [tilespmem:$0xC0];
	_ =	sdelay $0x4  }
0x10d: {  	v44 =	vshrl.u32 v3, $0x3  }
0x10e: {  	v4 =	vmul.u32 $0x30, v44  }
0x10f: {  	v3 =	vand.u32 $0x7, v3  }
0x110: {  	v3 =	vor.u32 v3, v4  }
0x111: {  	v4 =	vperm.xlane v3, v0;
	_ =	sdelay $0x1  }
0x112: {  	v4 =	vadd.s32 v1, v4;
	_ =	sdelay $0x3  }
0x113: {  	v3 =	vperm.xlane v3, v2  }
0x114: {  	[tilespmem:s21], [sflag:$0x2] =	stream.indirect_vreg.gather [hbm4b:s1+s3], $0x80, v4, vm0, $0xb8;
	[tilespmem:$0x18200] =	vst v63  }
0x115: {  	s22 =	simm.s32 $0xCA00;
	v3 =	vadd.s32 v1, v3  }
0x116: {  	[tilespmem:s22], [sflag:$0x2] =	stream.indirect_vreg.gather [hbm4b:s5+s3], $0x80, v4, vm0, $0xb8;
	[tilespmem:$0x18200] =	vst v63  }
0x117: {  	s2 =	simm.s32 $0xD200  }
0x118: {  	[tilespmem:s2], [sflag:$0x2] =	stream.indirect_vreg.gather [hbm4b:s6+s3], $0x80, v4, vm0, $0xb8;
	[tilespmem:$0x18200] =	vst v63  }
0x119: {  	s9 =	simm.s32 $0xDA00  }
0x11a: {  	[tilespmem:s9], [sflag:$0x2] =	stream.indirect_vreg.gather [hbm4b:s1+s3], $0x80, v3, vm0, $0xb8;
	[tilespmem:$0x18200] =	vst v63  }
0x11b: {  	s14 =	simm.s32 $0xE200  }
0x11c: {  	[tilespmem:s14], [sflag:$0x2] =	stream.indirect_vreg.gather [hbm4b:s5+s3], $0x80, v3, vm0, $0xb8;
	[tilespmem:$0x18200] =	vst v63  }
0x11d: {  	s25 =	simm.s32 $0xEA00  }
0x11e: {  	[tilespmem:s25], [sflag:$0x2] =	stream.indirect_vreg.gather [hbm4b:s6+s3], $0x80, v3, vm0, $0xb8;
	[tilespmem:$0x18200] =	vst v63  }
0x11f: {  	v3 =	vld [tilespmem:$0xD0];
	_ =	sdelay $0x4  }
0x120: {  	v45 =	vshrl.u32 v3, $0x3  }
0x121: {  	v4 =	vmul.u32 $0x30, v45  }
0x122: {  	v3 =	vand.u32 $0x7, v3  }
0x123: {  	v3 =	vor.u32 v3, v4  }
0x124: {  	v4 =	vperm.xlane v3, v0;
	_ =	sdelay $0x1  }
0x125: {  	v4 =	vadd.s32 v1, v4;
	_ =	sdelay $0x3  }
0x126: {  	s16 =	simm.s32 $0xF200;
	v3 =	vperm.xlane v3, v2  }
0x127: {  	[tilespmem:s16], [sflag:$0x2] =	stream.indirect_vreg.gather [hbm4b:s1+s3], $0x80, v4, vm0, $0xb8;
	[tilespmem:$0x18200] =	vst v63  }
0x128: {  	s15 =	simm.s32 $0xFA00;
	v3 =	vadd.s32 v1, v3  }
0x129: {  	[tilespmem:s15], [sflag:$0x2] =	stream.indirect_vreg.gather [hbm4b:s5+s3], $0x80, v4, vm0, $0xb8;
	[tilespmem:$0x18200] =	vst v63  }
0x12a: {  	s16 =	simm.s32 $0x10200  }
0x12b: {  	[tilespmem:s16], [sflag:$0x2] =	stream.indirect_vreg.gather [hbm4b:s6+s3], $0x80, v4, vm0, $0xb8;
	[tilespmem:$0x18200] =	vst v63  }
0x12c: {  	s17 =	simm.s32 $0x10A00  }
0x12d: {  	[tilespmem:s17], [sflag:$0x2] =	stream.indirect_vreg.gather [hbm4b:s1+s3], $0x80, v3, vm0, $0xb8;
	[tilespmem:$0x18200] =	vst v63  }
0x12e: {  	s18 =	simm.s32 $0x11200  }
0x12f: {  	[tilespmem:s18], [sflag:$0x2] =	stream.indirect_vreg.gather [hbm4b:s5+s3], $0x80, v3, vm0, $0xb8;
	[tilespmem:$0x18200] =	vst v63  }
0x130: {  	s19 =	simm.s32 $0x11A00  }
0x131: {  	[tilespmem:s19], [sflag:$0x2] =	stream.indirect_vreg.gather [hbm4b:s6+s3], $0x80, v3, vm0, $0xb8;
	[tilespmem:$0x18200] =	vst v63  }
0x132: {  	v3 =	vld [tilespmem:$0xE0];
	_ =	sdelay $0x4  }
0x133: {  	v46 =	vshrl.u32 v3, $0x3  }
0x134: {  	v4 =	vmul.u32 $0x30, v46  }
0x135: {  	v3 =	vand.u32 $0x7, v3  }
0x136: {  	v3 =	vor.u32 v3, v4  }
0x137: {  	v4 =	vperm.xlane v3, v0;
	_ =	sdelay $0x1  }
0x138: {  	v4 =	vadd.s32 v1, v4;
	_ =	sdelay $0x3  }
0x139: {  	s20 =	simm.s32 $0x12200;
	v3 =	vperm.xlane v3, v2  }
0x13a: {  	[tilespmem:s20], [sflag:$0x2] =	stream.indirect_vreg.gather [hbm4b:s1+s3], $0x80, v4, vm0, $0xb8;
	[tilespmem:$0x18200] =	vst v63  }
0x13b: {  	s19 =	simm.s32 $0x12A00;
	v3 =	vadd.s32 v1, v3  }
0x13c: {  	[tilespmem:s19], [sflag:$0x2] =	stream.indirect_vreg.gather [hbm4b:s5+s3], $0x80, v4, vm0, $0xb8;
	[tilespmem:$0x18200] =	vst v63  }
0x13d: {  	s20 =	simm.s32 $0x13200  }
0x13e: {  	[tilespmem:s20], [sflag:$0x2] =	stream.indirect_vreg.gather [hbm4b:s6+s3], $0x80, v4, vm0, $0xb8;
	[tilespmem:$0x18200] =	vst v63  }
0x13f: {  	s21 =	simm.s32 $0x13A00  }
0x140: {  	[tilespmem:s21], [sflag:$0x2] =	stream.indirect_vreg.gather [hbm4b:s1+s3], $0x80, v3, vm0, $0xb8;
	[tilespmem:$0x18200] =	vst v63  }
0x141: {  	s22 =	simm.s32 $0x14200  }
0x142: {  	[tilespmem:s22], [sflag:$0x2] =	stream.indirect_vreg.gather [hbm4b:s5+s3], $0x80, v3, vm0, $0xb8;
	[tilespmem:$0x18200] =	vst v63  }
0x143: {  	s23 =	simm.s32 $0x14A00  }
0x144: {  	[tilespmem:s23], [sflag:$0x2] =	stream.indirect_vreg.gather [hbm4b:s6+s3], $0x80, v3, vm0, $0xb8;
	[tilespmem:$0x18200] =	vst v63  }
0x145: {  	v3 =	vld [tilespmem:$0xF0];
	_ =	sdelay $0x4  }
0x146: {  	v47 =	vshrl.u32 v3, $0x3  }
0x147: {  	v4 =	vmul.u32 $0x30, v47  }
0x148: {  	v3 =	vand.u32 $0x7, v3  }
0x149: {  	v3 =	vor.u32 v3, v4  }
0x14a: {  	v4 =	vperm.xlane v3, v0;
	_ =	sdelay $0x1  }
0x14b: {  	v4 =	vadd.s32 v1, v4;
	_ =	sdelay $0x3  }
0x14c: {  	s24 =	simm.s32 $0x15200;
	v3 =	vperm.xlane v3, v2  }
0x14d: {  	[tilespmem:s24], [sflag:$0x2] =	stream.indirect_vreg.gather [hbm4b:s1+s3], $0x80, v4, vm0, $0xb8;
	[tilespmem:$0x18200] =	vst v63  }
0x14e: {  	s23 =	simm.s32 $0x15A00;
	v3 =	vadd.s32 v1, v3  }
0x14f: {  	[tilespmem:s23], [sflag:$0x2] =	stream.indirect_vreg.gather [hbm4b:s5+s3], $0x80, v4, vm0, $0xb8;
	[tilespmem:$0x18200] =	vst v63  }
0x150: {  	s24 =	simm.s32 $0x16200  }
0x151: {  	[tilespmem:s24], [sflag:$0x2] =	stream.indirect_vreg.gather [hbm4b:s6+s3], $0x80, v4, vm0, $0xb8;
	[tilespmem:$0x18200] =	vst v63  }
0x152: {  	s25 =	simm.s32 $0x16A00  }
0x153: {  	[tilespmem:s25], [sflag:$0x2] =	stream.indirect_vreg.gather [hbm4b:s1+s3], $0x80, v3, vm0, $0xb8;
	[tilespmem:$0x18200] =	vst v63  }
0x154: {  	s13 =	simm.s32 $0x17200  }
0x155: {  	[tilespmem:s13], [sflag:$0x2] =	stream.indirect_vreg.gather [hbm4b:s5+s3], $0x80, v3, vm0, $0xb8;
	[tilespmem:$0x18200] =	vst v63  }
0x156: {  	s0 =	simm.s32 $0x17A00  }
0x157: {  	[tilespmem:s0], [sflag:$0x2] =	stream.indirect_vreg.gather [hbm4b:s6+s3], $0x80, v3, vm0, $0xb8;
	[tilespmem:$0x18200] =	vst v63  }
0x158: {  	s13 =	rddreg [dreg:$0x6];
	s0 =	simm.s32 $0x200  }
0x159: {  	[hbm4b:s13+s3] =	stream.linear.scatter [tilespmem:s0], [sflag:$0x3], $0xC000, $0x38;
	[tilespmem:$0x18200] =	vst v63  }
0x15a: {  	_ =	swait.ge [sflag:s8], $0xC000  }
0x15b: {  	[sflag:s8] =	ssyncset.done $0x0  }
0x15c: {  	[sflag:s8] =	ssyncadd.s32 $0xFFFF4000  }
0x15d: {  	_ =	swait.ge [sflag:s12], $0xC000  }
0x15e: {  	[sflag:s12] =	ssyncset.done $0x0  }
0x15f: {  	[sflag:s12] =	ssyncadd.s32 $0xFFFF4000  }
0x160: {  	v3 =	vld [tilespmem:$0x100];
	_ =	sdelay $0x4  }
0x161: {  	v48 =	vshrl.u32 v3, $0x3  }
0x162: {  	v4 =	vmul.u32 $0x30, v48  }
0x163: {  	v3 =	vand.u32 $0x7, v3  }
0x164: {  	v3 =	vor.u32 v3, v4  }
0x165: {  	v4 =	vperm.xlane v3, v0;
	_ =	sdelay $0x1  }
0x166: {  	v4 =	vadd.s32 v1, v4;
	_ =	sdelay $0x3  }
0x167: {  	v3 =	vperm.xlane v3, v2  }
0x168: {  	[tilespmem:s0], [sflag:$0x1] =	stream.indirect_vreg.gather [hbm4b:s1+s3], $0x80, v4, vm0, $0xb8;
	[tilespmem:$0x18200] =	vst v63  }
0x169: {  	s13 =	simm.s32 $0xA00;
	v3 =	vadd.s32 v1, v3  }
0x16a: {  	[tilespmem:s13], [sflag:$0x1] =	stream.indirect_vreg.gather [hbm4b:s5+s3], $0x80, v4, vm0, $0xb8;
	[tilespmem:$0x18200] =	vst v63  }
0x16b: {  	s13 =	simm.s32 $0x1200  }
0x16c: {  	[tilespmem:s13], [sflag:$0x1] =	stream.indirect_vreg.gather [hbm4b:s6+s3], $0x80, v4, vm0, $0xb8;
	[tilespmem:$0x18200] =	vst v63  }
0x16d: {  	s13 =	simm.s32 $0x1A00  }
0x16e: {  	[tilespmem:s13], [sflag:$0x1] =	stream.indirect_vreg.gather [hbm4b:s1+s3], $0x80, v3, vm0, $0xb8;
	[tilespmem:$0x18200] =	vst v63  }
0x16f: {  	s13 =	simm.s32 $0x2200  }
0x170: {  	[tilespmem:s13], [sflag:$0x1] =	stream.indirect_vreg.gather [hbm4b:s5+s3], $0x80, v3, vm0, $0xb8;
	[tilespmem:$0x18200] =	vst v63  }
0x171: {  	s13 =	simm.s32 $0x2A00  }
0x172: {  	[tilespmem:s13], [sflag:$0x1] =	stream.indirect_vreg.gather [hbm4b:s6+s3], $0x80, v3, vm0, $0xb8;
	[tilespmem:$0x18200] =	vst v63  }
0x173: {  	v3 =	vld [tilespmem:$0x110];
	_ =	sdelay $0x4  }
0x174: {  	v49 =	vshrl.u32 v3, $0x3  }
0x175: {  	v4 =	vmul.u32 $0x30, v49  }
0x176: {  	v3 =	vand.u32 $0x7, v3  }
0x177: {  	v3 =	vor.u32 v3, v4  }
0x178: {  	v4 =	vperm.xlane v3, v0;
	_ =	sdelay $0x1  }
0x179: {  	v4 =	vadd.s32 v1, v4;
	_ =	sdelay $0x3  }
0x17a: {  	s13 =	simm.s32 $0x3200;
	v3 =	vperm.xlane v3, v2  }
0x17b: {  	[tilespmem:s13], [sflag:$0x1] =	stream.indirect_vreg.gather [hbm4b:s1+s3], $0x80, v4, vm0, $0xb8;
	[tilespmem:$0x18200] =	vst v63  }
0x17c: {  	v3 =	vadd.s32 v1, v3;
	s13 =	simm.s32 $0x3A00  }
0x17d: {  	[tilespmem:s13], [sflag:$0x1] =	stream.indirect_vreg.gather [hbm4b:s5+s3], $0x80, v4, vm0, $0xb8;
	[tilespmem:$0x18200] =	vst v63  }
0x17e: {  	s13 =	simm.s32 $0x4200  }
0x17f: {  	[tilespmem:s13], [sflag:$0x1] =	stream.indirect_vreg.gather [hbm4b:s6+s3], $0x80, v4, vm0, $0xb8;
	[tilespmem:$0x18200] =	vst v63  }
0x180: {  	s13 =	simm.s32 $0x4A00  }
0x181: {  	[tilespmem:s13], [sflag:$0x1] =	stream.indirect_vreg.gather [hbm4b:s1+s3], $0x80, v3, vm0, $0xb8;
	[tilespmem:$0x18200] =	vst v63  }
0x182: {  	_ = 	snop  }
0x183: {  	[tilespmem:s26], [sflag:$0x1] =	stream.indirect_vreg.gather [hbm4b:s5+s3], $0x80, v3, vm0, $0xb8;
	[tilespmem:$0x18200] =	vst v63  }
0x184: {  	s13 =	simm.s32 $0x5A00  }
0x185: {  	[tilespmem:s13], [sflag:$0x1] =	stream.indirect_vreg.gather [hbm4b:s6+s3], $0x80, v3, vm0, $0xb8;
	[tilespmem:$0x18200] =	vst v63  }
0x186: {  	v3 =	vld [tilespmem:$0x120];
	_ =	sdelay $0x4  }
0x187: {  	v50 =	vshrl.u32 v3, $0x3  }
0x188: {  	v4 =	vmul.u32 $0x30, v50  }
0x189: {  	v3 =	vand.u32 $0x7, v3  }
0x18a: {  	v3 =	vor.u32 v3, v4  }
0x18b: {  	v4 =	vperm.xlane v3, v0;
	_ =	sdelay $0x1  }
0x18c: {  	v4 =	vadd.s32 v1, v4;
	_ =	sdelay $0x3  }
0x18d: {  	s13 =	simm.s32 $0x6200;
	v3 =	vperm.xlane v3, v2  }
0x18e: {  	[tilespmem:s13], [sflag:$0x1] =	stream.indirect_vreg.gather [hbm4b:s1+s3], $0x80, v4, vm0, $0xb8;
	[tilespmem:$0x18200] =	vst v63  }
0x18f: {  	v3 =	vadd.s32 v1, v3  }
0x190: {  	[tilespmem:s29], [sflag:$0x1] =	stream.indirect_vreg.gather [hbm4b:s5+s3], $0x80, v4, vm0, $0xb8;
	[tilespmem:$0x18200] =	vst v63  }
0x191: {  	_ = 	snop  }
0x192: {  	[tilespmem:s30], [sflag:$0x1] =	stream.indirect_vreg.gather [hbm4b:s6+s3], $0x80, v4, vm0, $0xb8;
	[tilespmem:$0x18200] =	vst v63  }
0x193: {  	s30 =	simm.s32 $0x7A00  }
0x194: {  	[tilespmem:s30], [sflag:$0x1] =	stream.indirect_vreg.gather [hbm4b:s1+s3], $0x80, v3, vm0, $0xb8;
	[tilespmem:$0x18200] =	vst v63  }
0x195: {  	s13 =	simm.s32 $0x8200  }
0x196: {  	[tilespmem:s13], [sflag:$0x1] =	stream.indirect_vreg.gather [hbm4b:s5+s3], $0x80, v3, vm0, $0xb8;
	[tilespmem:$0x18200] =	vst v63  }
0x197: {  	s30 =	simm.s32 $0x8A00  }
0x198: {  	[tilespmem:s30], [sflag:$0x1] =	stream.indirect_vreg.gather [hbm4b:s6+s3], $0x80, v3, vm0, $0xb8;
	[tilespmem:$0x18200] =	vst v63  }
0x199: {  	v3 =	vld [tilespmem:$0x130];
	_ =	sdelay $0x4  }
0x19a: {  	v51 =	vshrl.u32 v3, $0x3  }
0x19b: {  	v4 =	vmul.u32 $0x30, v51  }
0x19c: {  	v3 =	vand.u32 $0x7, v3  }
0x19d: {  	v3 =	vor.u32 v3, v4  }
0x19e: {  	v4 =	vperm.xlane v3, v0;
	_ =	sdelay $0x1  }
0x19f: {  	v4 =	vadd.s32 v1, v4;
	_ =	sdelay $0x3  }
0x1a0: {  	s13 =	simm.s32 $0x9200;
	v3 =	vperm.xlane v3, v2  }
0x1a1: {  	[tilespmem:s13], [sflag:$0x1] =	stream.indirect_vreg.gather [hbm4b:s1+s3], $0x80, v4, vm0, $0xb8;
	[tilespmem:$0x18200] =	vst v63  }
0x1a2: {  	v3 =	vadd.s32 v1, v3  }
0x1a3: {  	[tilespmem:s31], [sflag:$0x1] =	stream.indirect_vreg.gather [hbm4b:s5+s3], $0x80, v4, vm0, $0xb8;
	[tilespmem:$0x18200] =	vst v63  }
0x1a4: {  	_ = 	snop  }
0x1a5: {  	[tilespmem:s28], [sflag:$0x1] =	stream.indirect_vreg.gather [hbm4b:s6+s3], $0x80, v4, vm0, $0xb8;
	[tilespmem:$0x18200] =	vst v63  }
0x1a6: {  	_ = 	snop  }
0x1a7: {  	[tilespmem:s11], [sflag:$0x1] =	stream.indirect_vreg.gather [hbm4b:s1+s3], $0x80, v3, vm0, $0xb8;
	[tilespmem:$0x18200] =	vst v63  }
0x1a8: {  	_ = 	snop  }
0x1a9: {  	[tilespmem:s10], [sflag:$0x1] =	stream.indirect_vreg.gather [hbm4b:s5+s3], $0x80, v3, vm0, $0xb8;
	[tilespmem:$0x18200] =	vst v63  }
0x1aa: {  	s28 =	simm.s32 $0xBA00  }
0x1ab: {  	[tilespmem:s28], [sflag:$0x1] =	stream.indirect_vreg.gather [hbm4b:s6+s3], $0x80, v3, vm0, $0xb8;
	[tilespmem:$0x18200] =	vst v63  }
0x1ac: {  	s13 =	rddreg [dreg:$0x7];
	s10 =	simm.s32 $0xC200  }
0x1ad: {  	[hbm4b:s13+s3] =	stream.linear.scatter [tilespmem:s10], [sflag:$0x3], $0xC000, $0x38;
	[tilespmem:$0x18200] =	vst v63  }
0x1ae: {  	_ =	swait.ge [sflag:s8], $0xC000  }
0x1af: {  	[sflag:s8] =	ssyncset.done $0x0  }
0x1b0: {  	[sflag:s8] =	ssyncadd.s32 $0xFFFF4000  }
0x1b1: {  	_ =	swait.ge [sflag:s4], $0xC000  }
0x1b2: {  	[sflag:s4] =	ssyncset.done $0x0  }
0x1b3: {  	[sflag:s4] =	ssyncadd.s32 $0xFFFF4000  }
0x1b4: {  	v3 =	vld [tilespmem:$0x140];
	_ =	sdelay $0x4  }
0x1b5: {  	v52 =	vshrl.u32 v3, $0x3  }
0x1b6: {  	v4 =	vmul.u32 $0x30, v52  }
0x1b7: {  	v3 =	vand.u32 $0x7, v3  }
0x1b8: {  	v3 =	vor.u32 v3, v4  }
0x1b9: {  	v4 =	vperm.xlane v3, v0;
	_ =	sdelay $0x1  }
0x1ba: {  	v4 =	vadd.s32 v1, v4;
	_ =	sdelay $0x3  }
0x1bb: {  	v3 =	vperm.xlane v3, v2  }
0x1bc: {  	[tilespmem:s10], [sflag:$0x2] =	stream.indirect_vreg.gather [hbm4b:s1+s3], $0x80, v4, vm0, $0xb8;
	[tilespmem:$0x18200] =	vst v63  }
0x1bd: {  	s28 =	simm.s32 $0xCA00;
	v3 =	vadd.s32 v1, v3  }
0x1be: {  	[tilespmem:s28], [sflag:$0x2] =	stream.indirect_vreg.gather [hbm4b:s5+s3], $0x80, v4, vm0, $0xb8;
	[tilespmem:$0x18200] =	vst v63  }
0x1bf: {  	_ = 	snop  }
0x1c0: {  	[tilespmem:s2], [sflag:$0x2] =	stream.indirect_vreg.gather [hbm4b:s6+s3], $0x80, v4, vm0, $0xb8;
	[tilespmem:$0x18200] =	vst v63  }
0x1c1: {  	_ = 	snop  }
0x1c2: {  	[tilespmem:s9], [sflag:$0x2] =	stream.indirect_vreg.gather [hbm4b:s1+s3], $0x80, v3, vm0, $0xb8;
	[tilespmem:$0x18200] =	vst v63  }
0x1c3: {  	_ = 	snop  }
0x1c4: {  	[tilespmem:s14], [sflag:$0x2] =	stream.indirect_vreg.gather [hbm4b:s5+s3], $0x80, v3, vm0, $0xb8;
	[tilespmem:$0x18200] =	vst v63  }
0x1c5: {  	s13 =	simm.s32 $0xEA00  }
0x1c6: {  	[tilespmem:s13], [sflag:$0x2] =	stream.indirect_vreg.gather [hbm4b:s6+s3], $0x80, v3, vm0, $0xb8;
	[tilespmem:$0x18200] =	vst v63  }
0x1c7: {  	v3 =	vld [tilespmem:$0x150];
	_ =	sdelay $0x4  }
0x1c8: {  	v53 =	vshrl.u32 v3, $0x3  }
0x1c9: {  	v4 =	vmul.u32 $0x30, v53  }
0x1ca: {  	v3 =	vand.u32 $0x7, v3  }
0x1cb: {  	v3 =	vor.u32 v3, v4  }
0x1cc: {  	v4 =	vperm.xlane v3, v0;
	_ =	sdelay $0x1  }
0x1cd: {  	v4 =	vadd.s32 v1, v4;
	_ =	sdelay $0x3  }
0x1ce: {  	s14 =	simm.s32 $0xF200;
	v3 =	vperm.xlane v3, v2  }
0x1cf: {  	[tilespmem:s14], [sflag:$0x2] =	stream.indirect_vreg.gather [hbm4b:s1+s3], $0x80, v4, vm0, $0xb8;
	[tilespmem:$0x18200] =	vst v63  }
0x1d0: {  	v3 =	vadd.s32 v1, v3  }
0x1d1: {  	[tilespmem:s15], [sflag:$0x2] =	stream.indirect_vreg.gather [hbm4b:s5+s3], $0x80, v4, vm0, $0xb8;
	[tilespmem:$0x18200] =	vst v63  }
0x1d2: {  	_ = 	snop  }
0x1d3: {  	[tilespmem:s16], [sflag:$0x2] =	stream.indirect_vreg.gather [hbm4b:s6+s3], $0x80, v4, vm0, $0xb8;
	[tilespmem:$0x18200] =	vst v63  }
0x1d4: {  	_ = 	snop  }
0x1d5: {  	[tilespmem:s17], [sflag:$0x2] =	stream.indirect_vreg.gather [hbm4b:s1+s3], $0x80, v3, vm0, $0xb8;
	[tilespmem:$0x18200] =	vst v63  }
0x1d6: {  	_ = 	snop  }
0x1d7: {  	[tilespmem:s18], [sflag:$0x2] =	stream.indirect_vreg.gather [hbm4b:s5+s3], $0x80, v3, vm0, $0xb8;
	[tilespmem:$0x18200] =	vst v63  }
0x1d8: {  	s18 =	simm.s32 $0x11A00  }
0x1d9: {  	[tilespmem:s18], [sflag:$0x2] =	stream.indirect_vreg.gather [hbm4b:s6+s3], $0x80, v3, vm0, $0xb8;
	[tilespmem:$0x18200] =	vst v63  }
0x1da: {  	v3 =	vld [tilespmem:$0x160];
	_ =	sdelay $0x4  }
0x1db: {  	v54 =	vshrl.u32 v3, $0x3  }
0x1dc: {  	v4 =	vmul.u32 $0x30, v54  }
0x1dd: {  	v3 =	vand.u32 $0x7, v3  }
0x1de: {  	v3 =	vor.u32 v3, v4  }
0x1df: {  	v4 =	vperm.xlane v3, v0;
	_ =	sdelay $0x1  }
0x1e0: {  	v4 =	vadd.s32 v1, v4;
	_ =	sdelay $0x3  }
0x1e1: {  	s2 =	simm.s32 $0x12200;
	v3 =	vperm.xlane v3, v2  }
0x1e2: {  	[tilespmem:s2], [sflag:$0x2] =	stream.indirect_vreg.gather [hbm4b:s1+s3], $0x80, v4, vm0, $0xb8;
	[tilespmem:$0x18200] =	vst v63  }
0x1e3: {  	v3 =	vadd.s32 v1, v3  }
0x1e4: {  	[tilespmem:s19], [sflag:$0x2] =	stream.indirect_vreg.gather [hbm4b:s5+s3], $0x80, v4, vm0, $0xb8;
	[tilespmem:$0x18200] =	vst v63  }
0x1e5: {  	_ = 	snop  }
0x1e6: {  	[tilespmem:s20], [sflag:$0x2] =	stream.indirect_vreg.gather [hbm4b:s6+s3], $0x80, v4, vm0, $0xb8;
	[tilespmem:$0x18200] =	vst v63  }
0x1e7: {  	_ = 	snop  }
0x1e8: {  	[tilespmem:s21], [sflag:$0x2] =	stream.indirect_vreg.gather [hbm4b:s1+s3], $0x80, v3, vm0, $0xb8;
	[tilespmem:$0x18200] =	vst v63  }
0x1e9: {  	_ = 	snop  }
0x1ea: {  	[tilespmem:s22], [sflag:$0x2] =	stream.indirect_vreg.gather [hbm4b:s5+s3], $0x80, v3, vm0, $0xb8;
	[tilespmem:$0x18200] =	vst v63  }
0x1eb: {  	s13 =	simm.s32 $0x14A00  }
0x1ec: {  	[tilespmem:s13], [sflag:$0x2] =	stream.indirect_vreg.gather [hbm4b:s6+s3], $0x80, v3, vm0, $0xb8;
	[tilespmem:$0x18200] =	vst v63  }
0x1ed: {  	v3 =	vld [tilespmem:$0x170];
	_ =	sdelay $0x4  }
0x1ee: {  	v55 =	vshrl.u32 v3, $0x3  }
0x1ef: {  	v4 =	vmul.u32 $0x30, v55  }
0x1f0: {  	v3 =	vand.u32 $0x7, v3  }
0x1f1: {  	v3 =	vor.u32 v3, v4  }
0x1f2: {  	v4 =	vperm.xlane v3, v0;
	_ =	sdelay $0x1  }
0x1f3: {  	v4 =	vadd.s32 v1, v4;
	_ =	sdelay $0x3  }
0x1f4: {  	s22 =	simm.s32 $0x15200;
	v3 =	vperm.xlane v3, v2  }
0x1f5: {  	[tilespmem:s22], [sflag:$0x2] =	stream.indirect_vreg.gather [hbm4b:s1+s3], $0x80, v4, vm0, $0xb8;
	[tilespmem:$0x18200] =	vst v63  }
0x1f6: {  	v3 =	vadd.s32 v1, v3  }
0x1f7: {  	[tilespmem:s23], [sflag:$0x2] =	stream.indirect_vreg.gather [hbm4b:s5+s3], $0x80, v4, vm0, $0xb8;
	[tilespmem:$0x18200] =	vst v63  }
0x1f8: {  	_ = 	snop  }
0x1f9: {  	[tilespmem:s24], [sflag:$0x2] =	stream.indirect_vreg.gather [hbm4b:s6+s3], $0x80, v4, vm0, $0xb8;
	[tilespmem:$0x18200] =	vst v63  }
0x1fa: {  	_ = 	snop  }
0x1fb: {  	[tilespmem:s25], [sflag:$0x2] =	stream.indirect_vreg.gather [hbm4b:s1+s3], $0x80, v3, vm0, $0xb8;
	[tilespmem:$0x18200] =	vst v63  }
0x1fc: {  	s0 =	simm.s32 $0x17200  }
0x1fd: {  	[tilespmem:s0], [sflag:$0x2] =	stream.indirect_vreg.gather [hbm4b:s5+s3], $0x80, v3, vm0, $0xb8;
	[tilespmem:$0x18200] =	vst v63  }
0x1fe: {  	s25 =	simm.s32 $0x17A00  }
0x1ff: {  	[tilespmem:s25], [sflag:$0x2] =	stream.indirect_vreg.gather [hbm4b:s6+s3], $0x80, v3, vm0, $0xb8;
	[tilespmem:$0x18200] =	vst v63  }
0x200: {  	s2 =	simm.s32 $0x200;
	s13 =	rddreg [dreg:$0x8]  }
0x201: {  	[hbm4b:s13+s3] =	stream.linear.scatter [tilespmem:s2], [sflag:$0x3], $0xC000, $0x38;
	[tilespmem:$0x18200] =	vst v63  }
0x202: {  	_ =	swait.ge [sflag:s8], $0xC000  }
0x203: {  	[sflag:s8] =	ssyncset.done $0x0  }
0x204: {  	[sflag:s8] =	ssyncadd.s32 $0xFFFF4000  }
0x205: {  	_ =	swait.ge [sflag:s12], $0xC000  }
0x206: {  	[sflag:s12] =	ssyncset.done $0x0  }
0x207: {  	[sflag:s12] =	ssyncadd.s32 $0xFFFF4000  }
0x208: {  	v3 =	vld [tilespmem:$0x180];
	_ =	sdelay $0x4  }
0x209: {  	v56 =	vshrl.u32 v3, $0x3  }
0x20a: {  	v4 =	vmul.u32 $0x30, v56  }
0x20b: {  	v3 =	vand.u32 $0x7, v3  }
0x20c: {  	v3 =	vor.u32 v3, v4  }
0x20d: {  	v4 =	vperm.xlane v3, v0;
	_ =	sdelay $0x1  }
0x20e: {  	v4 =	vadd.s32 v1, v4;
	_ =	sdelay $0x3  }
0x20f: {  	v3 =	vperm.xlane v3, v2  }
0x210: {  	[tilespmem:s2], [sflag:$0x1] =	stream.indirect_vreg.gather [hbm4b:s1+s3], $0x80, v4, vm0, $0xb8;
	[tilespmem:$0x18200] =	vst v63  }
0x211: {  	s13 =	simm.s32 $0xA00;
	v3 =	vadd.s32 v1, v3  }
0x212: {  	[tilespmem:s13], [sflag:$0x1] =	stream.indirect_vreg.gather [hbm4b:s5+s3], $0x80, v4, vm0, $0xb8;
	[tilespmem:$0x18200] =	vst v63  }
0x213: {  	s13 =	simm.s32 $0x1200  }
0x214: {  	[tilespmem:s13], [sflag:$0x1] =	stream.indirect_vreg.gather [hbm4b:s6+s3], $0x80, v4, vm0, $0xb8;
	[tilespmem:$0x18200] =	vst v63  }
0x215: {  	s13 =	simm.s32 $0x1A00  }
0x216: {  	[tilespmem:s13], [sflag:$0x1] =	stream.indirect_vreg.gather [hbm4b:s1+s3], $0x80, v3, vm0, $0xb8;
	[tilespmem:$0x18200] =	vst v63  }
0x217: {  	s13 =	simm.s32 $0x2200  }
0x218: {  	[tilespmem:s13], [sflag:$0x1] =	stream.indirect_vreg.gather [hbm4b:s5+s3], $0x80, v3, vm0, $0xb8;
	[tilespmem:$0x18200] =	vst v63  }
0x219: {  	s13 =	simm.s32 $0x2A00  }
0x21a: {  	[tilespmem:s13], [sflag:$0x1] =	stream.indirect_vreg.gather [hbm4b:s6+s3], $0x80, v3, vm0, $0xb8;
	[tilespmem:$0x18200] =	vst v63  }
0x21b: {  	v3 =	vld [tilespmem:$0x190];
	_ =	sdelay $0x4  }
0x21c: {  	v57 =	vshrl.u32 v3, $0x3  }
0x21d: {  	v4 =	vmul.u32 $0x30, v57  }
0x21e: {  	v3 =	vand.u32 $0x7, v3  }
0x21f: {  	v3 =	vor.u32 v3, v4  }
0x220: {  	v4 =	vperm.xlane v3, v0;
	_ =	sdelay $0x1  }
0x221: {  	v4 =	vadd.s32 v1, v4;
	_ =	sdelay $0x3  }
0x222: {  	s13 =	simm.s32 $0x3200;
	v3 =	vperm.xlane v3, v2  }
0x223: {  	[tilespmem:s13], [sflag:$0x1] =	stream.indirect_vreg.gather [hbm4b:s1+s3], $0x80, v4, vm0, $0xb8;
	[tilespmem:$0x18200] =	vst v63  }
0x224: {  	v3 =	vadd.s32 v1, v3;
	s13 =	simm.s32 $0x3A00  }
0x225: {  	[tilespmem:s13], [sflag:$0x1] =	stream.indirect_vreg.gather [hbm4b:s5+s3], $0x80, v4, vm0, $0xb8;
	[tilespmem:$0x18200] =	vst v63  }
0x226: {  	s13 =	simm.s32 $0x4200  }
0x227: {  	[tilespmem:s13], [sflag:$0x1] =	stream.indirect_vreg.gather [hbm4b:s6+s3], $0x80, v4, vm0, $0xb8;
	[tilespmem:$0x18200] =	vst v63  }
0x228: {  	s13 =	simm.s32 $0x4A00  }
0x229: {  	[tilespmem:s13], [sflag:$0x1] =	stream.indirect_vreg.gather [hbm4b:s1+s3], $0x80, v3, vm0, $0xb8;
	[tilespmem:$0x18200] =	vst v63  }
0x22a: {  	s26 =	simm.s32 $0x5200  }
0x22b: {  	[tilespmem:s26], [sflag:$0x1] =	stream.indirect_vreg.gather [hbm4b:s5+s3], $0x80, v3, vm0, $0xb8;
	[tilespmem:$0x18200] =	vst v63  }
0x22c: {  	s26 =	simm.s32 $0x5A00  }
0x22d: {  	[tilespmem:s26], [sflag:$0x1] =	stream.indirect_vreg.gather [hbm4b:s6+s3], $0x80, v3, vm0, $0xb8;
	[tilespmem:$0x18200] =	vst v63  }
0x22e: {  	v3 =	vld [tilespmem:$0x1A0];
	_ =	sdelay $0x4  }
0x22f: {  	v58 =	vshrl.u32 v3, $0x3  }
0x230: {  	v4 =	vmul.u32 $0x30, v58  }
0x231: {  	v3 =	vand.u32 $0x7, v3  }
0x232: {  	v3 =	vor.u32 v3, v4  }
0x233: {  	v4 =	vperm.xlane v3, v0;
	_ =	sdelay $0x1  }
0x234: {  	v4 =	vadd.s32 v1, v4;
	_ =	sdelay $0x3  }
0x235: {  	s26 =	simm.s32 $0x6200;
	v3 =	vperm.xlane v3, v2  }
0x236: {  	[tilespmem:s26], [sflag:$0x1] =	stream.indirect_vreg.gather [hbm4b:s1+s3], $0x80, v4, vm0, $0xb8;
	[tilespmem:$0x18200] =	vst v63  }
0x237: {  	v3 =	vadd.s32 v1, v3;
	s26 =	simm.s32 $0x6A00  }
0x238: {  	[tilespmem:s26], [sflag:$0x1] =	stream.indirect_vreg.gather [hbm4b:s5+s3], $0x80, v4, vm0, $0xb8;
	[tilespmem:$0x18200] =	vst v63  }
0x239: {  	s29 =	simm.s32 $0x7200  }
0x23a: {  	[tilespmem:s29], [sflag:$0x1] =	stream.indirect_vreg.gather [hbm4b:s6+s3], $0x80, v4, vm0, $0xb8;
	[tilespmem:$0x18200] =	vst v63  }
0x23b: {  	s26 =	simm.s32 $0x7A00  }
0x23c: {  	[tilespmem:s26], [sflag:$0x1] =	stream.indirect_vreg.gather [hbm4b:s1+s3], $0x80, v3, vm0, $0xb8;
	[tilespmem:$0x18200] =	vst v63  }
0x23d: {  	s29 =	simm.s32 $0x8200  }
0x23e: {  	[tilespmem:s29], [sflag:$0x1] =	stream.indirect_vreg.gather [hbm4b:s5+s3], $0x80, v3, vm0, $0xb8;
	[tilespmem:$0x18200] =	vst v63  }
0x23f: {  	s26 =	simm.s32 $0x8A00  }
0x240: {  	[tilespmem:s26], [sflag:$0x1] =	stream.indirect_vreg.gather [hbm4b:s6+s3], $0x80, v3, vm0, $0xb8;
	[tilespmem:$0x18200] =	vst v63  }
0x241: {  	v3 =	vld [tilespmem:$0x1B0];
	_ =	sdelay $0x4  }
0x242: {  	v59 =	vshrl.u32 v3, $0x3  }
0x243: {  	v4 =	vmul.u32 $0x30, v59  }
0x244: {  	v3 =	vand.u32 $0x7, v3  }
0x245: {  	v3 =	vor.u32 v3, v4  }
0x246: {  	v4 =	vperm.xlane v3, v0;
	_ =	sdelay $0x1  }
0x247: {  	v4 =	vadd.s32 v1, v4;
	_ =	sdelay $0x3  }
0x248: {  	s29 =	simm.s32 $0x9200;
	v3 =	vperm.xlane v3, v2  }
0x249: {  	[tilespmem:s29], [sflag:$0x1] =	stream.indirect_vreg.gather [hbm4b:s1+s3], $0x80, v4, vm0, $0xb8;
	[tilespmem:$0x18200] =	vst v63  }
0x24a: {  	s30 =	simm.s32 $0x9A00;
	v3 =	vadd.s32 v1, v3  }
0x24b: {  	[tilespmem:s30], [sflag:$0x1] =	stream.indirect_vreg.gather [hbm4b:s5+s3], $0x80, v4, vm0, $0xb8;
	[tilespmem:$0x18200] =	vst v63  }
0x24c: {  	s31 =	simm.s32 $0xA200  }
0x24d: {  	[tilespmem:s31], [sflag:$0x1] =	stream.indirect_vreg.gather [hbm4b:s6+s3], $0x80, v4, vm0, $0xb8;
	[tilespmem:$0x18200] =	vst v63  }
0x24e: {  	s11 =	simm.s32 $0xAA00  }
0x24f: {  	[tilespmem:s11], [sflag:$0x1] =	stream.indirect_vreg.gather [hbm4b:s1+s3], $0x80, v3, vm0, $0xb8;
	[tilespmem:$0x18200] =	vst v63  }
0x250: {  	s13 =	simm.s32 $0xB200  }
0x251: {  	[tilespmem:s13], [sflag:$0x1] =	stream.indirect_vreg.gather [hbm4b:s5+s3], $0x80, v3, vm0, $0xb8;
	[tilespmem:$0x18200] =	vst v63  }
0x252: {  	s29 =	simm.s32 $0xBA00  }
0x253: {  	[tilespmem:s29], [sflag:$0x1] =	stream.indirect_vreg.gather [hbm4b:s6+s3], $0x80, v3, vm0, $0xb8;
	[tilespmem:$0x18200] =	vst v63  }
0x254: {  	s10 =	simm.s32 $0xC200;
	s26 =	rddreg [dreg:$0x9]  }
0x255: {  	[hbm4b:s26+s3] =	stream.linear.scatter [tilespmem:s10], [sflag:$0x3], $0xC000, $0x38;
	[tilespmem:$0x18200] =	vst v63  }
0x256: {  	_ =	swait.ge [sflag:s8], $0xC000  }
0x257: {  	[sflag:s8] =	ssyncset.done $0x0  }
0x258: {  	[sflag:s8] =	ssyncadd.s32 $0xFFFF4000  }
0x259: {  	_ =	swait.ge [sflag:s4], $0xC000  }
0x25a: {  	[sflag:s4] =	ssyncset.done $0x0  }
0x25b: {  	[sflag:s4] =	ssyncadd.s32 $0xFFFF4000  }
0x25c: {  	v3 =	vld [tilespmem:$0x1C0];
	_ =	sdelay $0x4  }
0x25d: {  	v60 =	vshrl.u32 v3, $0x3  }
0x25e: {  	v4 =	vmul.u32 $0x30, v60  }
0x25f: {  	v3 =	vand.u32 $0x7, v3  }
0x260: {  	v3 =	vor.u32 v3, v4  }
0x261: {  	v4 =	vperm.xlane v3, v0;
	_ =	sdelay $0x1  }
0x262: {  	v4 =	vadd.s32 v1, v4;
	_ =	sdelay $0x3  }
0x263: {  	v3 =	vperm.xlane v3, v2  }
0x264: {  	[tilespmem:s10], [sflag:$0x2] =	stream.indirect_vreg.gather [hbm4b:s1+s3], $0x80, v4, vm0, $0xb8;
	[tilespmem:$0x18200] =	vst v63  }
0x265: {  	s30 =	simm.s32 $0xCA00;
	v3 =	vadd.s32 v1, v3  }
0x266: {  	[tilespmem:s30], [sflag:$0x2] =	stream.indirect_vreg.gather [hbm4b:s5+s3], $0x80, v4, vm0, $0xb8;
	[tilespmem:$0x18200] =	vst v63  }
0x267: {  	s31 =	simm.s32 $0xD200  }
0x268: {  	[tilespmem:s31], [sflag:$0x2] =	stream.indirect_vreg.gather [hbm4b:s6+s3], $0x80, v4, vm0, $0xb8;
	[tilespmem:$0x18200] =	vst v63  }
0x269: {  	s9 =	simm.s32 $0xDA00  }
0x26a: {  	[tilespmem:s9], [sflag:$0x2] =	stream.indirect_vreg.gather [hbm4b:s1+s3], $0x80, v3, vm0, $0xb8;
	[tilespmem:$0x18200] =	vst v63  }
0x26b: {  	s28 =	simm.s32 $0xE200  }
0x26c: {  	[tilespmem:s28], [sflag:$0x2] =	stream.indirect_vreg.gather [hbm4b:s5+s3], $0x80, v3, vm0, $0xb8;
	[tilespmem:$0x18200] =	vst v63  }
0x26d: {  	s11 =	simm.s32 $0xEA00  }
0x26e: {  	[tilespmem:s11], [sflag:$0x2] =	stream.indirect_vreg.gather [hbm4b:s6+s3], $0x80, v3, vm0, $0xb8;
	[tilespmem:$0x18200] =	vst v63  }
0x26f: {  	v3 =	vld [tilespmem:$0x1D0];
	_ =	sdelay $0x4  }
0x270: {  	v61 =	vshrl.u32 v3, $0x3  }
0x271: {  	v4 =	vmul.u32 $0x30, v61  }
0x272: {  	v3 =	vand.u32 $0x7, v3  }
0x273: {  	v3 =	vor.u32 v3, v4  }
0x274: {  	v4 =	vperm.xlane v3, v0;
	_ =	sdelay $0x1  }
0x275: {  	v4 =	vadd.s32 v1, v4;
	_ =	sdelay $0x3  }
0x276: {  	s13 =	simm.s32 $0xF200;
	v3 =	vperm.xlane v3, v2  }
0x277: {  	[tilespmem:s13], [sflag:$0x2] =	stream.indirect_vreg.gather [hbm4b:s1+s3], $0x80, v4, vm0, $0xb8;
	[tilespmem:$0x18200] =	vst v63  }
0x278: {  	s14 =	simm.s32 $0xFA00;
	v3 =	vadd.s32 v1, v3  }
0x279: {  	[tilespmem:s14], [sflag:$0x2] =	stream.indirect_vreg.gather [hbm4b:s5+s3], $0x80, v4, vm0, $0xb8;
	[tilespmem:$0x18200] =	vst v63  }
0x27a: {  	s15 =	simm.s32 $0x10200  }
0x27b: {  	[tilespmem:s15], [sflag:$0x2] =	stream.indirect_vreg.gather [hbm4b:s6+s3], $0x80, v4, vm0, $0xb8;
	[tilespmem:$0x18200] =	vst v63  }
0x27c: {  	s16 =	simm.s32 $0x10A00  }
0x27d: {  	[tilespmem:s16], [sflag:$0x2] =	stream.indirect_vreg.gather [hbm4b:s1+s3], $0x80, v3, vm0, $0xb8;
	[tilespmem:$0x18200] =	vst v63  }
0x27e: {  	s17 =	simm.s32 $0x11200  }
0x27f: {  	[tilespmem:s17], [sflag:$0x2] =	stream.indirect_vreg.gather [hbm4b:s5+s3], $0x80, v3, vm0, $0xb8;
	[tilespmem:$0x18200] =	vst v63  }
0x280: {  	s17 =	simm.s32 $0x11A00  }
0x281: {  	[tilespmem:s17], [sflag:$0x2] =	stream.indirect_vreg.gather [hbm4b:s6+s3], $0x80, v3, vm0, $0xb8;
	[tilespmem:$0x18200] =	vst v63  }
0x282: {  	v3 =	vld [tilespmem:$0x1E0];
	_ =	sdelay $0x4  }
0x283: {  	v62 =	vshrl.u32 v3, $0x3  }
0x284: {  	v4 =	vmul.u32 $0x30, v62  }
0x285: {  	v3 =	vand.u32 $0x7, v3  }
0x286: {  	v3 =	vor.u32 v3, v4  }
0x287: {  	v4 =	vperm.xlane v3, v0;
	_ =	sdelay $0x1  }
0x288: {  	v4 =	vadd.s32 v1, v4;
	_ =	sdelay $0x3  }
0x289: {  	s26 =	simm.s32 $0x12200;
	v3 =	vperm.xlane v3, v2  }
0x28a: {  	[tilespmem:s26], [sflag:$0x2] =	stream.indirect_vreg.gather [hbm4b:s1+s3], $0x80, v4, vm0, $0xb8;
	[tilespmem:$0x18200] =	vst v63  }
0x28b: {  	s18 =	simm.s32 $0x12A00;
	v3 =	vadd.s32 v1, v3  }
0x28c: {  	[tilespmem:s18], [sflag:$0x2] =	stream.indirect_vreg.gather [hbm4b:s5+s3], $0x80, v4, vm0, $0xb8;
	[tilespmem:$0x18200] =	vst v63  }
0x28d: {  	s19 =	simm.s32 $0x13200  }
0x28e: {  	[tilespmem:s19], [sflag:$0x2] =	stream.indirect_vreg.gather [hbm4b:s6+s3], $0x80, v4, vm0, $0xb8;
	[tilespmem:$0x18200] =	vst v63  }
0x28f: {  	s20 =	simm.s32 $0x13A00  }
0x290: {  	[tilespmem:s20], [sflag:$0x2] =	stream.indirect_vreg.gather [hbm4b:s1+s3], $0x80, v3, vm0, $0xb8;
	[tilespmem:$0x18200] =	vst v63  }
0x291: {  	s21 =	simm.s32 $0x14200  }
0x292: {  	[tilespmem:s21], [sflag:$0x2] =	stream.indirect_vreg.gather [hbm4b:s5+s3], $0x80, v3, vm0, $0xb8;
	[tilespmem:$0x18200] =	vst v63  }
0x293: {  	s28 =	simm.s32 $0x14A00  }
0x294: {  	[tilespmem:s28], [sflag:$0x2] =	stream.indirect_vreg.gather [hbm4b:s6+s3], $0x80, v3, vm0, $0xb8;
	[tilespmem:$0x18200] =	vst v63  }
0x295: {  	v3 =	vld [tilespmem:$0x1F0];
	_ =	sdelay $0x4  }
0x296: {  	v63 =	vshrl.u32 v3, $0x3  }
0x297: {  	v4 =	vmul.u32 $0x30, v63  }
0x298: {  	v3 =	vand.u32 $0x7, v3  }
0x299: {  	v3 =	vor.u32 v3, v4  }
0x29a: {  	v4 =	vperm.xlane v3, v0;
	_ =	sdelay $0x1  }
0x29b: {  	v4 =	vadd.s32 v1, v4;
	_ =	sdelay $0x3  }
0x29c: {  	s29 =	simm.s32 $0x15200;
	v3 =	vperm.xlane v3, v2  }
0x29d: {  	[tilespmem:s29], [sflag:$0x2] =	stream.indirect_vreg.gather [hbm4b:s1+s3], $0x80, v4, vm0, $0xb8;
	[tilespmem:$0x18200] =	vst v63  }
0x29e: {  	s22 =	simm.s32 $0x15A00;
	v3 =	vadd.s32 v1, v3  }
0x29f: {  	[tilespmem:s22], [sflag:$0x2] =	stream.indirect_vreg.gather [hbm4b:s5+s3], $0x80, v4, vm0, $0xb8;
	[tilespmem:$0x18200] =	vst v63  }
0x2a0: {  	s23 =	simm.s32 $0x16200  }
0x2a1: {  	[tilespmem:s23], [sflag:$0x2] =	stream.indirect_vreg.gather [hbm4b:s6+s3], $0x80, v4, vm0, $0xb8;
	[tilespmem:$0x18200] =	vst v63  }
0x2a2: {  	s24 =	simm.s32 $0x16A00  }
0x2a3: {  	[tilespmem:s24], [sflag:$0x2] =	stream.indirect_vreg.gather [hbm4b:s1+s3], $0x80, v3, vm0, $0xb8;
	[tilespmem:$0x18200] =	vst v63  }
0x2a4: {  	_ = 	snop  }
0x2a5: {  	[tilespmem:s0], [sflag:$0x2] =	stream.indirect_vreg.gather [hbm4b:s5+s3], $0x80, v3, vm0, $0xb8;
	[tilespmem:$0x18200] =	vst v63  }
0x2a6: {  	_ = 	snop  }
0x2a7: {  	[tilespmem:s25], [sflag:$0x2] =	stream.indirect_vreg.gather [hbm4b:s6+s3], $0x80, v3, vm0, $0xb8;
	[tilespmem:$0x18200] =	vst v63  }
0x2a8: {  	s2 =	simm.s32 $0x200;
	s30 =	rddreg [dreg:$0xa]  }
0x2a9: {  	[hbm4b:s30+s3] =	stream.linear.scatter [tilespmem:s2], [sflag:$0x3], $0xC000, $0x38;
	[tilespmem:$0x18200] =	vst v63  }
0x2aa: {  	_ =	swait.ge [sflag:s8], $0xC000  }
0x2ab: {  	[sflag:s8] =	ssyncset.done $0x0  }
0x2ac: {  	[sflag:s8] =	ssyncadd.s32 $0xFFFF4000  }
0x2ad: {  	_ =	swait.ge [sflag:s12], $0xC000  }
0x2ae: {  	p0 =	sne.s32 s7, $0x1;
	[sflag:s12] =	ssyncset.done $0x0  }
.Ltmp0:
0x2af: {  	s31 =	rddreg [dreg:$0xb];
	[sflag:s12] =	ssyncadd.s32 $0xFFFF4000;
	(pc) =	sbr.rel @p0 .LBB2_1-.Ltmp0, $4  }
0x2b0: {  	[hbm4b:s31+s3] =	stream.linear.scatter [tilespmem:s10], [sflag:$0x3], $0xC000, $0x38;
	[tilespmem:$0x18200] =	vst v63  }
0x2b1: {  	_ =	swait.ge [sflag:s8], $0xC000  }
0x2b2: {  	[sflag:s8] =	ssyncset.done $0x0  }
0x2b3: {  	s7 =	sadd.s32 $0xFFFFFFFF, s7;
	[sflag:s8] =	ssyncadd.s32 $0xFFFF4000  }
0x2b4: {  	_ =	sfence.sel $0x180000  }
0x2b5: {  	[bflag:$0x0] =	sbarrier.arrive $0xFFFF  }
0x2b6: {  	_ =	strace $0x90000047  }
0x2b7: {  	s0 =	stileid.u32;
	[bflag:$0x2] =	sbarrier.arrive $0xFFFF  }
0x2b8: {  	p0 =	sne.s32 s0, $0x0;
	s0 =	rddreg [dreg:$0x3]  }
0x2b9: {  	s0 =	sadd.s32 @!p0 $0x100000, s0  }
0x2ba: {  	[sflag:s0] =	ssyncadd.tile.s32 @!p0 $0x1;
	_ =	shalt  }
.Lfunc_end2:
_tile_overlayer_lowered:
.L_overlay_start_2:
0x2bb: {  	(tag) =	ssettag $0x2  }
0x2bc: {  	s0 =	rddreg [dreg:$0x0];
	s2 =	stileid.u32  }
0x2bd: {  	s1 =	rddreg [dreg:$0x1];
	p0 =	sne.s32 s2, $0x0  }
0x2be: {  	s3 =	rddreg [dreg:$0x2];
	[bflag:$0x3] =	sbarrier.arrive $0xFFFF;
	s2 =	simm.s32 @!p0 $0x1C03  }
0x2bf: {  	[timem:s3], [sflag:s2] =	dma.local @!p0 [hbm:s0], s1  }
0x2c0: {  	s0 =	simm.s32 @!p0 $0x3  }
0x2c1: {  	_ =	swait.ge @!p0 [sflag:s0], s1  }
0x2c2: {  	s1 =	ssub.s32 @!p0 $0x0, s1;
	[sflag:s0] =	ssyncset.done @!p0 $0x0  }
0x2c3: {  	[sflag:s0] =	ssyncadd.s32 @!p0 s1  }
0x2c4: {  	[bflag:$0x3] =	sbarrier.arrive $0xFFFF  }
0x2c5: {  	_ =	shalt  }

</sc_bundles>
